<compile_context>
chip_gen: v7x
topology: tpu7x:2x2x1
jax: 0.10.2.dev20260603
libtpu: 0.0.44.dev20260713+nightly
codegen_flags: <defaults>
</compile_context>

<pallas_src>
import functools

import jax
import jax.numpy as jnp
from jax import lax
from jax.experimental import pallas as pl
from jax.experimental.pallas import tpu as pltpu
from jax.experimental.pallas import tpu_sc as plsc

_VOCAB = 1000000
_EMBED_DIM = 32
_BATCH = 16384
_HIST = 50

_info = plsc.get_sparse_core_info()
_NC, _NS_SUB = _info.num_cores, _info.num_subcores
_NW = _NC * _NS_SUB
_BPW = _BATCH // _NW
_NBS = 32
_NSLOT = 2
_N_ROUNDS = _BPW // (_NBS * _NSLOT)
assert _NBS * _NSLOT * _N_ROUNDS == _BPW


def _make_kernel():
    mesh = plsc.VectorSubcoreMesh(core_axis_name="c", subcore_axis_name="s")

    @functools.partial(
        pl.kernel,
        out_type=jax.ShapeDtypeStruct((_BATCH, _HIST, _EMBED_DIM), jnp.float32),
        mesh=mesh,
        scratch_types=(
            [pltpu.VMEM((_NBS, _HIST), jnp.int32) for _ in range(_NSLOT)]
            + [pltpu.VMEM((_NBS, _HIST, _EMBED_DIM), jnp.float32) for _ in range(_NSLOT)]
            + [pltpu.SemaphoreType.DMA for _ in range(3 * _NSLOT)]
        ),
        compiler_params=pltpu.CompilerParams(use_tc_tiling_on_sc=False),
    )
    def gather_kernel(table_hbm, idx_hbm, out_hbm, *scratch):
        idx_bufs = scratch[:_NSLOT]
        row_bufs = scratch[_NSLOT : 2 * _NSLOT]
        isems = scratch[2 * _NSLOT : 3 * _NSLOT]
        gsems = scratch[3 * _NSLOT : 4 * _NSLOT]
        osems = scratch[4 * _NSLOT : 5 * _NSLOT]
        wid = lax.axis_index("s") * _NC + lax.axis_index("c")
        w_base = wid * _BPW

        def idx_copy(g, s):
            off = jnp.minimum(w_base + g * _NBS, _BATCH - _NBS)
            return pltpu.make_async_copy(
                idx_hbm.at[pl.ds(off, _NBS)], idx_bufs[s], isems[s]
            )

        def gathers(s):
            return [
                pltpu.make_async_copy(
                    table_hbm.at[idx_bufs[s].at[b]], row_bufs[s].at[b], gsems[s]
                )
                for b in range(_NBS)
            ]

        def out_copy(g, s):
            return pltpu.make_async_copy(
                row_bufs[s],
                out_hbm.at[pl.ds(w_base + g * _NBS, _NBS)],
                osems[s],
            )

        for s in range(_NSLOT):
            idx_copy(s, s).start()
        for s in range(_NSLOT):
            idx_copy(s, s).wait()
            for gth in gathers(s):
                gth.start()
        for s in range(_NSLOT):
            for gth in gathers(s):
                gth.wait()
            out_copy(s, s).start()
            idx_copy(_NSLOT + s, s).start()

        def round_body(r, carry):
            for s in range(_NSLOT):
                g = r * _NSLOT + s
                out_copy(g - _NSLOT, s).wait()
                idx_copy(g, s).wait()
                for gth in gathers(s):
                    gth.start()
            for s in range(_NSLOT):
                g = r * _NSLOT + s
                for gth in gathers(s):
                    gth.wait()
                out_copy(g, s).start()
                idx_copy(g + _NSLOT, s).start()
            return carry

        lax.fori_loop(1, _N_ROUNDS, round_body, 0)

        for s in range(_NSLOT):
            out_copy((_N_ROUNDS - 1) * _NSLOT + s, s).wait()
            idx_copy(0, s).wait()

    return gather_kernel


_gather = _make_kernel()


def kernel(indices, weight):
    return _gather(weight, indices.astype(jnp.int32))

# --- scband reference (transcript-rebuilt; emitter-appended) ---
"""Pipeline reference for scband-embedding-11235634446392 (READ-ONLY COPY).

The authoritative reference and input builder live on the scoring server;
editing this copy changes nothing except your own understanding.
"""

import jax, jax.numpy as jnp
import numpy as np

VOCAB = 1000000
EMBED_DIM = 32
BATCH = 16384
HIST = 50

def setup_inputs(seed: int = 0) -> dict:
    key = jax.random.key(seed)
    k_idx, k_w = jax.random.split(key)
    indices = jax.random.randint(k_idx, (BATCH, HIST), 0, VOCAB, dtype=jnp.int64 if jax.config.jax_enable_x64 else jnp.int32)
    weight = jax.random.normal(k_w, (VOCAB, EMBED_DIM), dtype=jnp.float32) * 0.02
    return {"indices": indices, "weight": weight}

def reference(indices, weight):
    # Faithful translation of Embedding.__call__: jnp.take(weight, indices, axis=0)
    return jnp.take(weight, indices, axis=0)

if __name__ == "__main__":
    import jax
    _d = setup_inputs()
    print(jax.jit(kernel)(*tuple(_d.values())))

</pallas_src>

<mosaic_0001>
#map = affine_map<(d0, d1) -> (0, 0)>
#map1 = affine_map<(d0, d1) -> (0, 0, 0)>
module attributes {stable_mosaic.version = 14 : i64} {
  func.func @gather_kernel(%arg0: i32, %arg1: i32, %arg2: memref<1000000x32xf32, #tpu.memory_space<hbm>>, %arg3: memref<16384x50xi32, #tpu.memory_space<hbm>>, %arg4: memref<16384x50x32xf32, #tpu.memory_space<hbm>>, %arg5: memref<32x50xi32, #tpu.memory_space<vmem>>, %arg6: memref<32x50xi32, #tpu.memory_space<vmem>>, %arg7: memref<32x50x32xf32, #tpu.memory_space<vmem>>, %arg8: memref<32x50x32xf32, #tpu.memory_space<vmem>>, %arg9: memref<!tpu.dma_semaphore, #tpu.memory_space<semaphore_mem>>, %arg10: memref<!tpu.dma_semaphore, #tpu.memory_space<semaphore_mem>>, %arg11: memref<!tpu.dma_semaphore, #tpu.memory_space<semaphore_mem>>, %arg12: memref<!tpu.dma_semaphore, #tpu.memory_space<semaphore_mem>>, %arg13: memref<!tpu.dma_semaphore, #tpu.memory_space<semaphore_mem>>, %arg14: memref<!tpu.dma_semaphore, #tpu.memory_space<semaphore_mem>>) attributes {dimension_semantics = [#tpu.dimension_semantics<core_parallel>, #tpu.dimension_semantics<subcore_parallel>], iteration_bounds = array<i64: 2, 16>, scalar_prefetch = 0 : i64, scratch_operands = 10 : i64, tpu.core_type = #tpu.core_type<sc_vector_subcore>, window_params = [{transform_indices = #map}, {transform_indices = #map}, {transform_indices = #map1}]} {
    %mul3A = arith.constant 2 : i32
    %mul3A_0 = arith.muli %arg1, %mul3A : i32
    %add3A = arith.addi %mul3A_0, %arg0 : i32
    %mul3A_1 = arith.constant 512 : i32
    %mul3A_2 = arith.muli %add3A, %mul3A_1 : i32
    %add3A_3 = arith.constant 0 : i32
    %add3A_4 = arith.addi %mul3A_2, %add3A_3 : i32
    %min3A = arith.constant 16352 : i32
    %min3A_5 = arith.minsi %add3A_4, %min3A : i32
    %dma_start3A = arith.constant 0 : i32
    %dma_start3A_6 = tpu.memref_slice %arg3[%min3A_5, %dma_start3A] : memref<16384x50xi32, #tpu.memory_space<hbm>> -> memref<32x50xi32, #tpu.memory_space<hbm>>
    %dma_start3A_7 = arith.constant 0 : i32
    %dma_start3A_8 = tpu.memref_slice %arg3[%min3A_5, %dma_start3A_7] : memref<16384x50xi32, #tpu.memory_space<hbm>> -> memref<32x50xi32, #tpu.memory_space<hbm>>
    tpu.enqueue_dma source(%dma_start3A_8 : memref<32x50xi32, #tpu.memory_space<hbm>>) target(%arg5 : memref<32x50xi32, #tpu.memory_space<vmem>>) target_semaphore(%arg9 : memref<!tpu.dma_semaphore, #tpu.memory_space<semaphore_mem>>)
    %add3A_9 = arith.constant 32 : i32
    %add3A_10 = arith.addi %mul3A_2, %add3A_9 : i32
    %min3A_11 = arith.constant 16352 : i32
    %min3A_12 = arith.minsi %add3A_10, %min3A_11 : i32
    %dma_start3A_13 = arith.constant 0 : i32
    %dma_start3A_14 = tpu.memref_slice %arg3[%min3A_12, %dma_start3A_13] : memref<16384x50xi32, #tpu.memory_space<hbm>> -> memref<32x50xi32, #tpu.memory_space<hbm>>
    %dma_start3A_15 = arith.constant 0 : i32
    %dma_start3A_16 = tpu.memref_slice %arg3[%min3A_12, %dma_start3A_15] : memref<16384x50xi32, #tpu.memory_space<hbm>> -> memref<32x50xi32, #tpu.memory_space<hbm>>
    tpu.enqueue_dma source(%dma_start3A_16 : memref<32x50xi32, #tpu.memory_space<hbm>>) target(%arg6 : memref<32x50xi32, #tpu.memory_space<vmem>>) target_semaphore(%arg10 : memref<!tpu.dma_semaphore, #tpu.memory_space<semaphore_mem>>)
    %add3A_17 = arith.constant 0 : i32
    %add3A_18 = arith.addi %mul3A_2, %add3A_17 : i32
    %min3A_19 = arith.constant 16352 : i32
    %min3A_20 = arith.minsi %add3A_18, %min3A_19 : i32
    %dma_wait3A = arith.constant 0 : i32
    %dma_wait3A_21 = tpu.memref_slice %arg3[%min3A_20, %dma_wait3A] : memref<16384x50xi32, #tpu.memory_space<hbm>> -> memref<32x50xi32, #tpu.memory_space<hbm>>
    %dma_wait3A_22 = arith.constant 0 : i32
    %dma_wait3A_23 = tpu.memref_slice %arg3[%min3A_20, %dma_wait3A_22] : memref<16384x50xi32, #tpu.memory_space<hbm>> -> memref<32x50xi32, #tpu.memory_space<hbm>>
    tpu.wait_dma2 semaphore(%arg9 : memref<!tpu.dma_semaphore, #tpu.memory_space<semaphore_mem>>) src(%dma_wait3A_23 : memref<32x50xi32, #tpu.memory_space<hbm>>) dst(%arg5 : memref<32x50xi32, #tpu.memory_space<vmem>>)
    %dma_start3A_24 = arith.constant 0 : i32
    %dma_start3A_25 = arith.constant 0 : i32
    %dma_start3A_26 = arith.constant 0 : i32
    %dma_start3A_27 = arith.constant 0 : i32
    %dma_start3A_28 = tpu.memref_slice %arg7[%dma_start3A_25, %dma_start3A_26, %dma_start3A_27] : memref<32x50x32xf32, #tpu.memory_space<vmem>> -> memref<1x50x32xf32, #tpu.memory_space<vmem>>
    %dma_start3A_29 = tpu.memref_squeeze %dma_start3A_28 : memref<1x50x32xf32, #tpu.memory_space<vmem>> -> memref<50x32xf32, #tpu.memory_space<vmem>>
    %dma_start3A_30 = arith.constant 0 : i32
    %dma_start3A_31 = tpu.memref_slice %arg5[%dma_start3A_24, %dma_start3A_30] : memref<32x50xi32, #tpu.memory_space<vmem>> -> memref<1x50xi32, #tpu.memory_space<vmem>>
    %dma_start3A_32 = tpu.memref_squeeze %dma_start3A_31 : memref<1x50xi32, #tpu.memory_space<vmem>> -> memref<50xi32, #tpu.memory_space<vmem>>
    %dma_start3A_33 = arith.constant 0 : i32
    %dma_start3A_34 = arith.constant 0 : i32
    %dma_start3A_35 = tpu.memref_slice %arg2[%dma_start3A_33, %dma_start3A_34] : memref<1000000x32xf32, #tpu.memory_space<hbm>> -> memref<1000000x32xf32, #tpu.memory_space<hbm>>
    tpu.enqueue_indirect_dma source(%dma_start3A_35 : memref<1000000x32xf32, #tpu.memory_space<hbm>>) target(%dma_start3A_29 : memref<50x32xf32, #tpu.memory_space<vmem>>) offsets(%dma_start3A_32 : memref<50xi32, #tpu.memory_space<vmem>>) semaphore(%arg11 : memref<!tpu.dma_semaphore, #tpu.memory_space<semaphore_mem>>)
    %dma_start3A_36 = arith.constant 1 : i32
    %dma_start3A_37 = arith.constant 1 : i32
    %dma_start3A_38 = arith.constant 0 : i32
    %dma_start3A_39 = arith.constant 0 : i32
    %dma_start3A_40 = tpu.memref_slice %arg7[%dma_start3A_37, %dma_start3A_38, %dma_start3A_39] : memref<32x50x32xf32, #tpu.memory_space<vmem>> -> memref<1x50x32xf32, #tpu.memory_space<vmem>>
    %dma_start3A_41 = tpu.memref_squeeze %dma_start3A_40 : memref<1x50x32xf32, #tpu.memory_space<vmem>> -> memref<50x32xf32, #tpu.memory_space<vmem>>
    %dma_start3A_42 = arith.constant 0 : i32
    %dma_start3A_43 = tpu.memref_slice %arg5[%dma_start3A_36, %dma_start3A_42] : memref<32x50xi32, #tpu.memory_space<vmem>> -> memref<1x50xi32, #tpu.memory_space<vmem>>
    %dma_start3A_44 = tpu.memref_squeeze %dma_start3A_43 : memref<1x50xi32, #tpu.memory_space<vmem>> -> memref<50xi32, #tpu.memory_space<vmem>>
    %dma_start3A_45 = arith.constant 0 : i32
    %dma_start3A_46 = arith.constant 0 : i32
    %dma_start3A_47 = tpu.memref_slice %arg2[%dma_start3A_45, %dma_start3A_46] : memref<1000000x32xf32, #tpu.memory_space<hbm>> -> memref<1000000x32xf32, #tpu.memory_space<hbm>>
    tpu.enqueue_indirect_dma source(%dma_start3A_47 : memref<1000000x32xf32, #tpu.memory_space<hbm>>) target(%dma_start3A_41 : memref<50x32xf32, #tpu.memory_space<vmem>>) offsets(%dma_start3A_44 : memref<50xi32, #tpu.memory_space<vmem>>) semaphore(%arg11 : memref<!tpu.dma_semaphore, #tpu.memory_space<semaphore_mem>>)
    %dma_start3A_48 = arith.constant 2 : i32
    %dma_start3A_49 = arith.constant 2 : i32
    %dma_start3A_50 = arith.constant 0 : i32
    %dma_start3A_51 = arith.constant 0 : i32
    %dma_start3A_52 = tpu.memref_slice %arg7[%dma_start3A_49, %dma_start3A_50, %dma_start3A_51] : memref<32x50x32xf32, #tpu.memory_space<vmem>> -> memref<1x50x32xf32, #tpu.memory_space<vmem>>
    %dma_start3A_53 = tpu.memref_squeeze %dma_start3A_52 : memref<1x50x32xf32, #tpu.memory_space<vmem>> -> memref<50x32xf32, #tpu.memory_space<vmem>>
    %dma_start3A_54 = arith.constant 0 : i32
    %dma_start3A_55 = tpu.memref_slice %arg5[%dma_start3A_48, %dma_start3A_54] : memref<32x50xi32, #tpu.memory_space<vmem>> -> memref<1x50xi32, #tpu.memory_space<vmem>>
    %dma_start3A_56 = tpu.memref_squeeze %dma_start3A_55 : memref<1x50xi32, #tpu.memory_space<vmem>> -> memref<50xi32, #tpu.memory_space<vmem>>
    %dma_start3A_57 = arith.constant 0 : i32
    %dma_start3A_58 = arith.constant 0 : i32
    %dma_start3A_59 = tpu.memref_slice %arg2[%dma_start3A_57, %dma_start3A_58] : memref<1000000x32xf32, #tpu.memory_space<hbm>> -> memref<1000000x32xf32, #tpu.memory_space<hbm>>
    tpu.enqueue_indirect_dma source(%dma_start3A_59 : memref<1000000x32xf32, #tpu.memory_space<hbm>>) target(%dma_start3A_53 : memref<50x32xf32, #tpu.memory_space<vmem>>) offsets(%dma_start3A_56 : memref<50xi32, #tpu.memory_space<vmem>>) semaphore(%arg11 : memref<!tpu.dma_semaphore, #tpu.memory_space<semaphore_mem>>)
    %dma_start3A_60 = arith.constant 3 : i32
    %dma_start3A_61 = arith.constant 3 : i32
    %dma_start3A_62 = arith.constant 0 : i32
    %dma_start3A_63 = arith.constant 0 : i32
    %dma_start3A_64 = tpu.memref_slice %arg7[%dma_start3A_61, %dma_start3A_62, %dma_start3A_63] : memref<32x50x32xf32, #tpu.memory_space<vmem>> -> memref<1x50x32xf32, #tpu.memory_space<vmem>>
    %dma_start3A_65 = tpu.memref_squeeze %dma_start3A_64 : memref<1x50x32xf32, #tpu.memory_space<vmem>> -> memref<50x32xf32, #tpu.memory_space<vmem>>
    %dma_start3A_66 = arith.constant 0 : i32
    %dma_start3A_67 = tpu.memref_slice %arg5[%dma_start3A_60, %dma_start3A_66] : memref<32x50xi32, #tpu.memory_space<vmem>> -> memref<1x50xi32, #tpu.memory_space<vmem>>
    %dma_start3A_68 = tpu.memref_squeeze %dma_start3A_67 : memref<1x50xi32, #tpu.memory_space<vmem>> -> memref<50xi32, #tpu.memory_space<vmem>>
    %dma_start3A_69 = arith.constant 0 : i32
    %dma_start3A_70 = arith.constant 0 : i32
    %dma_start3A_71 = tpu.memref_slice %arg2[%dma_start3A_69, %dma_start3A_70] : memref<1000000x32xf32, #tpu.memory_space<hbm>> -> memref<1000000x32xf32, #tpu.memory_space<hbm>>
    tpu.enqueue_indirect_dma source(%dma_start3A_71 : memref<1000000x32xf32, #tpu.memory_space<hbm>>) target(%dma_start3A_65 : memref<50x32xf32, #tpu.memory_space<vmem>>) offsets(%dma_start3A_68 : memref<50xi32, #tpu.memory_space<vmem>>) semaphore(%arg11 : memref<!tpu.dma_semaphore, #tpu.memory_space<semaphore_mem>>)
    %dma_start3A_72 = arith.constant 4 : i32
    %dma_start3A_73 = arith.constant 4 : i32
    %dma_start3A_74 = arith.constant 0 : i32
    %dma_start3A_75 = arith.constant 0 : i32
    %dma_start3A_76 = tpu.memref_slice %arg7[%dma_start3A_73, %dma_start3A_74, %dma_start3A_75] : memref<32x50x32xf32, #tpu.memory_space<vmem>> -> memref<1x50x32xf32, #tpu.memory_space<vmem>>
    %dma_start3A_77 = tpu.memref_squeeze %dma_start3A_76 : memref<1x50x32xf32, #tpu.memory_space<vmem>> -> memref<50x32xf32, #tpu.memory_space<vmem>>
    %dma_start3A_78 = arith.constant 0 : i32
    %dma_start3A_79 = tpu.memref_slice %arg5[%dma_start3A_72, %dma_start3A_78] : memref<32x50xi32, #tpu.memory_space<vmem>> -> memref<1x50xi32, #tpu.memory_space<vmem>>
    %dma_start3A_80 = tpu.memref_squeeze %dma_start3A_79 : memref<1x50xi32, #tpu.memory_space<vmem>> -> memref<50xi32, #tpu.memory_space<vmem>>
    %dma_start3A_81 = arith.constant 0 : i32
    %dma_start3A_82 = arith.constant 0 : i32
    %dma_start3A_83 = tpu.memref_slice %arg2[%dma_start3A_81, %dma_start3A_82] : memref<1000000x32xf32, #tpu.memory_space<hbm>> -> memref<1000000x32xf32, #tpu.memory_space<hbm>>
    tpu.enqueue_indirect_dma source(%dma_start3A_83 : memref<1000000x32xf32, #tpu.memory_space<hbm>>) target(%dma_start3A_77 : memref<50x32xf32, #tpu.memory_space<vmem>>) offsets(%dma_start3A_80 : memref<50xi32, #tpu.memory_space<vmem>>) semaphore(%arg11 : memref<!tpu.dma_semaphore, #tpu.memory_space<semaphore_mem>>)
    %dma_start3A_84 = arith.constant 5 : i32
    %dma_start3A_85 = arith.constant 5 : i32
    %dma_start3A_86 = arith.constant 0 : i32
    %dma_start3A_87 = arith.constant 0 : i32
    %dma_start3A_88 = tpu.memref_slice %arg7[%dma_start3A_85, %dma_start3A_86, %dma_start3A_87] : memref<32x50x32xf32, #tpu.memory_space<vmem>> -> memref<1x50x32xf32, #tpu.memory_space<vmem>>
    %dma_start3A_89 = tpu.memref_squeeze %dma_start3A_88 : memref<1x50x32xf32, #tpu.memory_space<vmem>> -> memref<50x32xf32, #tpu.memory_space<vmem>>
    %dma_start3A_90 = arith.constant 0 : i32
    %dma_start3A_91 = tpu.memref_slice %arg5[%dma_start3A_84, %dma_start3A_90] : memref<32x50xi32, #tpu.memory_space<vmem>> -> memref<1x50xi32, #tpu.memory_space<vmem>>
    %dma_start3A_92 = tpu.memref_squeeze %dma_start3A_91 : memref<1x50xi32, #tpu.memory_space<vmem>> -> memref<50xi32, #tpu.memory_space<vmem>>
    %dma_start3A_93 = arith.constant 0 : i32
    %dma_start3A_94 = arith.constant 0 : i32
    %dma_start3A_95 = tpu.memref_slice %arg2[%dma_start3A_93, %dma_start3A_94] : memref<1000000x32xf32, #tpu.memory_space<hbm>> -> memref<1000000x32xf32, #tpu.memory_space<hbm>>
    tpu.enqueue_indirect_dma source(%dma_start3A_95 : memref<1000000x32xf32, #tpu.memory_space<hbm>>) target(%dma_start3A_89 : memref<50x32xf32, #tpu.memory_space<vmem>>) offsets(%dma_start3A_92 : memref<50xi32, #tpu.memory_space<vmem>>) semaphore(%arg11 : memref<!tpu.dma_semaphore, #tpu.memory_space<semaphore_mem>>)
    %dma_start3A_96 = arith.constant 6 : i32
    %dma_start3A_97 = arith.constant 6 : i32
    %dma_start3A_98 = arith.constant 0 : i32
    %dma_start3A_99 = arith.constant 0 : i32
    %dma_start3A_100 = tpu.memref_slice %arg7[%dma_start3A_97, %dma_start3A_98, %dma_start3A_99] : memref<32x50x32xf32, #tpu.memory_space<vmem>> -> memref<1x50x32xf32, #tpu.memory_space<vmem>>
    %dma_start3A_101 = tpu.memref_squeeze %dma_start3A_100 : memref<1x50x32xf32, #tpu.memory_space<vmem>> -> memref<50x32xf32, #tpu.memory_space<vmem>>
    %dma_start3A_102 = arith.constant 0 : i32
    %dma_start3A_103 = tpu.memref_slice %arg5[%dma_start3A_96, %dma_start3A_102] : memref<32x50xi32, #tpu.memory_space<vmem>> -> memref<1x50xi32, #tpu.memory_space<vmem>>
    %dma_start3A_104 = tpu.memref_squeeze %dma_start3A_103 : memref<1x50xi32, #tpu.memory_space<vmem>> -> memref<50xi32, #tpu.memory_space<vmem>>
    %dma_start3A_105 = arith.constant 0 : i32
    %dma_start3A_106 = arith.constant 0 : i32
    %dma_start3A_107 = tpu.memref_slice %arg2[%dma_start3A_105, %dma_start3A_106] : memref<1000000x32xf32, #tpu.memory_space<hbm>> -> memref<1000000x32xf32, #tpu.memory_space<hbm>>
    tpu.enqueue_indirect_dma source(%dma_start3A_107 : memref<1000000x32xf32, #tpu.memory_space<hbm>>) target(%dma_start3A_101 : memref<50x32xf32, #tpu.memory_space<vmem>>) offsets(%dma_start3A_104 : memref<50xi32, #tpu.memory_space<vmem>>) semaphore(%arg11 : memref<!tpu.dma_semaphore, #tpu.memory_space<semaphore_mem>>)
    %dma_start3A_108 = arith.constant 7 : i32
    %dma_start3A_109 = arith.constant 7 : i32
    %dma_start3A_110 = arith.constant 0 : i32
    %dma_start3A_111 = arith.constant 0 : i32
    %dma_start3A_112 = tpu.memref_slice %arg7[%dma_start3A_109, %dma_start3A_110, %dma_start3A_111] : memref<32x50x32xf32, #tpu.memory_space<vmem>> -> memref<1x50x32xf32, #tpu.memory_space<vmem>>
    %dma_start3A_113 = tpu.memref_squeeze %dma_start3A_112 : memref<1x50x32xf32, #tpu.memory_space<vmem>> -> memref<50x32xf32, #tpu.memory_space<vmem>>
    %dma_start3A_114 = arith.constant 0 : i32
    %dma_start3A_115 = tpu.memref_slice %arg5[%dma_start3A_108, %dma_start3A_114] : memref<32x50xi32, #tpu.memory_space<vmem>> -> memref<1x50xi32, #tpu.memory_space<vmem>>
    %dma_start3A_116 = tpu.memref_squeeze %dma_start3A_115 : memref<1x50xi32, #tpu.memory_space<vmem>> -> memref<50xi32, #tpu.memory_space<vmem>>
    %dma_start3A_117 = arith.constant 0 : i32
    %dma_start3A_118 = arith.constant 0 : i32
    %dma_start3A_119 = tpu.memref_slice %arg2[%dma_start3A_117, %dma_start3A_118] : memref<1000000x32xf32, #tpu.memory_space<hbm>> -> memref<1000000x32xf32, #tpu.memory_space<hbm>>
    tpu.enqueue_indirect_dma source(%dma_start3A_119 : memref<1000000x32xf32, #tpu.memory_space<hbm>>) target(%dma_start3A_113 : memref<50x32xf32, #tpu.memory_space<vmem>>) offsets(%dma_start3A_116 : memref<50xi32, #tpu.memory_space<vmem>>) semaphore(%arg11 : memref<!tpu.dma_semaphore, #tpu.memory_space<semaphore_mem>>)
    %dma_start3A_120 = arith.constant 8 : i32
    %dma_start3A_121 = arith.constant 8 : i32
    %dma_start3A_122 = arith.constant 0 : i32
    %dma_start3A_123 = arith.constant 0 : i32
    %dma_start3A_124 = tpu.memref_slice %arg7[%dma_start3A_121, %dma_start3A_122, %dma_start3A_123] : memref<32x50x32xf32, #tpu.memory_space<vmem>> -> memref<1x50x32xf32, #tpu.memory_space<vmem>>
    %dma_start3A_125 = tpu.memref_squeeze %dma_start3A_124 : memref<1x50x32xf32, #tpu.memory_space<vmem>> -> memref<50x32xf32, #tpu.memory_space<vmem>>
    %dma_start3A_126 = arith.constant 0 : i32
    %dma_start3A_127 = tpu.memref_slice %arg5[%dma_start3A_120, %dma_start3A_126] : memref<32x50xi32, #tpu.memory_space<vmem>> -> memref<1x50xi32, #tpu.memory_space<vmem>>
    %dma_start3A_128 = tpu.memref_squeeze %dma_start3A_127 : memref<1x50xi32, #tpu.memory_space<vmem>> -> memref<50xi32, #tpu.memory_space<vmem>>
    %dma_start3A_129 = arith.constant 0 : i32
    %dma_start3A_130 = arith.constant 0 : i32
    %dma_start3A_131 = tpu.memref_slice %arg2[%dma_start3A_129, %dma_start3A_130] : memref<1000000x32xf32, #tpu.memory_space<hbm>> -> memref<1000000x32xf32, #tpu.memory_space<hbm>>
    tpu.enqueue_indirect_dma source(%dma_start3A_131 : memref<1000000x32xf32, #tpu.memory_space<hbm>>) target(%dma_start3A_125 : memref<50x32xf32, #tpu.memory_space<vmem>>) offsets(%dma_start3A_128 : memref<50xi32, #tpu.memory_space<vmem>>) semaphore(%arg11 : memref<!tpu.dma_semaphore, #tpu.memory_space<semaphore_mem>>)
    %dma_start3A_132 = arith.constant 9 : i32
    %dma_start3A_133 = arith.constant 9 : i32
    %dma_start3A_134 = arith.constant 0 : i32
    %dma_start3A_135 = arith.constant 0 : i32
    %dma_start3A_136 = tpu.memref_slice %arg7[%dma_start3A_133, %dma_start3A_134, %dma_start3A_135] : memref<32x50x32xf32, #tpu.memory_space<vmem>> -> memref<1x50x32xf32, #tpu.memory_space<vmem>>
    %dma_start3A_137 = tpu.memref_squeeze %dma_start3A_136 : memref<1x50x32xf32, #tpu.memory_space<vmem>> -> memref<50x32xf32, #tpu.memory_space<vmem>>
    %dma_start3A_138 = arith.constant 0 : i32
    %dma_start3A_139 = tpu.memref_slice %arg5[%dma_start3A_132, %dma_start3A_138] : memref<32x50xi32, #tpu.memory_space<vmem>> -> memref<1x50xi32, #tpu.memory_space<vmem>>
    %dma_start3A_140 = tpu.memref_squeeze %dma_start3A_139 : memref<1x50xi32, #tpu.memory_space<vmem>> -> memref<50xi32, #tpu.memory_space<vmem>>
    %dma_start3A_141 = arith.constant 0 : i32
    %dma_start3A_142 = arith.constant 0 : i32
    %dma_start3A_143 = tpu.memref_slice %arg2[%dma_start3A_141, %dma_start3A_142] : memref<1000000x32xf32, #tpu.memory_space<hbm>> -> memref<1000000x32xf32, #tpu.memory_space<hbm>>
    tpu.enqueue_indirect_dma source(%dma_start3A_143 : memref<1000000x32xf32, #tpu.memory_space<hbm>>) target(%dma_start3A_137 : memref<50x32xf32, #tpu.memory_space<vmem>>) offsets(%dma_start3A_140 : memref<50xi32, #tpu.memory_space<vmem>>) semaphore(%arg11 : memref<!tpu.dma_semaphore, #tpu.memory_space<semaphore_mem>>)
    %dma_start3A_144 = arith.constant 10 : i32
    %dma_start3A_145 = arith.constant 10 : i32
    %dma_start3A_146 = arith.constant 0 : i32
    %dma_start3A_147 = arith.constant 0 : i32
    %dma_start3A_148 = tpu.memref_slice %arg7[%dma_start3A_145, %dma_start3A_146, %dma_start3A_147] : memref<32x50x32xf32, #tpu.memory_space<vmem>> -> memref<1x50x32xf32, #tpu.memory_space<vmem>>
    %dma_start3A_149 = tpu.memref_squeeze %dma_start3A_148 : memref<1x50x32xf32, #tpu.memory_space<vmem>> -> memref<50x32xf32, #tpu.memory_space<vmem>>
    %dma_start3A_150 = arith.constant 0 : i32
    %dma_start3A_151 = tpu.memref_slice %arg5[%dma_start3A_144, %dma_start3A_150] : memref<32x50xi32, #tpu.memory_space<vmem>> -> memref<1x50xi32, #tpu.memory_space<vmem>>
    %dma_start3A_152 = tpu.memref_squeeze %dma_start3A_151 : memref<1x50xi32, #tpu.memory_space<vmem>> -> memref<50xi32, #tpu.memory_space<vmem>>
    %dma_start3A_153 = arith.constant 0 : i32
    %dma_start3A_154 = arith.constant 0 : i32
    %dma_start3A_155 = tpu.memref_slice %arg2[%dma_start3A_153, %dma_start3A_154] : memref<1000000x32xf32, #tpu.memory_space<hbm>> -> memref<1000000x32xf32, #tpu.memory_space<hbm>>
    tpu.enqueue_indirect_dma source(%dma_start3A_155 : memref<1000000x32xf32, #tpu.memory_space<hbm>>) target(%dma_start3A_149 : memref<50x32xf32, #tpu.memory_space<vmem>>) offsets(%dma_start3A_152 : memref<50xi32, #tpu.memory_space<vmem>>) semaphore(%arg11 : memref<!tpu.dma_semaphore, #tpu.memory_space<semaphore_mem>>)
    %dma_start3A_156 = arith.constant 11 : i32
    %dma_start3A_157 = arith.constant 11 : i32
    %dma_start3A_158 = arith.constant 0 : i32
    %dma_start3A_159 = arith.constant 0 : i32
    %dma_start3A_160 = tpu.memref_slice %arg7[%dma_start3A_157, %dma_start3A_158, %dma_start3A_159] : memref<32x50x32xf32, #tpu.memory_space<vmem>> -> memref<1x50x32xf32, #tpu.memory_space<vmem>>
    %dma_start3A_161 = tpu.memref_squeeze %dma_start3A_160 : memref<1x50x32xf32, #tpu.memory_space<vmem>> -> memref<50x32xf32, #tpu.memory_space<vmem>>
    %dma_start3A_162 = arith.constant 0 : i32
    %dma_start3A_163 = tpu.memref_slice %arg5[%dma_start3A_156, %dma_start3A_162] : memref<32x50xi32, #tpu.memory_space<vmem>> -> memref<1x50xi32, #tpu.memory_space<vmem>>
    %dma_start3A_164 = tpu.memref_squeeze %dma_start3A_163 : memref<1x50xi32, #tpu.memory_space<vmem>> -> memref<50xi32, #tpu.memory_space<vmem>>
    %dma_start3A_165 = arith.constant 0 : i32
    %dma_start3A_166 = arith.constant 0 : i32
    %dma_start3A_167 = tpu.memref_slice %arg2[%dma_start3A_165, %dma_start3A_166] : memref<1000000x32xf32, #tpu.memory_space<hbm>> -> memref<1000000x32xf32, #tpu.memory_space<hbm>>
    tpu.enqueue_indirect_dma source(%dma_start3A_167 : memref<1000000x32xf32, #tpu.memory_space<hbm>>) target(%dma_start3A_161 : memref<50x32xf32, #tpu.memory_space<vmem>>) offsets(%dma_start3A_164 : memref<50xi32, #tpu.memory_space<vmem>>) semaphore(%arg11 : memref<!tpu.dma_semaphore, #tpu.memory_space<semaphore_mem>>)
    %dma_start3A_168 = arith.constant 12 : i32
    %dma_start3A_169 = arith.constant 12 : i32
    %dma_start3A_170 = arith.constant 0 : i32
    %dma_start3A_171 = arith.constant 0 : i32
    %dma_start3A_172 = tpu.memref_slice %arg7[%dma_start3A_169, %dma_start3A_170, %dma_start3A_171] : memref<32x50x32xf32, #tpu.memory_space<vmem>> -> memref<1x50x32xf32, #tpu.memory_space<vmem>>
    %dma_start3A_173 = tpu.memref_squeeze %dma_start3A_172 : memref<1x50x32xf32, #tpu.memory_space<vmem>> -> memref<50x32xf32, #tpu.memory_space<vmem>>
    %dma_start3A_174 = arith.constant 0 : i32
    %dma_start3A_175 = tpu.memref_slice %arg5[%dma_start3A_168, %dma_start3A_174] : memref<32x50xi32, #tpu.memory_space<vmem>> -> memref<1x50xi32, #tpu.memory_space<vmem>>
    %dma_start3A_176 = tpu.memref_squeeze %dma_start3A_175 : memref<1x50xi32, #tpu.memory_space<vmem>> -> memref<50xi32, #tpu.memory_space<vmem>>
    %dma_start3A_177 = arith.constant 0 : i32
    %dma_start3A_178 = arith.constant 0 : i32
    %dma_start3A_179 = tpu.memref_slice %arg2[%dma_start3A_177, %dma_start3A_178] : memref<1000000x32xf32, #tpu.memory_space<hbm>> -> memref<1000000x32xf32, #tpu.memory_space<hbm>>
    tpu.enqueue_indirect_dma source(%dma_start3A_179 : memref<1000000x32xf32, #tpu.memory_space<hbm>>) target(%dma_start3A_173 : memref<50x32xf32, #tpu.memory_space<vmem>>) offsets(%dma_start3A_176 : memref<50xi32, #tpu.memory_space<vmem>>) semaphore(%arg11 : memref<!tpu.dma_semaphore, #tpu.memory_space<semaphore_mem>>)
    %dma_start3A_180 = arith.constant 13 : i32
    %dma_start3A_181 = arith.constant 13 : i32
    %dma_start3A_182 = arith.constant 0 : i32
    %dma_start3A_183 = arith.constant 0 : i32
    %dma_start3A_184 = tpu.memref_slice %arg7[%dma_start3A_181, %dma_start3A_182, %dma_start3A_183] : memref<32x50x32xf32, #tpu.memory_space<vmem>> -> memref<1x50x32xf32, #tpu.memory_space<vmem>>
    %dma_start3A_185 = tpu.memref_squeeze %dma_start3A_184 : memref<1x50x32xf32, #tpu.memory_space<vmem>> -> memref<50x32xf32, #tpu.memory_space<vmem>>
    %dma_start3A_186 = arith.constant 0 : i32
    %dma_start3A_187 = tpu.memref_slice %arg5[%dma_start3A_180, %dma_start3A_186] : memref<32x50xi32, #tpu.memory_space<vmem>> -> memref<1x50xi32, #tpu.memory_space<vmem>>
    %dma_start3A_188 = tpu.memref_squeeze %dma_start3A_187 : memref<1x50xi32, #tpu.memory_space<vmem>> -> memref<50xi32, #tpu.memory_space<vmem>>
    %dma_start3A_189 = arith.constant 0 : i32
    %dma_start3A_190 = arith.constant 0 : i32
    %dma_start3A_191 = tpu.memref_slice %arg2[%dma_start3A_189, %dma_start3A_190] : memref<1000000x32xf32, #tpu.memory_space<hbm>> -> memref<1000000x32xf32, #tpu.memory_space<hbm>>
    tpu.enqueue_indirect_dma source(%dma_start3A_191 : memref<1000000x32xf32, #tpu.memory_space<hbm>>) target(%dma_start3A_185 : memref<50x32xf32, #tpu.memory_space<vmem>>) offsets(%dma_start3A_188 : memref<50xi32, #tpu.memory_space<vmem>>) semaphore(%arg11 : memref<!tpu.dma_semaphore, #tpu.memory_space<semaphore_mem>>)
    %dma_start3A_192 = arith.constant 14 : i32
    %dma_start3A_193 = arith.constant 14 : i32
    %dma_start3A_194 = arith.constant 0 : i32
    %dma_start3A_195 = arith.constant 0 : i32
    %dma_start3A_196 = tpu.memref_slice %arg7[%dma_start3A_193, %dma_start3A_194, %dma_start3A_195] : memref<32x50x32xf32, #tpu.memory_space<vmem>> -> memref<1x50x32xf32, #tpu.memory_space<vmem>>
    %dma_start3A_197 = tpu.memref_squeeze %dma_start3A_196 : memref<1x50x32xf32, #tpu.memory_space<vmem>> -> memref<50x32xf32, #tpu.memory_space<vmem>>
    %dma_start3A_198 = arith.constant 0 : i32
    %dma_start3A_199 = tpu.memref_slice %arg5[%dma_start3A_192, %dma_start3A_198] : memref<32x50xi32, #tpu.memory_space<vmem>> -> memref<1x50xi32, #tpu.memory_space<vmem>>
    %dma_start3A_200 = tpu.memref_squeeze %dma_start3A_199 : memref<1x50xi32, #tpu.memory_space<vmem>> -> memref<50xi32, #tpu.memory_space<vmem>>
    %dma_start3A_201 = arith.constant 0 : i32
    %dma_start3A_202 = arith.constant 0 : i32
    %dma_start3A_203 = tpu.memref_slice %arg2[%dma_start3A_201, %dma_start3A_202] : memref<1000000x32xf32, #tpu.memory_space<hbm>> -> memref<1000000x32xf32, #tpu.memory_space<hbm>>
    tpu.enqueue_indirect_dma source(%dma_start3A_203 : memref<1000000x32xf32, #tpu.memory_space<hbm>>) target(%dma_start3A_197 : memref<50x32xf32, #tpu.memory_space<vmem>>) offsets(%dma_start3A_200 : memref<50xi32, #tpu.memory_space<vmem>>) semaphore(%arg11 : memref<!tpu.dma_semaphore, #tpu.memory_space<semaphore_mem>>)
    %dma_start3A_204 = arith.constant 15 : i32
    %dma_start3A_205 = arith.constant 15 : i32
    %dma_start3A_206 = arith.constant 0 : i32
    %dma_start3A_207 = arith.constant 0 : i32
    %dma_start3A_208 = tpu.memref_slice %arg7[%dma_start3A_205, %dma_start3A_206, %dma_start3A_207] : memref<32x50x32xf32, #tpu.memory_space<vmem>> -> memref<1x50x32xf32, #tpu.memory_space<vmem>>
    %dma_start3A_209 = tpu.memref_squeeze %dma_start3A_208 : memref<1x50x32xf32, #tpu.memory_space<vmem>> -> memref<50x32xf32, #tpu.memory_space<vmem>>
    %dma_start3A_210 = arith.constant 0 : i32
    %dma_start3A_211 = tpu.memref_slice %arg5[%dma_start3A_204, %dma_start3A_210] : memref<32x50xi32, #tpu.memory_space<vmem>> -> memref<1x50xi32, #tpu.memory_space<vmem>>
    %dma_start3A_212 = tpu.memref_squeeze %dma_start3A_211 : memref<1x50xi32, #tpu.memory_space<vmem>> -> memref<50xi32, #tpu.memory_space<vmem>>
    %dma_start3A_213 = arith.constant 0 : i32
    %dma_start3A_214 = arith.constant 0 : i32
    %dma_start3A_215 = tpu.memref_slice %arg2[%dma_start3A_213, %dma_start3A_214] : memref<1000000x32xf32, #tpu.memory_space<hbm>> -> memref<1000000x32xf32, #tpu.memory_space<hbm>>
    tpu.enqueue_indirect_dma source(%dma_start3A_215 : memref<1000000x32xf32, #tpu.memory_space<hbm>>) target(%dma_start3A_209 : memref<50x32xf32, #tpu.memory_space<vmem>>) offsets(%dma_start3A_212 : memref<50xi32, #tpu.memory_space<vmem>>) semaphore(%arg11 : memref<!tpu.dma_semaphore, #tpu.memory_space<semaphore_mem>>)
    %dma_start3A_216 = arith.constant 16 : i32
    %dma_start3A_217 = arith.constant 16 : i32
    %dma_start3A_218 = arith.constant 0 : i32
    %dma_start3A_219 = arith.constant 0 : i32
    %dma_start3A_220 = tpu.memref_slice %arg7[%dma_start3A_217, %dma_start3A_218, %dma_start3A_219] : memref<32x50x32xf32, #tpu.memory_space<vmem>> -> memref<1x50x32xf32, #tpu.memory_space<vmem>>
    %dma_start3A_221 = tpu.memref_squeeze %dma_start3A_220 : memref<1x50x32xf32, #tpu.memory_space<vmem>> -> memref<50x32xf32, #tpu.memory_space<vmem>>
    %dma_start3A_222 = arith.constant 0 : i32
    %dma_start3A_223 = tpu.memref_slice %arg5[%dma_start3A_216, %dma_start3A_222] : memref<32x50xi32, #tpu.memory_space<vmem>> -> memref<1x50xi32, #tpu.memory_space<vmem>>
    %dma_start3A_224 = tpu.memref_squeeze %dma_start3A_223 : memref<1x50xi32, #tpu.memory_space<vmem>> -> memref<50xi32, #tpu.memory_space<vmem>>
    %dma_start3A_225 = arith.constant 0 : i32
    %dma_start3A_226 = arith.constant 0 : i32
    %dma_start3A_227 = tpu.memref_slice %arg2[%dma_start3A_225, %dma_start3A_226] : memref<1000000x32xf32, #tpu.memory_space<hbm>> -> memref<1000000x32xf32, #tpu.memory_space<hbm>>
    tpu.enqueue_indirect_dma source(%dma_start3A_227 : memref<1000000x32xf32, #tpu.memory_space<hbm>>) target(%dma_start3A_221 : memref<50x32xf32, #tpu.memory_space<vmem>>) offsets(%dma_start3A_224 : memref<50xi32, #tpu.memory_space<vmem>>) semaphore(%arg11 : memref<!tpu.dma_semaphore, #tpu.memory_space<semaphore_mem>>)
    %dma_start3A_228 = arith.constant 17 : i32
    %dma_start3A_229 = arith.constant 17 : i32
    %dma_start3A_230 = arith.constant 0 : i32
    %dma_start3A_231 = arith.constant 0 : i32
    %dma_start3A_232 = tpu.memref_slice %arg7[%dma_start3A_229, %dma_start3A_230, %dma_start3A_231] : memref<32x50x32xf32, #tpu.memory_space<vmem>> -> memref<1x50x32xf32, #tpu.memory_space<vmem>>
    %dma_start3A_233 = tpu.memref_squeeze %dma_start3A_232 : memref<1x50x32xf32, #tpu.memory_space<vmem>> -> memref<50x32xf32, #tpu.memory_space<vmem>>
    %dma_start3A_234 = arith.constant 0 : i32
    %dma_start3A_235 = tpu.memref_slice %arg5[%dma_start3A_228, %dma_start3A_234] : memref<32x50xi32, #tpu.memory_space<vmem>> -> memref<1x50xi32, #tpu.memory_space<vmem>>
    %dma_start3A_236 = tpu.memref_squeeze %dma_start3A_235 : memref<1x50xi32, #tpu.memory_space<vmem>> -> memref<50xi32, #tpu.memory_space<vmem>>
    %dma_start3A_237 = arith.constant 0 : i32
    %dma_start3A_238 = arith.constant 0 : i32
    %dma_start3A_239 = tpu.memref_slice %arg2[%dma_start3A_237, %dma_start3A_238] : memref<1000000x32xf32, #tpu.memory_space<hbm>> -> memref<1000000x32xf32, #tpu.memory_space<hbm>>
    tpu.enqueue_indirect_dma source(%dma_start3A_239 : memref<1000000x32xf32, #tpu.memory_space<hbm>>) target(%dma_start3A_233 : memref<50x32xf32, #tpu.memory_space<vmem>>) offsets(%dma_start3A_236 : memref<50xi32, #tpu.memory_space<vmem>>) semaphore(%arg11 : memref<!tpu.dma_semaphore, #tpu.memory_space<semaphore_mem>>)
    %dma_start3A_240 = arith.constant 18 : i32
    %dma_start3A_241 = arith.constant 18 : i32
    %dma_start3A_242 = arith.constant 0 : i32
    %dma_start3A_243 = arith.constant 0 : i32
    %dma_start3A_244 = tpu.memref_slice %arg7[%dma_start3A_241, %dma_start3A_242, %dma_start3A_243] : memref<32x50x32xf32, #tpu.memory_space<vmem>> -> memref<1x50x32xf32, #tpu.memory_space<vmem>>
    %dma_start3A_245 = tpu.memref_squeeze %dma_start3A_244 : memref<1x50x32xf32, #tpu.memory_space<vmem>> -> memref<50x32xf32, #tpu.memory_space<vmem>>
    %dma_start3A_246 = arith.constant 0 : i32
    %dma_start3A_247 = tpu.memref_slice %arg5[%dma_start3A_240, %dma_start3A_246] : memref<32x50xi32, #tpu.memory_space<vmem>> -> memref<1x50xi32, #tpu.memory_space<vmem>>
    %dma_start3A_248 = tpu.memref_squeeze %dma_start3A_247 : memref<1x50xi32, #tpu.memory_space<vmem>> -> memref<50xi32, #tpu.memory_space<vmem>>
    %dma_start3A_249 = arith.constant 0 : i32
    %dma_start3A_250 = arith.constant 0 : i32
    %dma_start3A_251 = tpu.memref_slice %arg2[%dma_start3A_249, %dma_start3A_250] : memref<1000000x32xf32, #tpu.memory_space<hbm>> -> memref<1000000x32xf32, #tpu.memory_space<hbm>>
    tpu.enqueue_indirect_dma source(%dma_start3A_251 : memref<1000000x32xf32, #tpu.memory_space<hbm>>) target(%dma_start3A_245 : memref<50x32xf32, #tpu.memory_space<vmem>>) offsets(%dma_start3A_248 : memref<50xi32, #tpu.memory_space<vmem>>) semaphore(%arg11 : memref<!tpu.dma_semaphore, #tpu.memory_space<semaphore_mem>>)
    %dma_start3A_252 = arith.constant 19 : i32
    %dma_start3A_253 = arith.constant 19 : i32
    %dma_start3A_254 = arith.constant 0 : i32
    %dma_start3A_255 = arith.constant 0 : i32
    %dma_start3A_256 = tpu.memref_slice %arg7[%dma_start3A_253, %dma_start3A_254, %dma_start3A_255] : memref<32x50x32xf32, #tpu.memory_space<vmem>> -> memref<1x50x32xf32, #tpu.memory_space<vmem>>
    %dma_start3A_257 = tpu.memref_squeeze %dma_start3A_256 : memref<1x50x32xf32, #tpu.memory_space<vmem>> -> memref<50x32xf32, #tpu.memory_space<vmem>>
    %dma_start3A_258 = arith.constant 0 : i32
    %dma_start3A_259 = tpu.memref_slice %arg5[%dma_start3A_252, %dma_start3A_258] : memref<32x50xi32, #tpu.memory_space<vmem>> -> memref<1x50xi32, #tpu.memory_space<vmem>>
    %dma_start3A_260 = tpu.memref_squeeze %dma_start3A_259 : memref<1x50xi32, #tpu.memory_space<vmem>> -> memref<50xi32, #tpu.memory_space<vmem>>
    %dma_start3A_261 = arith.constant 0 : i32
    %dma_start3A_262 = arith.constant 0 : i32
    %dma_start3A_263 = tpu.memref_slice %arg2[%dma_start3A_261, %dma_start3A_262] : memref<1000000x32xf32, #tpu.memory_space<hbm>> -> memref<1000000x32xf32, #tpu.memory_space<hbm>>
    tpu.enqueue_indirect_dma source(%dma_start3A_263 : memref<1000000x32xf32, #tpu.memory_space<hbm>>) target(%dma_start3A_257 : memref<50x32xf32, #tpu.memory_space<vmem>>) offsets(%dma_start3A_260 : memref<50xi32, #tpu.memory_space<vmem>>) semaphore(%arg11 : memref<!tpu.dma_semaphore, #tpu.memory_space<semaphore_mem>>)
    %dma_start3A_264 = arith.constant 20 : i32
    %dma_start3A_265 = arith.constant 20 : i32
    %dma_start3A_266 = arith.constant 0 : i32
    %dma_start3A_267 = arith.constant 0 : i32
    %dma_start3A_268 = tpu.memref_slice %arg7[%dma_start3A_265, %dma_start3A_266, %dma_start3A_267] : memref<32x50x32xf32, #tpu.memory_space<vmem>> -> memref<1x50x32xf32, #tpu.memory_space<vmem>>
    %dma_start3A_269 = tpu.memref_squeeze %dma_start3A_268 : memref<1x50x32xf32, #tpu.memory_space<vmem>> -> memref<50x32xf32, #tpu.memory_space<vmem>>
    %dma_start3A_270 = arith.constant 0 : i32
    %dma_start3A_271 = tpu.memref_slice %arg5[%dma_start3A_264, %dma_start3A_270] : memref<32x50xi32, #tpu.memory_space<vmem>> -> memref<1x50xi32, #tpu.memory_space<vmem>>
    %dma_start3A_272 = tpu.memref_squeeze %dma_start3A_271 : memref<1x50xi32, #tpu.memory_space<vmem>> -> memref<50xi32, #tpu.memory_space<vmem>>
    %dma_start3A_273 = arith.constant 0 : i32
    %dma_start3A_274 = arith.constant 0 : i32
    %dma_start3A_275 = tpu.memref_slice %arg2[%dma_start3A_273, %dma_start3A_274] : memref<1000000x32xf32, #tpu.memory_space<hbm>> -> memref<1000000x32xf32, #tpu.memory_space<hbm>>
    tpu.enqueue_indirect_dma source(%dma_start3A_275 : memref<1000000x32xf32, #tpu.memory_space<hbm>>) target(%dma_start3A_269 : memref<50x32xf32, #tpu.memory_space<vmem>>) offsets(%dma_start3A_272 : memref<50xi32, #tpu.memory_space<vmem>>) semaphore(%arg11 : memref<!tpu.dma_semaphore, #tpu.memory_space<semaphore_mem>>)
    %dma_start3A_276 = arith.constant 21 : i32
    %dma_start3A_277 = arith.constant 21 : i32
    %dma_start3A_278 = arith.constant 0 : i32
    %dma_start3A_279 = arith.constant 0 : i32
    %dma_start3A_280 = tpu.memref_slice %arg7[%dma_start3A_277, %dma_start3A_278, %dma_start3A_279] : memref<32x50x32xf32, #tpu.memory_space<vmem>> -> memref<1x50x32xf32, #tpu.memory_space<vmem>>
    %dma_start3A_281 = tpu.memref_squeeze %dma_start3A_280 : memref<1x50x32xf32, #tpu.memory_space<vmem>> -> memref<50x32xf32, #tpu.memory_space<vmem>>
    %dma_start3A_282 = arith.constant 0 : i32
    %dma_start3A_283 = tpu.memref_slice %arg5[%dma_start3A_276, %dma_start3A_282] : memref<32x50xi32, #tpu.memory_space<vmem>> -> memref<1x50xi32, #tpu.memory_space<vmem>>
    %dma_start3A_284 = tpu.memref_squeeze %dma_start3A_283 : memref<1x50xi32, #tpu.memory_space<vmem>> -> memref<50xi32, #tpu.memory_space<vmem>>
    %dma_start3A_285 = arith.constant 0 : i32
    %dma_start3A_286 = arith.constant 0 : i32
    %dma_start3A_287 = tpu.memref_slice %arg2[%dma_start3A_285, %dma_start3A_286] : memref<1000000x32xf32, #tpu.memory_space<hbm>> -> memref<1000000x32xf32, #tpu.memory_space<hbm>>
    tpu.enqueue_indirect_dma source(%dma_start3A_287 : memref<1000000x32xf32, #tpu.memory_space<hbm>>) target(%dma_start3A_281 : memref<50x32xf32, #tpu.memory_space<vmem>>) offsets(%dma_start3A_284 : memref<50xi32, #tpu.memory_space<vmem>>) semaphore(%arg11 : memref<!tpu.dma_semaphore, #tpu.memory_space<semaphore_mem>>)
    %dma_start3A_288 = arith.constant 22 : i32
    %dma_start3A_289 = arith.constant 22 : i32
    %dma_start3A_290 = arith.constant 0 : i32
    %dma_start3A_291 = arith.constant 0 : i32
    %dma_start3A_292 = tpu.memref_slice %arg7[%dma_start3A_289, %dma_start3A_290, %dma_start3A_291] : memref<32x50x32xf32, #tpu.memory_space<vmem>> -> memref<1x50x32xf32, #tpu.memory_space<vmem>>
    %dma_start3A_293 = tpu.memref_squeeze %dma_start3A_292 : memref<1x50x32xf32, #tpu.memory_space<vmem>> -> memref<50x32xf32, #tpu.memory_space<vmem>>
    %dma_start3A_294 = arith.constant 0 : i32
    %dma_start3A_295 = tpu.memref_slice %arg5[%dma_start3A_288, %dma_start3A_294] : memref<32x50xi32, #tpu.memory_space<vmem>> -> memref<1x50xi32, #tpu.memory_space<vmem>>
    %dma_start3A_296 = tpu.memref_squeeze %dma_start3A_295 : memref<1x50xi32, #tpu.memory_space<vmem>> -> memref<50xi32, #tpu.memory_space<vmem>>
    %dma_start3A_297 = arith.constant 0 : i32
    %dma_start3A_298 = arith.constant 0 : i32
    %dma_start3A_299 = tpu.memref_slice %arg2[%dma_start3A_297, %dma_start3A_298] : memref<1000000x32xf32, #tpu.memory_space<hbm>> -> memref<1000000x32xf32, #tpu.memory_space<hbm>>
    tpu.enqueue_indirect_dma source(%dma_start3A_299 : memref<1000000x32xf32, #tpu.memory_space<hbm>>) target(%dma_start3A_293 : memref<50x32xf32, #tpu.memory_space<vmem>>) offsets(%dma_start3A_296 : memref<50xi32, #tpu.memory_space<vmem>>) semaphore(%arg11 : memref<!tpu.dma_semaphore, #tpu.memory_space<semaphore_mem>>)
    %dma_start3A_300 = arith.constant 23 : i32
    %dma_start3A_301 = arith.constant 23 : i32
    %dma_start3A_302 = arith.constant 0 : i32
    %dma_start3A_303 = arith.constant 0 : i32
    %dma_start3A_304 = tpu.memref_slice %arg7[%dma_start3A_301, %dma_start3A_302, %dma_start3A_303] : memref<32x50x32xf32, #tpu.memory_space<vmem>> -> memref<1x50x32xf32, #tpu.memory_space<vmem>>
    %dma_start3A_305 = tpu.memref_squeeze %dma_start3A_304 : memref<1x50x32xf32, #tpu.memory_space<vmem>> -> memref<50x32xf32, #tpu.memory_space<vmem>>
    %dma_start3A_306 = arith.constant 0 : i32
    %dma_start3A_307 = tpu.memref_slice %arg5[%dma_start3A_300, %dma_start3A_306] : memref<32x50xi32, #tpu.memory_space<vmem>> -> memref<1x50xi32, #tpu.memory_space<vmem>>
    %dma_start3A_308 = tpu.memref_squeeze %dma_start3A_307 : memref<1x50xi32, #tpu.memory_space<vmem>> -> memref<50xi32, #tpu.memory_space<vmem>>
    %dma_start3A_309 = arith.constant 0 : i32
    %dma_start3A_310 = arith.constant 0 : i32
    %dma_start3A_311 = tpu.memref_slice %arg2[%dma_start3A_309, %dma_start3A_310] : memref<1000000x32xf32, #tpu.memory_space<hbm>> -> memref<1000000x32xf32, #tpu.memory_space<hbm>>
    tpu.enqueue_indirect_dma source(%dma_start3A_311 : memref<1000000x32xf32, #tpu.memory_space<hbm>>) target(%dma_start3A_305 : memref<50x32xf32, #tpu.memory_space<vmem>>) offsets(%dma_start3A_308 : memref<50xi32, #tpu.memory_space<vmem>>) semaphore(%arg11 : memref<!tpu.dma_semaphore, #tpu.memory_space<semaphore_mem>>)
    %dma_start3A_312 = arith.constant 24 : i32
    %dma_start3A_313 = arith.constant 24 : i32
    %dma_start3A_314 = arith.constant 0 : i32
    %dma_start3A_315 = arith.constant 0 : i32
    %dma_start3A_316 = tpu.memref_slice %arg7[%dma_start3A_313, %dma_start3A_314, %dma_start3A_315] : memref<32x50x32xf32, #tpu.memory_space<vmem>> -> memref<1x50x32xf32, #tpu.memory_space<vmem>>
    %dma_start3A_317 = tpu.memref_squeeze %dma_start3A_316 : memref<1x50x32xf32, #tpu.memory_space<vmem>> -> memref<50x32xf32, #tpu.memory_space<vmem>>
    %dma_start3A_318 = arith.constant 0 : i32
    %dma_start3A_319 = tpu.memref_slice %arg5[%dma_start3A_312, %dma_start3A_318] : memref<32x50xi32, #tpu.memory_space<vmem>> -> memref<1x50xi32, #tpu.memory_space<vmem>>
    %dma_start3A_320 = tpu.memref_squeeze %dma_start3A_319 : memref<1x50xi32, #tpu.memory_space<vmem>> -> memref<50xi32, #tpu.memory_space<vmem>>
    %dma_start3A_321 = arith.constant 0 : i32
    %dma_start3A_322 = arith.constant 0 : i32
    %dma_start3A_323 = tpu.memref_slice %arg2[%dma_start3A_321, %dma_start3A_322] : memref<1000000x32xf32, #tpu.memory_space<hbm>> -> memref<1000000x32xf32, #tpu.memory_space<hbm>>
    tpu.enqueue_indirect_dma source(%dma_start3A_323 : memref<1000000x32xf32, #tpu.memory_space<hbm>>) target(%dma_start3A_317 : memref<50x32xf32, #tpu.memory_space<vmem>>) offsets(%dma_start3A_320 : memref<50xi32, #tpu.memory_space<vmem>>) semaphore(%arg11 : memref<!tpu.dma_semaphore, #tpu.memory_space<semaphore_mem>>)
    %dma_start3A_324 = arith.constant 25 : i32
    %dma_start3A_325 = arith.constant 25 : i32
    %dma_start3A_326 = arith.constant 0 : i32
    %dma_start3A_327 = arith.constant 0 : i32
    %dma_start3A_328 = tpu.memref_slice %arg7[%dma_start3A_325, %dma_start3A_326, %dma_start3A_327] : memref<32x50x32xf32, #tpu.memory_space<vmem>> -> memref<1x50x32xf32, #tpu.memory_space<vmem>>
    %dma_start3A_329 = tpu.memref_squeeze %dma_start3A_328 : memref<1x50x32xf32, #tpu.memory_space<vmem>> -> memref<50x32xf32, #tpu.memory_space<vmem>>
    %dma_start3A_330 = arith.constant 0 : i32
    %dma_start3A_331 = tpu.memref_slice %arg5[%dma_start3A_324, %dma_start3A_330] : memref<32x50xi32, #tpu.memory_space<vmem>> -> memref<1x50xi32, #tpu.memory_space<vmem>>
    %dma_start3A_332 = tpu.memref_squeeze %dma_start3A_331 : memref<1x50xi32, #tpu.memory_space<vmem>> -> memref<50xi32, #tpu.memory_space<vmem>>
    %dma_start3A_333 = arith.constant 0 : i32
    %dma_start3A_334 = arith.constant 0 : i32
    %dma_start3A_335 = tpu.memref_slice %arg2[%dma_start3A_333, %dma_start3A_334] : memref<1000000x32xf32, #tpu.memory_space<hbm>> -> memref<1000000x32xf32, #tpu.memory_space<hbm>>
    tpu.enqueue_indirect_dma source(%dma_start3A_335 : memref<1000000x32xf32, #tpu.memory_space<hbm>>) target(%dma_start3A_329 : memref<50x32xf32, #tpu.memory_space<vmem>>) offsets(%dma_start3A_332 : memref<50xi32, #tpu.memory_space<vmem>>) semaphore(%arg11 : memref<!tpu.dma_semaphore, #tpu.memory_space<semaphore_mem>>)
    %dma_start3A_336 = arith.constant 26 : i32
    %dma_start3A_337 = arith.constant 26 : i32
    %dma_start3A_338 = arith.constant 0 : i32
    %dma_start3A_339 = arith.constant 0 : i32
    %dma_start3A_340 = tpu.memref_slice %arg7[%dma_start3A_337, %dma_start3A_338, %dma_start3A_339] : memref<32x50x32xf32, #tpu.memory_space<vmem>> -> memref<1x50x32xf32, #tpu.memory_space<vmem>>
    %dma_start3A_341 = tpu.memref_squeeze %dma_start3A_340 : memref<1x50x32xf32, #tpu.memory_space<vmem>> -> memref<50x32xf32, #tpu.memory_space<vmem>>
    %dma_start3A_342 = arith.constant 0 : i32
    %dma_start3A_343 = tpu.memref_slice %arg5[%dma_start3A_336, %dma_start3A_342] : memref<32x50xi32, #tpu.memory_space<vmem>> -> memref<1x50xi32, #tpu.memory_space<vmem>>
    %dma_start3A_344 = tpu.memref_squeeze %dma_start3A_343 : memref<1x50xi32, #tpu.memory_space<vmem>> -> memref<50xi32, #tpu.memory_space<vmem>>
    %dma_start3A_345 = arith.constant 0 : i32
    %dma_start3A_346 = arith.constant 0 : i32
    %dma_start3A_347 = tpu.memref_slice %arg2[%dma_start3A_345, %dma_start3A_346] : memref<1000000x32xf32, #tpu.memory_space<hbm>> -> memref<1000000x32xf32, #tpu.memory_space<hbm>>
    tpu.enqueue_indirect_dma source(%dma_start3A_347 : memref<1000000x32xf32, #tpu.memory_space<hbm>>) target(%dma_start3A_341 : memref<50x32xf32, #tpu.memory_space<vmem>>) offsets(%dma_start3A_344 : memref<50xi32, #tpu.memory_space<vmem>>) semaphore(%arg11 : memref<!tpu.dma_semaphore, #tpu.memory_space<semaphore_mem>>)
    %dma_start3A_348 = arith.constant 27 : i32
    %dma_start3A_349 = arith.constant 27 : i32
    %dma_start3A_350 = arith.constant 0 : i32
    %dma_start3A_351 = arith.constant 0 : i32
    %dma_start3A_352 = tpu.memref_slice %arg7[%dma_start3A_349, %dma_start3A_350, %dma_start3A_351] : memref<32x50x32xf32, #tpu.memory_space<vmem>> -> memref<1x50x32xf32, #tpu.memory_space<vmem>>
    %dma_start3A_353 = tpu.memref_squeeze %dma_start3A_352 : memref<1x50x32xf32, #tpu.memory_space<vmem>> -> memref<50x32xf32, #tpu.memory_space<vmem>>
    %dma_start3A_354 = arith.constant 0 : i32
    %dma_start3A_355 = tpu.memref_slice %arg5[%dma_start3A_348, %dma_start3A_354] : memref<32x50xi32, #tpu.memory_space<vmem>> -> memref<1x50xi32, #tpu.memory_space<vmem>>
    %dma_start3A_356 = tpu.memref_squeeze %dma_start3A_355 : memref<1x50xi32, #tpu.memory_space<vmem>> -> memref<50xi32, #tpu.memory_space<vmem>>
    %dma_start3A_357 = arith.constant 0 : i32
    %dma_start3A_358 = arith.constant 0 : i32
    %dma_start3A_359 = tpu.memref_slice %arg2[%dma_start3A_357, %dma_start3A_358] : memref<1000000x32xf32, #tpu.memory_space<hbm>> -> memref<1000000x32xf32, #tpu.memory_space<hbm>>
    tpu.enqueue_indirect_dma source(%dma_start3A_359 : memref<1000000x32xf32, #tpu.memory_space<hbm>>) target(%dma_start3A_353 : memref<50x32xf32, #tpu.memory_space<vmem>>) offsets(%dma_start3A_356 : memref<50xi32, #tpu.memory_space<vmem>>) semaphore(%arg11 : memref<!tpu.dma_semaphore, #tpu.memory_space<semaphore_mem>>)
    %dma_start3A_360 = arith.constant 28 : i32
    %dma_start3A_361 = arith.constant 28 : i32
    %dma_start3A_362 = arith.constant 0 : i32
    %dma_start3A_363 = arith.constant 0 : i32
    %dma_start3A_364 = tpu.memref_slice %arg7[%dma_start3A_361, %dma_start3A_362, %dma_start3A_363] : memref<32x50x32xf32, #tpu.memory_space<vmem>> -> memref<1x50x32xf32, #tpu.memory_space<vmem>>
    %dma_start3A_365 = tpu.memref_squeeze %dma_start3A_364 : memref<1x50x32xf32, #tpu.memory_space<vmem>> -> memref<50x32xf32, #tpu.memory_space<vmem>>
    %dma_start3A_366 = arith.constant 0 : i32
    %dma_start3A_367 = tpu.memref_slice %arg5[%dma_start3A_360, %dma_start3A_366] : memref<32x50xi32, #tpu.memory_space<vmem>> -> memref<1x50xi32, #tpu.memory_space<vmem>>
    %dma_start3A_368 = tpu.memref_squeeze %dma_start3A_367 : memref<1x50xi32, #tpu.memory_space<vmem>> -> memref<50xi32, #tpu.memory_space<vmem>>
    %dma_start3A_369 = arith.constant 0 : i32
    %dma_start3A_370 = arith.constant 0 : i32
    %dma_start3A_371 = tpu.memref_slice %arg2[%dma_start3A_369, %dma_start3A_370] : memref<1000000x32xf32, #tpu.memory_space<hbm>> -> memref<1000000x32xf32, #tpu.memory_space<hbm>>
    tpu.enqueue_indirect_dma source(%dma_start3A_371 : memref<1000000x32xf32, #tpu.memory_space<hbm>>) target(%dma_start3A_365 : memref<50x32xf32, #tpu.memory_space<vmem>>) offsets(%dma_start3A_368 : memref<50xi32, #tpu.memory_space<vmem>>) semaphore(%arg11 : memref<!tpu.dma_semaphore, #tpu.memory_space<semaphore_mem>>)
    %dma_start3A_372 = arith.constant 29 : i32
    %dma_start3A_373 = arith.constant 29 : i32
    %dma_start3A_374 = arith.constant 0 : i32
    %dma_start3A_375 = arith.constant 0 : i32
    %dma_start3A_376 = tpu.memref_slice %arg7[%dma_start3A_373, %dma_start3A_374, %dma_start3A_375] : memref<32x50x32xf32, #tpu.memory_space<vmem>> -> memref<1x50x32xf32, #tpu.memory_space<vmem>>
    %dma_start3A_377 = tpu.memref_squeeze %dma_start3A_376 : memref<1x50x32xf32, #tpu.memory_space<vmem>> -> memref<50x32xf32, #tpu.memory_space<vmem>>
    %dma_start3A_378 = arith.constant 0 : i32
    %dma_start3A_379 = tpu.memref_slice %arg5[%dma_start3A_372, %dma_start3A_378] : memref<32x50xi32, #tpu.memory_space<vmem>> -> memref<1x50xi32, #tpu.memory_space<vmem>>
    %dma_start3A_380 = tpu.memref_squeeze %dma_start3A_379 : memref<1x50xi32, #tpu.memory_space<vmem>> -> memref<50xi32, #tpu.memory_space<vmem>>
    %dma_start3A_381 = arith.constant 0 : i32
    %dma_start3A_382 = arith.constant 0 : i32
    %dma_start3A_383 = tpu.memref_slice %arg2[%dma_start3A_381, %dma_start3A_382] : memref<1000000x32xf32, #tpu.memory_space<hbm>> -> memref<1000000x32xf32, #tpu.memory_space<hbm>>
    tpu.enqueue_indirect_dma source(%dma_start3A_383 : memref<1000000x32xf32, #tpu.memory_space<hbm>>) target(%dma_start3A_377 : memref<50x32xf32, #tpu.memory_space<vmem>>) offsets(%dma_start3A_380 : memref<50xi32, #tpu.memory_space<vmem>>) semaphore(%arg11 : memref<!tpu.dma_semaphore, #tpu.memory_space<semaphore_mem>>)
    %dma_start3A_384 = arith.constant 30 : i32
    %dma_start3A_385 = arith.constant 30 : i32
    %dma_start3A_386 = arith.constant 0 : i32
    %dma_start3A_387 = arith.constant 0 : i32
    %dma_start3A_388 = tpu.memref_slice %arg7[%dma_start3A_385, %dma_start3A_386, %dma_start3A_387] : memref<32x50x32xf32, #tpu.memory_space<vmem>> -> memref<1x50x32xf32, #tpu.memory_space<vmem>>
    %dma_start3A_389 = tpu.memref_squeeze %dma_start3A_388 : memref<1x50x32xf32, #tpu.memory_space<vmem>> -> memref<50x32xf32, #tpu.memory_space<vmem>>
    %dma_start3A_390 = arith.constant 0 : i32
    %dma_start3A_391 = tpu.memref_slice %arg5[%dma_start3A_384, %dma_start3A_390] : memref<32x50xi32, #tpu.memory_space<vmem>> -> memref<1x50xi32, #tpu.memory_space<vmem>>
    %dma_start3A_392 = tpu.memref_squeeze %dma_start3A_391 : memref<1x50xi32, #tpu.memory_space<vmem>> -> memref<50xi32, #tpu.memory_space<vmem>>
    %dma_start3A_393 = arith.constant 0 : i32
    %dma_start3A_394 = arith.constant 0 : i32
    %dma_start3A_395 = tpu.memref_slice %arg2[%dma_start3A_393, %dma_start3A_394] : memref<1000000x32xf32, #tpu.memory_space<hbm>> -> memref<1000000x32xf32, #tpu.memory_space<hbm>>
    tpu.enqueue_indirect_dma source(%dma_start3A_395 : memref<1000000x32xf32, #tpu.memory_space<hbm>>) target(%dma_start3A_389 : memref<50x32xf32, #tpu.memory_space<vmem>>) offsets(%dma_start3A_392 : memref<50xi32, #tpu.memory_space<vmem>>) semaphore(%arg11 : memref<!tpu.dma_semaphore, #tpu.memory_space<semaphore_mem>>)
    %dma_start3A_396 = arith.constant 31 : i32
    %dma_start3A_397 = arith.constant 31 : i32
    %dma_start3A_398 = arith.constant 0 : i32
    %dma_start3A_399 = arith.constant 0 : i32
    %dma_start3A_400 = tpu.memref_slice %arg7[%dma_start3A_397, %dma_start3A_398, %dma_start3A_399] : memref<32x50x32xf32, #tpu.memory_space<vmem>> -> memref<1x50x32xf32, #tpu.memory_space<vmem>>
    %dma_start3A_401 = tpu.memref_squeeze %dma_start3A_400 : memref<1x50x32xf32, #tpu.memory_space<vmem>> -> memref<50x32xf32, #tpu.memory_space<vmem>>
    %dma_start3A_402 = arith.constant 0 : i32
    %dma_start3A_403 = tpu.memref_slice %arg5[%dma_start3A_396, %dma_start3A_402] : memref<32x50xi32, #tpu.memory_space<vmem>> -> memref<1x50xi32, #tpu.memory_space<vmem>>
    %dma_start3A_404 = tpu.memref_squeeze %dma_start3A_403 : memref<1x50xi32, #tpu.memory_space<vmem>> -> memref<50xi32, #tpu.memory_space<vmem>>
    %dma_start3A_405 = arith.constant 0 : i32
    %dma_start3A_406 = arith.constant 0 : i32
    %dma_start3A_407 = tpu.memref_slice %arg2[%dma_start3A_405, %dma_start3A_406] : memref<1000000x32xf32, #tpu.memory_space<hbm>> -> memref<1000000x32xf32, #tpu.memory_space<hbm>>
    tpu.enqueue_indirect_dma source(%dma_start3A_407 : memref<1000000x32xf32, #tpu.memory_space<hbm>>) target(%dma_start3A_401 : memref<50x32xf32, #tpu.memory_space<vmem>>) offsets(%dma_start3A_404 : memref<50xi32, #tpu.memory_space<vmem>>) semaphore(%arg11 : memref<!tpu.dma_semaphore, #tpu.memory_space<semaphore_mem>>)
    %add3A_408 = arith.constant 32 : i32
    %add3A_409 = arith.addi %mul3A_2, %add3A_408 : i32
    %min3A_410 = arith.constant 16352 : i32
    %min3A_411 = arith.minsi %add3A_409, %min3A_410 : i32
    %dma_wait3A_412 = arith.constant 0 : i32
    %dma_wait3A_413 = tpu.memref_slice %arg3[%min3A_411, %dma_wait3A_412] : memref<16384x50xi32, #tpu.memory_space<hbm>> -> memref<32x50xi32, #tpu.memory_space<hbm>>
    %dma_wait3A_414 = arith.constant 0 : i32
    %dma_wait3A_415 = tpu.memref_slice %arg3[%min3A_411, %dma_wait3A_414] : memref<16384x50xi32, #tpu.memory_space<hbm>> -> memref<32x50xi32, #tpu.memory_space<hbm>>
    tpu.wait_dma2 semaphore(%arg10 : memref<!tpu.dma_semaphore, #tpu.memory_space<semaphore_mem>>) src(%dma_wait3A_415 : memref<32x50xi32, #tpu.memory_space<hbm>>) dst(%arg6 : memref<32x50xi32, #tpu.memory_space<vmem>>)
    %dma_start3A_416 = arith.constant 0 : i32
    %dma_start3A_417 = arith.constant 0 : i32
    %dma_start3A_418 = arith.constant 0 : i32
    %dma_start3A_419 = arith.constant 0 : i32
    %dma_start3A_420 = tpu.memref_slice %arg8[%dma_start3A_417, %dma_start3A_418, %dma_start3A_419] : memref<32x50x32xf32, #tpu.memory_space<vmem>> -> memref<1x50x32xf32, #tpu.memory_space<vmem>>
    %dma_start3A_421 = tpu.memref_squeeze %dma_start3A_420 : memref<1x50x32xf32, #tpu.memory_space<vmem>> -> memref<50x32xf32, #tpu.memory_space<vmem>>
    %dma_start3A_422 = arith.constant 0 : i32
    %dma_start3A_423 = tpu.memref_slice %arg6[%dma_start3A_416, %dma_start3A_422] : memref<32x50xi32, #tpu.memory_space<vmem>> -> memref<1x50xi32, #tpu.memory_space<vmem>>
    %dma_start3A_424 = tpu.memref_squeeze %dma_start3A_423 : memref<1x50xi32, #tpu.memory_space<vmem>> -> memref<50xi32, #tpu.memory_space<vmem>>
    %dma_start3A_425 = arith.constant 0 : i32
    %dma_start3A_426 = arith.constant 0 : i32
    %dma_start3A_427 = tpu.memref_slice %arg2[%dma_start3A_425, %dma_start3A_426] : memref<1000000x32xf32, #tpu.memory_space<hbm>> -> memref<1000000x32xf32, #tpu.memory_space<hbm>>
    tpu.enqueue_indirect_dma source(%dma_start3A_427 : memref<1000000x32xf32, #tpu.memory_space<hbm>>) target(%dma_start3A_421 : memref<50x32xf32, #tpu.memory_space<vmem>>) offsets(%dma_start3A_424 : memref<50xi32, #tpu.memory_space<vmem>>) semaphore(%arg12 : memref<!tpu.dma_semaphore, #tpu.memory_space<semaphore_mem>>)
    %dma_start3A_428 = arith.constant 1 : i32
    %dma_start3A_429 = arith.constant 1 : i32
    %dma_start3A_430 = arith.constant 0 : i32
    %dma_start3A_431 = arith.constant 0 : i32
    %dma_start3A_432 = tpu.memref_slice %arg8[%dma_start3A_429, %dma_start3A_430, %dma_start3A_431] : memref<32x50x32xf32, #tpu.memory_space<vmem>> -> memref<1x50x32xf32, #tpu.memory_space<vmem>>
    %dma_start3A_433 = tpu.memref_squeeze %dma_start3A_432 : memref<1x50x32xf32, #tpu.memory_space<vmem>> -> memref<50x32xf32, #tpu.memory_space<vmem>>
    %dma_start3A_434 = arith.constant 0 : i32
    %dma_start3A_435 = tpu.memref_slice %arg6[%dma_start3A_428, %dma_start3A_434] : memref<32x50xi32, #tpu.memory_space<vmem>> -> memref<1x50xi32, #tpu.memory_space<vmem>>
    %dma_start3A_436 = tpu.memref_squeeze %dma_start3A_435 : memref<1x50xi32, #tpu.memory_space<vmem>> -> memref<50xi32, #tpu.memory_space<vmem>>
    %dma_start3A_437 = arith.constant 0 : i32
    %dma_start3A_438 = arith.constant 0 : i32
    %dma_start3A_439 = tpu.memref_slice %arg2[%dma_start3A_437, %dma_start3A_438] : memref<1000000x32xf32, #tpu.memory_space<hbm>> -> memref<1000000x32xf32, #tpu.memory_space<hbm>>
    tpu.enqueue_indirect_dma source(%dma_start3A_439 : memref<1000000x32xf32, #tpu.memory_space<hbm>>) target(%dma_start3A_433 : memref<50x32xf32, #tpu.memory_space<vmem>>) offsets(%dma_start3A_436 : memref<50xi32, #tpu.memory_space<vmem>>) semaphore(%arg12 : memref<!tpu.dma_semaphore, #tpu.memory_space<semaphore_mem>>)
    %dma_start3A_440 = arith.constant 2 : i32
    %dma_start3A_441 = arith.constant 2 : i32
    %dma_start3A_442 = arith.constant 0 : i32
    %dma_start3A_443 = arith.constant 0 : i32
    %dma_start3A_444 = tpu.memref_slice %arg8[%dma_start3A_441, %dma_start3A_442, %dma_start3A_443] : memref<32x50x32xf32, #tpu.memory_space<vmem>> -> memref<1x50x32xf32, #tpu.memory_space<vmem>>
    %dma_start3A_445 = tpu.memref_squeeze %dma_start3A_444 : memref<1x50x32xf32, #tpu.memory_space<vmem>> -> memref<50x32xf32, #tpu.memory_space<vmem>>
    %dma_start3A_446 = arith.constant 0 : i32
    %dma_start3A_447 = tpu.memref_slice %arg6[%dma_start3A_440, %dma_start3A_446] : memref<32x50xi32, #tpu.memory_space<vmem>> -> memref<1x50xi32, #tpu.memory_space<vmem>>
    %dma_start3A_448 = tpu.memref_squeeze %dma_start3A_447 : memref<1x50xi32, #tpu.memory_space<vmem>> -> memref<50xi32, #tpu.memory_space<vmem>>
    %dma_start3A_449 = arith.constant 0 : i32
    %dma_start3A_450 = arith.constant 0 : i32
    %dma_start3A_451 = tpu.memref_slice %arg2[%dma_start3A_449, %dma_start3A_450] : memref<1000000x32xf32, #tpu.memory_space<hbm>> -> memref<1000000x32xf32, #tpu.memory_space<hbm>>
    tpu.enqueue_indirect_dma source(%dma_start3A_451 : memref<1000000x32xf32, #tpu.memory_space<hbm>>) target(%dma_start3A_445 : memref<50x32xf32, #tpu.memory_space<vmem>>) offsets(%dma_start3A_448 : memref<50xi32, #tpu.memory_space<vmem>>) semaphore(%arg12 : memref<!tpu.dma_semaphore, #tpu.memory_space<semaphore_mem>>)
    %dma_start3A_452 = arith.constant 3 : i32
    %dma_start3A_453 = arith.constant 3 : i32
    %dma_start3A_454 = arith.constant 0 : i32
    %dma_start3A_455 = arith.constant 0 : i32
    %dma_start3A_456 = tpu.memref_slice %arg8[%dma_start3A_453, %dma_start3A_454, %dma_start3A_455] : memref<32x50x32xf32, #tpu.memory_space<vmem>> -> memref<1x50x32xf32, #tpu.memory_space<vmem>>
    %dma_start3A_457 = tpu.memref_squeeze %dma_start3A_456 : memref<1x50x32xf32, #tpu.memory_space<vmem>> -> memref<50x32xf32, #tpu.memory_space<vmem>>
    %dma_start3A_458 = arith.constant 0 : i32
    %dma_start3A_459 = tpu.memref_slice %arg6[%dma_start3A_452, %dma_start3A_458] : memref<32x50xi32, #tpu.memory_space<vmem>> -> memref<1x50xi32, #tpu.memory_space<vmem>>
    %dma_start3A_460 = tpu.memref_squeeze %dma_start3A_459 : memref<1x50xi32, #tpu.memory_space<vmem>> -> memref<50xi32, #tpu.memory_space<vmem>>
    %dma_start3A_461 = arith.constant 0 : i32
    %dma_start3A_462 = arith.constant 0 : i32
    %dma_start3A_463 = tpu.memref_slice %arg2[%dma_start3A_461, %dma_start3A_462] : memref<1000000x32xf32, #tpu.memory_space<hbm>> -> memref<1000000x32xf32, #tpu.memory_space<hbm>>
    tpu.enqueue_indirect_dma source(%dma_start3A_463 : memref<1000000x32xf32, #tpu.memory_space<hbm>>) target(%dma_start3A_457 : memref<50x32xf32, #tpu.memory_space<vmem>>) offsets(%dma_start3A_460 : memref<50xi32, #tpu.memory_space<vmem>>) semaphore(%arg12 : memref<!tpu.dma_semaphore, #tpu.memory_space<semaphore_mem>>)
    %dma_start3A_464 = arith.constant 4 : i32
    %dma_start3A_465 = arith.constant 4 : i32
    %dma_start3A_466 = arith.constant 0 : i32
    %dma_start3A_467 = arith.constant 0 : i32
    %dma_start3A_468 = tpu.memref_slice %arg8[%dma_start3A_465, %dma_start3A_466, %dma_start3A_467] : memref<32x50x32xf32, #tpu.memory_space<vmem>> -> memref<1x50x32xf32, #tpu.memory_space<vmem>>
    %dma_start3A_469 = tpu.memref_squeeze %dma_start3A_468 : memref<1x50x32xf32, #tpu.memory_space<vmem>> -> memref<50x32xf32, #tpu.memory_space<vmem>>
    %dma_start3A_470 = arith.constant 0 : i32
    %dma_start3A_471 = tpu.memref_slice %arg6[%dma_start3A_464, %dma_start3A_470] : memref<32x50xi32, #tpu.memory_space<vmem>> -> memref<1x50xi32, #tpu.memory_space<vmem>>
    %dma_start3A_472 = tpu.memref_squeeze %dma_start3A_471 : memref<1x50xi32, #tpu.memory_space<vmem>> -> memref<50xi32, #tpu.memory_space<vmem>>
    %dma_start3A_473 = arith.constant 0 : i32
    %dma_start3A_474 = arith.constant 0 : i32
    %dma_start3A_475 = tpu.memref_slice %arg2[%dma_start3A_473, %dma_start3A_474] : memref<1000000x32xf32, #tpu.memory_space<hbm>> -> memref<1000000x32xf32, #tpu.memory_space<hbm>>
    tpu.enqueue_indirect_dma source(%dma_start3A_475 : memref<1000000x32xf32, #tpu.memory_space<hbm>>) target(%dma_start3A_469 : memref<50x32xf32, #tpu.memory_space<vmem>>) offsets(%dma_start3A_472 : memref<50xi32, #tpu.memory_space<vmem>>) semaphore(%arg12 : memref<!tpu.dma_semaphore, #tpu.memory_space<semaphore_mem>>)
    %dma_start3A_476 = arith.constant 5 : i32
    %dma_start3A_477 = arith.constant 5 : i32
    %dma_start3A_478 = arith.constant 0 : i32
    %dma_start3A_479 = arith.constant 0 : i32
    %dma_start3A_480 = tpu.memref_slice %arg8[%dma_start3A_477, %dma_start3A_478, %dma_start3A_479] : memref<32x50x32xf32, #tpu.memory_space<vmem>> -> memref<1x50x32xf32, #tpu.memory_space<vmem>>
    %dma_start3A_481 = tpu.memref_squeeze %dma_start3A_480 : memref<1x50x32xf32, #tpu.memory_space<vmem>> -> memref<50x32xf32, #tpu.memory_space<vmem>>
    %dma_start3A_482 = arith.constant 0 : i32
    %dma_start3A_483 = tpu.memref_slice %arg6[%dma_start3A_476, %dma_start3A_482] : memref<32x50xi32, #tpu.memory_space<vmem>> -> memref<1x50xi32, #tpu.memory_space<vmem>>
    %dma_start3A_484 = tpu.memref_squeeze %dma_start3A_483 : memref<1x50xi32, #tpu.memory_space<vmem>> -> memref<50xi32, #tpu.memory_space<vmem>>
    %dma_start3A_485 = arith.constant 0 : i32
    %dma_start3A_486 = arith.constant 0 : i32
    %dma_start3A_487 = tpu.memref_slice %arg2[%dma_start3A_485, %dma_start3A_486] : memref<1000000x32xf32, #tpu.memory_space<hbm>> -> memref<1000000x32xf32, #tpu.memory_space<hbm>>
    tpu.enqueue_indirect_dma source(%dma_start3A_487 : memref<1000000x32xf32, #tpu.memory_space<hbm>>) target(%dma_start3A_481 : memref<50x32xf32, #tpu.memory_space<vmem>>) offsets(%dma_start3A_484 : memref<50xi32, #tpu.memory_space<vmem>>) semaphore(%arg12 : memref<!tpu.dma_semaphore, #tpu.memory_space<semaphore_mem>>)
    %dma_start3A_488 = arith.constant 6 : i32
    %dma_start3A_489 = arith.constant 6 : i32
    %dma_start3A_490 = arith.constant 0 : i32
    %dma_start3A_491 = arith.constant 0 : i32
    %dma_start3A_492 = tpu.memref_slice %arg8[%dma_start3A_489, %dma_start3A_490, %dma_start3A_491] : memref<32x50x32xf32, #tpu.memory_space<vmem>> -> memref<1x50x32xf32, #tpu.memory_space<vmem>>
    %dma_start3A_493 = tpu.memref_squeeze %dma_start3A_492 : memref<1x50x32xf32, #tpu.memory_space<vmem>> -> memref<50x32xf32, #tpu.memory_space<vmem>>
    %dma_start3A_494 = arith.constant 0 : i32
    %dma_start3A_495 = tpu.memref_slice %arg6[%dma_start3A_488, %dma_start3A_494] : memref<32x50xi32, #tpu.memory_space<vmem>> -> memref<1x50xi32, #tpu.memory_space<vmem>>
    %dma_start3A_496 = tpu.memref_squeeze %dma_start3A_495 : memref<1x50xi32, #tpu.memory_space<vmem>> -> memref<50xi32, #tpu.memory_space<vmem>>
    %dma_start3A_497 = arith.constant 0 : i32
    %dma_start3A_498 = arith.constant 0 : i32
    %dma_start3A_499 = tpu.memref_slice %arg2[%dma_start3A_497, %dma_start3A_498] : memref<1000000x32xf32, #tpu.memory_space<hbm>> -> memref<1000000x32xf32, #tpu.memory_space<hbm>>
    tpu.enqueue_indirect_dma source(%dma_start3A_499 : memref<1000000x32xf32, #tpu.memory_space<hbm>>) target(%dma_start3A_493 : memref<50x32xf32, #tpu.memory_space<vmem>>) offsets(%dma_start3A_496 : memref<50xi32, #tpu.memory_space<vmem>>) semaphore(%arg12 : memref<!tpu.dma_semaphore, #tpu.memory_space<semaphore_mem>>)
    %dma_start3A_500 = arith.constant 7 : i32
    %dma_start3A_501 = arith.constant 7 : i32
    %dma_start3A_502 = arith.constant 0 : i32
    %dma_start3A_503 = arith.constant 0 : i32
    %dma_start3A_504 = tpu.memref_slice %arg8[%dma_start3A_501, %dma_start3A_502, %dma_start3A_503] : memref<32x50x32xf32, #tpu.memory_space<vmem>> -> memref<1x50x32xf32, #tpu.memory_space<vmem>>
    %dma_start3A_505 = tpu.memref_squeeze %dma_start3A_504 : memref<1x50x32xf32, #tpu.memory_space<vmem>> -> memref<50x32xf32, #tpu.memory_space<vmem>>
    %dma_start3A_506 = arith.constant 0 : i32
    %dma_start3A_507 = tpu.memref_slice %arg6[%dma_start3A_500, %dma_start3A_506] : memref<32x50xi32, #tpu.memory_space<vmem>> -> memref<1x50xi32, #tpu.memory_space<vmem>>
    %dma_start3A_508 = tpu.memref_squeeze %dma_start3A_507 : memref<1x50xi32, #tpu.memory_space<vmem>> -> memref<50xi32, #tpu.memory_space<vmem>>
    %dma_start3A_509 = arith.constant 0 : i32
    %dma_start3A_510 = arith.constant 0 : i32
    %dma_start3A_511 = tpu.memref_slice %arg2[%dma_start3A_509, %dma_start3A_510] : memref<1000000x32xf32, #tpu.memory_space<hbm>> -> memref<1000000x32xf32, #tpu.memory_space<hbm>>
    tpu.enqueue_indirect_dma source(%dma_start3A_511 : memref<1000000x32xf32, #tpu.memory_space<hbm>>) target(%dma_start3A_505 : memref<50x32xf32, #tpu.memory_space<vmem>>) offsets(%dma_start3A_508 : memref<50xi32, #tpu.memory_space<vmem>>) semaphore(%arg12 : memref<!tpu.dma_semaphore, #tpu.memory_space<semaphore_mem>>)
    %dma_start3A_512 = arith.constant 8 : i32
    %dma_start3A_513 = arith.constant 8 : i32
    %dma_start3A_514 = arith.constant 0 : i32
    %dma_start3A_515 = arith.constant 0 : i32
    %dma_start3A_516 = tpu.memref_slice %arg8[%dma_start3A_513, %dma_start3A_514, %dma_start3A_515] : memref<32x50x32xf32, #tpu.memory_space<vmem>> -> memref<1x50x32xf32, #tpu.memory_space<vmem>>
    %dma_start3A_517 = tpu.memref_squeeze %dma_start3A_516 : memref<1x50x32xf32, #tpu.memory_space<vmem>> -> memref<50x32xf32, #tpu.memory_space<vmem>>
    %dma_start3A_518 = arith.constant 0 : i32
    %dma_start3A_519 = tpu.memref_slice %arg6[%dma_start3A_512, %dma_start3A_518] : memref<32x50xi32, #tpu.memory_space<vmem>> -> memref<1x50xi32, #tpu.memory_space<vmem>>
    %dma_start3A_520 = tpu.memref_squeeze %dma_start3A_519 : memref<1x50xi32, #tpu.memory_space<vmem>> -> memref<50xi32, #tpu.memory_space<vmem>>
    %dma_start3A_521 = arith.constant 0 : i32
    %dma_start3A_522 = arith.constant 0 : i32
    %dma_start3A_523 = tpu.memref_slice %arg2[%dma_start3A_521, %dma_start3A_522] : memref<1000000x32xf32, #tpu.memory_space<hbm>> -> memref<1000000x32xf32, #tpu.memory_space<hbm>>
    tpu.enqueue_indirect_dma source(%dma_start3A_523 : memref<1000000x32xf32, #tpu.memory_space<hbm>>) target(%dma_start3A_517 : memref<50x32xf32, #tpu.memory_space<vmem>>) offsets(%dma_start3A_520 : memref<50xi32, #tpu.memory_space<vmem>>) semaphore(%arg12 : memref<!tpu.dma_semaphore, #tpu.memory_space<semaphore_mem>>)
    %dma_start3A_524 = arith.constant 9 : i32
    %dma_start3A_525 = arith.constant 9 : i32
    %dma_start3A_526 = arith.constant 0 : i32
    %dma_start3A_527 = arith.constant 0 : i32
    %dma_start3A_528 = tpu.memref_slice %arg8[%dma_start3A_525, %dma_start3A_526, %dma_start3A_527] : memref<32x50x32xf32, #tpu.memory_space<vmem>> -> memref<1x50x32xf32, #tpu.memory_space<vmem>>
    %dma_start3A_529 = tpu.memref_squeeze %dma_start3A_528 : memref<1x50x32xf32, #tpu.memory_space<vmem>> -> memref<50x32xf32, #tpu.memory_space<vmem>>
    %dma_start3A_530 = arith.constant 0 : i32
    %dma_start3A_531 = tpu.memref_slice %arg6[%dma_start3A_524, %dma_start3A_530] : memref<32x50xi32, #tpu.memory_space<vmem>> -> memref<1x50xi32, #tpu.memory_space<vmem>>
    %dma_start3A_532 = tpu.memref_squeeze %dma_start3A_531 : memref<1x50xi32, #tpu.memory_space<vmem>> -> memref<50xi32, #tpu.memory_space<vmem>>
    %dma_start3A_533 = arith.constant 0 : i32
    %dma_start3A_534 = arith.constant 0 : i32
    %dma_start3A_535 = tpu.memref_slice %arg2[%dma_start3A_533, %dma_start3A_534] : memref<1000000x32xf32, #tpu.memory_space<hbm>> -> memref<1000000x32xf32, #tpu.memory_space<hbm>>
    tpu.enqueue_indirect_dma source(%dma_start3A_535 : memref<1000000x32xf32, #tpu.memory_space<hbm>>) target(%dma_start3A_529 : memref<50x32xf32, #tpu.memory_space<vmem>>) offsets(%dma_start3A_532 : memref<50xi32, #tpu.memory_space<vmem>>) semaphore(%arg12 : memref<!tpu.dma_semaphore, #tpu.memory_space<semaphore_mem>>)
    %dma_start3A_536 = arith.constant 10 : i32
    %dma_start3A_537 = arith.constant 10 : i32
    %dma_start3A_538 = arith.constant 0 : i32
    %dma_start3A_539 = arith.constant 0 : i32
    %dma_start3A_540 = tpu.memref_slice %arg8[%dma_start3A_537, %dma_start3A_538, %dma_start3A_539] : memref<32x50x32xf32, #tpu.memory_space<vmem>> -> memref<1x50x32xf32, #tpu.memory_space<vmem>>
    %dma_start3A_541 = tpu.memref_squeeze %dma_start3A_540 : memref<1x50x32xf32, #tpu.memory_space<vmem>> -> memref<50x32xf32, #tpu.memory_space<vmem>>
    %dma_start3A_542 = arith.constant 0 : i32
    %dma_start3A_543 = tpu.memref_slice %arg6[%dma_start3A_536, %dma_start3A_542] : memref<32x50xi32, #tpu.memory_space<vmem>> -> memref<1x50xi32, #tpu.memory_space<vmem>>
    %dma_start3A_544 = tpu.memref_squeeze %dma_start3A_543 : memref<1x50xi32, #tpu.memory_space<vmem>> -> memref<50xi32, #tpu.memory_space<vmem>>
    %dma_start3A_545 = arith.constant 0 : i32
    %dma_start3A_546 = arith.constant 0 : i32
    %dma_start3A_547 = tpu.memref_slice %arg2[%dma_start3A_545, %dma_start3A_546] : memref<1000000x32xf32, #tpu.memory_space<hbm>> -> memref<1000000x32xf32, #tpu.memory_space<hbm>>
    tpu.enqueue_indirect_dma source(%dma_start3A_547 : memref<1000000x32xf32, #tpu.memory_space<hbm>>) target(%dma_start3A_541 : memref<50x32xf32, #tpu.memory_space<vmem>>) offsets(%dma_start3A_544 : memref<50xi32, #tpu.memory_space<vmem>>) semaphore(%arg12 : memref<!tpu.dma_semaphore, #tpu.memory_space<semaphore_mem>>)
    %dma_start3A_548 = arith.constant 11 : i32
    %dma_start3A_549 = arith.constant 11 : i32
    %dma_start3A_550 = arith.constant 0 : i32
    %dma_start3A_551 = arith.constant 0 : i32
    %dma_start3A_552 = tpu.memref_slice %arg8[%dma_start3A_549, %dma_start3A_550, %dma_start3A_551] : memref<32x50x32xf32, #tpu.memory_space<vmem>> -> memref<1x50x32xf32, #tpu.memory_space<vmem>>
    %dma_start3A_553 = tpu.memref_squeeze %dma_start3A_552 : memref<1x50x32xf32, #tpu.memory_space<vmem>> -> memref<50x32xf32, #tpu.memory_space<vmem>>
    %dma_start3A_554 = arith.constant 0 : i32
    %dma_start3A_555 = tpu.memref_slice %arg6[%dma_start3A_548, %dma_start3A_554] : memref<32x50xi32, #tpu.memory_space<vmem>> -> memref<1x50xi32, #tpu.memory_space<vmem>>
    %dma_start3A_556 = tpu.memref_squeeze %dma_start3A_555 : memref<1x50xi32, #tpu.memory_space<vmem>> -> memref<50xi32, #tpu.memory_space<vmem>>
    %dma_start3A_557 = arith.constant 0 : i32
    %dma_start3A_558 = arith.constant 0 : i32
    %dma_start3A_559 = tpu.memref_slice %arg2[%dma_start3A_557, %dma_start3A_558] : memref<1000000x32xf32, #tpu.memory_space<hbm>> -> memref<1000000x32xf32, #tpu.memory_space<hbm>>
    tpu.enqueue_indirect_dma source(%dma_start3A_559 : memref<1000000x32xf32, #tpu.memory_space<hbm>>) target(%dma_start3A_553 : memref<50x32xf32, #tpu.memory_space<vmem>>) offsets(%dma_start3A_556 : memref<50xi32, #tpu.memory_space<vmem>>) semaphore(%arg12 : memref<!tpu.dma_semaphore, #tpu.memory_space<semaphore_mem>>)
    %dma_start3A_560 = arith.constant 12 : i32
    %dma_start3A_561 = arith.constant 12 : i32
    %dma_start3A_562 = arith.constant 0 : i32
    %dma_start3A_563 = arith.constant 0 : i32
    %dma_start3A_564 = tpu.memref_slice %arg8[%dma_start3A_561, %dma_start3A_562, %dma_start3A_563] : memref<32x50x32xf32, #tpu.memory_space<vmem>> -> memref<1x50x32xf32, #tpu.memory_space<vmem>>
    %dma_start3A_565 = tpu.memref_squeeze %dma_start3A_564 : memref<1x50x32xf32, #tpu.memory_space<vmem>> -> memref<50x32xf32, #tpu.memory_space<vmem>>
    %dma_start3A_566 = arith.constant 0 : i32
    %dma_start3A_567 = tpu.memref_slice %arg6[%dma_start3A_560, %dma_start3A_566] : memref<32x50xi32, #tpu.memory_space<vmem>> -> memref<1x50xi32, #tpu.memory_space<vmem>>
    %dma_start3A_568 = tpu.memref_squeeze %dma_start3A_567 : memref<1x50xi32, #tpu.memory_space<vmem>> -> memref<50xi32, #tpu.memory_space<vmem>>
    %dma_start3A_569 = arith.constant 0 : i32
    %dma_start3A_570 = arith.constant 0 : i32
    %dma_start3A_571 = tpu.memref_slice %arg2[%dma_start3A_569, %dma_start3A_570] : memref<1000000x32xf32, #tpu.memory_space<hbm>> -> memref<1000000x32xf32, #tpu.memory_space<hbm>>
    tpu.enqueue_indirect_dma source(%dma_start3A_571 : memref<1000000x32xf32, #tpu.memory_space<hbm>>) target(%dma_start3A_565 : memref<50x32xf32, #tpu.memory_space<vmem>>) offsets(%dma_start3A_568 : memref<50xi32, #tpu.memory_space<vmem>>) semaphore(%arg12 : memref<!tpu.dma_semaphore, #tpu.memory_space<semaphore_mem>>)
    %dma_start3A_572 = arith.constant 13 : i32
    %dma_start3A_573 = arith.constant 13 : i32
    %dma_start3A_574 = arith.constant 0 : i32
    %dma_start3A_575 = arith.constant 0 : i32
    %dma_start3A_576 = tpu.memref_slice %arg8[%dma_start3A_573, %dma_start3A_574, %dma_start3A_575] : memref<32x50x32xf32, #tpu.memory_space<vmem>> -> memref<1x50x32xf32, #tpu.memory_space<vmem>>
    %dma_start3A_577 = tpu.memref_squeeze %dma_start3A_576 : memref<1x50x32xf32, #tpu.memory_space<vmem>> -> memref<50x32xf32, #tpu.memory_space<vmem>>
    %dma_start3A_578 = arith.constant 0 : i32
    %dma_start3A_579 = tpu.memref_slice %arg6[%dma_start3A_572, %dma_start3A_578] : memref<32x50xi32, #tpu.memory_space<vmem>> -> memref<1x50xi32, #tpu.memory_space<vmem>>
    %dma_start3A_580 = tpu.memref_squeeze %dma_start3A_579 : memref<1x50xi32, #tpu.memory_space<vmem>> -> memref<50xi32, #tpu.memory_space<vmem>>
    %dma_start3A_581 = arith.constant 0 : i32
    %dma_start3A_582 = arith.constant 0 : i32
    %dma_start3A_583 = tpu.memref_slice %arg2[%dma_start3A_581, %dma_start3A_582] : memref<1000000x32xf32, #tpu.memory_space<hbm>> -> memref<1000000x32xf32, #tpu.memory_space<hbm>>
    tpu.enqueue_indirect_dma source(%dma_start3A_583 : memref<1000000x32xf32, #tpu.memory_space<hbm>>) target(%dma_start3A_577 : memref<50x32xf32, #tpu.memory_space<vmem>>) offsets(%dma_start3A_580 : memref<50xi32, #tpu.memory_space<vmem>>) semaphore(%arg12 : memref<!tpu.dma_semaphore, #tpu.memory_space<semaphore_mem>>)
    %dma_start3A_584 = arith.constant 14 : i32
    %dma_start3A_585 = arith.constant 14 : i32
    %dma_start3A_586 = arith.constant 0 : i32
    %dma_start3A_587 = arith.constant 0 : i32
    %dma_start3A_588 = tpu.memref_slice %arg8[%dma_start3A_585, %dma_start3A_586, %dma_start3A_587] : memref<32x50x32xf32, #tpu.memory_space<vmem>> -> memref<1x50x32xf32, #tpu.memory_space<vmem>>
    %dma_start3A_589 = tpu.memref_squeeze %dma_start3A_588 : memref<1x50x32xf32, #tpu.memory_space<vmem>> -> memref<50x32xf32, #tpu.memory_space<vmem>>
    %dma_start3A_590 = arith.constant 0 : i32
    %dma_start3A_591 = tpu.memref_slice %arg6[%dma_start3A_584, %dma_start3A_590] : memref<32x50xi32, #tpu.memory_space<vmem>> -> memref<1x50xi32, #tpu.memory_space<vmem>>
    %dma_start3A_592 = tpu.memref_squeeze %dma_start3A_591 : memref<1x50xi32, #tpu.memory_space<vmem>> -> memref<50xi32, #tpu.memory_space<vmem>>
    %dma_start3A_593 = arith.constant 0 : i32
    %dma_start3A_594 = arith.constant 0 : i32
    %dma_start3A_595 = tpu.memref_slice %arg2[%dma_start3A_593, %dma_start3A_594] : memref<1000000x32xf32, #tpu.memory_space<hbm>> -> memref<1000000x32xf32, #tpu.memory_space<hbm>>
    tpu.enqueue_indirect_dma source(%dma_start3A_595 : memref<1000000x32xf32, #tpu.memory_space<hbm>>) target(%dma_start3A_589 : memref<50x32xf32, #tpu.memory_space<vmem>>) offsets(%dma_start3A_592 : memref<50xi32, #tpu.memory_space<vmem>>) semaphore(%arg12 : memref<!tpu.dma_semaphore, #tpu.memory_space<semaphore_mem>>)
    %dma_start3A_596 = arith.constant 15 : i32
    %dma_start3A_597 = arith.constant 15 : i32
    %dma_start3A_598 = arith.constant 0 : i32
    %dma_start3A_599 = arith.constant 0 : i32
    %dma_start3A_600 = tpu.memref_slice %arg8[%dma_start3A_597, %dma_start3A_598, %dma_start3A_599] : memref<32x50x32xf32, #tpu.memory_space<vmem>> -> memref<1x50x32xf32, #tpu.memory_space<vmem>>
    %dma_start3A_601 = tpu.memref_squeeze %dma_start3A_600 : memref<1x50x32xf32, #tpu.memory_space<vmem>> -> memref<50x32xf32, #tpu.memory_space<vmem>>
    %dma_start3A_602 = arith.constant 0 : i32
    %dma_start3A_603 = tpu.memref_slice %arg6[%dma_start3A_596, %dma_start3A_602] : memref<32x50xi32, #tpu.memory_space<vmem>> -> memref<1x50xi32, #tpu.memory_space<vmem>>
    %dma_start3A_604 = tpu.memref_squeeze %dma_start3A_603 : memref<1x50xi32, #tpu.memory_space<vmem>> -> memref<50xi32, #tpu.memory_space<vmem>>
    %dma_start3A_605 = arith.constant 0 : i32
    %dma_start3A_606 = arith.constant 0 : i32
    %dma_start3A_607 = tpu.memref_slice %arg2[%dma_start3A_605, %dma_start3A_606] : memref<1000000x32xf32, #tpu.memory_space<hbm>> -> memref<1000000x32xf32, #tpu.memory_space<hbm>>
    tpu.enqueue_indirect_dma source(%dma_start3A_607 : memref<1000000x32xf32, #tpu.memory_space<hbm>>) target(%dma_start3A_601 : memref<50x32xf32, #tpu.memory_space<vmem>>) offsets(%dma_start3A_604 : memref<50xi32, #tpu.memory_space<vmem>>) semaphore(%arg12 : memref<!tpu.dma_semaphore, #tpu.memory_space<semaphore_mem>>)
    %dma_start3A_608 = arith.constant 16 : i32
    %dma_start3A_609 = arith.constant 16 : i32
    %dma_start3A_610 = arith.constant 0 : i32
    %dma_start3A_611 = arith.constant 0 : i32
    %dma_start3A_612 = tpu.memref_slice %arg8[%dma_start3A_609, %dma_start3A_610, %dma_start3A_611] : memref<32x50x32xf32, #tpu.memory_space<vmem>> -> memref<1x50x32xf32, #tpu.memory_space<vmem>>
    %dma_start3A_613 = tpu.memref_squeeze %dma_start3A_612 : memref<1x50x32xf32, #tpu.memory_space<vmem>> -> memref<50x32xf32, #tpu.memory_space<vmem>>
    %dma_start3A_614 = arith.constant 0 : i32
    %dma_start3A_615 = tpu.memref_slice %arg6[%dma_start3A_608, %dma_start3A_614] : memref<32x50xi32, #tpu.memory_space<vmem>> -> memref<1x50xi32, #tpu.memory_space<vmem>>
    %dma_start3A_616 = tpu.memref_squeeze %dma_start3A_615 : memref<1x50xi32, #tpu.memory_space<vmem>> -> memref<50xi32, #tpu.memory_space<vmem>>
    %dma_start3A_617 = arith.constant 0 : i32
    %dma_start3A_618 = arith.constant 0 : i32
    %dma_start3A_619 = tpu.memref_slice %arg2[%dma_start3A_617, %dma_start3A_618] : memref<1000000x32xf32, #tpu.memory_space<hbm>> -> memref<1000000x32xf32, #tpu.memory_space<hbm>>
    tpu.enqueue_indirect_dma source(%dma_start3A_619 : memref<1000000x32xf32, #tpu.memory_space<hbm>>) target(%dma_start3A_613 : memref<50x32xf32, #tpu.memory_space<vmem>>) offsets(%dma_start3A_616 : memref<50xi32, #tpu.memory_space<vmem>>) semaphore(%arg12 : memref<!tpu.dma_semaphore, #tpu.memory_space<semaphore_mem>>)
    %dma_start3A_620 = arith.constant 17 : i32
    %dma_start3A_621 = arith.constant 17 : i32
    %dma_start3A_622 = arith.constant 0 : i32
    %dma_start3A_623 = arith.constant 0 : i32
    %dma_start3A_624 = tpu.memref_slice %arg8[%dma_start3A_621, %dma_start3A_622, %dma_start3A_623] : memref<32x50x32xf32, #tpu.memory_space<vmem>> -> memref<1x50x32xf32, #tpu.memory_space<vmem>>
    %dma_start3A_625 = tpu.memref_squeeze %dma_start3A_624 : memref<1x50x32xf32, #tpu.memory_space<vmem>> -> memref<50x32xf32, #tpu.memory_space<vmem>>
    %dma_start3A_626 = arith.constant 0 : i32
    %dma_start3A_627 = tpu.memref_slice %arg6[%dma_start3A_620, %dma_start3A_626] : memref<32x50xi32, #tpu.memory_space<vmem>> -> memref<1x50xi32, #tpu.memory_space<vmem>>
    %dma_start3A_628 = tpu.memref_squeeze %dma_start3A_627 : memref<1x50xi32, #tpu.memory_space<vmem>> -> memref<50xi32, #tpu.memory_space<vmem>>
    %dma_start3A_629 = arith.constant 0 : i32
    %dma_start3A_630 = arith.constant 0 : i32
    %dma_start3A_631 = tpu.memref_slice %arg2[%dma_start3A_629, %dma_start3A_630] : memref<1000000x32xf32, #tpu.memory_space<hbm>> -> memref<1000000x32xf32, #tpu.memory_space<hbm>>
    tpu.enqueue_indirect_dma source(%dma_start3A_631 : memref<1000000x32xf32, #tpu.memory_space<hbm>>) target(%dma_start3A_625 : memref<50x32xf32, #tpu.memory_space<vmem>>) offsets(%dma_start3A_628 : memref<50xi32, #tpu.memory_space<vmem>>) semaphore(%arg12 : memref<!tpu.dma_semaphore, #tpu.memory_space<semaphore_mem>>)
    %dma_start3A_632 = arith.constant 18 : i32
    %dma_start3A_633 = arith.constant 18 : i32
    %dma_start3A_634 = arith.constant 0 : i32
    %dma_start3A_635 = arith.constant 0 : i32
    %dma_start3A_636 = tpu.memref_slice %arg8[%dma_start3A_633, %dma_start3A_634, %dma_start3A_635] : memref<32x50x32xf32, #tpu.memory_space<vmem>> -> memref<1x50x32xf32, #tpu.memory_space<vmem>>
    %dma_start3A_637 = tpu.memref_squeeze %dma_start3A_636 : memref<1x50x32xf32, #tpu.memory_space<vmem>> -> memref<50x32xf32, #tpu.memory_space<vmem>>
    %dma_start3A_638 = arith.constant 0 : i32
    %dma_start3A_639 = tpu.memref_slice %arg6[%dma_start3A_632, %dma_start3A_638] : memref<32x50xi32, #tpu.memory_space<vmem>> -> memref<1x50xi32, #tpu.memory_space<vmem>>
    %dma_start3A_640 = tpu.memref_squeeze %dma_start3A_639 : memref<1x50xi32, #tpu.memory_space<vmem>> -> memref<50xi32, #tpu.memory_space<vmem>>
    %dma_start3A_641 = arith.constant 0 : i32
    %dma_start3A_642 = arith.constant 0 : i32
    %dma_start3A_643 = tpu.memref_slice %arg2[%dma_start3A_641, %dma_start3A_642] : memref<1000000x32xf32, #tpu.memory_space<hbm>> -> memref<1000000x32xf32, #tpu.memory_space<hbm>>
    tpu.enqueue_indirect_dma source(%dma_start3A_643 : memref<1000000x32xf32, #tpu.memory_space<hbm>>) target(%dma_start3A_637 : memref<50x32xf32, #tpu.memory_space<vmem>>) offsets(%dma_start3A_640 : memref<50xi32, #tpu.memory_space<vmem>>) semaphore(%arg12 : memref<!tpu.dma_semaphore, #tpu.memory_space<semaphore_mem>>)
    %dma_start3A_644 = arith.constant 19 : i32
    %dma_start3A_645 = arith.constant 19 : i32
    %dma_start3A_646 = arith.constant 0 : i32
    %dma_start3A_647 = arith.constant 0 : i32
    %dma_start3A_648 = tpu.memref_slice %arg8[%dma_start3A_645, %dma_start3A_646, %dma_start3A_647] : memref<32x50x32xf32, #tpu.memory_space<vmem>> -> memref<1x50x32xf32, #tpu.memory_space<vmem>>
    %dma_start3A_649 = tpu.memref_squeeze %dma_start3A_648 : memref<1x50x32xf32, #tpu.memory_space<vmem>> -> memref<50x32xf32, #tpu.memory_space<vmem>>
    %dma_start3A_650 = arith.constant 0 : i32
    %dma_start3A_651 = tpu.memref_slice %arg6[%dma_start3A_644, %dma_start3A_650] : memref<32x50xi32, #tpu.memory_space<vmem>> -> memref<1x50xi32, #tpu.memory_space<vmem>>
    %dma_start3A_652 = tpu.memref_squeeze %dma_start3A_651 : memref<1x50xi32, #tpu.memory_space<vmem>> -> memref<50xi32, #tpu.memory_space<vmem>>
    %dma_start3A_653 = arith.constant 0 : i32
    %dma_start3A_654 = arith.constant 0 : i32
    %dma_start3A_655 = tpu.memref_slice %arg2[%dma_start3A_653, %dma_start3A_654] : memref<1000000x32xf32, #tpu.memory_space<hbm>> -> memref<1000000x32xf32, #tpu.memory_space<hbm>>
    tpu.enqueue_indirect_dma source(%dma_start3A_655 : memref<1000000x32xf32, #tpu.memory_space<hbm>>) target(%dma_start3A_649 : memref<50x32xf32, #tpu.memory_space<vmem>>) offsets(%dma_start3A_652 : memref<50xi32, #tpu.memory_space<vmem>>) semaphore(%arg12 : memref<!tpu.dma_semaphore, #tpu.memory_space<semaphore_mem>>)
    %dma_start3A_656 = arith.constant 20 : i32
    %dma_start3A_657 = arith.constant 20 : i32
    %dma_start3A_658 = arith.constant 0 : i32
    %dma_start3A_659 = arith.constant 0 : i32
    %dma_start3A_660 = tpu.memref_slice %arg8[%dma_start3A_657, %dma_start3A_658, %dma_start3A_659] : memref<32x50x32xf32, #tpu.memory_space<vmem>> -> memref<1x50x32xf32, #tpu.memory_space<vmem>>
    %dma_start3A_661 = tpu.memref_squeeze %dma_start3A_660 : memref<1x50x32xf32, #tpu.memory_space<vmem>> -> memref<50x32xf32, #tpu.memory_space<vmem>>
    %dma_start3A_662 = arith.constant 0 : i32
    %dma_start3A_663 = tpu.memref_slice %arg6[%dma_start3A_656, %dma_start3A_662] : memref<32x50xi32, #tpu.memory_space<vmem>> -> memref<1x50xi32, #tpu.memory_space<vmem>>
    %dma_start3A_664 = tpu.memref_squeeze %dma_start3A_663 : memref<1x50xi32, #tpu.memory_space<vmem>> -> memref<50xi32, #tpu.memory_space<vmem>>
    %dma_start3A_665 = arith.constant 0 : i32
    %dma_start3A_666 = arith.constant 0 : i32
    %dma_start3A_667 = tpu.memref_slice %arg2[%dma_start3A_665, %dma_start3A_666] : memref<1000000x32xf32, #tpu.memory_space<hbm>> -> memref<1000000x32xf32, #tpu.memory_space<hbm>>
    tpu.enqueue_indirect_dma source(%dma_start3A_667 : memref<1000000x32xf32, #tpu.memory_space<hbm>>) target(%dma_start3A_661 : memref<50x32xf32, #tpu.memory_space<vmem>>) offsets(%dma_start3A_664 : memref<50xi32, #tpu.memory_space<vmem>>) semaphore(%arg12 : memref<!tpu.dma_semaphore, #tpu.memory_space<semaphore_mem>>)
    %dma_start3A_668 = arith.constant 21 : i32
    %dma_start3A_669 = arith.constant 21 : i32
    %dma_start3A_670 = arith.constant 0 : i32
    %dma_start3A_671 = arith.constant 0 : i32
    %dma_start3A_672 = tpu.memref_slice %arg8[%dma_start3A_669, %dma_start3A_670, %dma_start3A_671] : memref<32x50x32xf32, #tpu.memory_space<vmem>> -> memref<1x50x32xf32, #tpu.memory_space<vmem>>
    %dma_start3A_673 = tpu.memref_squeeze %dma_start3A_672 : memref<1x50x32xf32, #tpu.memory_space<vmem>> -> memref<50x32xf32, #tpu.memory_space<vmem>>
    %dma_start3A_674 = arith.constant 0 : i32
    %dma_start3A_675 = tpu.memref_slice %arg6[%dma_start3A_668, %dma_start3A_674] : memref<32x50xi32, #tpu.memory_space<vmem>> -> memref<1x50xi32, #tpu.memory_space<vmem>>
    %dma_start3A_676 = tpu.memref_squeeze %dma_start3A_675 : memref<1x50xi32, #tpu.memory_space<vmem>> -> memref<50xi32, #tpu.memory_space<vmem>>
    %dma_start3A_677 = arith.constant 0 : i32
    %dma_start3A_678 = arith.constant 0 : i32
    %dma_start3A_679 = tpu.memref_slice %arg2[%dma_start3A_677, %dma_start3A_678] : memref<1000000x32xf32, #tpu.memory_space<hbm>> -> memref<1000000x32xf32, #tpu.memory_space<hbm>>
    tpu.enqueue_indirect_dma source(%dma_start3A_679 : memref<1000000x32xf32, #tpu.memory_space<hbm>>) target(%dma_start3A_673 : memref<50x32xf32, #tpu.memory_space<vmem>>) offsets(%dma_start3A_676 : memref<50xi32, #tpu.memory_space<vmem>>) semaphore(%arg12 : memref<!tpu.dma_semaphore, #tpu.memory_space<semaphore_mem>>)
    %dma_start3A_680 = arith.constant 22 : i32
    %dma_start3A_681 = arith.constant 22 : i32
    %dma_start3A_682 = arith.constant 0 : i32
    %dma_start3A_683 = arith.constant 0 : i32
    %dma_start3A_684 = tpu.memref_slice %arg8[%dma_start3A_681, %dma_start3A_682, %dma_start3A_683] : memref<32x50x32xf32, #tpu.memory_space<vmem>> -> memref<1x50x32xf32, #tpu.memory_space<vmem>>
    %dma_start3A_685 = tpu.memref_squeeze %dma_start3A_684 : memref<1x50x32xf32, #tpu.memory_space<vmem>> -> memref<50x32xf32, #tpu.memory_space<vmem>>
    %dma_start3A_686 = arith.constant 0 : i32
    %dma_start3A_687 = tpu.memref_slice %arg6[%dma_start3A_680, %dma_start3A_686] : memref<32x50xi32, #tpu.memory_space<vmem>> -> memref<1x50xi32, #tpu.memory_space<vmem>>
    %dma_start3A_688 = tpu.memref_squeeze %dma_start3A_687 : memref<1x50xi32, #tpu.memory_space<vmem>> -> memref<50xi32, #tpu.memory_space<vmem>>
    %dma_start3A_689 = arith.constant 0 : i32
    %dma_start3A_690 = arith.constant 0 : i32
    %dma_start3A_691 = tpu.memref_slice %arg2[%dma_start3A_689, %dma_start3A_690] : memref<1000000x32xf32, #tpu.memory_space<hbm>> -> memref<1000000x32xf32, #tpu.memory_space<hbm>>
    tpu.enqueue_indirect_dma source(%dma_start3A_691 : memref<1000000x32xf32, #tpu.memory_space<hbm>>) target(%dma_start3A_685 : memref<50x32xf32, #tpu.memory_space<vmem>>) offsets(%dma_start3A_688 : memref<50xi32, #tpu.memory_space<vmem>>) semaphore(%arg12 : memref<!tpu.dma_semaphore, #tpu.memory_space<semaphore_mem>>)
    %dma_start3A_692 = arith.constant 23 : i32
    %dma_start3A_693 = arith.constant 23 : i32
    %dma_start3A_694 = arith.constant 0 : i32
    %dma_start3A_695 = arith.constant 0 : i32
    %dma_start3A_696 = tpu.memref_slice %arg8[%dma_start3A_693, %dma_start3A_694, %dma_start3A_695] : memref<32x50x32xf32, #tpu.memory_space<vmem>> -> memref<1x50x32xf32, #tpu.memory_space<vmem>>
    %dma_start3A_697 = tpu.memref_squeeze %dma_start3A_696 : memref<1x50x32xf32, #tpu.memory_space<vmem>> -> memref<50x32xf32, #tpu.memory_space<vmem>>
    %dma_start3A_698 = arith.constant 0 : i32
    %dma_start3A_699 = tpu.memref_slice %arg6[%dma_start3A_692, %dma_start3A_698] : memref<32x50xi32, #tpu.memory_space<vmem>> -> memref<1x50xi32, #tpu.memory_space<vmem>>
    %dma_start3A_700 = tpu.memref_squeeze %dma_start3A_699 : memref<1x50xi32, #tpu.memory_space<vmem>> -> memref<50xi32, #tpu.memory_space<vmem>>
    %dma_start3A_701 = arith.constant 0 : i32
    %dma_start3A_702 = arith.constant 0 : i32
    %dma_start3A_703 = tpu.memref_slice %arg2[%dma_start3A_701, %dma_start3A_702] : memref<1000000x32xf32, #tpu.memory_space<hbm>> -> memref<1000000x32xf32, #tpu.memory_space<hbm>>
    tpu.enqueue_indirect_dma source(%dma_start3A_703 : memref<1000000x32xf32, #tpu.memory_space<hbm>>) target(%dma_start3A_697 : memref<50x32xf32, #tpu.memory_space<vmem>>) offsets(%dma_start3A_700 : memref<50xi32, #tpu.memory_space<vmem>>) semaphore(%arg12 : memref<!tpu.dma_semaphore, #tpu.memory_space<semaphore_mem>>)
    %dma_start3A_704 = arith.constant 24 : i32
    %dma_start3A_705 = arith.constant 24 : i32
    %dma_start3A_706 = arith.constant 0 : i32
    %dma_start3A_707 = arith.constant 0 : i32
    %dma_start3A_708 = tpu.memref_slice %arg8[%dma_start3A_705, %dma_start3A_706, %dma_start3A_707] : memref<32x50x32xf32, #tpu.memory_space<vmem>> -> memref<1x50x32xf32, #tpu.memory_space<vmem>>
    %dma_start3A_709 = tpu.memref_squeeze %dma_start3A_708 : memref<1x50x32xf32, #tpu.memory_space<vmem>> -> memref<50x32xf32, #tpu.memory_space<vmem>>
    %dma_start3A_710 = arith.constant 0 : i32
    %dma_start3A_711 = tpu.memref_slice %arg6[%dma_start3A_704, %dma_start3A_710] : memref<32x50xi32, #tpu.memory_space<vmem>> -> memref<1x50xi32, #tpu.memory_space<vmem>>
    %dma_start3A_712 = tpu.memref_squeeze %dma_start3A_711 : memref<1x50xi32, #tpu.memory_space<vmem>> -> memref<50xi32, #tpu.memory_space<vmem>>
    %dma_start3A_713 = arith.constant 0 : i32
    %dma_start3A_714 = arith.constant 0 : i32
    %dma_start3A_715 = tpu.memref_slice %arg2[%dma_start3A_713, %dma_start3A_714] : memref<1000000x32xf32, #tpu.memory_space<hbm>> -> memref<1000000x32xf32, #tpu.memory_space<hbm>>
    tpu.enqueue_indirect_dma source(%dma_start3A_715 : memref<1000000x32xf32, #tpu.memory_space<hbm>>) target(%dma_start3A_709 : memref<50x32xf32, #tpu.memory_space<vmem>>) offsets(%dma_start3A_712 : memref<50xi32, #tpu.memory_space<vmem>>) semaphore(%arg12 : memref<!tpu.dma_semaphore, #tpu.memory_space<semaphore_mem>>)
    %dma_start3A_716 = arith.constant 25 : i32
    %dma_start3A_717 = arith.constant 25 : i32
    %dma_start3A_718 = arith.constant 0 : i32
    %dma_start3A_719 = arith.constant 0 : i32
    %dma_start3A_720 = tpu.memref_slice %arg8[%dma_start3A_717, %dma_start3A_718, %dma_start3A_719] : memref<32x50x32xf32, #tpu.memory_space<vmem>> -> memref<1x50x32xf32, #tpu.memory_space<vmem>>
    %dma_start3A_721 = tpu.memref_squeeze %dma_start3A_720 : memref<1x50x32xf32, #tpu.memory_space<vmem>> -> memref<50x32xf32, #tpu.memory_space<vmem>>
    %dma_start3A_722 = arith.constant 0 : i32
    %dma_start3A_723 = tpu.memref_slice %arg6[%dma_start3A_716, %dma_start3A_722] : memref<32x50xi32, #tpu.memory_space<vmem>> -> memref<1x50xi32, #tpu.memory_space<vmem>>
    %dma_start3A_724 = tpu.memref_squeeze %dma_start3A_723 : memref<1x50xi32, #tpu.memory_space<vmem>> -> memref<50xi32, #tpu.memory_space<vmem>>
    %dma_start3A_725 = arith.constant 0 : i32
    %dma_start3A_726 = arith.constant 0 : i32
    %dma_start3A_727 = tpu.memref_slice %arg2[%dma_start3A_725, %dma_start3A_726] : memref<1000000x32xf32, #tpu.memory_space<hbm>> -> memref<1000000x32xf32, #tpu.memory_space<hbm>>
    tpu.enqueue_indirect_dma source(%dma_start3A_727 : memref<1000000x32xf32, #tpu.memory_space<hbm>>) target(%dma_start3A_721 : memref<50x32xf32, #tpu.memory_space<vmem>>) offsets(%dma_start3A_724 : memref<50xi32, #tpu.memory_space<vmem>>) semaphore(%arg12 : memref<!tpu.dma_semaphore, #tpu.memory_space<semaphore_mem>>)
    %dma_start3A_728 = arith.constant 26 : i32
    %dma_start3A_729 = arith.constant 26 : i32
    %dma_start3A_730 = arith.constant 0 : i32
    %dma_start3A_731 = arith.constant 0 : i32
    %dma_start3A_732 = tpu.memref_slice %arg8[%dma_start3A_729, %dma_start3A_730, %dma_start3A_731] : memref<32x50x32xf32, #tpu.memory_space<vmem>> -> memref<1x50x32xf32, #tpu.memory_space<vmem>>
    %dma_start3A_733 = tpu.memref_squeeze %dma_start3A_732 : memref<1x50x32xf32, #tpu.memory_space<vmem>> -> memref<50x32xf32, #tpu.memory_space<vmem>>
    %dma_start3A_734 = arith.constant 0 : i32
    %dma_start3A_735 = tpu.memref_slice %arg6[%dma_start3A_728, %dma_start3A_734] : memref<32x50xi32, #tpu.memory_space<vmem>> -> memref<1x50xi32, #tpu.memory_space<vmem>>
    %dma_start3A_736 = tpu.memref_squeeze %dma_start3A_735 : memref<1x50xi32, #tpu.memory_space<vmem>> -> memref<50xi32, #tpu.memory_space<vmem>>
    %dma_start3A_737 = arith.constant 0 : i32
    %dma_start3A_738 = arith.constant 0 : i32
    %dma_start3A_739 = tpu.memref_slice %arg2[%dma_start3A_737, %dma_start3A_738] : memref<1000000x32xf32, #tpu.memory_space<hbm>> -> memref<1000000x32xf32, #tpu.memory_space<hbm>>
    tpu.enqueue_indirect_dma source(%dma_start3A_739 : memref<1000000x32xf32, #tpu.memory_space<hbm>>) target(%dma_start3A_733 : memref<50x32xf32, #tpu.memory_space<vmem>>) offsets(%dma_start3A_736 : memref<50xi32, #tpu.memory_space<vmem>>) semaphore(%arg12 : memref<!tpu.dma_semaphore, #tpu.memory_space<semaphore_mem>>)
    %dma_start3A_740 = arith.constant 27 : i32
    %dma_start3A_741 = arith.constant 27 : i32
    %dma_start3A_742 = arith.constant 0 : i32
    %dma_start3A_743 = arith.constant 0 : i32
    %dma_start3A_744 = tpu.memref_slice %arg8[%dma_start3A_741, %dma_start3A_742, %dma_start3A_743] : memref<32x50x32xf32, #tpu.memory_space<vmem>> -> memref<1x50x32xf32, #tpu.memory_space<vmem>>
    %dma_start3A_745 = tpu.memref_squeeze %dma_start3A_744 : memref<1x50x32xf32, #tpu.memory_space<vmem>> -> memref<50x32xf32, #tpu.memory_space<vmem>>
    %dma_start3A_746 = arith.constant 0 : i32
    %dma_start3A_747 = tpu.memref_slice %arg6[%dma_start3A_740, %dma_start3A_746] : memref<32x50xi32, #tpu.memory_space<vmem>> -> memref<1x50xi32, #tpu.memory_space<vmem>>
    %dma_start3A_748 = tpu.memref_squeeze %dma_start3A_747 : memref<1x50xi32, #tpu.memory_space<vmem>> -> memref<50xi32, #tpu.memory_space<vmem>>
    %dma_start3A_749 = arith.constant 0 : i32
    %dma_start3A_750 = arith.constant 0 : i32
    %dma_start3A_751 = tpu.memref_slice %arg2[%dma_start3A_749, %dma_start3A_750] : memref<1000000x32xf32, #tpu.memory_space<hbm>> -> memref<1000000x32xf32, #tpu.memory_space<hbm>>
    tpu.enqueue_indirect_dma source(%dma_start3A_751 : memref<1000000x32xf32, #tpu.memory_space<hbm>>) target(%dma_start3A_745 : memref<50x32xf32, #tpu.memory_space<vmem>>) offsets(%dma_start3A_748 : memref<50xi32, #tpu.memory_space<vmem>>) semaphore(%arg12 : memref<!tpu.dma_semaphore, #tpu.memory_space<semaphore_mem>>)
    %dma_start3A_752 = arith.constant 28 : i32
    %dma_start3A_753 = arith.constant 28 : i32
    %dma_start3A_754 = arith.constant 0 : i32
    %dma_start3A_755 = arith.constant 0 : i32
    %dma_start3A_756 = tpu.memref_slice %arg8[%dma_start3A_753, %dma_start3A_754, %dma_start3A_755] : memref<32x50x32xf32, #tpu.memory_space<vmem>> -> memref<1x50x32xf32, #tpu.memory_space<vmem>>
    %dma_start3A_757 = tpu.memref_squeeze %dma_start3A_756 : memref<1x50x32xf32, #tpu.memory_space<vmem>> -> memref<50x32xf32, #tpu.memory_space<vmem>>
    %dma_start3A_758 = arith.constant 0 : i32
    %dma_start3A_759 = tpu.memref_slice %arg6[%dma_start3A_752, %dma_start3A_758] : memref<32x50xi32, #tpu.memory_space<vmem>> -> memref<1x50xi32, #tpu.memory_space<vmem>>
    %dma_start3A_760 = tpu.memref_squeeze %dma_start3A_759 : memref<1x50xi32, #tpu.memory_space<vmem>> -> memref<50xi32, #tpu.memory_space<vmem>>
    %dma_start3A_761 = arith.constant 0 : i32
    %dma_start3A_762 = arith.constant 0 : i32
    %dma_start3A_763 = tpu.memref_slice %arg2[%dma_start3A_761, %dma_start3A_762] : memref<1000000x32xf32, #tpu.memory_space<hbm>> -> memref<1000000x32xf32, #tpu.memory_space<hbm>>
    tpu.enqueue_indirect_dma source(%dma_start3A_763 : memref<1000000x32xf32, #tpu.memory_space<hbm>>) target(%dma_start3A_757 : memref<50x32xf32, #tpu.memory_space<vmem>>) offsets(%dma_start3A_760 : memref<50xi32, #tpu.memory_space<vmem>>) semaphore(%arg12 : memref<!tpu.dma_semaphore, #tpu.memory_space<semaphore_mem>>)
    %dma_start3A_764 = arith.constant 29 : i32
    %dma_start3A_765 = arith.constant 29 : i32
    %dma_start3A_766 = arith.constant 0 : i32
    %dma_start3A_767 = arith.constant 0 : i32
    %dma_start3A_768 = tpu.memref_slice %arg8[%dma_start3A_765, %dma_start3A_766, %dma_start3A_767] : memref<32x50x32xf32, #tpu.memory_space<vmem>> -> memref<1x50x32xf32, #tpu.memory_space<vmem>>
    %dma_start3A_769 = tpu.memref_squeeze %dma_start3A_768 : memref<1x50x32xf32, #tpu.memory_space<vmem>> -> memref<50x32xf32, #tpu.memory_space<vmem>>
    %dma_start3A_770 = arith.constant 0 : i32
    %dma_start3A_771 = tpu.memref_slice %arg6[%dma_start3A_764, %dma_start3A_770] : memref<32x50xi32, #tpu.memory_space<vmem>> -> memref<1x50xi32, #tpu.memory_space<vmem>>
    %dma_start3A_772 = tpu.memref_squeeze %dma_start3A_771 : memref<1x50xi32, #tpu.memory_space<vmem>> -> memref<50xi32, #tpu.memory_space<vmem>>
    %dma_start3A_773 = arith.constant 0 : i32
    %dma_start3A_774 = arith.constant 0 : i32
    %dma_start3A_775 = tpu.memref_slice %arg2[%dma_start3A_773, %dma_start3A_774] : memref<1000000x32xf32, #tpu.memory_space<hbm>> -> memref<1000000x32xf32, #tpu.memory_space<hbm>>
    tpu.enqueue_indirect_dma source(%dma_start3A_775 : memref<1000000x32xf32, #tpu.memory_space<hbm>>) target(%dma_start3A_769 : memref<50x32xf32, #tpu.memory_space<vmem>>) offsets(%dma_start3A_772 : memref<50xi32, #tpu.memory_space<vmem>>) semaphore(%arg12 : memref<!tpu.dma_semaphore, #tpu.memory_space<semaphore_mem>>)
    %dma_start3A_776 = arith.constant 30 : i32
    %dma_start3A_777 = arith.constant 30 : i32
    %dma_start3A_778 = arith.constant 0 : i32
    %dma_start3A_779 = arith.constant 0 : i32
    %dma_start3A_780 = tpu.memref_slice %arg8[%dma_start3A_777, %dma_start3A_778, %dma_start3A_779] : memref<32x50x32xf32, #tpu.memory_space<vmem>> -> memref<1x50x32xf32, #tpu.memory_space<vmem>>
    %dma_start3A_781 = tpu.memref_squeeze %dma_start3A_780 : memref<1x50x32xf32, #tpu.memory_space<vmem>> -> memref<50x32xf32, #tpu.memory_space<vmem>>
    %dma_start3A_782 = arith.constant 0 : i32
    %dma_start3A_783 = tpu.memref_slice %arg6[%dma_start3A_776, %dma_start3A_782] : memref<32x50xi32, #tpu.memory_space<vmem>> -> memref<1x50xi32, #tpu.memory_space<vmem>>
    %dma_start3A_784 = tpu.memref_squeeze %dma_start3A_783 : memref<1x50xi32, #tpu.memory_space<vmem>> -> memref<50xi32, #tpu.memory_space<vmem>>
    %dma_start3A_785 = arith.constant 0 : i32
    %dma_start3A_786 = arith.constant 0 : i32
    %dma_start3A_787 = tpu.memref_slice %arg2[%dma_start3A_785, %dma_start3A_786] : memref<1000000x32xf32, #tpu.memory_space<hbm>> -> memref<1000000x32xf32, #tpu.memory_space<hbm>>
    tpu.enqueue_indirect_dma source(%dma_start3A_787 : memref<1000000x32xf32, #tpu.memory_space<hbm>>) target(%dma_start3A_781 : memref<50x32xf32, #tpu.memory_space<vmem>>) offsets(%dma_start3A_784 : memref<50xi32, #tpu.memory_space<vmem>>) semaphore(%arg12 : memref<!tpu.dma_semaphore, #tpu.memory_space<semaphore_mem>>)
    %dma_start3A_788 = arith.constant 31 : i32
    %dma_start3A_789 = arith.constant 31 : i32
    %dma_start3A_790 = arith.constant 0 : i32
    %dma_start3A_791 = arith.constant 0 : i32
    %dma_start3A_792 = tpu.memref_slice %arg8[%dma_start3A_789, %dma_start3A_790, %dma_start3A_791] : memref<32x50x32xf32, #tpu.memory_space<vmem>> -> memref<1x50x32xf32, #tpu.memory_space<vmem>>
    %dma_start3A_793 = tpu.memref_squeeze %dma_start3A_792 : memref<1x50x32xf32, #tpu.memory_space<vmem>> -> memref<50x32xf32, #tpu.memory_space<vmem>>
    %dma_start3A_794 = arith.constant 0 : i32
    %dma_start3A_795 = tpu.memref_slice %arg6[%dma_start3A_788, %dma_start3A_794] : memref<32x50xi32, #tpu.memory_space<vmem>> -> memref<1x50xi32, #tpu.memory_space<vmem>>
    %dma_start3A_796 = tpu.memref_squeeze %dma_start3A_795 : memref<1x50xi32, #tpu.memory_space<vmem>> -> memref<50xi32, #tpu.memory_space<vmem>>
    %dma_start3A_797 = arith.constant 0 : i32
    %dma_start3A_798 = arith.constant 0 : i32
    %dma_start3A_799 = tpu.memref_slice %arg2[%dma_start3A_797, %dma_start3A_798] : memref<1000000x32xf32, #tpu.memory_space<hbm>> -> memref<1000000x32xf32, #tpu.memory_space<hbm>>
    tpu.enqueue_indirect_dma source(%dma_start3A_799 : memref<1000000x32xf32, #tpu.memory_space<hbm>>) target(%dma_start3A_793 : memref<50x32xf32, #tpu.memory_space<vmem>>) offsets(%dma_start3A_796 : memref<50xi32, #tpu.memory_space<vmem>>) semaphore(%arg12 : memref<!tpu.dma_semaphore, #tpu.memory_space<semaphore_mem>>)
    %dma_wait3A_800 = arith.constant 0 : i32
    %dma_wait3A_801 = arith.constant 0 : i32
    %dma_wait3A_802 = arith.constant 0 : i32
    %dma_wait3A_803 = arith.constant 0 : i32
    %dma_wait3A_804 = tpu.memref_slice %arg7[%dma_wait3A_801, %dma_wait3A_802, %dma_wait3A_803] : memref<32x50x32xf32, #tpu.memory_space<vmem>> -> memref<1x50x32xf32, #tpu.memory_space<vmem>>
    %dma_wait3A_805 = tpu.memref_squeeze %dma_wait3A_804 : memref<1x50x32xf32, #tpu.memory_space<vmem>> -> memref<50x32xf32, #tpu.memory_space<vmem>>
    %dma_wait3A_806 = arith.constant 0 : i32
    %dma_wait3A_807 = tpu.memref_slice %arg5[%dma_wait3A_800, %dma_wait3A_806] : memref<32x50xi32, #tpu.memory_space<vmem>> -> memref<1x50xi32, #tpu.memory_space<vmem>>
    %dma_wait3A_808 = tpu.memref_squeeze %dma_wait3A_807 : memref<1x50xi32, #tpu.memory_space<vmem>> -> memref<50xi32, #tpu.memory_space<vmem>>
    %dma_wait3A_809 = arith.constant 0 : i32
    %dma_wait3A_810 = arith.constant 0 : i32
    %dma_wait3A_811 = tpu.memref_slice %arg2[%dma_wait3A_809, %dma_wait3A_810] : memref<1000000x32xf32, #tpu.memory_space<hbm>> -> memref<1000000x32xf32, #tpu.memory_space<hbm>>
    tpu.wait_indirect_dma semaphore(%arg11 : memref<!tpu.dma_semaphore, #tpu.memory_space<semaphore_mem>>) src(%dma_wait3A_811 : memref<1000000x32xf32, #tpu.memory_space<hbm>>) dst(%dma_wait3A_805 : memref<50x32xf32, #tpu.memory_space<vmem>>)
    %dma_wait3A_812 = arith.constant 1 : i32
    %dma_wait3A_813 = arith.constant 1 : i32
    %dma_wait3A_814 = arith.constant 0 : i32
    %dma_wait3A_815 = arith.constant 0 : i32
    %dma_wait3A_816 = tpu.memref_slice %arg7[%dma_wait3A_813, %dma_wait3A_814, %dma_wait3A_815] : memref<32x50x32xf32, #tpu.memory_space<vmem>> -> memref<1x50x32xf32, #tpu.memory_space<vmem>>
    %dma_wait3A_817 = tpu.memref_squeeze %dma_wait3A_816 : memref<1x50x32xf32, #tpu.memory_space<vmem>> -> memref<50x32xf32, #tpu.memory_space<vmem>>
    %dma_wait3A_818 = arith.constant 0 : i32
    %dma_wait3A_819 = tpu.memref_slice %arg5[%dma_wait3A_812, %dma_wait3A_818] : memref<32x50xi32, #tpu.memory_space<vmem>> -> memref<1x50xi32, #tpu.memory_space<vmem>>
    %dma_wait3A_820 = tpu.memref_squeeze %dma_wait3A_819 : memref<1x50xi32, #tpu.memory_space<vmem>> -> memref<50xi32, #tpu.memory_space<vmem>>
    %dma_wait3A_821 = arith.constant 0 : i32
    %dma_wait3A_822 = arith.constant 0 : i32
    %dma_wait3A_823 = tpu.memref_slice %arg2[%dma_wait3A_821, %dma_wait3A_822] : memref<1000000x32xf32, #tpu.memory_space<hbm>> -> memref<1000000x32xf32, #tpu.memory_space<hbm>>
    tpu.wait_indirect_dma semaphore(%arg11 : memref<!tpu.dma_semaphore, #tpu.memory_space<semaphore_mem>>) src(%dma_wait3A_823 : memref<1000000x32xf32, #tpu.memory_space<hbm>>) dst(%dma_wait3A_817 : memref<50x32xf32, #tpu.memory_space<vmem>>)
    %dma_wait3A_824 = arith.constant 2 : i32
    %dma_wait3A_825 = arith.constant 2 : i32
    %dma_wait3A_826 = arith.constant 0 : i32
    %dma_wait3A_827 = arith.constant 0 : i32
    %dma_wait3A_828 = tpu.memref_slice %arg7[%dma_wait3A_825, %dma_wait3A_826, %dma_wait3A_827] : memref<32x50x32xf32, #tpu.memory_space<vmem>> -> memref<1x50x32xf32, #tpu.memory_space<vmem>>
    %dma_wait3A_829 = tpu.memref_squeeze %dma_wait3A_828 : memref<1x50x32xf32, #tpu.memory_space<vmem>> -> memref<50x32xf32, #tpu.memory_space<vmem>>
    %dma_wait3A_830 = arith.constant 0 : i32
    %dma_wait3A_831 = tpu.memref_slice %arg5[%dma_wait3A_824, %dma_wait3A_830] : memref<32x50xi32, #tpu.memory_space<vmem>> -> memref<1x50xi32, #tpu.memory_space<vmem>>
    %dma_wait3A_832 = tpu.memref_squeeze %dma_wait3A_831 : memref<1x50xi32, #tpu.memory_space<vmem>> -> memref<50xi32, #tpu.memory_space<vmem>>
    %dma_wait3A_833 = arith.constant 0 : i32
    %dma_wait3A_834 = arith.constant 0 : i32
    %dma_wait3A_835 = tpu.memref_slice %arg2[%dma_wait3A_833, %dma_wait3A_834] : memref<1000000x32xf32, #tpu.memory_space<hbm>> -> memref<1000000x32xf32, #tpu.memory_space<hbm>>
    tpu.wait_indirect_dma semaphore(%arg11 : memref<!tpu.dma_semaphore, #tpu.memory_space<semaphore_mem>>) src(%dma_wait3A_835 : memref<1000000x32xf32, #tpu.memory_space<hbm>>) dst(%dma_wait3A_829 : memref<50x32xf32, #tpu.memory_space<vmem>>)
    %dma_wait3A_836 = arith.constant 3 : i32
    %dma_wait3A_837 = arith.constant 3 : i32
    %dma_wait3A_838 = arith.constant 0 : i32
    %dma_wait3A_839 = arith.constant 0 : i32
    %dma_wait3A_840 = tpu.memref_slice %arg7[%dma_wait3A_837, %dma_wait3A_838, %dma_wait3A_839] : memref<32x50x32xf32, #tpu.memory_space<vmem>> -> memref<1x50x32xf32, #tpu.memory_space<vmem>>
    %dma_wait3A_841 = tpu.memref_squeeze %dma_wait3A_840 : memref<1x50x32xf32, #tpu.memory_space<vmem>> -> memref<50x32xf32, #tpu.memory_space<vmem>>
    %dma_wait3A_842 = arith.constant 0 : i32
    %dma_wait3A_843 = tpu.memref_slice %arg5[%dma_wait3A_836, %dma_wait3A_842] : memref<32x50xi32, #tpu.memory_space<vmem>> -> memref<1x50xi32, #tpu.memory_space<vmem>>
    %dma_wait3A_844 = tpu.memref_squeeze %dma_wait3A_843 : memref<1x50xi32, #tpu.memory_space<vmem>> -> memref<50xi32, #tpu.memory_space<vmem>>
    %dma_wait3A_845 = arith.constant 0 : i32
    %dma_wait3A_846 = arith.constant 0 : i32
    %dma_wait3A_847 = tpu.memref_slice %arg2[%dma_wait3A_845, %dma_wait3A_846] : memref<1000000x32xf32, #tpu.memory_space<hbm>> -> memref<1000000x32xf32, #tpu.memory_space<hbm>>
    tpu.wait_indirect_dma semaphore(%arg11 : memref<!tpu.dma_semaphore, #tpu.memory_space<semaphore_mem>>) src(%dma_wait3A_847 : memref<1000000x32xf32, #tpu.memory_space<hbm>>) dst(%dma_wait3A_841 : memref<50x32xf32, #tpu.memory_space<vmem>>)
    %dma_wait3A_848 = arith.constant 4 : i32
    %dma_wait3A_849 = arith.constant 4 : i32
    %dma_wait3A_850 = arith.constant 0 : i32
    %dma_wait3A_851 = arith.constant 0 : i32
    %dma_wait3A_852 = tpu.memref_slice %arg7[%dma_wait3A_849, %dma_wait3A_850, %dma_wait3A_851] : memref<32x50x32xf32, #tpu.memory_space<vmem>> -> memref<1x50x32xf32, #tpu.memory_space<vmem>>
    %dma_wait3A_853 = tpu.memref_squeeze %dma_wait3A_852 : memref<1x50x32xf32, #tpu.memory_space<vmem>> -> memref<50x32xf32, #tpu.memory_space<vmem>>
    %dma_wait3A_854 = arith.constant 0 : i32
    %dma_wait3A_855 = tpu.memref_slice %arg5[%dma_wait3A_848, %dma_wait3A_854] : memref<32x50xi32, #tpu.memory_space<vmem>> -> memref<1x50xi32, #tpu.memory_space<vmem>>
    %dma_wait3A_856 = tpu.memref_squeeze %dma_wait3A_855 : memref<1x50xi32, #tpu.memory_space<vmem>> -> memref<50xi32, #tpu.memory_space<vmem>>
    %dma_wait3A_857 = arith.constant 0 : i32
    %dma_wait3A_858 = arith.constant 0 : i32
    %dma_wait3A_859 = tpu.memref_slice %arg2[%dma_wait3A_857, %dma_wait3A_858] : memref<1000000x32xf32, #tpu.memory_space<hbm>> -> memref<1000000x32xf32, #tpu.memory_space<hbm>>
    tpu.wait_indirect_dma semaphore(%arg11 : memref<!tpu.dma_semaphore, #tpu.memory_space<semaphore_mem>>) src(%dma_wait3A_859 : memref<1000000x32xf32, #tpu.memory_space<hbm>>) dst(%dma_wait3A_853 : memref<50x32xf32, #tpu.memory_space<vmem>>)
    %dma_wait3A_860 = arith.constant 5 : i32
    %dma_wait3A_861 = arith.constant 5 : i32
    %dma_wait3A_862 = arith.constant 0 : i32
    %dma_wait3A_863 = arith.constant 0 : i32
    %dma_wait3A_864 = tpu.memref_slice %arg7[%dma_wait3A_861, %dma_wait3A_862, %dma_wait3A_863] : memref<32x50x32xf32, #tpu.memory_space<vmem>> -> memref<1x50x32xf32, #tpu.memory_space<vmem>>
    %dma_wait3A_865 = tpu.memref_squeeze %dma_wait3A_864 : memref<1x50x32xf32, #tpu.memory_space<vmem>> -> memref<50x32xf32, #tpu.memory_space<vmem>>
    %dma_wait3A_866 = arith.constant 0 : i32
    %dma_wait3A_867 = tpu.memref_slice %arg5[%dma_wait3A_860, %dma_wait3A_866] : memref<32x50xi32, #tpu.memory_space<vmem>> -> memref<1x50xi32, #tpu.memory_space<vmem>>
    %dma_wait3A_868 = tpu.memref_squeeze %dma_wait3A_867 : memref<1x50xi32, #tpu.memory_space<vmem>> -> memref<50xi32, #tpu.memory_space<vmem>>
    %dma_wait3A_869 = arith.constant 0 : i32
    %dma_wait3A_870 = arith.constant 0 : i32
    %dma_wait3A_871 = tpu.memref_slice %arg2[%dma_wait3A_869, %dma_wait3A_870] : memref<1000000x32xf32, #tpu.memory_space<hbm>> -> memref<1000000x32xf32, #tpu.memory_space<hbm>>
    tpu.wait_indirect_dma semaphore(%arg11 : memref<!tpu.dma_semaphore, #tpu.memory_space<semaphore_mem>>) src(%dma_wait3A_871 : memref<1000000x32xf32, #tpu.memory_space<hbm>>) dst(%dma_wait3A_865 : memref<50x32xf32, #tpu.memory_space<vmem>>)
    %dma_wait3A_872 = arith.constant 6 : i32
    %dma_wait3A_873 = arith.constant 6 : i32
    %dma_wait3A_874 = arith.constant 0 : i32
    %dma_wait3A_875 = arith.constant 0 : i32
    %dma_wait3A_876 = tpu.memref_slice %arg7[%dma_wait3A_873, %dma_wait3A_874, %dma_wait3A_875] : memref<32x50x32xf32, #tpu.memory_space<vmem>> -> memref<1x50x32xf32, #tpu.memory_space<vmem>>
    %dma_wait3A_877 = tpu.memref_squeeze %dma_wait3A_876 : memref<1x50x32xf32, #tpu.memory_space<vmem>> -> memref<50x32xf32, #tpu.memory_space<vmem>>
    %dma_wait3A_878 = arith.constant 0 : i32
    %dma_wait3A_879 = tpu.memref_slice %arg5[%dma_wait3A_872, %dma_wait3A_878] : memref<32x50xi32, #tpu.memory_space<vmem>> -> memref<1x50xi32, #tpu.memory_space<vmem>>
    %dma_wait3A_880 = tpu.memref_squeeze %dma_wait3A_879 : memref<1x50xi32, #tpu.memory_space<vmem>> -> memref<50xi32, #tpu.memory_space<vmem>>
    %dma_wait3A_881 = arith.constant 0 : i32
    %dma_wait3A_882 = arith.constant 0 : i32
    %dma_wait3A_883 = tpu.memref_slice %arg2[%dma_wait3A_881, %dma_wait3A_882] : memref<1000000x32xf32, #tpu.memory_space<hbm>> -> memref<1000000x32xf32, #tpu.memory_space<hbm>>
    tpu.wait_indirect_dma semaphore(%arg11 : memref<!tpu.dma_semaphore, #tpu.memory_space<semaphore_mem>>) src(%dma_wait3A_883 : memref<1000000x32xf32, #tpu.memory_space<hbm>>) dst(%dma_wait3A_877 : memref<50x32xf32, #tpu.memory_space<vmem>>)
    %dma_wait3A_884 = arith.constant 7 : i32
    %dma_wait3A_885 = arith.constant 7 : i32
    %dma_wait3A_886 = arith.constant 0 : i32
    %dma_wait3A_887 = arith.constant 0 : i32
    %dma_wait3A_888 = tpu.memref_slice %arg7[%dma_wait3A_885, %dma_wait3A_886, %dma_wait3A_887] : memref<32x50x32xf32, #tpu.memory_space<vmem>> -> memref<1x50x32xf32, #tpu.memory_space<vmem>>
    %dma_wait3A_889 = tpu.memref_squeeze %dma_wait3A_888 : memref<1x50x32xf32, #tpu.memory_space<vmem>> -> memref<50x32xf32, #tpu.memory_space<vmem>>
    %dma_wait3A_890 = arith.constant 0 : i32
    %dma_wait3A_891 = tpu.memref_slice %arg5[%dma_wait3A_884, %dma_wait3A_890] : memref<32x50xi32, #tpu.memory_space<vmem>> -> memref<1x50xi32, #tpu.memory_space<vmem>>
    %dma_wait3A_892 = tpu.memref_squeeze %dma_wait3A_891 : memref<1x50xi32, #tpu.memory_space<vmem>> -> memref<50xi32, #tpu.memory_space<vmem>>
    %dma_wait3A_893 = arith.constant 0 : i32
    %dma_wait3A_894 = arith.constant 0 : i32
    %dma_wait3A_895 = tpu.memref_slice %arg2[%dma_wait3A_893, %dma_wait3A_894] : memref<1000000x32xf32, #tpu.memory_space<hbm>> -> memref<1000000x32xf32, #tpu.memory_space<hbm>>
    tpu.wait_indirect_dma semaphore(%arg11 : memref<!tpu.dma_semaphore, #tpu.memory_space<semaphore_mem>>) src(%dma_wait3A_895 : memref<1000000x32xf32, #tpu.memory_space<hbm>>) dst(%dma_wait3A_889 : memref<50x32xf32, #tpu.memory_space<vmem>>)
    %dma_wait3A_896 = arith.constant 8 : i32
    %dma_wait3A_897 = arith.constant 8 : i32
    %dma_wait3A_898 = arith.constant 0 : i32
    %dma_wait3A_899 = arith.constant 0 : i32
    %dma_wait3A_900 = tpu.memref_slice %arg7[%dma_wait3A_897, %dma_wait3A_898, %dma_wait3A_899] : memref<32x50x32xf32, #tpu.memory_space<vmem>> -> memref<1x50x32xf32, #tpu.memory_space<vmem>>
    %dma_wait3A_901 = tpu.memref_squeeze %dma_wait3A_900 : memref<1x50x32xf32, #tpu.memory_space<vmem>> -> memref<50x32xf32, #tpu.memory_space<vmem>>
    %dma_wait3A_902 = arith.constant 0 : i32
    %dma_wait3A_903 = tpu.memref_slice %arg5[%dma_wait3A_896, %dma_wait3A_902] : memref<32x50xi32, #tpu.memory_space<vmem>> -> memref<1x50xi32, #tpu.memory_space<vmem>>
    %dma_wait3A_904 = tpu.memref_squeeze %dma_wait3A_903 : memref<1x50xi32, #tpu.memory_space<vmem>> -> memref<50xi32, #tpu.memory_space<vmem>>
    %dma_wait3A_905 = arith.constant 0 : i32
    %dma_wait3A_906 = arith.constant 0 : i32
    %dma_wait3A_907 = tpu.memref_slice %arg2[%dma_wait3A_905, %dma_wait3A_906] : memref<1000000x32xf32, #tpu.memory_space<hbm>> -> memref<1000000x32xf32, #tpu.memory_space<hbm>>
    tpu.wait_indirect_dma semaphore(%arg11 : memref<!tpu.dma_semaphore, #tpu.memory_space<semaphore_mem>>) src(%dma_wait3A_907 : memref<1000000x32xf32, #tpu.memory_space<hbm>>) dst(%dma_wait3A_901 : memref<50x32xf32, #tpu.memory_space<vmem>>)
    %dma_wait3A_908 = arith.constant 9 : i32
    %dma_wait3A_909 = arith.constant 9 : i32
    %dma_wait3A_910 = arith.constant 0 : i32
    %dma_wait3A_911 = arith.constant 0 : i32
    %dma_wait3A_912 = tpu.memref_slice %arg7[%dma_wait3A_909, %dma_wait3A_910, %dma_wait3A_911] : memref<32x50x32xf32, #tpu.memory_space<vmem>> -> memref<1x50x32xf32, #tpu.memory_space<vmem>>
    %dma_wait3A_913 = tpu.memref_squeeze %dma_wait3A_912 : memref<1x50x32xf32, #tpu.memory_space<vmem>> -> memref<50x32xf32, #tpu.memory_space<vmem>>
    %dma_wait3A_914 = arith.constant 0 : i32
    %dma_wait3A_915 = tpu.memref_slice %arg5[%dma_wait3A_908, %dma_wait3A_914] : memref<32x50xi32, #tpu.memory_space<vmem>> -> memref<1x50xi32, #tpu.memory_space<vmem>>
    %dma_wait3A_916 = tpu.memref_squeeze %dma_wait3A_915 : memref<1x50xi32, #tpu.memory_space<vmem>> -> memref<50xi32, #tpu.memory_space<vmem>>
    %dma_wait3A_917 = arith.constant 0 : i32
    %dma_wait3A_918 = arith.constant 0 : i32
    %dma_wait3A_919 = tpu.memref_slice %arg2[%dma_wait3A_917, %dma_wait3A_918] : memref<1000000x32xf32, #tpu.memory_space<hbm>> -> memref<1000000x32xf32, #tpu.memory_space<hbm>>
    tpu.wait_indirect_dma semaphore(%arg11 : memref<!tpu.dma_semaphore, #tpu.memory_space<semaphore_mem>>) src(%dma_wait3A_919 : memref<1000000x32xf32, #tpu.memory_space<hbm>>) dst(%dma_wait3A_913 : memref<50x32xf32, #tpu.memory_space<vmem>>)
    %dma_wait3A_920 = arith.constant 10 : i32
    %dma_wait3A_921 = arith.constant 10 : i32
    %dma_wait3A_922 = arith.constant 0 : i32
    %dma_wait3A_923 = arith.constant 0 : i32
    %dma_wait3A_924 = tpu.memref_slice %arg7[%dma_wait3A_921, %dma_wait3A_922, %dma_wait3A_923] : memref<32x50x32xf32, #tpu.memory_space<vmem>> -> memref<1x50x32xf32, #tpu.memory_space<vmem>>
    %dma_wait3A_925 = tpu.memref_squeeze %dma_wait3A_924 : memref<1x50x32xf32, #tpu.memory_space<vmem>> -> memref<50x32xf32, #tpu.memory_space<vmem>>
    %dma_wait3A_926 = arith.constant 0 : i32
    %dma_wait3A_927 = tpu.memref_slice %arg5[%dma_wait3A_920, %dma_wait3A_926] : memref<32x50xi32, #tpu.memory_space<vmem>> -> memref<1x50xi32, #tpu.memory_space<vmem>>
    %dma_wait3A_928 = tpu.memref_squeeze %dma_wait3A_927 : memref<1x50xi32, #tpu.memory_space<vmem>> -> memref<50xi32, #tpu.memory_space<vmem>>
    %dma_wait3A_929 = arith.constant 0 : i32
    %dma_wait3A_930 = arith.constant 0 : i32
    %dma_wait3A_931 = tpu.memref_slice %arg2[%dma_wait3A_929, %dma_wait3A_930] : memref<1000000x32xf32, #tpu.memory_space<hbm>> -> memref<1000000x32xf32, #tpu.memory_space<hbm>>
    tpu.wait_indirect_dma semaphore(%arg11 : memref<!tpu.dma_semaphore, #tpu.memory_space<semaphore_mem>>) src(%dma_wait3A_931 : memref<1000000x32xf32, #tpu.memory_space<hbm>>) dst(%dma_wait3A_925 : memref<50x32xf32, #tpu.memory_space<vmem>>)
    %dma_wait3A_932 = arith.constant 11 : i32
    %dma_wait3A_933 = arith.constant 11 : i32
    %dma_wait3A_934 = arith.constant 0 : i32
    %dma_wait3A_935 = arith.constant 0 : i32
    %dma_wait3A_936 = tpu.memref_slice %arg7[%dma_wait3A_933, %dma_wait3A_934, %dma_wait3A_935] : memref<32x50x32xf32, #tpu.memory_space<vmem>> -> memref<1x50x32xf32, #tpu.memory_space<vmem>>
    %dma_wait3A_937 = tpu.memref_squeeze %dma_wait3A_936 : memref<1x50x32xf32, #tpu.memory_space<vmem>> -> memref<50x32xf32, #tpu.memory_space<vmem>>
    %dma_wait3A_938 = arith.constant 0 : i32
    %dma_wait3A_939 = tpu.memref_slice %arg5[%dma_wait3A_932, %dma_wait3A_938] : memref<32x50xi32, #tpu.memory_space<vmem>> -> memref<1x50xi32, #tpu.memory_space<vmem>>
    %dma_wait3A_940 = tpu.memref_squeeze %dma_wait3A_939 : memref<1x50xi32, #tpu.memory_space<vmem>> -> memref<50xi32, #tpu.memory_space<vmem>>
    %dma_wait3A_941 = arith.constant 0 : i32
    %dma_wait3A_942 = arith.constant 0 : i32
    %dma_wait3A_943 = tpu.memref_slice %arg2[%dma_wait3A_941, %dma_wait3A_942] : memref<1000000x32xf32, #tpu.memory_space<hbm>> -> memref<1000000x32xf32, #tpu.memory_space<hbm>>
    tpu.wait_indirect_dma semaphore(%arg11 : memref<!tpu.dma_semaphore, #tpu.memory_space<semaphore_mem>>) src(%dma_wait3A_943 : memref<1000000x32xf32, #tpu.memory_space<hbm>>) dst(%dma_wait3A_937 : memref<50x32xf32, #tpu.memory_space<vmem>>)
    %dma_wait3A_944 = arith.constant 12 : i32
    %dma_wait3A_945 = arith.constant 12 : i32
    %dma_wait3A_946 = arith.constant 0 : i32
    %dma_wait3A_947 = arith.constant 0 : i32
    %dma_wait3A_948 = tpu.memref_slice %arg7[%dma_wait3A_945, %dma_wait3A_946, %dma_wait3A_947] : memref<32x50x32xf32, #tpu.memory_space<vmem>> -> memref<1x50x32xf32, #tpu.memory_space<vmem>>
    %dma_wait3A_949 = tpu.memref_squeeze %dma_wait3A_948 : memref<1x50x32xf32, #tpu.memory_space<vmem>> -> memref<50x32xf32, #tpu.memory_space<vmem>>
    %dma_wait3A_950 = arith.constant 0 : i32
    %dma_wait3A_951 = tpu.memref_slice %arg5[%dma_wait3A_944, %dma_wait3A_950] : memref<32x50xi32, #tpu.memory_space<vmem>> -> memref<1x50xi32, #tpu.memory_space<vmem>>
    %dma_wait3A_952 = tpu.memref_squeeze %dma_wait3A_951 : memref<1x50xi32, #tpu.memory_space<vmem>> -> memref<50xi32, #tpu.memory_space<vmem>>
    %dma_wait3A_953 = arith.constant 0 : i32
    %dma_wait3A_954 = arith.constant 0 : i32
    %dma_wait3A_955 = tpu.memref_slice %arg2[%dma_wait3A_953, %dma_wait3A_954] : memref<1000000x32xf32, #tpu.memory_space<hbm>> -> memref<1000000x32xf32, #tpu.memory_space<hbm>>
    tpu.wait_indirect_dma semaphore(%arg11 : memref<!tpu.dma_semaphore, #tpu.memory_space<semaphore_mem>>) src(%dma_wait3A_955 : memref<1000000x32xf32, #tpu.memory_space<hbm>>) dst(%dma_wait3A_949 : memref<50x32xf32, #tpu.memory_space<vmem>>)
    %dma_wait3A_956 = arith.constant 13 : i32
    %dma_wait3A_957 = arith.constant 13 : i32
    %dma_wait3A_958 = arith.constant 0 : i32
    %dma_wait3A_959 = arith.constant 0 : i32
    %dma_wait3A_960 = tpu.memref_slice %arg7[%dma_wait3A_957, %dma_wait3A_958, %dma_wait3A_959] : memref<32x50x32xf32, #tpu.memory_space<vmem>> -> memref<1x50x32xf32, #tpu.memory_space<vmem>>
    %dma_wait3A_961 = tpu.memref_squeeze %dma_wait3A_960 : memref<1x50x32xf32, #tpu.memory_space<vmem>> -> memref<50x32xf32, #tpu.memory_space<vmem>>
    %dma_wait3A_962 = arith.constant 0 : i32
    %dma_wait3A_963 = tpu.memref_slice %arg5[%dma_wait3A_956, %dma_wait3A_962] : memref<32x50xi32, #tpu.memory_space<vmem>> -> memref<1x50xi32, #tpu.memory_space<vmem>>
    %dma_wait3A_964 = tpu.memref_squeeze %dma_wait3A_963 : memref<1x50xi32, #tpu.memory_space<vmem>> -> memref<50xi32, #tpu.memory_space<vmem>>
    %dma_wait3A_965 = arith.constant 0 : i32
    %dma_wait3A_966 = arith.constant 0 : i32
    %dma_wait3A_967 = tpu.memref_slice %arg2[%dma_wait3A_965, %dma_wait3A_966] : memref<1000000x32xf32, #tpu.memory_space<hbm>> -> memref<1000000x32xf32, #tpu.memory_space<hbm>>
    tpu.wait_indirect_dma semaphore(%arg11 : memref<!tpu.dma_semaphore, #tpu.memory_space<semaphore_mem>>) src(%dma_wait3A_967 : memref<1000000x32xf32, #tpu.memory_space<hbm>>) dst(%dma_wait3A_961 : memref<50x32xf32, #tpu.memory_space<vmem>>)
    %dma_wait3A_968 = arith.constant 14 : i32
    %dma_wait3A_969 = arith.constant 14 : i32
    %dma_wait3A_970 = arith.constant 0 : i32
    %dma_wait3A_971 = arith.constant 0 : i32
    %dma_wait3A_972 = tpu.memref_slice %arg7[%dma_wait3A_969, %dma_wait3A_970, %dma_wait3A_971] : memref<32x50x32xf32, #tpu.memory_space<vmem>> -> memref<1x50x32xf32, #tpu.memory_space<vmem>>
    %dma_wait3A_973 = tpu.memref_squeeze %dma_wait3A_972 : memref<1x50x32xf32, #tpu.memory_space<vmem>> -> memref<50x32xf32, #tpu.memory_space<vmem>>
    %dma_wait3A_974 = arith.constant 0 : i32
    %dma_wait3A_975 = tpu.memref_slice %arg5[%dma_wait3A_968, %dma_wait3A_974] : memref<32x50xi32, #tpu.memory_space<vmem>> -> memref<1x50xi32, #tpu.memory_space<vmem>>
    %dma_wait3A_976 = tpu.memref_squeeze %dma_wait3A_975 : memref<1x50xi32, #tpu.memory_space<vmem>> -> memref<50xi32, #tpu.memory_space<vmem>>
    %dma_wait3A_977 = arith.constant 0 : i32
    %dma_wait3A_978 = arith.constant 0 : i32
    %dma_wait3A_979 = tpu.memref_slice %arg2[%dma_wait3A_977, %dma_wait3A_978] : memref<1000000x32xf32, #tpu.memory_space<hbm>> -> memref<1000000x32xf32, #tpu.memory_space<hbm>>
    tpu.wait_indirect_dma semaphore(%arg11 : memref<!tpu.dma_semaphore, #tpu.memory_space<semaphore_mem>>) src(%dma_wait3A_979 : memref<1000000x32xf32, #tpu.memory_space<hbm>>) dst(%dma_wait3A_973 : memref<50x32xf32, #tpu.memory_space<vmem>>)
    %dma_wait3A_980 = arith.constant 15 : i32
    %dma_wait3A_981 = arith.constant 15 : i32
    %dma_wait3A_982 = arith.constant 0 : i32
    %dma_wait3A_983 = arith.constant 0 : i32
    %dma_wait3A_984 = tpu.memref_slice %arg7[%dma_wait3A_981, %dma_wait3A_982, %dma_wait3A_983] : memref<32x50x32xf32, #tpu.memory_space<vmem>> -> memref<1x50x32xf32, #tpu.memory_space<vmem>>
    %dma_wait3A_985 = tpu.memref_squeeze %dma_wait3A_984 : memref<1x50x32xf32, #tpu.memory_space<vmem>> -> memref<50x32xf32, #tpu.memory_space<vmem>>
    %dma_wait3A_986 = arith.constant 0 : i32
    %dma_wait3A_987 = tpu.memref_slice %arg5[%dma_wait3A_980, %dma_wait3A_986] : memref<32x50xi32, #tpu.memory_space<vmem>> -> memref<1x50xi32, #tpu.memory_space<vmem>>
    %dma_wait3A_988 = tpu.memref_squeeze %dma_wait3A_987 : memref<1x50xi32, #tpu.memory_space<vmem>> -> memref<50xi32, #tpu.memory_space<vmem>>
    %dma_wait3A_989 = arith.constant 0 : i32
    %dma_wait3A_990 = arith.constant 0 : i32
    %dma_wait3A_991 = tpu.memref_slice %arg2[%dma_wait3A_989, %dma_wait3A_990] : memref<1000000x32xf32, #tpu.memory_space<hbm>> -> memref<1000000x32xf32, #tpu.memory_space<hbm>>
    tpu.wait_indirect_dma semaphore(%arg11 : memref<!tpu.dma_semaphore, #tpu.memory_space<semaphore_mem>>) src(%dma_wait3A_991 : memref<1000000x32xf32, #tpu.memory_space<hbm>>) dst(%dma_wait3A_985 : memref<50x32xf32, #tpu.memory_space<vmem>>)
    %dma_wait3A_992 = arith.constant 16 : i32
    %dma_wait3A_993 = arith.constant 16 : i32
    %dma_wait3A_994 = arith.constant 0 : i32
    %dma_wait3A_995 = arith.constant 0 : i32
    %dma_wait3A_996 = tpu.memref_slice %arg7[%dma_wait3A_993, %dma_wait3A_994, %dma_wait3A_995] : memref<32x50x32xf32, #tpu.memory_space<vmem>> -> memref<1x50x32xf32, #tpu.memory_space<vmem>>
    %dma_wait3A_997 = tpu.memref_squeeze %dma_wait3A_996 : memref<1x50x32xf32, #tpu.memory_space<vmem>> -> memref<50x32xf32, #tpu.memory_space<vmem>>
    %dma_wait3A_998 = arith.constant 0 : i32
    %dma_wait3A_999 = tpu.memref_slice %arg5[%dma_wait3A_992, %dma_wait3A_998] : memref<32x50xi32, #tpu.memory_space<vmem>> -> memref<1x50xi32, #tpu.memory_space<vmem>>
    %dma_wait3A_1000 = tpu.memref_squeeze %dma_wait3A_999 : memref<1x50xi32, #tpu.memory_space<vmem>> -> memref<50xi32, #tpu.memory_space<vmem>>
    %dma_wait3A_1001 = arith.constant 0 : i32
    %dma_wait3A_1002 = arith.constant 0 : i32
    %dma_wait3A_1003 = tpu.memref_slice %arg2[%dma_wait3A_1001, %dma_wait3A_1002] : memref<1000000x32xf32, #tpu.memory_space<hbm>> -> memref<1000000x32xf32, #tpu.memory_space<hbm>>
    tpu.wait_indirect_dma semaphore(%arg11 : memref<!tpu.dma_semaphore, #tpu.memory_space<semaphore_mem>>) src(%dma_wait3A_1003 : memref<1000000x32xf32, #tpu.memory_space<hbm>>) dst(%dma_wait3A_997 : memref<50x32xf32, #tpu.memory_space<vmem>>)
    %dma_wait3A_1004 = arith.constant 17 : i32
    %dma_wait3A_1005 = arith.constant 17 : i32
    %dma_wait3A_1006 = arith.constant 0 : i32
    %dma_wait3A_1007 = arith.constant 0 : i32
    %dma_wait3A_1008 = tpu.memref_slice %arg7[%dma_wait3A_1005, %dma_wait3A_1006, %dma_wait3A_1007] : memref<32x50x32xf32, #tpu.memory_space<vmem>> -> memref<1x50x32xf32, #tpu.memory_space<vmem>>
    %dma_wait3A_1009 = tpu.memref_squeeze %dma_wait3A_1008 : memref<1x50x32xf32, #tpu.memory_space<vmem>> -> memref<50x32xf32, #tpu.memory_space<vmem>>
    %dma_wait3A_1010 = arith.constant 0 : i32
    %dma_wait3A_1011 = tpu.memref_slice %arg5[%dma_wait3A_1004, %dma_wait3A_1010] : memref<32x50xi32, #tpu.memory_space<vmem>> -> memref<1x50xi32, #tpu.memory_space<vmem>>
    %dma_wait3A_1012 = tpu.memref_squeeze %dma_wait3A_1011 : memref<1x50xi32, #tpu.memory_space<vmem>> -> memref<50xi32, #tpu.memory_space<vmem>>
    %dma_wait3A_1013 = arith.constant 0 : i32
    %dma_wait3A_1014 = arith.constant 0 : i32
    %dma_wait3A_1015 = tpu.memref_slice %arg2[%dma_wait3A_1013, %dma_wait3A_1014] : memref<1000000x32xf32, #tpu.memory_space<hbm>> -> memref<1000000x32xf32, #tpu.memory_space<hbm>>
    tpu.wait_indirect_dma semaphore(%arg11 : memref<!tpu.dma_semaphore, #tpu.memory_space<semaphore_mem>>) src(%dma_wait3A_1015 : memref<1000000x32xf32, #tpu.memory_space<hbm>>) dst(%dma_wait3A_1009 : memref<50x32xf32, #tpu.memory_space<vmem>>)
    %dma_wait3A_1016 = arith.constant 18 : i32
    %dma_wait3A_1017 = arith.constant 18 : i32
    %dma_wait3A_1018 = arith.constant 0 : i32
    %dma_wait3A_1019 = arith.constant 0 : i32
    %dma_wait3A_1020 = tpu.memref_slice %arg7[%dma_wait3A_1017, %dma_wait3A_1018, %dma_wait3A_1019] : memref<32x50x32xf32, #tpu.memory_space<vmem>> -> memref<1x50x32xf32, #tpu.memory_space<vmem>>
    %dma_wait3A_1021 = tpu.memref_squeeze %dma_wait3A_1020 : memref<1x50x32xf32, #tpu.memory_space<vmem>> -> memref<50x32xf32, #tpu.memory_space<vmem>>
    %dma_wait3A_1022 = arith.constant 0 : i32
    %dma_wait3A_1023 = tpu.memref_slice %arg5[%dma_wait3A_1016, %dma_wait3A_1022] : memref<32x50xi32, #tpu.memory_space<vmem>> -> memref<1x50xi32, #tpu.memory_space<vmem>>
    %dma_wait3A_1024 = tpu.memref_squeeze %dma_wait3A_1023 : memref<1x50xi32, #tpu.memory_space<vmem>> -> memref<50xi32, #tpu.memory_space<vmem>>
    %dma_wait3A_1025 = arith.constant 0 : i32
    %dma_wait3A_1026 = arith.constant 0 : i32
    %dma_wait3A_1027 = tpu.memref_slice %arg2[%dma_wait3A_1025, %dma_wait3A_1026] : memref<1000000x32xf32, #tpu.memory_space<hbm>> -> memref<1000000x32xf32, #tpu.memory_space<hbm>>
    tpu.wait_indirect_dma semaphore(%arg11 : memref<!tpu.dma_semaphore, #tpu.memory_space<semaphore_mem>>) src(%dma_wait3A_1027 : memref<1000000x32xf32, #tpu.memory_space<hbm>>) dst(%dma_wait3A_1021 : memref<50x32xf32, #tpu.memory_space<vmem>>)
    %dma_wait3A_1028 = arith.constant 19 : i32
    %dma_wait3A_1029 = arith.constant 19 : i32
    %dma_wait3A_1030 = arith.constant 0 : i32
    %dma_wait3A_1031 = arith.constant 0 : i32
    %dma_wait3A_1032 = tpu.memref_slice %arg7[%dma_wait3A_1029, %dma_wait3A_1030, %dma_wait3A_1031] : memref<32x50x32xf32, #tpu.memory_space<vmem>> -> memref<1x50x32xf32, #tpu.memory_space<vmem>>
    %dma_wait3A_1033 = tpu.memref_squeeze %dma_wait3A_1032 : memref<1x50x32xf32, #tpu.memory_space<vmem>> -> memref<50x32xf32, #tpu.memory_space<vmem>>
    %dma_wait3A_1034 = arith.constant 0 : i32
    %dma_wait3A_1035 = tpu.memref_slice %arg5[%dma_wait3A_1028, %dma_wait3A_1034] : memref<32x50xi32, #tpu.memory_space<vmem>> -> memref<1x50xi32, #tpu.memory_space<vmem>>
    %dma_wait3A_1036 = tpu.memref_squeeze %dma_wait3A_1035 : memref<1x50xi32, #tpu.memory_space<vmem>> -> memref<50xi32, #tpu.memory_space<vmem>>
    %dma_wait3A_1037 = arith.constant 0 : i32
    %dma_wait3A_1038 = arith.constant 0 : i32
    %dma_wait3A_1039 = tpu.memref_slice %arg2[%dma_wait3A_1037, %dma_wait3A_1038] : memref<1000000x32xf32, #tpu.memory_space<hbm>> -> memref<1000000x32xf32, #tpu.memory_space<hbm>>
    tpu.wait_indirect_dma semaphore(%arg11 : memref<!tpu.dma_semaphore, #tpu.memory_space<semaphore_mem>>) src(%dma_wait3A_1039 : memref<1000000x32xf32, #tpu.memory_space<hbm>>) dst(%dma_wait3A_1033 : memref<50x32xf32, #tpu.memory_space<vmem>>)
    %dma_wait3A_1040 = arith.constant 20 : i32
    %dma_wait3A_1041 = arith.constant 20 : i32
    %dma_wait3A_1042 = arith.constant 0 : i32
    %dma_wait3A_1043 = arith.constant 0 : i32
    %dma_wait3A_1044 = tpu.memref_slice %arg7[%dma_wait3A_1041, %dma_wait3A_1042, %dma_wait3A_1043] : memref<32x50x32xf32, #tpu.memory_space<vmem>> -> memref<1x50x32xf32, #tpu.memory_space<vmem>>
    %dma_wait3A_1045 = tpu.memref_squeeze %dma_wait3A_1044 : memref<1x50x32xf32, #tpu.memory_space<vmem>> -> memref<50x32xf32, #tpu.memory_space<vmem>>
    %dma_wait3A_1046 = arith.constant 0 : i32
    %dma_wait3A_1047 = tpu.memref_slice %arg5[%dma_wait3A_1040, %dma_wait3A_1046] : memref<32x50xi32, #tpu.memory_space<vmem>> -> memref<1x50xi32, #tpu.memory_space<vmem>>
    %dma_wait3A_1048 = tpu.memref_squeeze %dma_wait3A_1047 : memref<1x50xi32, #tpu.memory_space<vmem>> -> memref<50xi32, #tpu.memory_space<vmem>>
    %dma_wait3A_1049 = arith.constant 0 : i32
    %dma_wait3A_1050 = arith.constant 0 : i32
    %dma_wait3A_1051 = tpu.memref_slice %arg2[%dma_wait3A_1049, %dma_wait3A_1050] : memref<1000000x32xf32, #tpu.memory_space<hbm>> -> memref<1000000x32xf32, #tpu.memory_space<hbm>>
    tpu.wait_indirect_dma semaphore(%arg11 : memref<!tpu.dma_semaphore, #tpu.memory_space<semaphore_mem>>) src(%dma_wait3A_1051 : memref<1000000x32xf32, #tpu.memory_space<hbm>>) dst(%dma_wait3A_1045 : memref<50x32xf32, #tpu.memory_space<vmem>>)
    %dma_wait3A_1052 = arith.constant 21 : i32
    %dma_wait3A_1053 = arith.constant 21 : i32
    %dma_wait3A_1054 = arith.constant 0 : i32
    %dma_wait3A_1055 = arith.constant 0 : i32
    %dma_wait3A_1056 = tpu.memref_slice %arg7[%dma_wait3A_1053, %dma_wait3A_1054, %dma_wait3A_1055] : memref<32x50x32xf32, #tpu.memory_space<vmem>> -> memref<1x50x32xf32, #tpu.memory_space<vmem>>
    %dma_wait3A_1057 = tpu.memref_squeeze %dma_wait3A_1056 : memref<1x50x32xf32, #tpu.memory_space<vmem>> -> memref<50x32xf32, #tpu.memory_space<vmem>>
    %dma_wait3A_1058 = arith.constant 0 : i32
    %dma_wait3A_1059 = tpu.memref_slice %arg5[%dma_wait3A_1052, %dma_wait3A_1058] : memref<32x50xi32, #tpu.memory_space<vmem>> -> memref<1x50xi32, #tpu.memory_space<vmem>>
    %dma_wait3A_1060 = tpu.memref_squeeze %dma_wait3A_1059 : memref<1x50xi32, #tpu.memory_space<vmem>> -> memref<50xi32, #tpu.memory_space<vmem>>
    %dma_wait3A_1061 = arith.constant 0 : i32
    %dma_wait3A_1062 = arith.constant 0 : i32
    %dma_wait3A_1063 = tpu.memref_slice %arg2[%dma_wait3A_1061, %dma_wait3A_1062] : memref<1000000x32xf32, #tpu.memory_space<hbm>> -> memref<1000000x32xf32, #tpu.memory_space<hbm>>
    tpu.wait_indirect_dma semaphore(%arg11 : memref<!tpu.dma_semaphore, #tpu.memory_space<semaphore_mem>>) src(%dma_wait3A_1063 : memref<1000000x32xf32, #tpu.memory_space<hbm>>) dst(%dma_wait3A_1057 : memref<50x32xf32, #tpu.memory_space<vmem>>)
    %dma_wait3A_1064 = arith.constant 22 : i32
    %dma_wait3A_1065 = arith.constant 22 : i32
    %dma_wait3A_1066 = arith.constant 0 : i32
    %dma_wait3A_1067 = arith.constant 0 : i32
    %dma_wait3A_1068 = tpu.memref_slice %arg7[%dma_wait3A_1065, %dma_wait3A_1066, %dma_wait3A_1067] : memref<32x50x32xf32, #tpu.memory_space<vmem>> -> memref<1x50x32xf32, #tpu.memory_space<vmem>>
    %dma_wait3A_1069 = tpu.memref_squeeze %dma_wait3A_1068 : memref<1x50x32xf32, #tpu.memory_space<vmem>> -> memref<50x32xf32, #tpu.memory_space<vmem>>
    %dma_wait3A_1070 = arith.constant 0 : i32
    %dma_wait3A_1071 = tpu.memref_slice %arg5[%dma_wait3A_1064, %dma_wait3A_1070] : memref<32x50xi32, #tpu.memory_space<vmem>> -> memref<1x50xi32, #tpu.memory_space<vmem>>
    %dma_wait3A_1072 = tpu.memref_squeeze %dma_wait3A_1071 : memref<1x50xi32, #tpu.memory_space<vmem>> -> memref<50xi32, #tpu.memory_space<vmem>>
    %dma_wait3A_1073 = arith.constant 0 : i32
    %dma_wait3A_1074 = arith.constant 0 : i32
    %dma_wait3A_1075 = tpu.memref_slice %arg2[%dma_wait3A_1073, %dma_wait3A_1074] : memref<1000000x32xf32, #tpu.memory_space<hbm>> -> memref<1000000x32xf32, #tpu.memory_space<hbm>>
    tpu.wait_indirect_dma semaphore(%arg11 : memref<!tpu.dma_semaphore, #tpu.memory_space<semaphore_mem>>) src(%dma_wait3A_1075 : memref<1000000x32xf32, #tpu.memory_space<hbm>>) dst(%dma_wait3A_1069 : memref<50x32xf32, #tpu.memory_space<vmem>>)
    %dma_wait3A_1076 = arith.constant 23 : i32
    %dma_wait3A_1077 = arith.constant 23 : i32
    %dma_wait3A_1078 = arith.constant 0 : i32
    %dma_wait3A_1079 = arith.constant 0 : i32
    %dma_wait3A_1080 = tpu.memref_slice %arg7[%dma_wait3A_1077, %dma_wait3A_1078, %dma_wait3A_1079] : memref<32x50x32xf32, #tpu.memory_space<vmem>> -> memref<1x50x32xf32, #tpu.memory_space<vmem>>
    %dma_wait3A_1081 = tpu.memref_squeeze %dma_wait3A_1080 : memref<1x50x32xf32, #tpu.memory_space<vmem>> -> memref<50x32xf32, #tpu.memory_space<vmem>>
    %dma_wait3A_1082 = arith.constant 0 : i32
    %dma_wait3A_1083 = tpu.memref_slice %arg5[%dma_wait3A_1076, %dma_wait3A_1082] : memref<32x50xi32, #tpu.memory_space<vmem>> -> memref<1x50xi32, #tpu.memory_space<vmem>>
    %dma_wait3A_1084 = tpu.memref_squeeze %dma_wait3A_1083 : memref<1x50xi32, #tpu.memory_space<vmem>> -> memref<50xi32, #tpu.memory_space<vmem>>
    %dma_wait3A_1085 = arith.constant 0 : i32
    %dma_wait3A_1086 = arith.constant 0 : i32
    %dma_wait3A_1087 = tpu.memref_slice %arg2[%dma_wait3A_1085, %dma_wait3A_1086] : memref<1000000x32xf32, #tpu.memory_space<hbm>> -> memref<1000000x32xf32, #tpu.memory_space<hbm>>
    tpu.wait_indirect_dma semaphore(%arg11 : memref<!tpu.dma_semaphore, #tpu.memory_space<semaphore_mem>>) src(%dma_wait3A_1087 : memref<1000000x32xf32, #tpu.memory_space<hbm>>) dst(%dma_wait3A_1081 : memref<50x32xf32, #tpu.memory_space<vmem>>)
    %dma_wait3A_1088 = arith.constant 24 : i32
    %dma_wait3A_1089 = arith.constant 24 : i32
    %dma_wait3A_1090 = arith.constant 0 : i32
    %dma_wait3A_1091 = arith.constant 0 : i32
    %dma_wait3A_1092 = tpu.memref_slice %arg7[%dma_wait3A_1089, %dma_wait3A_1090, %dma_wait3A_1091] : memref<32x50x32xf32, #tpu.memory_space<vmem>> -> memref<1x50x32xf32, #tpu.memory_space<vmem>>
    %dma_wait3A_1093 = tpu.memref_squeeze %dma_wait3A_1092 : memref<1x50x32xf32, #tpu.memory_space<vmem>> -> memref<50x32xf32, #tpu.memory_space<vmem>>
    %dma_wait3A_1094 = arith.constant 0 : i32
    %dma_wait3A_1095 = tpu.memref_slice %arg5[%dma_wait3A_1088, %dma_wait3A_1094] : memref<32x50xi32, #tpu.memory_space<vmem>> -> memref<1x50xi32, #tpu.memory_space<vmem>>
    %dma_wait3A_1096 = tpu.memref_squeeze %dma_wait3A_1095 : memref<1x50xi32, #tpu.memory_space<vmem>> -> memref<50xi32, #tpu.memory_space<vmem>>
    %dma_wait3A_1097 = arith.constant 0 : i32
    %dma_wait3A_1098 = arith.constant 0 : i32
    %dma_wait3A_1099 = tpu.memref_slice %arg2[%dma_wait3A_1097, %dma_wait3A_1098] : memref<1000000x32xf32, #tpu.memory_space<hbm>> -> memref<1000000x32xf32, #tpu.memory_space<hbm>>
    tpu.wait_indirect_dma semaphore(%arg11 : memref<!tpu.dma_semaphore, #tpu.memory_space<semaphore_mem>>) src(%dma_wait3A_1099 : memref<1000000x32xf32, #tpu.memory_space<hbm>>) dst(%dma_wait3A_1093 : memref<50x32xf32, #tpu.memory_space<vmem>>)
    %dma_wait3A_1100 = arith.constant 25 : i32
    %dma_wait3A_1101 = arith.constant 25 : i32
    %dma_wait3A_1102 = arith.constant 0 : i32
    %dma_wait3A_1103 = arith.constant 0 : i32
    %dma_wait3A_1104 = tpu.memref_slice %arg7[%dma_wait3A_1101, %dma_wait3A_1102, %dma_wait3A_1103] : memref<32x50x32xf32, #tpu.memory_space<vmem>> -> memref<1x50x32xf32, #tpu.memory_space<vmem>>
    %dma_wait3A_1105 = tpu.memref_squeeze %dma_wait3A_1104 : memref<1x50x32xf32, #tpu.memory_space<vmem>> -> memref<50x32xf32, #tpu.memory_space<vmem>>
    %dma_wait3A_1106 = arith.constant 0 : i32
    %dma_wait3A_1107 = tpu.memref_slice %arg5[%dma_wait3A_1100, %dma_wait3A_1106] : memref<32x50xi32, #tpu.memory_space<vmem>> -> memref<1x50xi32, #tpu.memory_space<vmem>>
    %dma_wait3A_1108 = tpu.memref_squeeze %dma_wait3A_1107 : memref<1x50xi32, #tpu.memory_space<vmem>> -> memref<50xi32, #tpu.memory_space<vmem>>
    %dma_wait3A_1109 = arith.constant 0 : i32
    %dma_wait3A_1110 = arith.constant 0 : i32
    %dma_wait3A_1111 = tpu.memref_slice %arg2[%dma_wait3A_1109, %dma_wait3A_1110] : memref<1000000x32xf32, #tpu.memory_space<hbm>> -> memref<1000000x32xf32, #tpu.memory_space<hbm>>
    tpu.wait_indirect_dma semaphore(%arg11 : memref<!tpu.dma_semaphore, #tpu.memory_space<semaphore_mem>>) src(%dma_wait3A_1111 : memref<1000000x32xf32, #tpu.memory_space<hbm>>) dst(%dma_wait3A_1105 : memref<50x32xf32, #tpu.memory_space<vmem>>)
    %dma_wait3A_1112 = arith.constant 26 : i32
    %dma_wait3A_1113 = arith.constant 26 : i32
    %dma_wait3A_1114 = arith.constant 0 : i32
    %dma_wait3A_1115 = arith.constant 0 : i32
    %dma_wait3A_1116 = tpu.memref_slice %arg7[%dma_wait3A_1113, %dma_wait3A_1114, %dma_wait3A_1115] : memref<32x50x32xf32, #tpu.memory_space<vmem>> -> memref<1x50x32xf32, #tpu.memory_space<vmem>>
    %dma_wait3A_1117 = tpu.memref_squeeze %dma_wait3A_1116 : memref<1x50x32xf32, #tpu.memory_space<vmem>> -> memref<50x32xf32, #tpu.memory_space<vmem>>
    %dma_wait3A_1118 = arith.constant 0 : i32
    %dma_wait3A_1119 = tpu.memref_slice %arg5[%dma_wait3A_1112, %dma_wait3A_1118] : memref<32x50xi32, #tpu.memory_space<vmem>> -> memref<1x50xi32, #tpu.memory_space<vmem>>
    %dma_wait3A_1120 = tpu.memref_squeeze %dma_wait3A_1119 : memref<1x50xi32, #tpu.memory_space<vmem>> -> memref<50xi32, #tpu.memory_space<vmem>>
    %dma_wait3A_1121 = arith.constant 0 : i32
    %dma_wait3A_1122 = arith.constant 0 : i32
    %dma_wait3A_1123 = tpu.memref_slice %arg2[%dma_wait3A_1121, %dma_wait3A_1122] : memref<1000000x32xf32, #tpu.memory_space<hbm>> -> memref<1000000x32xf32, #tpu.memory_space<hbm>>
    tpu.wait_indirect_dma semaphore(%arg11 : memref<!tpu.dma_semaphore, #tpu.memory_space<semaphore_mem>>) src(%dma_wait3A_1123 : memref<1000000x32xf32, #tpu.memory_space<hbm>>) dst(%dma_wait3A_1117 : memref<50x32xf32, #tpu.memory_space<vmem>>)
    %dma_wait3A_1124 = arith.constant 27 : i32
    %dma_wait3A_1125 = arith.constant 27 : i32
    %dma_wait3A_1126 = arith.constant 0 : i32
    %dma_wait3A_1127 = arith.constant 0 : i32
    %dma_wait3A_1128 = tpu.memref_slice %arg7[%dma_wait3A_1125, %dma_wait3A_1126, %dma_wait3A_1127] : memref<32x50x32xf32, #tpu.memory_space<vmem>> -> memref<1x50x32xf32, #tpu.memory_space<vmem>>
    %dma_wait3A_1129 = tpu.memref_squeeze %dma_wait3A_1128 : memref<1x50x32xf32, #tpu.memory_space<vmem>> -> memref<50x32xf32, #tpu.memory_space<vmem>>
    %dma_wait3A_1130 = arith.constant 0 : i32
    %dma_wait3A_1131 = tpu.memref_slice %arg5[%dma_wait3A_1124, %dma_wait3A_1130] : memref<32x50xi32, #tpu.memory_space<vmem>> -> memref<1x50xi32, #tpu.memory_space<vmem>>
    %dma_wait3A_1132 = tpu.memref_squeeze %dma_wait3A_1131 : memref<1x50xi32, #tpu.memory_space<vmem>> -> memref<50xi32, #tpu.memory_space<vmem>>
    %dma_wait3A_1133 = arith.constant 0 : i32
    %dma_wait3A_1134 = arith.constant 0 : i32
    %dma_wait3A_1135 = tpu.memref_slice %arg2[%dma_wait3A_1133, %dma_wait3A_1134] : memref<1000000x32xf32, #tpu.memory_space<hbm>> -> memref<1000000x32xf32, #tpu.memory_space<hbm>>
    tpu.wait_indirect_dma semaphore(%arg11 : memref<!tpu.dma_semaphore, #tpu.memory_space<semaphore_mem>>) src(%dma_wait3A_1135 : memref<1000000x32xf32, #tpu.memory_space<hbm>>) dst(%dma_wait3A_1129 : memref<50x32xf32, #tpu.memory_space<vmem>>)
    %dma_wait3A_1136 = arith.constant 28 : i32
    %dma_wait3A_1137 = arith.constant 28 : i32
    %dma_wait3A_1138 = arith.constant 0 : i32
    %dma_wait3A_1139 = arith.constant 0 : i32
    %dma_wait3A_1140 = tpu.memref_slice %arg7[%dma_wait3A_1137, %dma_wait3A_1138, %dma_wait3A_1139] : memref<32x50x32xf32, #tpu.memory_space<vmem>> -> memref<1x50x32xf32, #tpu.memory_space<vmem>>
    %dma_wait3A_1141 = tpu.memref_squeeze %dma_wait3A_1140 : memref<1x50x32xf32, #tpu.memory_space<vmem>> -> memref<50x32xf32, #tpu.memory_space<vmem>>
    %dma_wait3A_1142 = arith.constant 0 : i32
    %dma_wait3A_1143 = tpu.memref_slice %arg5[%dma_wait3A_1136, %dma_wait3A_1142] : memref<32x50xi32, #tpu.memory_space<vmem>> -> memref<1x50xi32, #tpu.memory_space<vmem>>
    %dma_wait3A_1144 = tpu.memref_squeeze %dma_wait3A_1143 : memref<1x50xi32, #tpu.memory_space<vmem>> -> memref<50xi32, #tpu.memory_space<vmem>>
    %dma_wait3A_1145 = arith.constant 0 : i32
    %dma_wait3A_1146 = arith.constant 0 : i32
    %dma_wait3A_1147 = tpu.memref_slice %arg2[%dma_wait3A_1145, %dma_wait3A_1146] : memref<1000000x32xf32, #tpu.memory_space<hbm>> -> memref<1000000x32xf32, #tpu.memory_space<hbm>>
    tpu.wait_indirect_dma semaphore(%arg11 : memref<!tpu.dma_semaphore, #tpu.memory_space<semaphore_mem>>) src(%dma_wait3A_1147 : memref<1000000x32xf32, #tpu.memory_space<hbm>>) dst(%dma_wait3A_1141 : memref<50x32xf32, #tpu.memory_space<vmem>>)
    %dma_wait3A_1148 = arith.constant 29 : i32
    %dma_wait3A_1149 = arith.constant 29 : i32
    %dma_wait3A_1150 = arith.constant 0 : i32
    %dma_wait3A_1151 = arith.constant 0 : i32
    %dma_wait3A_1152 = tpu.memref_slice %arg7[%dma_wait3A_1149, %dma_wait3A_1150, %dma_wait3A_1151] : memref<32x50x32xf32, #tpu.memory_space<vmem>> -> memref<1x50x32xf32, #tpu.memory_space<vmem>>
    %dma_wait3A_1153 = tpu.memref_squeeze %dma_wait3A_1152 : memref<1x50x32xf32, #tpu.memory_space<vmem>> -> memref<50x32xf32, #tpu.memory_space<vmem>>
    %dma_wait3A_1154 = arith.constant 0 : i32
    %dma_wait3A_1155 = tpu.memref_slice %arg5[%dma_wait3A_1148, %dma_wait3A_1154] : memref<32x50xi32, #tpu.memory_space<vmem>> -> memref<1x50xi32, #tpu.memory_space<vmem>>
    %dma_wait3A_1156 = tpu.memref_squeeze %dma_wait3A_1155 : memref<1x50xi32, #tpu.memory_space<vmem>> -> memref<50xi32, #tpu.memory_space<vmem>>
    %dma_wait3A_1157 = arith.constant 0 : i32
    %dma_wait3A_1158 = arith.constant 0 : i32
    %dma_wait3A_1159 = tpu.memref_slice %arg2[%dma_wait3A_1157, %dma_wait3A_1158] : memref<1000000x32xf32, #tpu.memory_space<hbm>> -> memref<1000000x32xf32, #tpu.memory_space<hbm>>
    tpu.wait_indirect_dma semaphore(%arg11 : memref<!tpu.dma_semaphore, #tpu.memory_space<semaphore_mem>>) src(%dma_wait3A_1159 : memref<1000000x32xf32, #tpu.memory_space<hbm>>) dst(%dma_wait3A_1153 : memref<50x32xf32, #tpu.memory_space<vmem>>)
    %dma_wait3A_1160 = arith.constant 30 : i32
    %dma_wait3A_1161 = arith.constant 30 : i32
    %dma_wait3A_1162 = arith.constant 0 : i32
    %dma_wait3A_1163 = arith.constant 0 : i32
    %dma_wait3A_1164 = tpu.memref_slice %arg7[%dma_wait3A_1161, %dma_wait3A_1162, %dma_wait3A_1163] : memref<32x50x32xf32, #tpu.memory_space<vmem>> -> memref<1x50x32xf32, #tpu.memory_space<vmem>>
    %dma_wait3A_1165 = tpu.memref_squeeze %dma_wait3A_1164 : memref<1x50x32xf32, #tpu.memory_space<vmem>> -> memref<50x32xf32, #tpu.memory_space<vmem>>
    %dma_wait3A_1166 = arith.constant 0 : i32
    %dma_wait3A_1167 = tpu.memref_slice %arg5[%dma_wait3A_1160, %dma_wait3A_1166] : memref<32x50xi32, #tpu.memory_space<vmem>> -> memref<1x50xi32, #tpu.memory_space<vmem>>
    %dma_wait3A_1168 = tpu.memref_squeeze %dma_wait3A_1167 : memref<1x50xi32, #tpu.memory_space<vmem>> -> memref<50xi32, #tpu.memory_space<vmem>>
    %dma_wait3A_1169 = arith.constant 0 : i32
    %dma_wait3A_1170 = arith.constant 0 : i32
    %dma_wait3A_1171 = tpu.memref_slice %arg2[%dma_wait3A_1169, %dma_wait3A_1170] : memref<1000000x32xf32, #tpu.memory_space<hbm>> -> memref<1000000x32xf32, #tpu.memory_space<hbm>>
    tpu.wait_indirect_dma semaphore(%arg11 : memref<!tpu.dma_semaphore, #tpu.memory_space<semaphore_mem>>) src(%dma_wait3A_1171 : memref<1000000x32xf32, #tpu.memory_space<hbm>>) dst(%dma_wait3A_1165 : memref<50x32xf32, #tpu.memory_space<vmem>>)
    %dma_wait3A_1172 = arith.constant 31 : i32
    %dma_wait3A_1173 = arith.constant 31 : i32
    %dma_wait3A_1174 = arith.constant 0 : i32
    %dma_wait3A_1175 = arith.constant 0 : i32
    %dma_wait3A_1176 = tpu.memref_slice %arg7[%dma_wait3A_1173, %dma_wait3A_1174, %dma_wait3A_1175] : memref<32x50x32xf32, #tpu.memory_space<vmem>> -> memref<1x50x32xf32, #tpu.memory_space<vmem>>
    %dma_wait3A_1177 = tpu.memref_squeeze %dma_wait3A_1176 : memref<1x50x32xf32, #tpu.memory_space<vmem>> -> memref<50x32xf32, #tpu.memory_space<vmem>>
    %dma_wait3A_1178 = arith.constant 0 : i32
    %dma_wait3A_1179 = tpu.memref_slice %arg5[%dma_wait3A_1172, %dma_wait3A_1178] : memref<32x50xi32, #tpu.memory_space<vmem>> -> memref<1x50xi32, #tpu.memory_space<vmem>>
    %dma_wait3A_1180 = tpu.memref_squeeze %dma_wait3A_1179 : memref<1x50xi32, #tpu.memory_space<vmem>> -> memref<50xi32, #tpu.memory_space<vmem>>
    %dma_wait3A_1181 = arith.constant 0 : i32
    %dma_wait3A_1182 = arith.constant 0 : i32
    %dma_wait3A_1183 = tpu.memref_slice %arg2[%dma_wait3A_1181, %dma_wait3A_1182] : memref<1000000x32xf32, #tpu.memory_space<hbm>> -> memref<1000000x32xf32, #tpu.memory_space<hbm>>
    tpu.wait_indirect_dma semaphore(%arg11 : memref<!tpu.dma_semaphore, #tpu.memory_space<semaphore_mem>>) src(%dma_wait3A_1183 : memref<1000000x32xf32, #tpu.memory_space<hbm>>) dst(%dma_wait3A_1177 : memref<50x32xf32, #tpu.memory_space<vmem>>)
    %add3A_1184 = arith.constant 0 : i32
    %add3A_1185 = arith.addi %mul3A_2, %add3A_1184 : i32
    %dma_start3A_1186 = arith.constant 0 : i32
    %dma_start3A_1187 = arith.constant 0 : i32
    %dma_start3A_1188 = tpu.memref_slice %arg4[%add3A_1185, %dma_start3A_1186, %dma_start3A_1187] : memref<16384x50x32xf32, #tpu.memory_space<hbm>> -> memref<32x50x32xf32, #tpu.memory_space<hbm>>
    %dma_start3A_1189 = arith.constant 0 : i32
    %dma_start3A_1190 = arith.constant 0 : i32
    %dma_start3A_1191 = tpu.memref_slice %arg4[%add3A_1185, %dma_start3A_1189, %dma_start3A_1190] : memref<16384x50x32xf32, #tpu.memory_space<hbm>> -> memref<32x50x32xf32, #tpu.memory_space<hbm>>
    tpu.enqueue_dma source(%arg7 : memref<32x50x32xf32, #tpu.memory_space<vmem>>) target(%dma_start3A_1191 : memref<32x50x32xf32, #tpu.memory_space<hbm>>) target_semaphore(%arg13 : memref<!tpu.dma_semaphore, #tpu.memory_space<semaphore_mem>>)
    %add3A_1192 = arith.constant 64 : i32
    %add3A_1193 = arith.addi %mul3A_2, %add3A_1192 : i32
    %min3A_1194 = arith.constant 16352 : i32
    %min3A_1195 = arith.minsi %add3A_1193, %min3A_1194 : i32
    %dma_start3A_1196 = arith.constant 0 : i32
    %dma_start3A_1197 = tpu.memref_slice %arg3[%min3A_1195, %dma_start3A_1196] : memref<16384x50xi32, #tpu.memory_space<hbm>> -> memref<32x50xi32, #tpu.memory_space<hbm>>
    %dma_start3A_1198 = arith.constant 0 : i32
    %dma_start3A_1199 = tpu.memref_slice %arg3[%min3A_1195, %dma_start3A_1198] : memref<16384x50xi32, #tpu.memory_space<hbm>> -> memref<32x50xi32, #tpu.memory_space<hbm>>
    tpu.enqueue_dma source(%dma_start3A_1199 : memref<32x50xi32, #tpu.memory_space<hbm>>) target(%arg5 : memref<32x50xi32, #tpu.memory_space<vmem>>) target_semaphore(%arg9 : memref<!tpu.dma_semaphore, #tpu.memory_space<semaphore_mem>>)
    %dma_wait3A_1200 = arith.constant 0 : i32
    %dma_wait3A_1201 = arith.constant 0 : i32
    %dma_wait3A_1202 = arith.constant 0 : i32
    %dma_wait3A_1203 = arith.constant 0 : i32
    %dma_wait3A_1204 = tpu.memref_slice %arg8[%dma_wait3A_1201, %dma_wait3A_1202, %dma_wait3A_1203] : memref<32x50x32xf32, #tpu.memory_space<vmem>> -> memref<1x50x32xf32, #tpu.memory_space<vmem>>
    %dma_wait3A_1205 = tpu.memref_squeeze %dma_wait3A_1204 : memref<1x50x32xf32, #tpu.memory_space<vmem>> -> memref<50x32xf32, #tpu.memory_space<vmem>>
    %dma_wait3A_1206 = arith.constant 0 : i32
    %dma_wait3A_1207 = tpu.memref_slice %arg6[%dma_wait3A_1200, %dma_wait3A_1206] : memref<32x50xi32, #tpu.memory_space<vmem>> -> memref<1x50xi32, #tpu.memory_space<vmem>>
    %dma_wait3A_1208 = tpu.memref_squeeze %dma_wait3A_1207 : memref<1x50xi32, #tpu.memory_space<vmem>> -> memref<50xi32, #tpu.memory_space<vmem>>
    %dma_wait3A_1209 = arith.constant 0 : i32
    %dma_wait3A_1210 = arith.constant 0 : i32
    %dma_wait3A_1211 = tpu.memref_slice %arg2[%dma_wait3A_1209, %dma_wait3A_1210] : memref<1000000x32xf32, #tpu.memory_space<hbm>> -> memref<1000000x32xf32, #tpu.memory_space<hbm>>
    tpu.wait_indirect_dma semaphore(%arg12 : memref<!tpu.dma_semaphore, #tpu.memory_space<semaphore_mem>>) src(%dma_wait3A_1211 : memref<1000000x32xf32, #tpu.memory_space<hbm>>) dst(%dma_wait3A_1205 : memref<50x32xf32, #tpu.memory_space<vmem>>)
    %dma_wait3A_1212 = arith.constant 1 : i32
    %dma_wait3A_1213 = arith.constant 1 : i32
    %dma_wait3A_1214 = arith.constant 0 : i32
    %dma_wait3A_1215 = arith.constant 0 : i32
    %dma_wait3A_1216 = tpu.memref_slice %arg8[%dma_wait3A_1213, %dma_wait3A_1214, %dma_wait3A_1215] : memref<32x50x32xf32, #tpu.memory_space<vmem>> -> memref<1x50x32xf32, #tpu.memory_space<vmem>>
    %dma_wait3A_1217 = tpu.memref_squeeze %dma_wait3A_1216 : memref<1x50x32xf32, #tpu.memory_space<vmem>> -> memref<50x32xf32, #tpu.memory_space<vmem>>
    %dma_wait3A_1218 = arith.constant 0 : i32
    %dma_wait3A_1219 = tpu.memref_slice %arg6[%dma_wait3A_1212, %dma_wait3A_1218] : memref<32x50xi32, #tpu.memory_space<vmem>> -> memref<1x50xi32, #tpu.memory_space<vmem>>
    %dma_wait3A_1220 = tpu.memref_squeeze %dma_wait3A_1219 : memref<1x50xi32, #tpu.memory_space<vmem>> -> memref<50xi32, #tpu.memory_space<vmem>>
    %dma_wait3A_1221 = arith.constant 0 : i32
    %dma_wait3A_1222 = arith.constant 0 : i32
    %dma_wait3A_1223 = tpu.memref_slice %arg2[%dma_wait3A_1221, %dma_wait3A_1222] : memref<1000000x32xf32, #tpu.memory_space<hbm>> -> memref<1000000x32xf32, #tpu.memory_space<hbm>>
    tpu.wait_indirect_dma semaphore(%arg12 : memref<!tpu.dma_semaphore, #tpu.memory_space<semaphore_mem>>) src(%dma_wait3A_1223 : memref<1000000x32xf32, #tpu.memory_space<hbm>>) dst(%dma_wait3A_1217 : memref<50x32xf32, #tpu.memory_space<vmem>>)
    %dma_wait3A_1224 = arith.constant 2 : i32
    %dma_wait3A_1225 = arith.constant 2 : i32
    %dma_wait3A_1226 = arith.constant 0 : i32
    %dma_wait3A_1227 = arith.constant 0 : i32
    %dma_wait3A_1228 = tpu.memref_slice %arg8[%dma_wait3A_1225, %dma_wait3A_1226, %dma_wait3A_1227] : memref<32x50x32xf32, #tpu.memory_space<vmem>> -> memref<1x50x32xf32, #tpu.memory_space<vmem>>
    %dma_wait3A_1229 = tpu.memref_squeeze %dma_wait3A_1228 : memref<1x50x32xf32, #tpu.memory_space<vmem>> -> memref<50x32xf32, #tpu.memory_space<vmem>>
    %dma_wait3A_1230 = arith.constant 0 : i32
    %dma_wait3A_1231 = tpu.memref_slice %arg6[%dma_wait3A_1224, %dma_wait3A_1230] : memref<32x50xi32, #tpu.memory_space<vmem>> -> memref<1x50xi32, #tpu.memory_space<vmem>>
    %dma_wait3A_1232 = tpu.memref_squeeze %dma_wait3A_1231 : memref<1x50xi32, #tpu.memory_space<vmem>> -> memref<50xi32, #tpu.memory_space<vmem>>
    %dma_wait3A_1233 = arith.constant 0 : i32
    %dma_wait3A_1234 = arith.constant 0 : i32
    %dma_wait3A_1235 = tpu.memref_slice %arg2[%dma_wait3A_1233, %dma_wait3A_1234] : memref<1000000x32xf32, #tpu.memory_space<hbm>> -> memref<1000000x32xf32, #tpu.memory_space<hbm>>
    tpu.wait_indirect_dma semaphore(%arg12 : memref<!tpu.dma_semaphore, #tpu.memory_space<semaphore_mem>>) src(%dma_wait3A_1235 : memref<1000000x32xf32, #tpu.memory_space<hbm>>) dst(%dma_wait3A_1229 : memref<50x32xf32, #tpu.memory_space<vmem>>)
    %dma_wait3A_1236 = arith.constant 3 : i32
    %dma_wait3A_1237 = arith.constant 3 : i32
    %dma_wait3A_1238 = arith.constant 0 : i32
    %dma_wait3A_1239 = arith.constant 0 : i32
    %dma_wait3A_1240 = tpu.memref_slice %arg8[%dma_wait3A_1237, %dma_wait3A_1238, %dma_wait3A_1239] : memref<32x50x32xf32, #tpu.memory_space<vmem>> -> memref<1x50x32xf32, #tpu.memory_space<vmem>>
    %dma_wait3A_1241 = tpu.memref_squeeze %dma_wait3A_1240 : memref<1x50x32xf32, #tpu.memory_space<vmem>> -> memref<50x32xf32, #tpu.memory_space<vmem>>
    %dma_wait3A_1242 = arith.constant 0 : i32
    %dma_wait3A_1243 = tpu.memref_slice %arg6[%dma_wait3A_1236, %dma_wait3A_1242] : memref<32x50xi32, #tpu.memory_space<vmem>> -> memref<1x50xi32, #tpu.memory_space<vmem>>
    %dma_wait3A_1244 = tpu.memref_squeeze %dma_wait3A_1243 : memref<1x50xi32, #tpu.memory_space<vmem>> -> memref<50xi32, #tpu.memory_space<vmem>>
    %dma_wait3A_1245 = arith.constant 0 : i32
    %dma_wait3A_1246 = arith.constant 0 : i32
    %dma_wait3A_1247 = tpu.memref_slice %arg2[%dma_wait3A_1245, %dma_wait3A_1246] : memref<1000000x32xf32, #tpu.memory_space<hbm>> -> memref<1000000x32xf32, #tpu.memory_space<hbm>>
    tpu.wait_indirect_dma semaphore(%arg12 : memref<!tpu.dma_semaphore, #tpu.memory_space<semaphore_mem>>) src(%dma_wait3A_1247 : memref<1000000x32xf32, #tpu.memory_space<hbm>>) dst(%dma_wait3A_1241 : memref<50x32xf32, #tpu.memory_space<vmem>>)
    %dma_wait3A_1248 = arith.constant 4 : i32
    %dma_wait3A_1249 = arith.constant 4 : i32
    %dma_wait3A_1250 = arith.constant 0 : i32
    %dma_wait3A_1251 = arith.constant 0 : i32
    %dma_wait3A_1252 = tpu.memref_slice %arg8[%dma_wait3A_1249, %dma_wait3A_1250, %dma_wait3A_1251] : memref<32x50x32xf32, #tpu.memory_space<vmem>> -> memref<1x50x32xf32, #tpu.memory_space<vmem>>
    %dma_wait3A_1253 = tpu.memref_squeeze %dma_wait3A_1252 : memref<1x50x32xf32, #tpu.memory_space<vmem>> -> memref<50x32xf32, #tpu.memory_space<vmem>>
    %dma_wait3A_1254 = arith.constant 0 : i32
    %dma_wait3A_1255 = tpu.memref_slice %arg6[%dma_wait3A_1248, %dma_wait3A_1254] : memref<32x50xi32, #tpu.memory_space<vmem>> -> memref<1x50xi32, #tpu.memory_space<vmem>>
    %dma_wait3A_1256 = tpu.memref_squeeze %dma_wait3A_1255 : memref<1x50xi32, #tpu.memory_space<vmem>> -> memref<50xi32, #tpu.memory_space<vmem>>
    %dma_wait3A_1257 = arith.constant 0 : i32
    %dma_wait3A_1258 = arith.constant 0 : i32
    %dma_wait3A_1259 = tpu.memref_slice %arg2[%dma_wait3A_1257, %dma_wait3A_1258] : memref<1000000x32xf32, #tpu.memory_space<hbm>> -> memref<1000000x32xf32, #tpu.memory_space<hbm>>
    tpu.wait_indirect_dma semaphore(%arg12 : memref<!tpu.dma_semaphore, #tpu.memory_space<semaphore_mem>>) src(%dma_wait3A_1259 : memref<1000000x32xf32, #tpu.memory_space<hbm>>) dst(%dma_wait3A_1253 : memref<50x32xf32, #tpu.memory_space<vmem>>)
    %dma_wait3A_1260 = arith.constant 5 : i32
    %dma_wait3A_1261 = arith.constant 5 : i32
    %dma_wait3A_1262 = arith.constant 0 : i32
    %dma_wait3A_1263 = arith.constant 0 : i32
    %dma_wait3A_1264 = tpu.memref_slice %arg8[%dma_wait3A_1261, %dma_wait3A_1262, %dma_wait3A_1263] : memref<32x50x32xf32, #tpu.memory_space<vmem>> -> memref<1x50x32xf32, #tpu.memory_space<vmem>>
    %dma_wait3A_1265 = tpu.memref_squeeze %dma_wait3A_1264 : memref<1x50x32xf32, #tpu.memory_space<vmem>> -> memref<50x32xf32, #tpu.memory_space<vmem>>
    %dma_wait3A_1266 = arith.constant 0 : i32
    %dma_wait3A_1267 = tpu.memref_slice %arg6[%dma_wait3A_1260, %dma_wait3A_1266] : memref<32x50xi32, #tpu.memory_space<vmem>> -> memref<1x50xi32, #tpu.memory_space<vmem>>
    %dma_wait3A_1268 = tpu.memref_squeeze %dma_wait3A_1267 : memref<1x50xi32, #tpu.memory_space<vmem>> -> memref<50xi32, #tpu.memory_space<vmem>>
    %dma_wait3A_1269 = arith.constant 0 : i32
    %dma_wait3A_1270 = arith.constant 0 : i32
    %dma_wait3A_1271 = tpu.memref_slice %arg2[%dma_wait3A_1269, %dma_wait3A_1270] : memref<1000000x32xf32, #tpu.memory_space<hbm>> -> memref<1000000x32xf32, #tpu.memory_space<hbm>>
    tpu.wait_indirect_dma semaphore(%arg12 : memref<!tpu.dma_semaphore, #tpu.memory_space<semaphore_mem>>) src(%dma_wait3A_1271 : memref<1000000x32xf32, #tpu.memory_space<hbm>>) dst(%dma_wait3A_1265 : memref<50x32xf32, #tpu.memory_space<vmem>>)
    %dma_wait3A_1272 = arith.constant 6 : i32
    %dma_wait3A_1273 = arith.constant 6 : i32
    %dma_wait3A_1274 = arith.constant 0 : i32
    %dma_wait3A_1275 = arith.constant 0 : i32
    %dma_wait3A_1276 = tpu.memref_slice %arg8[%dma_wait3A_1273, %dma_wait3A_1274, %dma_wait3A_1275] : memref<32x50x32xf32, #tpu.memory_space<vmem>> -> memref<1x50x32xf32, #tpu.memory_space<vmem>>
    %dma_wait3A_1277 = tpu.memref_squeeze %dma_wait3A_1276 : memref<1x50x32xf32, #tpu.memory_space<vmem>> -> memref<50x32xf32, #tpu.memory_space<vmem>>
    %dma_wait3A_1278 = arith.constant 0 : i32
    %dma_wait3A_1279 = tpu.memref_slice %arg6[%dma_wait3A_1272, %dma_wait3A_1278] : memref<32x50xi32, #tpu.memory_space<vmem>> -> memref<1x50xi32, #tpu.memory_space<vmem>>
    %dma_wait3A_1280 = tpu.memref_squeeze %dma_wait3A_1279 : memref<1x50xi32, #tpu.memory_space<vmem>> -> memref<50xi32, #tpu.memory_space<vmem>>
    %dma_wait3A_1281 = arith.constant 0 : i32
    %dma_wait3A_1282 = arith.constant 0 : i32
    %dma_wait3A_1283 = tpu.memref_slice %arg2[%dma_wait3A_1281, %dma_wait3A_1282] : memref<1000000x32xf32, #tpu.memory_space<hbm>> -> memref<1000000x32xf32, #tpu.memory_space<hbm>>
    tpu.wait_indirect_dma semaphore(%arg12 : memref<!tpu.dma_semaphore, #tpu.memory_space<semaphore_mem>>) src(%dma_wait3A_1283 : memref<1000000x32xf32, #tpu.memory_space<hbm>>) dst(%dma_wait3A_1277 : memref<50x32xf32, #tpu.memory_space<vmem>>)
    %dma_wait3A_1284 = arith.constant 7 : i32
    %dma_wait3A_1285 = arith.constant 7 : i32
    %dma_wait3A_1286 = arith.constant 0 : i32
    %dma_wait3A_1287 = arith.constant 0 : i32
    %dma_wait3A_1288 = tpu.memref_slice %arg8[%dma_wait3A_1285, %dma_wait3A_1286, %dma_wait3A_1287] : memref<32x50x32xf32, #tpu.memory_space<vmem>> -> memref<1x50x32xf32, #tpu.memory_space<vmem>>
    %dma_wait3A_1289 = tpu.memref_squeeze %dma_wait3A_1288 : memref<1x50x32xf32, #tpu.memory_space<vmem>> -> memref<50x32xf32, #tpu.memory_space<vmem>>
    %dma_wait3A_1290 = arith.constant 0 : i32
    %dma_wait3A_1291 = tpu.memref_slice %arg6[%dma_wait3A_1284, %dma_wait3A_1290] : memref<32x50xi32, #tpu.memory_space<vmem>> -> memref<1x50xi32, #tpu.memory_space<vmem>>
    %dma_wait3A_1292 = tpu.memref_squeeze %dma_wait3A_1291 : memref<1x50xi32, #tpu.memory_space<vmem>> -> memref<50xi32, #tpu.memory_space<vmem>>
    %dma_wait3A_1293 = arith.constant 0 : i32
    %dma_wait3A_1294 = arith.constant 0 : i32
    %dma_wait3A_1295 = tpu.memref_slice %arg2[%dma_wait3A_1293, %dma_wait3A_1294] : memref<1000000x32xf32, #tpu.memory_space<hbm>> -> memref<1000000x32xf32, #tpu.memory_space<hbm>>
    tpu.wait_indirect_dma semaphore(%arg12 : memref<!tpu.dma_semaphore, #tpu.memory_space<semaphore_mem>>) src(%dma_wait3A_1295 : memref<1000000x32xf32, #tpu.memory_space<hbm>>) dst(%dma_wait3A_1289 : memref<50x32xf32, #tpu.memory_space<vmem>>)
    %dma_wait3A_1296 = arith.constant 8 : i32
    %dma_wait3A_1297 = arith.constant 8 : i32
    %dma_wait3A_1298 = arith.constant 0 : i32
    %dma_wait3A_1299 = arith.constant 0 : i32
    %dma_wait3A_1300 = tpu.memref_slice %arg8[%dma_wait3A_1297, %dma_wait3A_1298, %dma_wait3A_1299] : memref<32x50x32xf32, #tpu.memory_space<vmem>> -> memref<1x50x32xf32, #tpu.memory_space<vmem>>
    %dma_wait3A_1301 = tpu.memref_squeeze %dma_wait3A_1300 : memref<1x50x32xf32, #tpu.memory_space<vmem>> -> memref<50x32xf32, #tpu.memory_space<vmem>>
    %dma_wait3A_1302 = arith.constant 0 : i32
    %dma_wait3A_1303 = tpu.memref_slice %arg6[%dma_wait3A_1296, %dma_wait3A_1302] : memref<32x50xi32, #tpu.memory_space<vmem>> -> memref<1x50xi32, #tpu.memory_space<vmem>>
    %dma_wait3A_1304 = tpu.memref_squeeze %dma_wait3A_1303 : memref<1x50xi32, #tpu.memory_space<vmem>> -> memref<50xi32, #tpu.memory_space<vmem>>
    %dma_wait3A_1305 = arith.constant 0 : i32
    %dma_wait3A_1306 = arith.constant 0 : i32
    %dma_wait3A_1307 = tpu.memref_slice %arg2[%dma_wait3A_1305, %dma_wait3A_1306] : memref<1000000x32xf32, #tpu.memory_space<hbm>> -> memref<1000000x32xf32, #tpu.memory_space<hbm>>
    tpu.wait_indirect_dma semaphore(%arg12 : memref<!tpu.dma_semaphore, #tpu.memory_space<semaphore_mem>>) src(%dma_wait3A_1307 : memref<1000000x32xf32, #tpu.memory_space<hbm>>) dst(%dma_wait3A_1301 : memref<50x32xf32, #tpu.memory_space<vmem>>)
    %dma_wait3A_1308 = arith.constant 9 : i32
    %dma_wait3A_1309 = arith.constant 9 : i32
    %dma_wait3A_1310 = arith.constant 0 : i32
    %dma_wait3A_1311 = arith.constant 0 : i32
    %dma_wait3A_1312 = tpu.memref_slice %arg8[%dma_wait3A_1309, %dma_wait3A_1310, %dma_wait3A_1311] : memref<32x50x32xf32, #tpu.memory_space<vmem>> -> memref<1x50x32xf32, #tpu.memory_space<vmem>>
    %dma_wait3A_1313 = tpu.memref_squeeze %dma_wait3A_1312 : memref<1x50x32xf32, #tpu.memory_space<vmem>> -> memref<50x32xf32, #tpu.memory_space<vmem>>
    %dma_wait3A_1314 = arith.constant 0 : i32
    %dma_wait3A_1315 = tpu.memref_slice %arg6[%dma_wait3A_1308, %dma_wait3A_1314] : memref<32x50xi32, #tpu.memory_space<vmem>> -> memref<1x50xi32, #tpu.memory_space<vmem>>
    %dma_wait3A_1316 = tpu.memref_squeeze %dma_wait3A_1315 : memref<1x50xi32, #tpu.memory_space<vmem>> -> memref<50xi32, #tpu.memory_space<vmem>>
    %dma_wait3A_1317 = arith.constant 0 : i32
    %dma_wait3A_1318 = arith.constant 0 : i32
    %dma_wait3A_1319 = tpu.memref_slice %arg2[%dma_wait3A_1317, %dma_wait3A_1318] : memref<1000000x32xf32, #tpu.memory_space<hbm>> -> memref<1000000x32xf32, #tpu.memory_space<hbm>>
    tpu.wait_indirect_dma semaphore(%arg12 : memref<!tpu.dma_semaphore, #tpu.memory_space<semaphore_mem>>) src(%dma_wait3A_1319 : memref<1000000x32xf32, #tpu.memory_space<hbm>>) dst(%dma_wait3A_1313 : memref<50x32xf32, #tpu.memory_space<vmem>>)
    %dma_wait3A_1320 = arith.constant 10 : i32
    %dma_wait3A_1321 = arith.constant 10 : i32
    %dma_wait3A_1322 = arith.constant 0 : i32
    %dma_wait3A_1323 = arith.constant 0 : i32
    %dma_wait3A_1324 = tpu.memref_slice %arg8[%dma_wait3A_1321, %dma_wait3A_1322, %dma_wait3A_1323] : memref<32x50x32xf32, #tpu.memory_space<vmem>> -> memref<1x50x32xf32, #tpu.memory_space<vmem>>
    %dma_wait3A_1325 = tpu.memref_squeeze %dma_wait3A_1324 : memref<1x50x32xf32, #tpu.memory_space<vmem>> -> memref<50x32xf32, #tpu.memory_space<vmem>>
    %dma_wait3A_1326 = arith.constant 0 : i32
    %dma_wait3A_1327 = tpu.memref_slice %arg6[%dma_wait3A_1320, %dma_wait3A_1326] : memref<32x50xi32, #tpu.memory_space<vmem>> -> memref<1x50xi32, #tpu.memory_space<vmem>>
    %dma_wait3A_1328 = tpu.memref_squeeze %dma_wait3A_1327 : memref<1x50xi32, #tpu.memory_space<vmem>> -> memref<50xi32, #tpu.memory_space<vmem>>
    %dma_wait3A_1329 = arith.constant 0 : i32
    %dma_wait3A_1330 = arith.constant 0 : i32
    %dma_wait3A_1331 = tpu.memref_slice %arg2[%dma_wait3A_1329, %dma_wait3A_1330] : memref<1000000x32xf32, #tpu.memory_space<hbm>> -> memref<1000000x32xf32, #tpu.memory_space<hbm>>
    tpu.wait_indirect_dma semaphore(%arg12 : memref<!tpu.dma_semaphore, #tpu.memory_space<semaphore_mem>>) src(%dma_wait3A_1331 : memref<1000000x32xf32, #tpu.memory_space<hbm>>) dst(%dma_wait3A_1325 : memref<50x32xf32, #tpu.memory_space<vmem>>)
    %dma_wait3A_1332 = arith.constant 11 : i32
    %dma_wait3A_1333 = arith.constant 11 : i32
    %dma_wait3A_1334 = arith.constant 0 : i32
    %dma_wait3A_1335 = arith.constant 0 : i32
    %dma_wait3A_1336 = tpu.memref_slice %arg8[%dma_wait3A_1333, %dma_wait3A_1334, %dma_wait3A_1335] : memref<32x50x32xf32, #tpu.memory_space<vmem>> -> memref<1x50x32xf32, #tpu.memory_space<vmem>>
    %dma_wait3A_1337 = tpu.memref_squeeze %dma_wait3A_1336 : memref<1x50x32xf32, #tpu.memory_space<vmem>> -> memref<50x32xf32, #tpu.memory_space<vmem>>
    %dma_wait3A_1338 = arith.constant 0 : i32
    %dma_wait3A_1339 = tpu.memref_slice %arg6[%dma_wait3A_1332, %dma_wait3A_1338] : memref<32x50xi32, #tpu.memory_space<vmem>> -> memref<1x50xi32, #tpu.memory_space<vmem>>
    %dma_wait3A_1340 = tpu.memref_squeeze %dma_wait3A_1339 : memref<1x50xi32, #tpu.memory_space<vmem>> -> memref<50xi32, #tpu.memory_space<vmem>>
    %dma_wait3A_1341 = arith.constant 0 : i32
    %dma_wait3A_1342 = arith.constant 0 : i32
    %dma_wait3A_1343 = tpu.memref_slice %arg2[%dma_wait3A_1341, %dma_wait3A_1342] : memref<1000000x32xf32, #tpu.memory_space<hbm>> -> memref<1000000x32xf32, #tpu.memory_space<hbm>>
    tpu.wait_indirect_dma semaphore(%arg12 : memref<!tpu.dma_semaphore, #tpu.memory_space<semaphore_mem>>) src(%dma_wait3A_1343 : memref<1000000x32xf32, #tpu.memory_space<hbm>>) dst(%dma_wait3A_1337 : memref<50x32xf32, #tpu.memory_space<vmem>>)
    %dma_wait3A_1344 = arith.constant 12 : i32
    %dma_wait3A_1345 = arith.constant 12 : i32
    %dma_wait3A_1346 = arith.constant 0 : i32
    %dma_wait3A_1347 = arith.constant 0 : i32
    %dma_wait3A_1348 = tpu.memref_slice %arg8[%dma_wait3A_1345, %dma_wait3A_1346, %dma_wait3A_1347] : memref<32x50x32xf32, #tpu.memory_space<vmem>> -> memref<1x50x32xf32, #tpu.memory_space<vmem>>
    %dma_wait3A_1349 = tpu.memref_squeeze %dma_wait3A_1348 : memref<1x50x32xf32, #tpu.memory_space<vmem>> -> memref<50x32xf32, #tpu.memory_space<vmem>>
    %dma_wait3A_1350 = arith.constant 0 : i32
    %dma_wait3A_1351 = tpu.memref_slice %arg6[%dma_wait3A_1344, %dma_wait3A_1350] : memref<32x50xi32, #tpu.memory_space<vmem>> -> memref<1x50xi32, #tpu.memory_space<vmem>>
    %dma_wait3A_1352 = tpu.memref_squeeze %dma_wait3A_1351 : memref<1x50xi32, #tpu.memory_space<vmem>> -> memref<50xi32, #tpu.memory_space<vmem>>
    %dma_wait3A_1353 = arith.constant 0 : i32
    %dma_wait3A_1354 = arith.constant 0 : i32
    %dma_wait3A_1355 = tpu.memref_slice %arg2[%dma_wait3A_1353, %dma_wait3A_1354] : memref<1000000x32xf32, #tpu.memory_space<hbm>> -> memref<1000000x32xf32, #tpu.memory_space<hbm>>
    tpu.wait_indirect_dma semaphore(%arg12 : memref<!tpu.dma_semaphore, #tpu.memory_space<semaphore_mem>>) src(%dma_wait3A_1355 : memref<1000000x32xf32, #tpu.memory_space<hbm>>) dst(%dma_wait3A_1349 : memref<50x32xf32, #tpu.memory_space<vmem>>)
    %dma_wait3A_1356 = arith.constant 13 : i32
    %dma_wait3A_1357 = arith.constant 13 : i32
    %dma_wait3A_1358 = arith.constant 0 : i32
    %dma_wait3A_1359 = arith.constant 0 : i32
    %dma_wait3A_1360 = tpu.memref_slice %arg8[%dma_wait3A_1357, %dma_wait3A_1358, %dma_wait3A_1359] : memref<32x50x32xf32, #tpu.memory_space<vmem>> -> memref<1x50x32xf32, #tpu.memory_space<vmem>>
    %dma_wait3A_1361 = tpu.memref_squeeze %dma_wait3A_1360 : memref<1x50x32xf32, #tpu.memory_space<vmem>> -> memref<50x32xf32, #tpu.memory_space<vmem>>
    %dma_wait3A_1362 = arith.constant 0 : i32
    %dma_wait3A_1363 = tpu.memref_slice %arg6[%dma_wait3A_1356, %dma_wait3A_1362] : memref<32x50xi32, #tpu.memory_space<vmem>> -> memref<1x50xi32, #tpu.memory_space<vmem>>
    %dma_wait3A_1364 = tpu.memref_squeeze %dma_wait3A_1363 : memref<1x50xi32, #tpu.memory_space<vmem>> -> memref<50xi32, #tpu.memory_space<vmem>>
    %dma_wait3A_1365 = arith.constant 0 : i32
    %dma_wait3A_1366 = arith.constant 0 : i32
    %dma_wait3A_1367 = tpu.memref_slice %arg2[%dma_wait3A_1365, %dma_wait3A_1366] : memref<1000000x32xf32, #tpu.memory_space<hbm>> -> memref<1000000x32xf32, #tpu.memory_space<hbm>>
    tpu.wait_indirect_dma semaphore(%arg12 : memref<!tpu.dma_semaphore, #tpu.memory_space<semaphore_mem>>) src(%dma_wait3A_1367 : memref<1000000x32xf32, #tpu.memory_space<hbm>>) dst(%dma_wait3A_1361 : memref<50x32xf32, #tpu.memory_space<vmem>>)
    %dma_wait3A_1368 = arith.constant 14 : i32
    %dma_wait3A_1369 = arith.constant 14 : i32
    %dma_wait3A_1370 = arith.constant 0 : i32
    %dma_wait3A_1371 = arith.constant 0 : i32
    %dma_wait3A_1372 = tpu.memref_slice %arg8[%dma_wait3A_1369, %dma_wait3A_1370, %dma_wait3A_1371] : memref<32x50x32xf32, #tpu.memory_space<vmem>> -> memref<1x50x32xf32, #tpu.memory_space<vmem>>
    %dma_wait3A_1373 = tpu.memref_squeeze %dma_wait3A_1372 : memref<1x50x32xf32, #tpu.memory_space<vmem>> -> memref<50x32xf32, #tpu.memory_space<vmem>>
    %dma_wait3A_1374 = arith.constant 0 : i32
    %dma_wait3A_1375 = tpu.memref_slice %arg6[%dma_wait3A_1368, %dma_wait3A_1374] : memref<32x50xi32, #tpu.memory_space<vmem>> -> memref<1x50xi32, #tpu.memory_space<vmem>>
    %dma_wait3A_1376 = tpu.memref_squeeze %dma_wait3A_1375 : memref<1x50xi32, #tpu.memory_space<vmem>> -> memref<50xi32, #tpu.memory_space<vmem>>
    %dma_wait3A_1377 = arith.constant 0 : i32
    %dma_wait3A_1378 = arith.constant 0 : i32
    %dma_wait3A_1379 = tpu.memref_slice %arg2[%dma_wait3A_1377, %dma_wait3A_1378] : memref<1000000x32xf32, #tpu.memory_space<hbm>> -> memref<1000000x32xf32, #tpu.memory_space<hbm>>
    tpu.wait_indirect_dma semaphore(%arg12 : memref<!tpu.dma_semaphore, #tpu.memory_space<semaphore_mem>>) src(%dma_wait3A_1379 : memref<1000000x32xf32, #tpu.memory_space<hbm>>) dst(%dma_wait3A_1373 : memref<50x32xf32, #tpu.memory_space<vmem>>)
    %dma_wait3A_1380 = arith.constant 15 : i32
    %dma_wait3A_1381 = arith.constant 15 : i32
    %dma_wait3A_1382 = arith.constant 0 : i32
    %dma_wait3A_1383 = arith.constant 0 : i32
    %dma_wait3A_1384 = tpu.memref_slice %arg8[%dma_wait3A_1381, %dma_wait3A_1382, %dma_wait3A_1383] : memref<32x50x32xf32, #tpu.memory_space<vmem>> -> memref<1x50x32xf32, #tpu.memory_space<vmem>>
    %dma_wait3A_1385 = tpu.memref_squeeze %dma_wait3A_1384 : memref<1x50x32xf32, #tpu.memory_space<vmem>> -> memref<50x32xf32, #tpu.memory_space<vmem>>
    %dma_wait3A_1386 = arith.constant 0 : i32
    %dma_wait3A_1387 = tpu.memref_slice %arg6[%dma_wait3A_1380, %dma_wait3A_1386] : memref<32x50xi32, #tpu.memory_space<vmem>> -> memref<1x50xi32, #tpu.memory_space<vmem>>
    %dma_wait3A_1388 = tpu.memref_squeeze %dma_wait3A_1387 : memref<1x50xi32, #tpu.memory_space<vmem>> -> memref<50xi32, #tpu.memory_space<vmem>>
    %dma_wait3A_1389 = arith.constant 0 : i32
    %dma_wait3A_1390 = arith.constant 0 : i32
    %dma_wait3A_1391 = tpu.memref_slice %arg2[%dma_wait3A_1389, %dma_wait3A_1390] : memref<1000000x32xf32, #tpu.memory_space<hbm>> -> memref<1000000x32xf32, #tpu.memory_space<hbm>>
    tpu.wait_indirect_dma semaphore(%arg12 : memref<!tpu.dma_semaphore, #tpu.memory_space<semaphore_mem>>) src(%dma_wait3A_1391 : memref<1000000x32xf32, #tpu.memory_space<hbm>>) dst(%dma_wait3A_1385 : memref<50x32xf32, #tpu.memory_space<vmem>>)
    %dma_wait3A_1392 = arith.constant 16 : i32
    %dma_wait3A_1393 = arith.constant 16 : i32
    %dma_wait3A_1394 = arith.constant 0 : i32
    %dma_wait3A_1395 = arith.constant 0 : i32
    %dma_wait3A_1396 = tpu.memref_slice %arg8[%dma_wait3A_1393, %dma_wait3A_1394, %dma_wait3A_1395] : memref<32x50x32xf32, #tpu.memory_space<vmem>> -> memref<1x50x32xf32, #tpu.memory_space<vmem>>
    %dma_wait3A_1397 = tpu.memref_squeeze %dma_wait3A_1396 : memref<1x50x32xf32, #tpu.memory_space<vmem>> -> memref<50x32xf32, #tpu.memory_space<vmem>>
    %dma_wait3A_1398 = arith.constant 0 : i32
    %dma_wait3A_1399 = tpu.memref_slice %arg6[%dma_wait3A_1392, %dma_wait3A_1398] : memref<32x50xi32, #tpu.memory_space<vmem>> -> memref<1x50xi32, #tpu.memory_space<vmem>>
    %dma_wait3A_1400 = tpu.memref_squeeze %dma_wait3A_1399 : memref<1x50xi32, #tpu.memory_space<vmem>> -> memref<50xi32, #tpu.memory_space<vmem>>
    %dma_wait3A_1401 = arith.constant 0 : i32
    %dma_wait3A_1402 = arith.constant 0 : i32
    %dma_wait3A_1403 = tpu.memref_slice %arg2[%dma_wait3A_1401, %dma_wait3A_1402] : memref<1000000x32xf32, #tpu.memory_space<hbm>> -> memref<1000000x32xf32, #tpu.memory_space<hbm>>
    tpu.wait_indirect_dma semaphore(%arg12 : memref<!tpu.dma_semaphore, #tpu.memory_space<semaphore_mem>>) src(%dma_wait3A_1403 : memref<1000000x32xf32, #tpu.memory_space<hbm>>) dst(%dma_wait3A_1397 : memref<50x32xf32, #tpu.memory_space<vmem>>)
    %dma_wait3A_1404 = arith.constant 17 : i32
    %dma_wait3A_1405 = arith.constant 17 : i32
    %dma_wait3A_1406 = arith.constant 0 : i32
    %dma_wait3A_1407 = arith.constant 0 : i32
    %dma_wait3A_1408 = tpu.memref_slice %arg8[%dma_wait3A_1405, %dma_wait3A_1406, %dma_wait3A_1407] : memref<32x50x32xf32, #tpu.memory_space<vmem>> -> memref<1x50x32xf32, #tpu.memory_space<vmem>>
    %dma_wait3A_1409 = tpu.memref_squeeze %dma_wait3A_1408 : memref<1x50x32xf32, #tpu.memory_space<vmem>> -> memref<50x32xf32, #tpu.memory_space<vmem>>
    %dma_wait3A_1410 = arith.constant 0 : i32
    %dma_wait3A_1411 = tpu.memref_slice %arg6[%dma_wait3A_1404, %dma_wait3A_1410] : memref<32x50xi32, #tpu.memory_space<vmem>> -> memref<1x50xi32, #tpu.memory_space<vmem>>
    %dma_wait3A_1412 = tpu.memref_squeeze %dma_wait3A_1411 : memref<1x50xi32, #tpu.memory_space<vmem>> -> memref<50xi32, #tpu.memory_space<vmem>>
    %dma_wait3A_1413 = arith.constant 0 : i32
    %dma_wait3A_1414 = arith.constant 0 : i32
    %dma_wait3A_1415 = tpu.memref_slice %arg2[%dma_wait3A_1413, %dma_wait3A_1414] : memref<1000000x32xf32, #tpu.memory_space<hbm>> -> memref<1000000x32xf32, #tpu.memory_space<hbm>>
    tpu.wait_indirect_dma semaphore(%arg12 : memref<!tpu.dma_semaphore, #tpu.memory_space<semaphore_mem>>) src(%dma_wait3A_1415 : memref<1000000x32xf32, #tpu.memory_space<hbm>>) dst(%dma_wait3A_1409 : memref<50x32xf32, #tpu.memory_space<vmem>>)
    %dma_wait3A_1416 = arith.constant 18 : i32
    %dma_wait3A_1417 = arith.constant 18 : i32
    %dma_wait3A_1418 = arith.constant 0 : i32
    %dma_wait3A_1419 = arith.constant 0 : i32
    %dma_wait3A_1420 = tpu.memref_slice %arg8[%dma_wait3A_1417, %dma_wait3A_1418, %dma_wait3A_1419] : memref<32x50x32xf32, #tpu.memory_space<vmem>> -> memref<1x50x32xf32, #tpu.memory_space<vmem>>
    %dma_wait3A_1421 = tpu.memref_squeeze %dma_wait3A_1420 : memref<1x50x32xf32, #tpu.memory_space<vmem>> -> memref<50x32xf32, #tpu.memory_space<vmem>>
    %dma_wait3A_1422 = arith.constant 0 : i32
    %dma_wait3A_1423 = tpu.memref_slice %arg6[%dma_wait3A_1416, %dma_wait3A_1422] : memref<32x50xi32, #tpu.memory_space<vmem>> -> memref<1x50xi32, #tpu.memory_space<vmem>>
    %dma_wait3A_1424 = tpu.memref_squeeze %dma_wait3A_1423 : memref<1x50xi32, #tpu.memory_space<vmem>> -> memref<50xi32, #tpu.memory_space<vmem>>
    %dma_wait3A_1425 = arith.constant 0 : i32
    %dma_wait3A_1426 = arith.constant 0 : i32
    %dma_wait3A_1427 = tpu.memref_slice %arg2[%dma_wait3A_1425, %dma_wait3A_1426] : memref<1000000x32xf32, #tpu.memory_space<hbm>> -> memref<1000000x32xf32, #tpu.memory_space<hbm>>
    tpu.wait_indirect_dma semaphore(%arg12 : memref<!tpu.dma_semaphore, #tpu.memory_space<semaphore_mem>>) src(%dma_wait3A_1427 : memref<1000000x32xf32, #tpu.memory_space<hbm>>) dst(%dma_wait3A_1421 : memref<50x32xf32, #tpu.memory_space<vmem>>)
    %dma_wait3A_1428 = arith.constant 19 : i32
    %dma_wait3A_1429 = arith.constant 19 : i32
    %dma_wait3A_1430 = arith.constant 0 : i32
    %dma_wait3A_1431 = arith.constant 0 : i32
    %dma_wait3A_1432 = tpu.memref_slice %arg8[%dma_wait3A_1429, %dma_wait3A_1430, %dma_wait3A_1431] : memref<32x50x32xf32, #tpu.memory_space<vmem>> -> memref<1x50x32xf32, #tpu.memory_space<vmem>>
    %dma_wait3A_1433 = tpu.memref_squeeze %dma_wait3A_1432 : memref<1x50x32xf32, #tpu.memory_space<vmem>> -> memref<50x32xf32, #tpu.memory_space<vmem>>
    %dma_wait3A_1434 = arith.constant 0 : i32
    %dma_wait3A_1435 = tpu.memref_slice %arg6[%dma_wait3A_1428, %dma_wait3A_1434] : memref<32x50xi32, #tpu.memory_space<vmem>> -> memref<1x50xi32, #tpu.memory_space<vmem>>
    %dma_wait3A_1436 = tpu.memref_squeeze %dma_wait3A_1435 : memref<1x50xi32, #tpu.memory_space<vmem>> -> memref<50xi32, #tpu.memory_space<vmem>>
    %dma_wait3A_1437 = arith.constant 0 : i32
    %dma_wait3A_1438 = arith.constant 0 : i32
    %dma_wait3A_1439 = tpu.memref_slice %arg2[%dma_wait3A_1437, %dma_wait3A_1438] : memref<1000000x32xf32, #tpu.memory_space<hbm>> -> memref<1000000x32xf32, #tpu.memory_space<hbm>>
    tpu.wait_indirect_dma semaphore(%arg12 : memref<!tpu.dma_semaphore, #tpu.memory_space<semaphore_mem>>) src(%dma_wait3A_1439 : memref<1000000x32xf32, #tpu.memory_space<hbm>>) dst(%dma_wait3A_1433 : memref<50x32xf32, #tpu.memory_space<vmem>>)
    %dma_wait3A_1440 = arith.constant 20 : i32
    %dma_wait3A_1441 = arith.constant 20 : i32
    %dma_wait3A_1442 = arith.constant 0 : i32
    %dma_wait3A_1443 = arith.constant 0 : i32
    %dma_wait3A_1444 = tpu.memref_slice %arg8[%dma_wait3A_1441, %dma_wait3A_1442, %dma_wait3A_1443] : memref<32x50x32xf32, #tpu.memory_space<vmem>> -> memref<1x50x32xf32, #tpu.memory_space<vmem>>
    %dma_wait3A_1445 = tpu.memref_squeeze %dma_wait3A_1444 : memref<1x50x32xf32, #tpu.memory_space<vmem>> -> memref<50x32xf32, #tpu.memory_space<vmem>>
    %dma_wait3A_1446 = arith.constant 0 : i32
    %dma_wait3A_1447 = tpu.memref_slice %arg6[%dma_wait3A_1440, %dma_wait3A_1446] : memref<32x50xi32, #tpu.memory_space<vmem>> -> memref<1x50xi32, #tpu.memory_space<vmem>>
    %dma_wait3A_1448 = tpu.memref_squeeze %dma_wait3A_1447 : memref<1x50xi32, #tpu.memory_space<vmem>> -> memref<50xi32, #tpu.memory_space<vmem>>
    %dma_wait3A_1449 = arith.constant 0 : i32
    %dma_wait3A_1450 = arith.constant 0 : i32
    %dma_wait3A_1451 = tpu.memref_slice %arg2[%dma_wait3A_1449, %dma_wait3A_1450] : memref<1000000x32xf32, #tpu.memory_space<hbm>> -> memref<1000000x32xf32, #tpu.memory_space<hbm>>
    tpu.wait_indirect_dma semaphore(%arg12 : memref<!tpu.dma_semaphore, #tpu.memory_space<semaphore_mem>>) src(%dma_wait3A_1451 : memref<1000000x32xf32, #tpu.memory_space<hbm>>) dst(%dma_wait3A_1445 : memref<50x32xf32, #tpu.memory_space<vmem>>)
    %dma_wait3A_1452 = arith.constant 21 : i32
    %dma_wait3A_1453 = arith.constant 21 : i32
    %dma_wait3A_1454 = arith.constant 0 : i32
    %dma_wait3A_1455 = arith.constant 0 : i32
    %dma_wait3A_1456 = tpu.memref_slice %arg8[%dma_wait3A_1453, %dma_wait3A_1454, %dma_wait3A_1455] : memref<32x50x32xf32, #tpu.memory_space<vmem>> -> memref<1x50x32xf32, #tpu.memory_space<vmem>>
    %dma_wait3A_1457 = tpu.memref_squeeze %dma_wait3A_1456 : memref<1x50x32xf32, #tpu.memory_space<vmem>> -> memref<50x32xf32, #tpu.memory_space<vmem>>
    %dma_wait3A_1458 = arith.constant 0 : i32
    %dma_wait3A_1459 = tpu.memref_slice %arg6[%dma_wait3A_1452, %dma_wait3A_1458] : memref<32x50xi32, #tpu.memory_space<vmem>> -> memref<1x50xi32, #tpu.memory_space<vmem>>
    %dma_wait3A_1460 = tpu.memref_squeeze %dma_wait3A_1459 : memref<1x50xi32, #tpu.memory_space<vmem>> -> memref<50xi32, #tpu.memory_space<vmem>>
    %dma_wait3A_1461 = arith.constant 0 : i32
    %dma_wait3A_1462 = arith.constant 0 : i32
    %dma_wait3A_1463 = tpu.memref_slice %arg2[%dma_wait3A_1461, %dma_wait3A_1462] : memref<1000000x32xf32, #tpu.memory_space<hbm>> -> memref<1000000x32xf32, #tpu.memory_space<hbm>>
    tpu.wait_indirect_dma semaphore(%arg12 : memref<!tpu.dma_semaphore, #tpu.memory_space<semaphore_mem>>) src(%dma_wait3A_1463 : memref<1000000x32xf32, #tpu.memory_space<hbm>>) dst(%dma_wait3A_1457 : memref<50x32xf32, #tpu.memory_space<vmem>>)
    %dma_wait3A_1464 = arith.constant 22 : i32
    %dma_wait3A_1465 = arith.constant 22 : i32
    %dma_wait3A_1466 = arith.constant 0 : i32
    %dma_wait3A_1467 = arith.constant 0 : i32
    %dma_wait3A_1468 = tpu.memref_slice %arg8[%dma_wait3A_1465, %dma_wait3A_1466, %dma_wait3A_1467] : memref<32x50x32xf32, #tpu.memory_space<vmem>> -> memref<1x50x32xf32, #tpu.memory_space<vmem>>
    %dma_wait3A_1469 = tpu.memref_squeeze %dma_wait3A_1468 : memref<1x50x32xf32, #tpu.memory_space<vmem>> -> memref<50x32xf32, #tpu.memory_space<vmem>>
    %dma_wait3A_1470 = arith.constant 0 : i32
    %dma_wait3A_1471 = tpu.memref_slice %arg6[%dma_wait3A_1464, %dma_wait3A_1470] : memref<32x50xi32, #tpu.memory_space<vmem>> -> memref<1x50xi32, #tpu.memory_space<vmem>>
    %dma_wait3A_1472 = tpu.memref_squeeze %dma_wait3A_1471 : memref<1x50xi32, #tpu.memory_space<vmem>> -> memref<50xi32, #tpu.memory_space<vmem>>
    %dma_wait3A_1473 = arith.constant 0 : i32
    %dma_wait3A_1474 = arith.constant 0 : i32
    %dma_wait3A_1475 = tpu.memref_slice %arg2[%dma_wait3A_1473, %dma_wait3A_1474] : memref<1000000x32xf32, #tpu.memory_space<hbm>> -> memref<1000000x32xf32, #tpu.memory_space<hbm>>
    tpu.wait_indirect_dma semaphore(%arg12 : memref<!tpu.dma_semaphore, #tpu.memory_space<semaphore_mem>>) src(%dma_wait3A_1475 : memref<1000000x32xf32, #tpu.memory_space<hbm>>) dst(%dma_wait3A_1469 : memref<50x32xf32, #tpu.memory_space<vmem>>)
    %dma_wait3A_1476 = arith.constant 23 : i32
    %dma_wait3A_1477 = arith.constant 23 : i32
    %dma_wait3A_1478 = arith.constant 0 : i32
    %dma_wait3A_1479 = arith.constant 0 : i32
    %dma_wait3A_1480 = tpu.memref_slice %arg8[%dma_wait3A_1477, %dma_wait3A_1478, %dma_wait3A_1479] : memref<32x50x32xf32, #tpu.memory_space<vmem>> -> memref<1x50x32xf32, #tpu.memory_space<vmem>>
    %dma_wait3A_1481 = tpu.memref_squeeze %dma_wait3A_1480 : memref<1x50x32xf32, #tpu.memory_space<vmem>> -> memref<50x32xf32, #tpu.memory_space<vmem>>
    %dma_wait3A_1482 = arith.constant 0 : i32
    %dma_wait3A_1483 = tpu.memref_slice %arg6[%dma_wait3A_1476, %dma_wait3A_1482] : memref<32x50xi32, #tpu.memory_space<vmem>> -> memref<1x50xi32, #tpu.memory_space<vmem>>
    %dma_wait3A_1484 = tpu.memref_squeeze %dma_wait3A_1483 : memref<1x50xi32, #tpu.memory_space<vmem>> -> memref<50xi32, #tpu.memory_space<vmem>>
    %dma_wait3A_1485 = arith.constant 0 : i32
    %dma_wait3A_1486 = arith.constant 0 : i32
    %dma_wait3A_1487 = tpu.memref_slice %arg2[%dma_wait3A_1485, %dma_wait3A_1486] : memref<1000000x32xf32, #tpu.memory_space<hbm>> -> memref<1000000x32xf32, #tpu.memory_space<hbm>>
    tpu.wait_indirect_dma semaphore(%arg12 : memref<!tpu.dma_semaphore, #tpu.memory_space<semaphore_mem>>) src(%dma_wait3A_1487 : memref<1000000x32xf32, #tpu.memory_space<hbm>>) dst(%dma_wait3A_1481 : memref<50x32xf32, #tpu.memory_space<vmem>>)
    %dma_wait3A_1488 = arith.constant 24 : i32
    %dma_wait3A_1489 = arith.constant 24 : i32
    %dma_wait3A_1490 = arith.constant 0 : i32
    %dma_wait3A_1491 = arith.constant 0 : i32
    %dma_wait3A_1492 = tpu.memref_slice %arg8[%dma_wait3A_1489, %dma_wait3A_1490, %dma_wait3A_1491] : memref<32x50x32xf32, #tpu.memory_space<vmem>> -> memref<1x50x32xf32, #tpu.memory_space<vmem>>
    %dma_wait3A_1493 = tpu.memref_squeeze %dma_wait3A_1492 : memref<1x50x32xf32, #tpu.memory_space<vmem>> -> memref<50x32xf32, #tpu.memory_space<vmem>>
    %dma_wait3A_1494 = arith.constant 0 : i32
    %dma_wait3A_1495 = tpu.memref_slice %arg6[%dma_wait3A_1488, %dma_wait3A_1494] : memref<32x50xi32, #tpu.memory_space<vmem>> -> memref<1x50xi32, #tpu.memory_space<vmem>>
    %dma_wait3A_1496 = tpu.memref_squeeze %dma_wait3A_1495 : memref<1x50xi32, #tpu.memory_space<vmem>> -> memref<50xi32, #tpu.memory_space<vmem>>
    %dma_wait3A_1497 = arith.constant 0 : i32
    %dma_wait3A_1498 = arith.constant 0 : i32
    %dma_wait3A_1499 = tpu.memref_slice %arg2[%dma_wait3A_1497, %dma_wait3A_1498] : memref<1000000x32xf32, #tpu.memory_space<hbm>> -> memref<1000000x32xf32, #tpu.memory_space<hbm>>
    tpu.wait_indirect_dma semaphore(%arg12 : memref<!tpu.dma_semaphore, #tpu.memory_space<semaphore_mem>>) src(%dma_wait3A_1499 : memref<1000000x32xf32, #tpu.memory_space<hbm>>) dst(%dma_wait3A_1493 : memref<50x32xf32, #tpu.memory_space<vmem>>)
    %dma_wait3A_1500 = arith.constant 25 : i32
    %dma_wait3A_1501 = arith.constant 25 : i32
    %dma_wait3A_1502 = arith.constant 0 : i32
    %dma_wait3A_1503 = arith.constant 0 : i32
    %dma_wait3A_1504 = tpu.memref_slice %arg8[%dma_wait3A_1501, %dma_wait3A_1502, %dma_wait3A_1503] : memref<32x50x32xf32, #tpu.memory_space<vmem>> -> memref<1x50x32xf32, #tpu.memory_space<vmem>>
    %dma_wait3A_1505 = tpu.memref_squeeze %dma_wait3A_1504 : memref<1x50x32xf32, #tpu.memory_space<vmem>> -> memref<50x32xf32, #tpu.memory_space<vmem>>
    %dma_wait3A_1506 = arith.constant 0 : i32
    %dma_wait3A_1507 = tpu.memref_slice %arg6[%dma_wait3A_1500, %dma_wait3A_1506] : memref<32x50xi32, #tpu.memory_space<vmem>> -> memref<1x50xi32, #tpu.memory_space<vmem>>
    %dma_wait3A_1508 = tpu.memref_squeeze %dma_wait3A_1507 : memref<1x50xi32, #tpu.memory_space<vmem>> -> memref<50xi32, #tpu.memory_space<vmem>>
    %dma_wait3A_1509 = arith.constant 0 : i32
    %dma_wait3A_1510 = arith.constant 0 : i32
    %dma_wait3A_1511 = tpu.memref_slice %arg2[%dma_wait3A_1509, %dma_wait3A_1510] : memref<1000000x32xf32, #tpu.memory_space<hbm>> -> memref<1000000x32xf32, #tpu.memory_space<hbm>>
    tpu.wait_indirect_dma semaphore(%arg12 : memref<!tpu.dma_semaphore, #tpu.memory_space<semaphore_mem>>) src(%dma_wait3A_1511 : memref<1000000x32xf32, #tpu.memory_space<hbm>>) dst(%dma_wait3A_1505 : memref<50x32xf32, #tpu.memory_space<vmem>>)
    %dma_wait3A_1512 = arith.constant 26 : i32
    %dma_wait3A_1513 = arith.constant 26 : i32
    %dma_wait3A_1514 = arith.constant 0 : i32
    %dma_wait3A_1515 = arith.constant 0 : i32
    %dma_wait3A_1516 = tpu.memref_slice %arg8[%dma_wait3A_1513, %dma_wait3A_1514, %dma_wait3A_1515] : memref<32x50x32xf32, #tpu.memory_space<vmem>> -> memref<1x50x32xf32, #tpu.memory_space<vmem>>
    %dma_wait3A_1517 = tpu.memref_squeeze %dma_wait3A_1516 : memref<1x50x32xf32, #tpu.memory_space<vmem>> -> memref<50x32xf32, #tpu.memory_space<vmem>>
    %dma_wait3A_1518 = arith.constant 0 : i32
    %dma_wait3A_1519 = tpu.memref_slice %arg6[%dma_wait3A_1512, %dma_wait3A_1518] : memref<32x50xi32, #tpu.memory_space<vmem>> -> memref<1x50xi32, #tpu.memory_space<vmem>>
    %dma_wait3A_1520 = tpu.memref_squeeze %dma_wait3A_1519 : memref<1x50xi32, #tpu.memory_space<vmem>> -> memref<50xi32, #tpu.memory_space<vmem>>
    %dma_wait3A_1521 = arith.constant 0 : i32
    %dma_wait3A_1522 = arith.constant 0 : i32
    %dma_wait3A_1523 = tpu.memref_slice %arg2[%dma_wait3A_1521, %dma_wait3A_1522] : memref<1000000x32xf32, #tpu.memory_space<hbm>> -> memref<1000000x32xf32, #tpu.memory_space<hbm>>
    tpu.wait_indirect_dma semaphore(%arg12 : memref<!tpu.dma_semaphore, #tpu.memory_space<semaphore_mem>>) src(%dma_wait3A_1523 : memref<1000000x32xf32, #tpu.memory_space<hbm>>) dst(%dma_wait3A_1517 : memref<50x32xf32, #tpu.memory_space<vmem>>)
    %dma_wait3A_1524 = arith.constant 27 : i32
    %dma_wait3A_1525 = arith.constant 27 : i32
    %dma_wait3A_1526 = arith.constant 0 : i32
    %dma_wait3A_1527 = arith.constant 0 : i32
    %dma_wait3A_1528 = tpu.memref_slice %arg8[%dma_wait3A_1525, %dma_wait3A_1526, %dma_wait3A_1527] : memref<32x50x32xf32, #tpu.memory_space<vmem>> -> memref<1x50x32xf32, #tpu.memory_space<vmem>>
    %dma_wait3A_1529 = tpu.memref_squeeze %dma_wait3A_1528 : memref<1x50x32xf32, #tpu.memory_space<vmem>> -> memref<50x32xf32, #tpu.memory_space<vmem>>
    %dma_wait3A_1530 = arith.constant 0 : i32
    %dma_wait3A_1531 = tpu.memref_slice %arg6[%dma_wait3A_1524, %dma_wait3A_1530] : memref<32x50xi32, #tpu.memory_space<vmem>> -> memref<1x50xi32, #tpu.memory_space<vmem>>
    %dma_wait3A_1532 = tpu.memref_squeeze %dma_wait3A_1531 : memref<1x50xi32, #tpu.memory_space<vmem>> -> memref<50xi32, #tpu.memory_space<vmem>>
    %dma_wait3A_1533 = arith.constant 0 : i32
    %dma_wait3A_1534 = arith.constant 0 : i32
    %dma_wait3A_1535 = tpu.memref_slice %arg2[%dma_wait3A_1533, %dma_wait3A_1534] : memref<1000000x32xf32, #tpu.memory_space<hbm>> -> memref<1000000x32xf32, #tpu.memory_space<hbm>>
    tpu.wait_indirect_dma semaphore(%arg12 : memref<!tpu.dma_semaphore, #tpu.memory_space<semaphore_mem>>) src(%dma_wait3A_1535 : memref<1000000x32xf32, #tpu.memory_space<hbm>>) dst(%dma_wait3A_1529 : memref<50x32xf32, #tpu.memory_space<vmem>>)
    %dma_wait3A_1536 = arith.constant 28 : i32
    %dma_wait3A_1537 = arith.constant 28 : i32
    %dma_wait3A_1538 = arith.constant 0 : i32
    %dma_wait3A_1539 = arith.constant 0 : i32
    %dma_wait3A_1540 = tpu.memref_slice %arg8[%dma_wait3A_1537, %dma_wait3A_1538, %dma_wait3A_1539] : memref<32x50x32xf32, #tpu.memory_space<vmem>> -> memref<1x50x32xf32, #tpu.memory_space<vmem>>
    %dma_wait3A_1541 = tpu.memref_squeeze %dma_wait3A_1540 : memref<1x50x32xf32, #tpu.memory_space<vmem>> -> memref<50x32xf32, #tpu.memory_space<vmem>>
    %dma_wait3A_1542 = arith.constant 0 : i32
    %dma_wait3A_1543 = tpu.memref_slice %arg6[%dma_wait3A_1536, %dma_wait3A_1542] : memref<32x50xi32, #tpu.memory_space<vmem>> -> memref<1x50xi32, #tpu.memory_space<vmem>>
    %dma_wait3A_1544 = tpu.memref_squeeze %dma_wait3A_1543 : memref<1x50xi32, #tpu.memory_space<vmem>> -> memref<50xi32, #tpu.memory_space<vmem>>
    %dma_wait3A_1545 = arith.constant 0 : i32
    %dma_wait3A_1546 = arith.constant 0 : i32
    %dma_wait3A_1547 = tpu.memref_slice %arg2[%dma_wait3A_1545, %dma_wait3A_1546] : memref<1000000x32xf32, #tpu.memory_space<hbm>> -> memref<1000000x32xf32, #tpu.memory_space<hbm>>
    tpu.wait_indirect_dma semaphore(%arg12 : memref<!tpu.dma_semaphore, #tpu.memory_space<semaphore_mem>>) src(%dma_wait3A_1547 : memref<1000000x32xf32, #tpu.memory_space<hbm>>) dst(%dma_wait3A_1541 : memref<50x32xf32, #tpu.memory_space<vmem>>)
    %dma_wait3A_1548 = arith.constant 29 : i32
    %dma_wait3A_1549 = arith.constant 29 : i32
    %dma_wait3A_1550 = arith.constant 0 : i32
    %dma_wait3A_1551 = arith.constant 0 : i32
    %dma_wait3A_1552 = tpu.memref_slice %arg8[%dma_wait3A_1549, %dma_wait3A_1550, %dma_wait3A_1551] : memref<32x50x32xf32, #tpu.memory_space<vmem>> -> memref<1x50x32xf32, #tpu.memory_space<vmem>>
    %dma_wait3A_1553 = tpu.memref_squeeze %dma_wait3A_1552 : memref<1x50x32xf32, #tpu.memory_space<vmem>> -> memref<50x32xf32, #tpu.memory_space<vmem>>
    %dma_wait3A_1554 = arith.constant 0 : i32
    %dma_wait3A_1555 = tpu.memref_slice %arg6[%dma_wait3A_1548, %dma_wait3A_1554] : memref<32x50xi32, #tpu.memory_space<vmem>> -> memref<1x50xi32, #tpu.memory_space<vmem>>
    %dma_wait3A_1556 = tpu.memref_squeeze %dma_wait3A_1555 : memref<1x50xi32, #tpu.memory_space<vmem>> -> memref<50xi32, #tpu.memory_space<vmem>>
    %dma_wait3A_1557 = arith.constant 0 : i32
    %dma_wait3A_1558 = arith.constant 0 : i32
    %dma_wait3A_1559 = tpu.memref_slice %arg2[%dma_wait3A_1557, %dma_wait3A_1558] : memref<1000000x32xf32, #tpu.memory_space<hbm>> -> memref<1000000x32xf32, #tpu.memory_space<hbm>>
    tpu.wait_indirect_dma semaphore(%arg12 : memref<!tpu.dma_semaphore, #tpu.memory_space<semaphore_mem>>) src(%dma_wait3A_1559 : memref<1000000x32xf32, #tpu.memory_space<hbm>>) dst(%dma_wait3A_1553 : memref<50x32xf32, #tpu.memory_space<vmem>>)
    %dma_wait3A_1560 = arith.constant 30 : i32
    %dma_wait3A_1561 = arith.constant 30 : i32
    %dma_wait3A_1562 = arith.constant 0 : i32
    %dma_wait3A_1563 = arith.constant 0 : i32
    %dma_wait3A_1564 = tpu.memref_slice %arg8[%dma_wait3A_1561, %dma_wait3A_1562, %dma_wait3A_1563] : memref<32x50x32xf32, #tpu.memory_space<vmem>> -> memref<1x50x32xf32, #tpu.memory_space<vmem>>
    %dma_wait3A_1565 = tpu.memref_squeeze %dma_wait3A_1564 : memref<1x50x32xf32, #tpu.memory_space<vmem>> -> memref<50x32xf32, #tpu.memory_space<vmem>>
    %dma_wait3A_1566 = arith.constant 0 : i32
    %dma_wait3A_1567 = tpu.memref_slice %arg6[%dma_wait3A_1560, %dma_wait3A_1566] : memref<32x50xi32, #tpu.memory_space<vmem>> -> memref<1x50xi32, #tpu.memory_space<vmem>>
    %dma_wait3A_1568 = tpu.memref_squeeze %dma_wait3A_1567 : memref<1x50xi32, #tpu.memory_space<vmem>> -> memref<50xi32, #tpu.memory_space<vmem>>
    %dma_wait3A_1569 = arith.constant 0 : i32
    %dma_wait3A_1570 = arith.constant 0 : i32
    %dma_wait3A_1571 = tpu.memref_slice %arg2[%dma_wait3A_1569, %dma_wait3A_1570] : memref<1000000x32xf32, #tpu.memory_space<hbm>> -> memref<1000000x32xf32, #tpu.memory_space<hbm>>
    tpu.wait_indirect_dma semaphore(%arg12 : memref<!tpu.dma_semaphore, #tpu.memory_space<semaphore_mem>>) src(%dma_wait3A_1571 : memref<1000000x32xf32, #tpu.memory_space<hbm>>) dst(%dma_wait3A_1565 : memref<50x32xf32, #tpu.memory_space<vmem>>)
    %dma_wait3A_1572 = arith.constant 31 : i32
    %dma_wait3A_1573 = arith.constant 31 : i32
    %dma_wait3A_1574 = arith.constant 0 : i32
    %dma_wait3A_1575 = arith.constant 0 : i32
    %dma_wait3A_1576 = tpu.memref_slice %arg8[%dma_wait3A_1573, %dma_wait3A_1574, %dma_wait3A_1575] : memref<32x50x32xf32, #tpu.memory_space<vmem>> -> memref<1x50x32xf32, #tpu.memory_space<vmem>>
    %dma_wait3A_1577 = tpu.memref_squeeze %dma_wait3A_1576 : memref<1x50x32xf32, #tpu.memory_space<vmem>> -> memref<50x32xf32, #tpu.memory_space<vmem>>
    %dma_wait3A_1578 = arith.constant 0 : i32
    %dma_wait3A_1579 = tpu.memref_slice %arg6[%dma_wait3A_1572, %dma_wait3A_1578] : memref<32x50xi32, #tpu.memory_space<vmem>> -> memref<1x50xi32, #tpu.memory_space<vmem>>
    %dma_wait3A_1580 = tpu.memref_squeeze %dma_wait3A_1579 : memref<1x50xi32, #tpu.memory_space<vmem>> -> memref<50xi32, #tpu.memory_space<vmem>>
    %dma_wait3A_1581 = arith.constant 0 : i32
    %dma_wait3A_1582 = arith.constant 0 : i32
    %dma_wait3A_1583 = tpu.memref_slice %arg2[%dma_wait3A_1581, %dma_wait3A_1582] : memref<1000000x32xf32, #tpu.memory_space<hbm>> -> memref<1000000x32xf32, #tpu.memory_space<hbm>>
    tpu.wait_indirect_dma semaphore(%arg12 : memref<!tpu.dma_semaphore, #tpu.memory_space<semaphore_mem>>) src(%dma_wait3A_1583 : memref<1000000x32xf32, #tpu.memory_space<hbm>>) dst(%dma_wait3A_1577 : memref<50x32xf32, #tpu.memory_space<vmem>>)
    %add3A_1584 = arith.constant 32 : i32
    %add3A_1585 = arith.addi %mul3A_2, %add3A_1584 : i32
    %dma_start3A_1586 = arith.constant 0 : i32
    %dma_start3A_1587 = arith.constant 0 : i32
    %dma_start3A_1588 = tpu.memref_slice %arg4[%add3A_1585, %dma_start3A_1586, %dma_start3A_1587] : memref<16384x50x32xf32, #tpu.memory_space<hbm>> -> memref<32x50x32xf32, #tpu.memory_space<hbm>>
    %dma_start3A_1589 = arith.constant 0 : i32
    %dma_start3A_1590 = arith.constant 0 : i32
    %dma_start3A_1591 = tpu.memref_slice %arg4[%add3A_1585, %dma_start3A_1589, %dma_start3A_1590] : memref<16384x50x32xf32, #tpu.memory_space<hbm>> -> memref<32x50x32xf32, #tpu.memory_space<hbm>>
    tpu.enqueue_dma source(%arg8 : memref<32x50x32xf32, #tpu.memory_space<vmem>>) target(%dma_start3A_1591 : memref<32x50x32xf32, #tpu.memory_space<hbm>>) target_semaphore(%arg14 : memref<!tpu.dma_semaphore, #tpu.memory_space<semaphore_mem>>)
    %add3A_1592 = arith.constant 96 : i32
    %add3A_1593 = arith.addi %mul3A_2, %add3A_1592 : i32
    %min3A_1594 = arith.constant 16352 : i32
    %min3A_1595 = arith.minsi %add3A_1593, %min3A_1594 : i32
    %dma_start3A_1596 = arith.constant 0 : i32
    %dma_start3A_1597 = tpu.memref_slice %arg3[%min3A_1595, %dma_start3A_1596] : memref<16384x50xi32, #tpu.memory_space<hbm>> -> memref<32x50xi32, #tpu.memory_space<hbm>>
    %dma_start3A_1598 = arith.constant 0 : i32
    %dma_start3A_1599 = tpu.memref_slice %arg3[%min3A_1595, %dma_start3A_1598] : memref<16384x50xi32, #tpu.memory_space<hbm>> -> memref<32x50xi32, #tpu.memory_space<hbm>>
    tpu.enqueue_dma source(%dma_start3A_1599 : memref<32x50xi32, #tpu.memory_space<hbm>>) target(%arg6 : memref<32x50xi32, #tpu.memory_space<vmem>>) target_semaphore(%arg10 : memref<!tpu.dma_semaphore, #tpu.memory_space<semaphore_mem>>)
    %scan3A = arith.constant 0 : i32
    %scan3A_1600 = arith.constant 1 : i32
    %scan3A_1601 = arith.constant 7 : i32
    %scan3A_1602 = arith.addi %scan3A_1600, %scan3A_1601 : i32
    %scan3A_1603 = arith.constant 1 : i32
    scf.for %scan3A_1637 = %scan3A_1600 to %scan3A_1602 step %scan3A_1603  : i32 {
      %mul3A_1638 = arith.constant 2 : i32
      %mul3A_1639 = arith.muli %scan3A_1637, %mul3A_1638 : i32
      %add3A_1640 = arith.constant 0 : i32
      %add3A_1641 = arith.addi %mul3A_1639, %add3A_1640 : i32
      %sub3A = arith.constant 2 : i32
      %sub3A_1642 = arith.subi %add3A_1641, %sub3A : i32
      %mul3A_1643 = arith.constant 32 : i32
      %mul3A_1644 = arith.muli %sub3A_1642, %mul3A_1643 : i32
      %add3A_1645 = arith.addi %mul3A_2, %mul3A_1644 : i32
      %dma_wait3A_1646 = arith.constant 0 : i32
      %dma_wait3A_1647 = arith.constant 0 : i32
      %dma_wait3A_1648 = tpu.memref_slice %arg4[%add3A_1645, %dma_wait3A_1646, %dma_wait3A_1647] : memref<16384x50x32xf32, #tpu.memory_space<hbm>> -> memref<32x50x32xf32, #tpu.memory_space<hbm>>
      %dma_wait3A_1649 = arith.constant 0 : i32
      %dma_wait3A_1650 = arith.constant 0 : i32
      %dma_wait3A_1651 = tpu.memref_slice %arg4[%add3A_1645, %dma_wait3A_1649, %dma_wait3A_1650] : memref<16384x50x32xf32, #tpu.memory_space<hbm>> -> memref<32x50x32xf32, #tpu.memory_space<hbm>>
      tpu.wait_dma2 semaphore(%arg13 : memref<!tpu.dma_semaphore, #tpu.memory_space<semaphore_mem>>) src(%arg7 : memref<32x50x32xf32, #tpu.memory_space<vmem>>) dst(%dma_wait3A_1651 : memref<32x50x32xf32, #tpu.memory_space<hbm>>)
      %mul3A_1652 = arith.constant 32 : i32
      %mul3A_1653 = arith.muli %add3A_1641, %mul3A_1652 : i32
      %add3A_1654 = arith.addi %mul3A_2, %mul3A_1653 : i32
      %min3A_1655 = arith.constant 16352 : i32
      %min3A_1656 = arith.minsi %add3A_1654, %min3A_1655 : i32
      %dma_wait3A_1657 = arith.constant 0 : i32
      %dma_wait3A_1658 = tpu.memref_slice %arg3[%min3A_1656, %dma_wait3A_1657] : memref<16384x50xi32, #tpu.memory_space<hbm>> -> memref<32x50xi32, #tpu.memory_space<hbm>>
      %dma_wait3A_1659 = arith.constant 0 : i32
      %dma_wait3A_1660 = tpu.memref_slice %arg3[%min3A_1656, %dma_wait3A_1659] : memref<16384x50xi32, #tpu.memory_space<hbm>> -> memref<32x50xi32, #tpu.memory_space<hbm>>
      tpu.wait_dma2 semaphore(%arg9 : memref<!tpu.dma_semaphore, #tpu.memory_space<semaphore_mem>>) src(%dma_wait3A_1660 : memref<32x50xi32, #tpu.memory_space<hbm>>) dst(%arg5 : memref<32x50xi32, #tpu.memory_space<vmem>>)
      %dma_start3A_1661 = arith.constant 0 : i32
      %dma_start3A_1662 = arith.constant 0 : i32
      %dma_start3A_1663 = arith.constant 0 : i32
      %dma_start3A_1664 = arith.constant 0 : i32
      %dma_start3A_1665 = tpu.memref_slice %arg7[%dma_start3A_1662, %dma_start3A_1663, %dma_start3A_1664] : memref<32x50x32xf32, #tpu.memory_space<vmem>> -> memref<1x50x32xf32, #tpu.memory_space<vmem>>
      %dma_start3A_1666 = tpu.memref_squeeze %dma_start3A_1665 : memref<1x50x32xf32, #tpu.memory_space<vmem>> -> memref<50x32xf32, #tpu.memory_space<vmem>>
      %dma_start3A_1667 = arith.constant 0 : i32
      %dma_start3A_1668 = tpu.memref_slice %arg5[%dma_start3A_1661, %dma_start3A_1667] : memref<32x50xi32, #tpu.memory_space<vmem>> -> memref<1x50xi32, #tpu.memory_space<vmem>>
      %dma_start3A_1669 = tpu.memref_squeeze %dma_start3A_1668 : memref<1x50xi32, #tpu.memory_space<vmem>> -> memref<50xi32, #tpu.memory_space<vmem>>
      %dma_start3A_1670 = arith.constant 0 : i32
      %dma_start3A_1671 = arith.constant 0 : i32
      %dma_start3A_1672 = tpu.memref_slice %arg2[%dma_start3A_1670, %dma_start3A_1671] : memref<1000000x32xf32, #tpu.memory_space<hbm>> -> memref<1000000x32xf32, #tpu.memory_space<hbm>>
      tpu.enqueue_indirect_dma source(%dma_start3A_1672 : memref<1000000x32xf32, #tpu.memory_space<hbm>>) target(%dma_start3A_1666 : memref<50x32xf32, #tpu.memory_space<vmem>>) offsets(%dma_start3A_1669 : memref<50xi32, #tpu.memory_space<vmem>>) semaphore(%arg11 : memref<!tpu.dma_semaphore, #tpu.memory_space<semaphore_mem>>)
      %dma_start3A_1673 = arith.constant 1 : i32
      %dma_start3A_1674 = arith.constant 1 : i32
      %dma_start3A_1675 = arith.constant 0 : i32
      %dma_start3A_1676 = arith.constant 0 : i32
      %dma_start3A_1677 = tpu.memref_slice %arg7[%dma_start3A_1674, %dma_start3A_1675, %dma_start3A_1676] : memref<32x50x32xf32, #tpu.memory_space<vmem>> -> memref<1x50x32xf32, #tpu.memory_space<vmem>>
      %dma_start3A_1678 = tpu.memref_squeeze %dma_start3A_1677 : memref<1x50x32xf32, #tpu.memory_space<vmem>> -> memref<50x32xf32, #tpu.memory_space<vmem>>
      %dma_start3A_1679 = arith.constant 0 : i32
      %dma_start3A_1680 = tpu.memref_slice %arg5[%dma_start3A_1673, %dma_start3A_1679] : memref<32x50xi32, #tpu.memory_space<vmem>> -> memref<1x50xi32, #tpu.memory_space<vmem>>
      %dma_start3A_1681 = tpu.memref_squeeze %dma_start3A_1680 : memref<1x50xi32, #tpu.memory_space<vmem>> -> memref<50xi32, #tpu.memory_space<vmem>>
      %dma_start3A_1682 = arith.constant 0 : i32
      %dma_start3A_1683 = arith.constant 0 : i32
      %dma_start3A_1684 = tpu.memref_slice %arg2[%dma_start3A_1682, %dma_start3A_1683] : memref<1000000x32xf32, #tpu.memory_space<hbm>> -> memref<1000000x32xf32, #tpu.memory_space<hbm>>
      tpu.enqueue_indirect_dma source(%dma_start3A_1684 : memref<1000000x32xf32, #tpu.memory_space<hbm>>) target(%dma_start3A_1678 : memref<50x32xf32, #tpu.memory_space<vmem>>) offsets(%dma_start3A_1681 : memref<50xi32, #tpu.memory_space<vmem>>) semaphore(%arg11 : memref<!tpu.dma_semaphore, #tpu.memory_space<semaphore_mem>>)
      %dma_start3A_1685 = arith.constant 2 : i32
      %dma_start3A_1686 = arith.constant 2 : i32
      %dma_start3A_1687 = arith.constant 0 : i32
      %dma_start3A_1688 = arith.constant 0 : i32
      %dma_start3A_1689 = tpu.memref_slice %arg7[%dma_start3A_1686, %dma_start3A_1687, %dma_start3A_1688] : memref<32x50x32xf32, #tpu.memory_space<vmem>> -> memref<1x50x32xf32, #tpu.memory_space<vmem>>
      %dma_start3A_1690 = tpu.memref_squeeze %dma_start3A_1689 : memref<1x50x32xf32, #tpu.memory_space<vmem>> -> memref<50x32xf32, #tpu.memory_space<vmem>>
      %dma_start3A_1691 = arith.constant 0 : i32
      %dma_start3A_1692 = tpu.memref_slice %arg5[%dma_start3A_1685, %dma_start3A_1691] : memref<32x50xi32, #tpu.memory_space<vmem>> -> memref<1x50xi32, #tpu.memory_space<vmem>>
      %dma_start3A_1693 = tpu.memref_squeeze %dma_start3A_1692 : memref<1x50xi32, #tpu.memory_space<vmem>> -> memref<50xi32, #tpu.memory_space<vmem>>
      %dma_start3A_1694 = arith.constant 0 : i32
      %dma_start3A_1695 = arith.constant 0 : i32
      %dma_start3A_1696 = tpu.memref_slice %arg2[%dma_start3A_1694, %dma_start3A_1695] : memref<1000000x32xf32, #tpu.memory_space<hbm>> -> memref<1000000x32xf32, #tpu.memory_space<hbm>>
      tpu.enqueue_indirect_dma source(%dma_start3A_1696 : memref<1000000x32xf32, #tpu.memory_space<hbm>>) target(%dma_start3A_1690 : memref<50x32xf32, #tpu.memory_space<vmem>>) offsets(%dma_start3A_1693 : memref<50xi32, #tpu.memory_space<vmem>>) semaphore(%arg11 : memref<!tpu.dma_semaphore, #tpu.memory_space<semaphore_mem>>)
      %dma_start3A_1697 = arith.constant 3 : i32
      %dma_start3A_1698 = arith.constant 3 : i32
      %dma_start3A_1699 = arith.constant 0 : i32
      %dma_start3A_1700 = arith.constant 0 : i32
      %dma_start3A_1701 = tpu.memref_slice %arg7[%dma_start3A_1698, %dma_start3A_1699, %dma_start3A_1700] : memref<32x50x32xf32, #tpu.memory_space<vmem>> -> memref<1x50x32xf32, #tpu.memory_space<vmem>>
      %dma_start3A_1702 = tpu.memref_squeeze %dma_start3A_1701 : memref<1x50x32xf32, #tpu.memory_space<vmem>> -> memref<50x32xf32, #tpu.memory_space<vmem>>
      %dma_start3A_1703 = arith.constant 0 : i32
      %dma_start3A_1704 = tpu.memref_slice %arg5[%dma_start3A_1697, %dma_start3A_1703] : memref<32x50xi32, #tpu.memory_space<vmem>> -> memref<1x50xi32, #tpu.memory_space<vmem>>
      %dma_start3A_1705 = tpu.memref_squeeze %dma_start3A_1704 : memref<1x50xi32, #tpu.memory_space<vmem>> -> memref<50xi32, #tpu.memory_space<vmem>>
      %dma_start3A_1706 = arith.constant 0 : i32
      %dma_start3A_1707 = arith.constant 0 : i32
      %dma_start3A_1708 = tpu.memref_slice %arg2[%dma_start3A_1706, %dma_start3A_1707] : memref<1000000x32xf32, #tpu.memory_space<hbm>> -> memref<1000000x32xf32, #tpu.memory_space<hbm>>
      tpu.enqueue_indirect_dma source(%dma_start3A_1708 : memref<1000000x32xf32, #tpu.memory_space<hbm>>) target(%dma_start3A_1702 : memref<50x32xf32, #tpu.memory_space<vmem>>) offsets(%dma_start3A_1705 : memref<50xi32, #tpu.memory_space<vmem>>) semaphore(%arg11 : memref<!tpu.dma_semaphore, #tpu.memory_space<semaphore_mem>>)
      %dma_start3A_1709 = arith.constant 4 : i32
      %dma_start3A_1710 = arith.constant 4 : i32
      %dma_start3A_1711 = arith.constant 0 : i32
      %dma_start3A_1712 = arith.constant 0 : i32
      %dma_start3A_1713 = tpu.memref_slice %arg7[%dma_start3A_1710, %dma_start3A_1711, %dma_start3A_1712] : memref<32x50x32xf32, #tpu.memory_space<vmem>> -> memref<1x50x32xf32, #tpu.memory_space<vmem>>
      %dma_start3A_1714 = tpu.memref_squeeze %dma_start3A_1713 : memref<1x50x32xf32, #tpu.memory_space<vmem>> -> memref<50x32xf32, #tpu.memory_space<vmem>>
      %dma_start3A_1715 = arith.constant 0 : i32
      %dma_start3A_1716 = tpu.memref_slice %arg5[%dma_start3A_1709, %dma_start3A_1715] : memref<32x50xi32, #tpu.memory_space<vmem>> -> memref<1x50xi32, #tpu.memory_space<vmem>>
      %dma_start3A_1717 = tpu.memref_squeeze %dma_start3A_1716 : memref<1x50xi32, #tpu.memory_space<vmem>> -> memref<50xi32, #tpu.memory_space<vmem>>
      %dma_start3A_1718 = arith.constant 0 : i32
      %dma_start3A_1719 = arith.constant 0 : i32
      %dma_start3A_1720 = tpu.memref_slice %arg2[%dma_start3A_1718, %dma_start3A_1719] : memref<1000000x32xf32, #tpu.memory_space<hbm>> -> memref<1000000x32xf32, #tpu.memory_space<hbm>>
      tpu.enqueue_indirect_dma source(%dma_start3A_1720 : memref<1000000x32xf32, #tpu.memory_space<hbm>>) target(%dma_start3A_1714 : memref<50x32xf32, #tpu.memory_space<vmem>>) offsets(%dma_start3A_1717 : memref<50xi32, #tpu.memory_space<vmem>>) semaphore(%arg11 : memref<!tpu.dma_semaphore, #tpu.memory_space<semaphore_mem>>)
      %dma_start3A_1721 = arith.constant 5 : i32
      %dma_start3A_1722 = arith.constant 5 : i32
      %dma_start3A_1723 = arith.constant 0 : i32
      %dma_start3A_1724 = arith.constant 0 : i32
      %dma_start3A_1725 = tpu.memref_slice %arg7[%dma_start3A_1722, %dma_start3A_1723, %dma_start3A_1724] : memref<32x50x32xf32, #tpu.memory_space<vmem>> -> memref<1x50x32xf32, #tpu.memory_space<vmem>>
      %dma_start3A_1726 = tpu.memref_squeeze %dma_start3A_1725 : memref<1x50x32xf32, #tpu.memory_space<vmem>> -> memref<50x32xf32, #tpu.memory_space<vmem>>
      %dma_start3A_1727 = arith.constant 0 : i32
      %dma_start3A_1728 = tpu.memref_slice %arg5[%dma_start3A_1721, %dma_start3A_1727] : memref<32x50xi32, #tpu.memory_space<vmem>> -> memref<1x50xi32, #tpu.memory_space<vmem>>
      %dma_start3A_1729 = tpu.memref_squeeze %dma_start3A_1728 : memref<1x50xi32, #tpu.memory_space<vmem>> -> memref<50xi32, #tpu.memory_space<vmem>>
      %dma_start3A_1730 = arith.constant 0 : i32
      %dma_start3A_1731 = arith.constant 0 : i32
      %dma_start3A_1732 = tpu.memref_slice %arg2[%dma_start3A_1730, %dma_start3A_1731] : memref<1000000x32xf32, #tpu.memory_space<hbm>> -> memref<1000000x32xf32, #tpu.memory_space<hbm>>
      tpu.enqueue_indirect_dma source(%dma_start3A_1732 : memref<1000000x32xf32, #tpu.memory_space<hbm>>) target(%dma_start3A_1726 : memref<50x32xf32, #tpu.memory_space<vmem>>) offsets(%dma_start3A_1729 : memref<50xi32, #tpu.memory_space<vmem>>) semaphore(%arg11 : memref<!tpu.dma_semaphore, #tpu.memory_space<semaphore_mem>>)
      %dma_start3A_1733 = arith.constant 6 : i32
      %dma_start3A_1734 = arith.constant 6 : i32
      %dma_start3A_1735 = arith.constant 0 : i32
      %dma_start3A_1736 = arith.constant 0 : i32
      %dma_start3A_1737 = tpu.memref_slice %arg7[%dma_start3A_1734, %dma_start3A_1735, %dma_start3A_1736] : memref<32x50x32xf32, #tpu.memory_space<vmem>> -> memref<1x50x32xf32, #tpu.memory_space<vmem>>
      %dma_start3A_1738 = tpu.memref_squeeze %dma_start3A_1737 : memref<1x50x32xf32, #tpu.memory_space<vmem>> -> memref<50x32xf32, #tpu.memory_space<vmem>>
      %dma_start3A_1739 = arith.constant 0 : i32
      %dma_start3A_1740 = tpu.memref_slice %arg5[%dma_start3A_1733, %dma_start3A_1739] : memref<32x50xi32, #tpu.memory_space<vmem>> -> memref<1x50xi32, #tpu.memory_space<vmem>>
      %dma_start3A_1741 = tpu.memref_squeeze %dma_start3A_1740 : memref<1x50xi32, #tpu.memory_space<vmem>> -> memref<50xi32, #tpu.memory_space<vmem>>
      %dma_start3A_1742 = arith.constant 0 : i32
      %dma_start3A_1743 = arith.constant 0 : i32
      %dma_start3A_1744 = tpu.memref_slice %arg2[%dma_start3A_1742, %dma_start3A_1743] : memref<1000000x32xf32, #tpu.memory_space<hbm>> -> memref<1000000x32xf32, #tpu.memory_space<hbm>>
      tpu.enqueue_indirect_dma source(%dma_start3A_1744 : memref<1000000x32xf32, #tpu.memory_space<hbm>>) target(%dma_start3A_1738 : memref<50x32xf32, #tpu.memory_space<vmem>>) offsets(%dma_start3A_1741 : memref<50xi32, #tpu.memory_space<vmem>>) semaphore(%arg11 : memref<!tpu.dma_semaphore, #tpu.memory_space<semaphore_mem>>)
      %dma_start3A_1745 = arith.constant 7 : i32
      %dma_start3A_1746 = arith.constant 7 : i32
      %dma_start3A_1747 = arith.constant 0 : i32
      %dma_start3A_1748 = arith.constant 0 : i32
      %dma_start3A_1749 = tpu.memref_slice %arg7[%dma_start3A_1746, %dma_start3A_1747, %dma_start3A_1748] : memref<32x50x32xf32, #tpu.memory_space<vmem>> -> memref<1x50x32xf32, #tpu.memory_space<vmem>>
      %dma_start3A_1750 = tpu.memref_squeeze %dma_start3A_1749 : memref<1x50x32xf32, #tpu.memory_space<vmem>> -> memref<50x32xf32, #tpu.memory_space<vmem>>
      %dma_start3A_1751 = arith.constant 0 : i32
      %dma_start3A_1752 = tpu.memref_slice %arg5[%dma_start3A_1745, %dma_start3A_1751] : memref<32x50xi32, #tpu.memory_space<vmem>> -> memref<1x50xi32, #tpu.memory_space<vmem>>
      %dma_start3A_1753 = tpu.memref_squeeze %dma_start3A_1752 : memref<1x50xi32, #tpu.memory_space<vmem>> -> memref<50xi32, #tpu.memory_space<vmem>>
      %dma_start3A_1754 = arith.constant 0 : i32
      %dma_start3A_1755 = arith.constant 0 : i32
      %dma_start3A_1756 = tpu.memref_slice %arg2[%dma_start3A_1754, %dma_start3A_1755] : memref<1000000x32xf32, #tpu.memory_space<hbm>> -> memref<1000000x32xf32, #tpu.memory_space<hbm>>
      tpu.enqueue_indirect_dma source(%dma_start3A_1756 : memref<1000000x32xf32, #tpu.memory_space<hbm>>) target(%dma_start3A_1750 : memref<50x32xf32, #tpu.memory_space<vmem>>) offsets(%dma_start3A_1753 : memref<50xi32, #tpu.memory_space<vmem>>) semaphore(%arg11 : memref<!tpu.dma_semaphore, #tpu.memory_space<semaphore_mem>>)
      %dma_start3A_1757 = arith.constant 8 : i32
      %dma_start3A_1758 = arith.constant 8 : i32
      %dma_start3A_1759 = arith.constant 0 : i32
      %dma_start3A_1760 = arith.constant 0 : i32
      %dma_start3A_1761 = tpu.memref_slice %arg7[%dma_start3A_1758, %dma_start3A_1759, %dma_start3A_1760] : memref<32x50x32xf32, #tpu.memory_space<vmem>> -> memref<1x50x32xf32, #tpu.memory_space<vmem>>
      %dma_start3A_1762 = tpu.memref_squeeze %dma_start3A_1761 : memref<1x50x32xf32, #tpu.memory_space<vmem>> -> memref<50x32xf32, #tpu.memory_space<vmem>>
      %dma_start3A_1763 = arith.constant 0 : i32
      %dma_start3A_1764 = tpu.memref_slice %arg5[%dma_start3A_1757, %dma_start3A_1763] : memref<32x50xi32, #tpu.memory_space<vmem>> -> memref<1x50xi32, #tpu.memory_space<vmem>>
      %dma_start3A_1765 = tpu.memref_squeeze %dma_start3A_1764 : memref<1x50xi32, #tpu.memory_space<vmem>> -> memref<50xi32, #tpu.memory_space<vmem>>
      %dma_start3A_1766 = arith.constant 0 : i32
      %dma_start3A_1767 = arith.constant 0 : i32
      %dma_start3A_1768 = tpu.memref_slice %arg2[%dma_start3A_1766, %dma_start3A_1767] : memref<1000000x32xf32, #tpu.memory_space<hbm>> -> memref<1000000x32xf32, #tpu.memory_space<hbm>>
      tpu.enqueue_indirect_dma source(%dma_start3A_1768 : memref<1000000x32xf32, #tpu.memory_space<hbm>>) target(%dma_start3A_1762 : memref<50x32xf32, #tpu.memory_space<vmem>>) offsets(%dma_start3A_1765 : memref<50xi32, #tpu.memory_space<vmem>>) semaphore(%arg11 : memref<!tpu.dma_semaphore, #tpu.memory_space<semaphore_mem>>)
      %dma_start3A_1769 = arith.constant 9 : i32
      %dma_start3A_1770 = arith.constant 9 : i32
      %dma_start3A_1771 = arith.constant 0 : i32
      %dma_start3A_1772 = arith.constant 0 : i32
      %dma_start3A_1773 = tpu.memref_slice %arg7[%dma_start3A_1770, %dma_start3A_1771, %dma_start3A_1772] : memref<32x50x32xf32, #tpu.memory_space<vmem>> -> memref<1x50x32xf32, #tpu.memory_space<vmem>>
      %dma_start3A_1774 = tpu.memref_squeeze %dma_start3A_1773 : memref<1x50x32xf32, #tpu.memory_space<vmem>> -> memref<50x32xf32, #tpu.memory_space<vmem>>
      %dma_start3A_1775 = arith.constant 0 : i32
      %dma_start3A_1776 = tpu.memref_slice %arg5[%dma_start3A_1769, %dma_start3A_1775] : memref<32x50xi32, #tpu.memory_space<vmem>> -> memref<1x50xi32, #tpu.memory_space<vmem>>
      %dma_start3A_1777 = tpu.memref_squeeze %dma_start3A_1776 : memref<1x50xi32, #tpu.memory_space<vmem>> -> memref<50xi32, #tpu.memory_space<vmem>>
      %dma_start3A_1778 = arith.constant 0 : i32
      %dma_start3A_1779 = arith.constant 0 : i32
      %dma_start3A_1780 = tpu.memref_slice %arg2[%dma_start3A_1778, %dma_start3A_1779] : memref<1000000x32xf32, #tpu.memory_space<hbm>> -> memref<1000000x32xf32, #tpu.memory_space<hbm>>
      tpu.enqueue_indirect_dma source(%dma_start3A_1780 : memref<1000000x32xf32, #tpu.memory_space<hbm>>) target(%dma_start3A_1774 : memref<50x32xf32, #tpu.memory_space<vmem>>) offsets(%dma_start3A_1777 : memref<50xi32, #tpu.memory_space<vmem>>) semaphore(%arg11 : memref<!tpu.dma_semaphore, #tpu.memory_space<semaphore_mem>>)
      %dma_start3A_1781 = arith.constant 10 : i32
      %dma_start3A_1782 = arith.constant 10 : i32
      %dma_start3A_1783 = arith.constant 0 : i32
      %dma_start3A_1784 = arith.constant 0 : i32
      %dma_start3A_1785 = tpu.memref_slice %arg7[%dma_start3A_1782, %dma_start3A_1783, %dma_start3A_1784] : memref<32x50x32xf32, #tpu.memory_space<vmem>> -> memref<1x50x32xf32, #tpu.memory_space<vmem>>
      %dma_start3A_1786 = tpu.memref_squeeze %dma_start3A_1785 : memref<1x50x32xf32, #tpu.memory_space<vmem>> -> memref<50x32xf32, #tpu.memory_space<vmem>>
      %dma_start3A_1787 = arith.constant 0 : i32
      %dma_start3A_1788 = tpu.memref_slice %arg5[%dma_start3A_1781, %dma_start3A_1787] : memref<32x50xi32, #tpu.memory_space<vmem>> -> memref<1x50xi32, #tpu.memory_space<vmem>>
      %dma_start3A_1789 = tpu.memref_squeeze %dma_start3A_1788 : memref<1x50xi32, #tpu.memory_space<vmem>> -> memref<50xi32, #tpu.memory_space<vmem>>
      %dma_start3A_1790 = arith.constant 0 : i32
      %dma_start3A_1791 = arith.constant 0 : i32
      %dma_start3A_1792 = tpu.memref_slice %arg2[%dma_start3A_1790, %dma_start3A_1791] : memref<1000000x32xf32, #tpu.memory_space<hbm>> -> memref<1000000x32xf32, #tpu.memory_space<hbm>>
      tpu.enqueue_indirect_dma source(%dma_start3A_1792 : memref<1000000x32xf32, #tpu.memory_space<hbm>>) target(%dma_start3A_1786 : memref<50x32xf32, #tpu.memory_space<vmem>>) offsets(%dma_start3A_1789 : memref<50xi32, #tpu.memory_space<vmem>>) semaphore(%arg11 : memref<!tpu.dma_semaphore, #tpu.memory_space<semaphore_mem>>)
      %dma_start3A_1793 = arith.constant 11 : i32
      %dma_start3A_1794 = arith.constant 11 : i32
      %dma_start3A_1795 = arith.constant 0 : i32
      %dma_start3A_1796 = arith.constant 0 : i32
      %dma_start3A_1797 = tpu.memref_slice %arg7[%dma_start3A_1794, %dma_start3A_1795, %dma_start3A_1796] : memref<32x50x32xf32, #tpu.memory_space<vmem>> -> memref<1x50x32xf32, #tpu.memory_space<vmem>>
      %dma_start3A_1798 = tpu.memref_squeeze %dma_start3A_1797 : memref<1x50x32xf32, #tpu.memory_space<vmem>> -> memref<50x32xf32, #tpu.memory_space<vmem>>
      %dma_start3A_1799 = arith.constant 0 : i32
      %dma_start3A_1800 = tpu.memref_slice %arg5[%dma_start3A_1793, %dma_start3A_1799] : memref<32x50xi32, #tpu.memory_space<vmem>> -> memref<1x50xi32, #tpu.memory_space<vmem>>
      %dma_start3A_1801 = tpu.memref_squeeze %dma_start3A_1800 : memref<1x50xi32, #tpu.memory_space<vmem>> -> memref<50xi32, #tpu.memory_space<vmem>>
      %dma_start3A_1802 = arith.constant 0 : i32
      %dma_start3A_1803 = arith.constant 0 : i32
      %dma_start3A_1804 = tpu.memref_slice %arg2[%dma_start3A_1802, %dma_start3A_1803] : memref<1000000x32xf32, #tpu.memory_space<hbm>> -> memref<1000000x32xf32, #tpu.memory_space<hbm>>
      tpu.enqueue_indirect_dma source(%dma_start3A_1804 : memref<1000000x32xf32, #tpu.memory_space<hbm>>) target(%dma_start3A_1798 : memref<50x32xf32, #tpu.memory_space<vmem>>) offsets(%dma_start3A_1801 : memref<50xi32, #tpu.memory_space<vmem>>) semaphore(%arg11 : memref<!tpu.dma_semaphore, #tpu.memory_space<semaphore_mem>>)
      %dma_start3A_1805 = arith.constant 12 : i32
      %dma_start3A_1806 = arith.constant 12 : i32
      %dma_start3A_1807 = arith.constant 0 : i32
      %dma_start3A_1808 = arith.constant 0 : i32
      %dma_start3A_1809 = tpu.memref_slice %arg7[%dma_start3A_1806, %dma_start3A_1807, %dma_start3A_1808] : memref<32x50x32xf32, #tpu.memory_space<vmem>> -> memref<1x50x32xf32, #tpu.memory_space<vmem>>
      %dma_start3A_1810 = tpu.memref_squeeze %dma_start3A_1809 : memref<1x50x32xf32, #tpu.memory_space<vmem>> -> memref<50x32xf32, #tpu.memory_space<vmem>>
      %dma_start3A_1811 = arith.constant 0 : i32
      %dma_start3A_1812 = tpu.memref_slice %arg5[%dma_start3A_1805, %dma_start3A_1811] : memref<32x50xi32, #tpu.memory_space<vmem>> -> memref<1x50xi32, #tpu.memory_space<vmem>>
      %dma_start3A_1813 = tpu.memref_squeeze %dma_start3A_1812 : memref<1x50xi32, #tpu.memory_space<vmem>> -> memref<50xi32, #tpu.memory_space<vmem>>
      %dma_start3A_1814 = arith.constant 0 : i32
      %dma_start3A_1815 = arith.constant 0 : i32
      %dma_start3A_1816 = tpu.memref_slice %arg2[%dma_start3A_1814, %dma_start3A_1815] : memref<1000000x32xf32, #tpu.memory_space<hbm>> -> memref<1000000x32xf32, #tpu.memory_space<hbm>>
      tpu.enqueue_indirect_dma source(%dma_start3A_1816 : memref<1000000x32xf32, #tpu.memory_space<hbm>>) target(%dma_start3A_1810 : memref<50x32xf32, #tpu.memory_space<vmem>>) offsets(%dma_start3A_1813 : memref<50xi32, #tpu.memory_space<vmem>>) semaphore(%arg11 : memref<!tpu.dma_semaphore, #tpu.memory_space<semaphore_mem>>)
      %dma_start3A_1817 = arith.constant 13 : i32
      %dma_start3A_1818 = arith.constant 13 : i32
      %dma_start3A_1819 = arith.constant 0 : i32
      %dma_start3A_1820 = arith.constant 0 : i32
      %dma_start3A_1821 = tpu.memref_slice %arg7[%dma_start3A_1818, %dma_start3A_1819, %dma_start3A_1820] : memref<32x50x32xf32, #tpu.memory_space<vmem>> -> memref<1x50x32xf32, #tpu.memory_space<vmem>>
      %dma_start3A_1822 = tpu.memref_squeeze %dma_start3A_1821 : memref<1x50x32xf32, #tpu.memory_space<vmem>> -> memref<50x32xf32, #tpu.memory_space<vmem>>
      %dma_start3A_1823 = arith.constant 0 : i32
      %dma_start3A_1824 = tpu.memref_slice %arg5[%dma_start3A_1817, %dma_start3A_1823] : memref<32x50xi32, #tpu.memory_space<vmem>> -> memref<1x50xi32, #tpu.memory_space<vmem>>
      %dma_start3A_1825 = tpu.memref_squeeze %dma_start3A_1824 : memref<1x50xi32, #tpu.memory_space<vmem>> -> memref<50xi32, #tpu.memory_space<vmem>>
      %dma_start3A_1826 = arith.constant 0 : i32
      %dma_start3A_1827 = arith.constant 0 : i32
      %dma_start3A_1828 = tpu.memref_slice %arg2[%dma_start3A_1826, %dma_start3A_1827] : memref<1000000x32xf32, #tpu.memory_space<hbm>> -> memref<1000000x32xf32, #tpu.memory_space<hbm>>
      tpu.enqueue_indirect_dma source(%dma_start3A_1828 : memref<1000000x32xf32, #tpu.memory_space<hbm>>) target(%dma_start3A_1822 : memref<50x32xf32, #tpu.memory_space<vmem>>) offsets(%dma_start3A_1825 : memref<50xi32, #tpu.memory_space<vmem>>) semaphore(%arg11 : memref<!tpu.dma_semaphore, #tpu.memory_space<semaphore_mem>>)
      %dma_start3A_1829 = arith.constant 14 : i32
      %dma_start3A_1830 = arith.constant 14 : i32
      %dma_start3A_1831 = arith.constant 0 : i32
      %dma_start3A_1832 = arith.constant 0 : i32
      %dma_start3A_1833 = tpu.memref_slice %arg7[%dma_start3A_1830, %dma_start3A_1831, %dma_start3A_1832] : memref<32x50x32xf32, #tpu.memory_space<vmem>> -> memref<1x50x32xf32, #tpu.memory_space<vmem>>
      %dma_start3A_1834 = tpu.memref_squeeze %dma_start3A_1833 : memref<1x50x32xf32, #tpu.memory_space<vmem>> -> memref<50x32xf32, #tpu.memory_space<vmem>>
      %dma_start3A_1835 = arith.constant 0 : i32
      %dma_start3A_1836 = tpu.memref_slice %arg5[%dma_start3A_1829, %dma_start3A_1835] : memref<32x50xi32, #tpu.memory_space<vmem>> -> memref<1x50xi32, #tpu.memory_space<vmem>>
      %dma_start3A_1837 = tpu.memref_squeeze %dma_start3A_1836 : memref<1x50xi32, #tpu.memory_space<vmem>> -> memref<50xi32, #tpu.memory_space<vmem>>
      %dma_start3A_1838 = arith.constant 0 : i32
      %dma_start3A_1839 = arith.constant 0 : i32
      %dma_start3A_1840 = tpu.memref_slice %arg2[%dma_start3A_1838, %dma_start3A_1839] : memref<1000000x32xf32, #tpu.memory_space<hbm>> -> memref<1000000x32xf32, #tpu.memory_space<hbm>>
      tpu.enqueue_indirect_dma source(%dma_start3A_1840 : memref<1000000x32xf32, #tpu.memory_space<hbm>>) target(%dma_start3A_1834 : memref<50x32xf32, #tpu.memory_space<vmem>>) offsets(%dma_start3A_1837 : memref<50xi32, #tpu.memory_space<vmem>>) semaphore(%arg11 : memref<!tpu.dma_semaphore, #tpu.memory_space<semaphore_mem>>)
      %dma_start3A_1841 = arith.constant 15 : i32
      %dma_start3A_1842 = arith.constant 15 : i32
      %dma_start3A_1843 = arith.constant 0 : i32
      %dma_start3A_1844 = arith.constant 0 : i32
      %dma_start3A_1845 = tpu.memref_slice %arg7[%dma_start3A_1842, %dma_start3A_1843, %dma_start3A_1844] : memref<32x50x32xf32, #tpu.memory_space<vmem>> -> memref<1x50x32xf32, #tpu.memory_space<vmem>>
      %dma_start3A_1846 = tpu.memref_squeeze %dma_start3A_1845 : memref<1x50x32xf32, #tpu.memory_space<vmem>> -> memref<50x32xf32, #tpu.memory_space<vmem>>
      %dma_start3A_1847 = arith.constant 0 : i32
      %dma_start3A_1848 = tpu.memref_slice %arg5[%dma_start3A_1841, %dma_start3A_1847] : memref<32x50xi32, #tpu.memory_space<vmem>> -> memref<1x50xi32, #tpu.memory_space<vmem>>
      %dma_start3A_1849 = tpu.memref_squeeze %dma_start3A_1848 : memref<1x50xi32, #tpu.memory_space<vmem>> -> memref<50xi32, #tpu.memory_space<vmem>>
      %dma_start3A_1850 = arith.constant 0 : i32
      %dma_start3A_1851 = arith.constant 0 : i32
      %dma_start3A_1852 = tpu.memref_slice %arg2[%dma_start3A_1850, %dma_start3A_1851] : memref<1000000x32xf32, #tpu.memory_space<hbm>> -> memref<1000000x32xf32, #tpu.memory_space<hbm>>
      tpu.enqueue_indirect_dma source(%dma_start3A_1852 : memref<1000000x32xf32, #tpu.memory_space<hbm>>) target(%dma_start3A_1846 : memref<50x32xf32, #tpu.memory_space<vmem>>) offsets(%dma_start3A_1849 : memref<50xi32, #tpu.memory_space<vmem>>) semaphore(%arg11 : memref<!tpu.dma_semaphore, #tpu.memory_space<semaphore_mem>>)
      %dma_start3A_1853 = arith.constant 16 : i32
      %dma_start3A_1854 = arith.constant 16 : i32
      %dma_start3A_1855 = arith.constant 0 : i32
      %dma_start3A_1856 = arith.constant 0 : i32
      %dma_start3A_1857 = tpu.memref_slice %arg7[%dma_start3A_1854, %dma_start3A_1855, %dma_start3A_1856] : memref<32x50x32xf32, #tpu.memory_space<vmem>> -> memref<1x50x32xf32, #tpu.memory_space<vmem>>
      %dma_start3A_1858 = tpu.memref_squeeze %dma_start3A_1857 : memref<1x50x32xf32, #tpu.memory_space<vmem>> -> memref<50x32xf32, #tpu.memory_space<vmem>>
      %dma_start3A_1859 = arith.constant 0 : i32
      %dma_start3A_1860 = tpu.memref_slice %arg5[%dma_start3A_1853, %dma_start3A_1859] : memref<32x50xi32, #tpu.memory_space<vmem>> -> memref<1x50xi32, #tpu.memory_space<vmem>>
      %dma_start3A_1861 = tpu.memref_squeeze %dma_start3A_1860 : memref<1x50xi32, #tpu.memory_space<vmem>> -> memref<50xi32, #tpu.memory_space<vmem>>
      %dma_start3A_1862 = arith.constant 0 : i32
      %dma_start3A_1863 = arith.constant 0 : i32
      %dma_start3A_1864 = tpu.memref_slice %arg2[%dma_start3A_1862, %dma_start3A_1863] : memref<1000000x32xf32, #tpu.memory_space<hbm>> -> memref<1000000x32xf32, #tpu.memory_space<hbm>>
      tpu.enqueue_indirect_dma source(%dma_start3A_1864 : memref<1000000x32xf32, #tpu.memory_space<hbm>>) target(%dma_start3A_1858 : memref<50x32xf32, #tpu.memory_space<vmem>>) offsets(%dma_start3A_1861 : memref<50xi32, #tpu.memory_space<vmem>>) semaphore(%arg11 : memref<!tpu.dma_semaphore, #tpu.memory_space<semaphore_mem>>)
      %dma_start3A_1865 = arith.constant 17 : i32
      %dma_start3A_1866 = arith.constant 17 : i32
      %dma_start3A_1867 = arith.constant 0 : i32
      %dma_start3A_1868 = arith.constant 0 : i32
      %dma_start3A_1869 = tpu.memref_slice %arg7[%dma_start3A_1866, %dma_start3A_1867, %dma_start3A_1868] : memref<32x50x32xf32, #tpu.memory_space<vmem>> -> memref<1x50x32xf32, #tpu.memory_space<vmem>>
      %dma_start3A_1870 = tpu.memref_squeeze %dma_start3A_1869 : memref<1x50x32xf32, #tpu.memory_space<vmem>> -> memref<50x32xf32, #tpu.memory_space<vmem>>
      %dma_start3A_1871 = arith.constant 0 : i32
      %dma_start3A_1872 = tpu.memref_slice %arg5[%dma_start3A_1865, %dma_start3A_1871] : memref<32x50xi32, #tpu.memory_space<vmem>> -> memref<1x50xi32, #tpu.memory_space<vmem>>
      %dma_start3A_1873 = tpu.memref_squeeze %dma_start3A_1872 : memref<1x50xi32, #tpu.memory_space<vmem>> -> memref<50xi32, #tpu.memory_space<vmem>>
      %dma_start3A_1874 = arith.constant 0 : i32
      %dma_start3A_1875 = arith.constant 0 : i32
      %dma_start3A_1876 = tpu.memref_slice %arg2[%dma_start3A_1874, %dma_start3A_1875] : memref<1000000x32xf32, #tpu.memory_space<hbm>> -> memref<1000000x32xf32, #tpu.memory_space<hbm>>
      tpu.enqueue_indirect_dma source(%dma_start3A_1876 : memref<1000000x32xf32, #tpu.memory_space<hbm>>) target(%dma_start3A_1870 : memref<50x32xf32, #tpu.memory_space<vmem>>) offsets(%dma_start3A_1873 : memref<50xi32, #tpu.memory_space<vmem>>) semaphore(%arg11 : memref<!tpu.dma_semaphore, #tpu.memory_space<semaphore_mem>>)
      %dma_start3A_1877 = arith.constant 18 : i32
      %dma_start3A_1878 = arith.constant 18 : i32
      %dma_start3A_1879 = arith.constant 0 : i32
      %dma_start3A_1880 = arith.constant 0 : i32
      %dma_start3A_1881 = tpu.memref_slice %arg7[%dma_start3A_1878, %dma_start3A_1879, %dma_start3A_1880] : memref<32x50x32xf32, #tpu.memory_space<vmem>> -> memref<1x50x32xf32, #tpu.memory_space<vmem>>
      %dma_start3A_1882 = tpu.memref_squeeze %dma_start3A_1881 : memref<1x50x32xf32, #tpu.memory_space<vmem>> -> memref<50x32xf32, #tpu.memory_space<vmem>>
      %dma_start3A_1883 = arith.constant 0 : i32
      %dma_start3A_1884 = tpu.memref_slice %arg5[%dma_start3A_1877, %dma_start3A_1883] : memref<32x50xi32, #tpu.memory_space<vmem>> -> memref<1x50xi32, #tpu.memory_space<vmem>>
      %dma_start3A_1885 = tpu.memref_squeeze %dma_start3A_1884 : memref<1x50xi32, #tpu.memory_space<vmem>> -> memref<50xi32, #tpu.memory_space<vmem>>
      %dma_start3A_1886 = arith.constant 0 : i32
      %dma_start3A_1887 = arith.constant 0 : i32
      %dma_start3A_1888 = tpu.memref_slice %arg2[%dma_start3A_1886, %dma_start3A_1887] : memref<1000000x32xf32, #tpu.memory_space<hbm>> -> memref<1000000x32xf32, #tpu.memory_space<hbm>>
      tpu.enqueue_indirect_dma source(%dma_start3A_1888 : memref<1000000x32xf32, #tpu.memory_space<hbm>>) target(%dma_start3A_1882 : memref<50x32xf32, #tpu.memory_space<vmem>>) offsets(%dma_start3A_1885 : memref<50xi32, #tpu.memory_space<vmem>>) semaphore(%arg11 : memref<!tpu.dma_semaphore, #tpu.memory_space<semaphore_mem>>)
      %dma_start3A_1889 = arith.constant 19 : i32
      %dma_start3A_1890 = arith.constant 19 : i32
      %dma_start3A_1891 = arith.constant 0 : i32
      %dma_start3A_1892 = arith.constant 0 : i32
      %dma_start3A_1893 = tpu.memref_slice %arg7[%dma_start3A_1890, %dma_start3A_1891, %dma_start3A_1892] : memref<32x50x32xf32, #tpu.memory_space<vmem>> -> memref<1x50x32xf32, #tpu.memory_space<vmem>>
      %dma_start3A_1894 = tpu.memref_squeeze %dma_start3A_1893 : memref<1x50x32xf32, #tpu.memory_space<vmem>> -> memref<50x32xf32, #tpu.memory_space<vmem>>
      %dma_start3A_1895 = arith.constant 0 : i32
      %dma_start3A_1896 = tpu.memref_slice %arg5[%dma_start3A_1889, %dma_start3A_1895] : memref<32x50xi32, #tpu.memory_space<vmem>> -> memref<1x50xi32, #tpu.memory_space<vmem>>
      %dma_start3A_1897 = tpu.memref_squeeze %dma_start3A_1896 : memref<1x50xi32, #tpu.memory_space<vmem>> -> memref<50xi32, #tpu.memory_space<vmem>>
      %dma_start3A_1898 = arith.constant 0 : i32
      %dma_start3A_1899 = arith.constant 0 : i32
      %dma_start3A_1900 = tpu.memref_slice %arg2[%dma_start3A_1898, %dma_start3A_1899] : memref<1000000x32xf32, #tpu.memory_space<hbm>> -> memref<1000000x32xf32, #tpu.memory_space<hbm>>
      tpu.enqueue_indirect_dma source(%dma_start3A_1900 : memref<1000000x32xf32, #tpu.memory_space<hbm>>) target(%dma_start3A_1894 : memref<50x32xf32, #tpu.memory_space<vmem>>) offsets(%dma_start3A_1897 : memref<50xi32, #tpu.memory_space<vmem>>) semaphore(%arg11 : memref<!tpu.dma_semaphore, #tpu.memory_space<semaphore_mem>>)
      %dma_start3A_1901 = arith.constant 20 : i32
      %dma_start3A_1902 = arith.constant 20 : i32
      %dma_start3A_1903 = arith.constant 0 : i32
      %dma_start3A_1904 = arith.constant 0 : i32
      %dma_start3A_1905 = tpu.memref_slice %arg7[%dma_start3A_1902, %dma_start3A_1903, %dma_start3A_1904] : memref<32x50x32xf32, #tpu.memory_space<vmem>> -> memref<1x50x32xf32, #tpu.memory_space<vmem>>
      %dma_start3A_1906 = tpu.memref_squeeze %dma_start3A_1905 : memref<1x50x32xf32, #tpu.memory_space<vmem>> -> memref<50x32xf32, #tpu.memory_space<vmem>>
      %dma_start3A_1907 = arith.constant 0 : i32
      %dma_start3A_1908 = tpu.memref_slice %arg5[%dma_start3A_1901, %dma_start3A_1907] : memref<32x50xi32, #tpu.memory_space<vmem>> -> memref<1x50xi32, #tpu.memory_space<vmem>>
      %dma_start3A_1909 = tpu.memref_squeeze %dma_start3A_1908 : memref<1x50xi32, #tpu.memory_space<vmem>> -> memref<50xi32, #tpu.memory_space<vmem>>
      %dma_start3A_1910 = arith.constant 0 : i32
      %dma_start3A_1911 = arith.constant 0 : i32
      %dma_start3A_1912 = tpu.memref_slice %arg2[%dma_start3A_1910, %dma_start3A_1911] : memref<1000000x32xf32, #tpu.memory_space<hbm>> -> memref<1000000x32xf32, #tpu.memory_space<hbm>>
      tpu.enqueue_indirect_dma source(%dma_start3A_1912 : memref<1000000x32xf32, #tpu.memory_space<hbm>>) target(%dma_start3A_1906 : memref<50x32xf32, #tpu.memory_space<vmem>>) offsets(%dma_start3A_1909 : memref<50xi32, #tpu.memory_space<vmem>>) semaphore(%arg11 : memref<!tpu.dma_semaphore, #tpu.memory_space<semaphore_mem>>)
      %dma_start3A_1913 = arith.constant 21 : i32
      %dma_start3A_1914 = arith.constant 21 : i32
      %dma_start3A_1915 = arith.constant 0 : i32
      %dma_start3A_1916 = arith.constant 0 : i32
      %dma_start3A_1917 = tpu.memref_slice %arg7[%dma_start3A_1914, %dma_start3A_1915, %dma_start3A_1916] : memref<32x50x32xf32, #tpu.memory_space<vmem>> -> memref<1x50x32xf32, #tpu.memory_space<vmem>>
      %dma_start3A_1918 = tpu.memref_squeeze %dma_start3A_1917 : memref<1x50x32xf32, #tpu.memory_space<vmem>> -> memref<50x32xf32, #tpu.memory_space<vmem>>
      %dma_start3A_1919 = arith.constant 0 : i32
      %dma_start3A_1920 = tpu.memref_slice %arg5[%dma_start3A_1913, %dma_start3A_1919] : memref<32x50xi32, #tpu.memory_space<vmem>> -> memref<1x50xi32, #tpu.memory_space<vmem>>
      %dma_start3A_1921 = tpu.memref_squeeze %dma_start3A_1920 : memref<1x50xi32, #tpu.memory_space<vmem>> -> memref<50xi32, #tpu.memory_space<vmem>>
      %dma_start3A_1922 = arith.constant 0 : i32
      %dma_start3A_1923 = arith.constant 0 : i32
      %dma_start3A_1924 = tpu.memref_slice %arg2[%dma_start3A_1922, %dma_start3A_1923] : memref<1000000x32xf32, #tpu.memory_space<hbm>> -> memref<1000000x32xf32, #tpu.memory_space<hbm>>
      tpu.enqueue_indirect_dma source(%dma_start3A_1924 : memref<1000000x32xf32, #tpu.memory_space<hbm>>) target(%dma_start3A_1918 : memref<50x32xf32, #tpu.memory_space<vmem>>) offsets(%dma_start3A_1921 : memref<50xi32, #tpu.memory_space<vmem>>) semaphore(%arg11 : memref<!tpu.dma_semaphore, #tpu.memory_space<semaphore_mem>>)
      %dma_start3A_1925 = arith.constant 22 : i32
      %dma_start3A_1926 = arith.constant 22 : i32
      %dma_start3A_1927 = arith.constant 0 : i32
      %dma_start3A_1928 = arith.constant 0 : i32
      %dma_start3A_1929 = tpu.memref_slice %arg7[%dma_start3A_1926, %dma_start3A_1927, %dma_start3A_1928] : memref<32x50x32xf32, #tpu.memory_space<vmem>> -> memref<1x50x32xf32, #tpu.memory_space<vmem>>
      %dma_start3A_1930 = tpu.memref_squeeze %dma_start3A_1929 : memref<1x50x32xf32, #tpu.memory_space<vmem>> -> memref<50x32xf32, #tpu.memory_space<vmem>>
      %dma_start3A_1931 = arith.constant 0 : i32
      %dma_start3A_1932 = tpu.memref_slice %arg5[%dma_start3A_1925, %dma_start3A_1931] : memref<32x50xi32, #tpu.memory_space<vmem>> -> memref<1x50xi32, #tpu.memory_space<vmem>>
      %dma_start3A_1933 = tpu.memref_squeeze %dma_start3A_1932 : memref<1x50xi32, #tpu.memory_space<vmem>> -> memref<50xi32, #tpu.memory_space<vmem>>
      %dma_start3A_1934 = arith.constant 0 : i32
      %dma_start3A_1935 = arith.constant 0 : i32
      %dma_start3A_1936 = tpu.memref_slice %arg2[%dma_start3A_1934, %dma_start3A_1935] : memref<1000000x32xf32, #tpu.memory_space<hbm>> -> memref<1000000x32xf32, #tpu.memory_space<hbm>>
      tpu.enqueue_indirect_dma source(%dma_start3A_1936 : memref<1000000x32xf32, #tpu.memory_space<hbm>>) target(%dma_start3A_1930 : memref<50x32xf32, #tpu.memory_space<vmem>>) offsets(%dma_start3A_1933 : memref<50xi32, #tpu.memory_space<vmem>>) semaphore(%arg11 : memref<!tpu.dma_semaphore, #tpu.memory_space<semaphore_mem>>)
      %dma_start3A_1937 = arith.constant 23 : i32
      %dma_start3A_1938 = arith.constant 23 : i32
      %dma_start3A_1939 = arith.constant 0 : i32
      %dma_start3A_1940 = arith.constant 0 : i32
      %dma_start3A_1941 = tpu.memref_slice %arg7[%dma_start3A_1938, %dma_start3A_1939, %dma_start3A_1940] : memref<32x50x32xf32, #tpu.memory_space<vmem>> -> memref<1x50x32xf32, #tpu.memory_space<vmem>>
      %dma_start3A_1942 = tpu.memref_squeeze %dma_start3A_1941 : memref<1x50x32xf32, #tpu.memory_space<vmem>> -> memref<50x32xf32, #tpu.memory_space<vmem>>
      %dma_start3A_1943 = arith.constant 0 : i32
      %dma_start3A_1944 = tpu.memref_slice %arg5[%dma_start3A_1937, %dma_start3A_1943] : memref<32x50xi32, #tpu.memory_space<vmem>> -> memref<1x50xi32, #tpu.memory_space<vmem>>
      %dma_start3A_1945 = tpu.memref_squeeze %dma_start3A_1944 : memref<1x50xi32, #tpu.memory_space<vmem>> -> memref<50xi32, #tpu.memory_space<vmem>>
      %dma_start3A_1946 = arith.constant 0 : i32
      %dma_start3A_1947 = arith.constant 0 : i32
      %dma_start3A_1948 = tpu.memref_slice %arg2[%dma_start3A_1946, %dma_start3A_1947] : memref<1000000x32xf32, #tpu.memory_space<hbm>> -> memref<1000000x32xf32, #tpu.memory_space<hbm>>
      tpu.enqueue_indirect_dma source(%dma_start3A_1948 : memref<1000000x32xf32, #tpu.memory_space<hbm>>) target(%dma_start3A_1942 : memref<50x32xf32, #tpu.memory_space<vmem>>) offsets(%dma_start3A_1945 : memref<50xi32, #tpu.memory_space<vmem>>) semaphore(%arg11 : memref<!tpu.dma_semaphore, #tpu.memory_space<semaphore_mem>>)
      %dma_start3A_1949 = arith.constant 24 : i32
      %dma_start3A_1950 = arith.constant 24 : i32
      %dma_start3A_1951 = arith.constant 0 : i32
      %dma_start3A_1952 = arith.constant 0 : i32
      %dma_start3A_1953 = tpu.memref_slice %arg7[%dma_start3A_1950, %dma_start3A_1951, %dma_start3A_1952] : memref<32x50x32xf32, #tpu.memory_space<vmem>> -> memref<1x50x32xf32, #tpu.memory_space<vmem>>
      %dma_start3A_1954 = tpu.memref_squeeze %dma_start3A_1953 : memref<1x50x32xf32, #tpu.memory_space<vmem>> -> memref<50x32xf32, #tpu.memory_space<vmem>>
      %dma_start3A_1955 = arith.constant 0 : i32
      %dma_start3A_1956 = tpu.memref_slice %arg5[%dma_start3A_1949, %dma_start3A_1955] : memref<32x50xi32, #tpu.memory_space<vmem>> -> memref<1x50xi32, #tpu.memory_space<vmem>>
      %dma_start3A_1957 = tpu.memref_squeeze %dma_start3A_1956 : memref<1x50xi32, #tpu.memory_space<vmem>> -> memref<50xi32, #tpu.memory_space<vmem>>
      %dma_start3A_1958 = arith.constant 0 : i32
      %dma_start3A_1959 = arith.constant 0 : i32
      %dma_start3A_1960 = tpu.memref_slice %arg2[%dma_start3A_1958, %dma_start3A_1959] : memref<1000000x32xf32, #tpu.memory_space<hbm>> -> memref<1000000x32xf32, #tpu.memory_space<hbm>>
      tpu.enqueue_indirect_dma source(%dma_start3A_1960 : memref<1000000x32xf32, #tpu.memory_space<hbm>>) target(%dma_start3A_1954 : memref<50x32xf32, #tpu.memory_space<vmem>>) offsets(%dma_start3A_1957 : memref<50xi32, #tpu.memory_space<vmem>>) semaphore(%arg11 : memref<!tpu.dma_semaphore, #tpu.memory_space<semaphore_mem>>)
      %dma_start3A_1961 = arith.constant 25 : i32
      %dma_start3A_1962 = arith.constant 25 : i32
      %dma_start3A_1963 = arith.constant 0 : i32
      %dma_start3A_1964 = arith.constant 0 : i32
      %dma_start3A_1965 = tpu.memref_slice %arg7[%dma_start3A_1962, %dma_start3A_1963, %dma_start3A_1964] : memref<32x50x32xf32, #tpu.memory_space<vmem>> -> memref<1x50x32xf32, #tpu.memory_space<vmem>>
      %dma_start3A_1966 = tpu.memref_squeeze %dma_start3A_1965 : memref<1x50x32xf32, #tpu.memory_space<vmem>> -> memref<50x32xf32, #tpu.memory_space<vmem>>
      %dma_start3A_1967 = arith.constant 0 : i32
      %dma_start3A_1968 = tpu.memref_slice %arg5[%dma_start3A_1961, %dma_start3A_1967] : memref<32x50xi32, #tpu.memory_space<vmem>> -> memref<1x50xi32, #tpu.memory_space<vmem>>
      %dma_start3A_1969 = tpu.memref_squeeze %dma_start3A_1968 : memref<1x50xi32, #tpu.memory_space<vmem>> -> memref<50xi32, #tpu.memory_space<vmem>>
      %dma_start3A_1970 = arith.constant 0 : i32
      %dma_start3A_1971 = arith.constant 0 : i32
      %dma_start3A_1972 = tpu.memref_slice %arg2[%dma_start3A_1970, %dma_start3A_1971] : memref<1000000x32xf32, #tpu.memory_space<hbm>> -> memref<1000000x32xf32, #tpu.memory_space<hbm>>
      tpu.enqueue_indirect_dma source(%dma_start3A_1972 : memref<1000000x32xf32, #tpu.memory_space<hbm>>) target(%dma_start3A_1966 : memref<50x32xf32, #tpu.memory_space<vmem>>) offsets(%dma_start3A_1969 : memref<50xi32, #tpu.memory_space<vmem>>) semaphore(%arg11 : memref<!tpu.dma_semaphore, #tpu.memory_space<semaphore_mem>>)
      %dma_start3A_1973 = arith.constant 26 : i32
      %dma_start3A_1974 = arith.constant 26 : i32
      %dma_start3A_1975 = arith.constant 0 : i32
      %dma_start3A_1976 = arith.constant 0 : i32
      %dma_start3A_1977 = tpu.memref_slice %arg7[%dma_start3A_1974, %dma_start3A_1975, %dma_start3A_1976] : memref<32x50x32xf32, #tpu.memory_space<vmem>> -> memref<1x50x32xf32, #tpu.memory_space<vmem>>
      %dma_start3A_1978 = tpu.memref_squeeze %dma_start3A_1977 : memref<1x50x32xf32, #tpu.memory_space<vmem>> -> memref<50x32xf32, #tpu.memory_space<vmem>>
      %dma_start3A_1979 = arith.constant 0 : i32
      %dma_start3A_1980 = tpu.memref_slice %arg5[%dma_start3A_1973, %dma_start3A_1979] : memref<32x50xi32, #tpu.memory_space<vmem>> -> memref<1x50xi32, #tpu.memory_space<vmem>>
      %dma_start3A_1981 = tpu.memref_squeeze %dma_start3A_1980 : memref<1x50xi32, #tpu.memory_space<vmem>> -> memref<50xi32, #tpu.memory_space<vmem>>
      %dma_start3A_1982 = arith.constant 0 : i32
      %dma_start3A_1983 = arith.constant 0 : i32
      %dma_start3A_1984 = tpu.memref_slice %arg2[%dma_start3A_1982, %dma_start3A_1983] : memref<1000000x32xf32, #tpu.memory_space<hbm>> -> memref<1000000x32xf32, #tpu.memory_space<hbm>>
      tpu.enqueue_indirect_dma source(%dma_start3A_1984 : memref<1000000x32xf32, #tpu.memory_space<hbm>>) target(%dma_start3A_1978 : memref<50x32xf32, #tpu.memory_space<vmem>>) offsets(%dma_start3A_1981 : memref<50xi32, #tpu.memory_space<vmem>>) semaphore(%arg11 : memref<!tpu.dma_semaphore, #tpu.memory_space<semaphore_mem>>)
      %dma_start3A_1985 = arith.constant 27 : i32
      %dma_start3A_1986 = arith.constant 27 : i32
      %dma_start3A_1987 = arith.constant 0 : i32
      %dma_start3A_1988 = arith.constant 0 : i32
      %dma_start3A_1989 = tpu.memref_slice %arg7[%dma_start3A_1986, %dma_start3A_1987, %dma_start3A_1988] : memref<32x50x32xf32, #tpu.memory_space<vmem>> -> memref<1x50x32xf32, #tpu.memory_space<vmem>>
      %dma_start3A_1990 = tpu.memref_squeeze %dma_start3A_1989 : memref<1x50x32xf32, #tpu.memory_space<vmem>> -> memref<50x32xf32, #tpu.memory_space<vmem>>
      %dma_start3A_1991 = arith.constant 0 : i32
      %dma_start3A_1992 = tpu.memref_slice %arg5[%dma_start3A_1985, %dma_start3A_1991] : memref<32x50xi32, #tpu.memory_space<vmem>> -> memref<1x50xi32, #tpu.memory_space<vmem>>
      %dma_start3A_1993 = tpu.memref_squeeze %dma_start3A_1992 : memref<1x50xi32, #tpu.memory_space<vmem>> -> memref<50xi32, #tpu.memory_space<vmem>>
      %dma_start3A_1994 = arith.constant 0 : i32
      %dma_start3A_1995 = arith.constant 0 : i32
      %dma_start3A_1996 = tpu.memref_slice %arg2[%dma_start3A_1994, %dma_start3A_1995] : memref<1000000x32xf32, #tpu.memory_space<hbm>> -> memref<1000000x32xf32, #tpu.memory_space<hbm>>
      tpu.enqueue_indirect_dma source(%dma_start3A_1996 : memref<1000000x32xf32, #tpu.memory_space<hbm>>) target(%dma_start3A_1990 : memref<50x32xf32, #tpu.memory_space<vmem>>) offsets(%dma_start3A_1993 : memref<50xi32, #tpu.memory_space<vmem>>) semaphore(%arg11 : memref<!tpu.dma_semaphore, #tpu.memory_space<semaphore_mem>>)
      %dma_start3A_1997 = arith.constant 28 : i32
      %dma_start3A_1998 = arith.constant 28 : i32
      %dma_start3A_1999 = arith.constant 0 : i32
      %dma_start3A_2000 = arith.constant 0 : i32
      %dma_start3A_2001 = tpu.memref_slice %arg7[%dma_start3A_1998, %dma_start3A_1999, %dma_start3A_2000] : memref<32x50x32xf32, #tpu.memory_space<vmem>> -> memref<1x50x32xf32, #tpu.memory_space<vmem>>
      %dma_start3A_2002 = tpu.memref_squeeze %dma_start3A_2001 : memref<1x50x32xf32, #tpu.memory_space<vmem>> -> memref<50x32xf32, #tpu.memory_space<vmem>>
      %dma_start3A_2003 = arith.constant 0 : i32
      %dma_start3A_2004 = tpu.memref_slice %arg5[%dma_start3A_1997, %dma_start3A_2003] : memref<32x50xi32, #tpu.memory_space<vmem>> -> memref<1x50xi32, #tpu.memory_space<vmem>>
      %dma_start3A_2005 = tpu.memref_squeeze %dma_start3A_2004 : memref<1x50xi32, #tpu.memory_space<vmem>> -> memref<50xi32, #tpu.memory_space<vmem>>
      %dma_start3A_2006 = arith.constant 0 : i32
      %dma_start3A_2007 = arith.constant 0 : i32
      %dma_start3A_2008 = tpu.memref_slice %arg2[%dma_start3A_2006, %dma_start3A_2007] : memref<1000000x32xf32, #tpu.memory_space<hbm>> -> memref<1000000x32xf32, #tpu.memory_space<hbm>>
      tpu.enqueue_indirect_dma source(%dma_start3A_2008 : memref<1000000x32xf32, #tpu.memory_space<hbm>>) target(%dma_start3A_2002 : memref<50x32xf32, #tpu.memory_space<vmem>>) offsets(%dma_start3A_2005 : memref<50xi32, #tpu.memory_space<vmem>>) semaphore(%arg11 : memref<!tpu.dma_semaphore, #tpu.memory_space<semaphore_mem>>)
      %dma_start3A_2009 = arith.constant 29 : i32
      %dma_start3A_2010 = arith.constant 29 : i32
      %dma_start3A_2011 = arith.constant 0 : i32
      %dma_start3A_2012 = arith.constant 0 : i32
      %dma_start3A_2013 = tpu.memref_slice %arg7[%dma_start3A_2010, %dma_start3A_2011, %dma_start3A_2012] : memref<32x50x32xf32, #tpu.memory_space<vmem>> -> memref<1x50x32xf32, #tpu.memory_space<vmem>>
      %dma_start3A_2014 = tpu.memref_squeeze %dma_start3A_2013 : memref<1x50x32xf32, #tpu.memory_space<vmem>> -> memref<50x32xf32, #tpu.memory_space<vmem>>
      %dma_start3A_2015 = arith.constant 0 : i32
      %dma_start3A_2016 = tpu.memref_slice %arg5[%dma_start3A_2009, %dma_start3A_2015] : memref<32x50xi32, #tpu.memory_space<vmem>> -> memref<1x50xi32, #tpu.memory_space<vmem>>
      %dma_start3A_2017 = tpu.memref_squeeze %dma_start3A_2016 : memref<1x50xi32, #tpu.memory_space<vmem>> -> memref<50xi32, #tpu.memory_space<vmem>>
      %dma_start3A_2018 = arith.constant 0 : i32
      %dma_start3A_2019 = arith.constant 0 : i32
      %dma_start3A_2020 = tpu.memref_slice %arg2[%dma_start3A_2018, %dma_start3A_2019] : memref<1000000x32xf32, #tpu.memory_space<hbm>> -> memref<1000000x32xf32, #tpu.memory_space<hbm>>
      tpu.enqueue_indirect_dma source(%dma_start3A_2020 : memref<1000000x32xf32, #tpu.memory_space<hbm>>) target(%dma_start3A_2014 : memref<50x32xf32, #tpu.memory_space<vmem>>) offsets(%dma_start3A_2017 : memref<50xi32, #tpu.memory_space<vmem>>) semaphore(%arg11 : memref<!tpu.dma_semaphore, #tpu.memory_space<semaphore_mem>>)
      %dma_start3A_2021 = arith.constant 30 : i32
      %dma_start3A_2022 = arith.constant 30 : i32
      %dma_start3A_2023 = arith.constant 0 : i32
      %dma_start3A_2024 = arith.constant 0 : i32
      %dma_start3A_2025 = tpu.memref_slice %arg7[%dma_start3A_2022, %dma_start3A_2023, %dma_start3A_2024] : memref<32x50x32xf32, #tpu.memory_space<vmem>> -> memref<1x50x32xf32, #tpu.memory_space<vmem>>
      %dma_start3A_2026 = tpu.memref_squeeze %dma_start3A_2025 : memref<1x50x32xf32, #tpu.memory_space<vmem>> -> memref<50x32xf32, #tpu.memory_space<vmem>>
      %dma_start3A_2027 = arith.constant 0 : i32
      %dma_start3A_2028 = tpu.memref_slice %arg5[%dma_start3A_2021, %dma_start3A_2027] : memref<32x50xi32, #tpu.memory_space<vmem>> -> memref<1x50xi32, #tpu.memory_space<vmem>>
      %dma_start3A_2029 = tpu.memref_squeeze %dma_start3A_2028 : memref<1x50xi32, #tpu.memory_space<vmem>> -> memref<50xi32, #tpu.memory_space<vmem>>
      %dma_start3A_2030 = arith.constant 0 : i32
      %dma_start3A_2031 = arith.constant 0 : i32
      %dma_start3A_2032 = tpu.memref_slice %arg2[%dma_start3A_2030, %dma_start3A_2031] : memref<1000000x32xf32, #tpu.memory_space<hbm>> -> memref<1000000x32xf32, #tpu.memory_space<hbm>>
      tpu.enqueue_indirect_dma source(%dma_start3A_2032 : memref<1000000x32xf32, #tpu.memory_space<hbm>>) target(%dma_start3A_2026 : memref<50x32xf32, #tpu.memory_space<vmem>>) offsets(%dma_start3A_2029 : memref<50xi32, #tpu.memory_space<vmem>>) semaphore(%arg11 : memref<!tpu.dma_semaphore, #tpu.memory_space<semaphore_mem>>)
      %dma_start3A_2033 = arith.constant 31 : i32
      %dma_start3A_2034 = arith.constant 31 : i32
      %dma_start3A_2035 = arith.constant 0 : i32
      %dma_start3A_2036 = arith.constant 0 : i32
      %dma_start3A_2037 = tpu.memref_slice %arg7[%dma_start3A_2034, %dma_start3A_2035, %dma_start3A_2036] : memref<32x50x32xf32, #tpu.memory_space<vmem>> -> memref<1x50x32xf32, #tpu.memory_space<vmem>>
      %dma_start3A_2038 = tpu.memref_squeeze %dma_start3A_2037 : memref<1x50x32xf32, #tpu.memory_space<vmem>> -> memref<50x32xf32, #tpu.memory_space<vmem>>
      %dma_start3A_2039 = arith.constant 0 : i32
      %dma_start3A_2040 = tpu.memref_slice %arg5[%dma_start3A_2033, %dma_start3A_2039] : memref<32x50xi32, #tpu.memory_space<vmem>> -> memref<1x50xi32, #tpu.memory_space<vmem>>
      %dma_start3A_2041 = tpu.memref_squeeze %dma_start3A_2040 : memref<1x50xi32, #tpu.memory_space<vmem>> -> memref<50xi32, #tpu.memory_space<vmem>>
      %dma_start3A_2042 = arith.constant 0 : i32
      %dma_start3A_2043 = arith.constant 0 : i32
      %dma_start3A_2044 = tpu.memref_slice %arg2[%dma_start3A_2042, %dma_start3A_2043] : memref<1000000x32xf32, #tpu.memory_space<hbm>> -> memref<1000000x32xf32, #tpu.memory_space<hbm>>
      tpu.enqueue_indirect_dma source(%dma_start3A_2044 : memref<1000000x32xf32, #tpu.memory_space<hbm>>) target(%dma_start3A_2038 : memref<50x32xf32, #tpu.memory_space<vmem>>) offsets(%dma_start3A_2041 : memref<50xi32, #tpu.memory_space<vmem>>) semaphore(%arg11 : memref<!tpu.dma_semaphore, #tpu.memory_space<semaphore_mem>>)
      %mul3A_2045 = arith.constant 2 : i32
      %mul3A_2046 = arith.muli %scan3A_1637, %mul3A_2045 : i32
      %add3A_2047 = arith.constant 1 : i32
      %add3A_2048 = arith.addi %mul3A_2046, %add3A_2047 : i32
      %sub3A_2049 = arith.constant 2 : i32
      %sub3A_2050 = arith.subi %add3A_2048, %sub3A_2049 : i32
      %mul3A_2051 = arith.constant 32 : i32
      %mul3A_2052 = arith.muli %sub3A_2050, %mul3A_2051 : i32
      %add3A_2053 = arith.addi %mul3A_2, %mul3A_2052 : i32
      %dma_wait3A_2054 = arith.constant 0 : i32
      %dma_wait3A_2055 = arith.constant 0 : i32
      %dma_wait3A_2056 = tpu.memref_slice %arg4[%add3A_2053, %dma_wait3A_2054, %dma_wait3A_2055] : memref<16384x50x32xf32, #tpu.memory_space<hbm>> -> memref<32x50x32xf32, #tpu.memory_space<hbm>>
      %dma_wait3A_2057 = arith.constant 0 : i32
      %dma_wait3A_2058 = arith.constant 0 : i32
      %dma_wait3A_2059 = tpu.memref_slice %arg4[%add3A_2053, %dma_wait3A_2057, %dma_wait3A_2058] : memref<16384x50x32xf32, #tpu.memory_space<hbm>> -> memref<32x50x32xf32, #tpu.memory_space<hbm>>
      tpu.wait_dma2 semaphore(%arg14 : memref<!tpu.dma_semaphore, #tpu.memory_space<semaphore_mem>>) src(%arg8 : memref<32x50x32xf32, #tpu.memory_space<vmem>>) dst(%dma_wait3A_2059 : memref<32x50x32xf32, #tpu.memory_space<hbm>>)
      %mul3A_2060 = arith.constant 32 : i32
      %mul3A_2061 = arith.muli %add3A_2048, %mul3A_2060 : i32
      %add3A_2062 = arith.addi %mul3A_2, %mul3A_2061 : i32
      %min3A_2063 = arith.constant 16352 : i32
      %min3A_2064 = arith.minsi %add3A_2062, %min3A_2063 : i32
      %dma_wait3A_2065 = arith.constant 0 : i32
      %dma_wait3A_2066 = tpu.memref_slice %arg3[%min3A_2064, %dma_wait3A_2065] : memref<16384x50xi32, #tpu.memory_space<hbm>> -> memref<32x50xi32, #tpu.memory_space<hbm>>
      %dma_wait3A_2067 = arith.constant 0 : i32
      %dma_wait3A_2068 = tpu.memref_slice %arg3[%min3A_2064, %dma_wait3A_2067] : memref<16384x50xi32, #tpu.memory_space<hbm>> -> memref<32x50xi32, #tpu.memory_space<hbm>>
      tpu.wait_dma2 semaphore(%arg10 : memref<!tpu.dma_semaphore, #tpu.memory_space<semaphore_mem>>) src(%dma_wait3A_2068 : memref<32x50xi32, #tpu.memory_space<hbm>>) dst(%arg6 : memref<32x50xi32, #tpu.memory_space<vmem>>)
      %dma_start3A_2069 = arith.constant 0 : i32
      %dma_start3A_2070 = arith.constant 0 : i32
      %dma_start3A_2071 = arith.constant 0 : i32
      %dma_start3A_2072 = arith.constant 0 : i32
      %dma_start3A_2073 = tpu.memref_slice %arg8[%dma_start3A_2070, %dma_start3A_2071, %dma_start3A_2072] : memref<32x50x32xf32, #tpu.memory_space<vmem>> -> memref<1x50x32xf32, #tpu.memory_space<vmem>>
      %dma_start3A_2074 = tpu.memref_squeeze %dma_start3A_2073 : memref<1x50x32xf32, #tpu.memory_space<vmem>> -> memref<50x32xf32, #tpu.memory_space<vmem>>
      %dma_start3A_2075 = arith.constant 0 : i32
      %dma_start3A_2076 = tpu.memref_slice %arg6[%dma_start3A_2069, %dma_start3A_2075] : memref<32x50xi32, #tpu.memory_space<vmem>> -> memref<1x50xi32, #tpu.memory_space<vmem>>
      %dma_start3A_2077 = tpu.memref_squeeze %dma_start3A_2076 : memref<1x50xi32, #tpu.memory_space<vmem>> -> memref<50xi32, #tpu.memory_space<vmem>>
      %dma_start3A_2078 = arith.constant 0 : i32
      %dma_start3A_2079 = arith.constant 0 : i32
      %dma_start3A_2080 = tpu.memref_slice %arg2[%dma_start3A_2078, %dma_start3A_2079] : memref<1000000x32xf32, #tpu.memory_space<hbm>> -> memref<1000000x32xf32, #tpu.memory_space<hbm>>
      tpu.enqueue_indirect_dma source(%dma_start3A_2080 : memref<1000000x32xf32, #tpu.memory_space<hbm>>) target(%dma_start3A_2074 : memref<50x32xf32, #tpu.memory_space<vmem>>) offsets(%dma_start3A_2077 : memref<50xi32, #tpu.memory_space<vmem>>) semaphore(%arg12 : memref<!tpu.dma_semaphore, #tpu.memory_space<semaphore_mem>>)
      %dma_start3A_2081 = arith.constant 1 : i32
      %dma_start3A_2082 = arith.constant 1 : i32
      %dma_start3A_2083 = arith.constant 0 : i32
      %dma_start3A_2084 = arith.constant 0 : i32
      %dma_start3A_2085 = tpu.memref_slice %arg8[%dma_start3A_2082, %dma_start3A_2083, %dma_start3A_2084] : memref<32x50x32xf32, #tpu.memory_space<vmem>> -> memref<1x50x32xf32, #tpu.memory_space<vmem>>
      %dma_start3A_2086 = tpu.memref_squeeze %dma_start3A_2085 : memref<1x50x32xf32, #tpu.memory_space<vmem>> -> memref<50x32xf32, #tpu.memory_space<vmem>>
      %dma_start3A_2087 = arith.constant 0 : i32
      %dma_start3A_2088 = tpu.memref_slice %arg6[%dma_start3A_2081, %dma_start3A_2087] : memref<32x50xi32, #tpu.memory_space<vmem>> -> memref<1x50xi32, #tpu.memory_space<vmem>>
      %dma_start3A_2089 = tpu.memref_squeeze %dma_start3A_2088 : memref<1x50xi32, #tpu.memory_space<vmem>> -> memref<50xi32, #tpu.memory_space<vmem>>
      %dma_start3A_2090 = arith.constant 0 : i32
      %dma_start3A_2091 = arith.constant 0 : i32
      %dma_start3A_2092 = tpu.memref_slice %arg2[%dma_start3A_2090, %dma_start3A_2091] : memref<1000000x32xf32, #tpu.memory_space<hbm>> -> memref<1000000x32xf32, #tpu.memory_space<hbm>>
      tpu.enqueue_indirect_dma source(%dma_start3A_2092 : memref<1000000x32xf32, #tpu.memory_space<hbm>>) target(%dma_start3A_2086 : memref<50x32xf32, #tpu.memory_space<vmem>>) offsets(%dma_start3A_2089 : memref<50xi32, #tpu.memory_space<vmem>>) semaphore(%arg12 : memref<!tpu.dma_semaphore, #tpu.memory_space<semaphore_mem>>)
      %dma_start3A_2093 = arith.constant 2 : i32
      %dma_start3A_2094 = arith.constant 2 : i32
      %dma_start3A_2095 = arith.constant 0 : i32
      %dma_start3A_2096 = arith.constant 0 : i32
      %dma_start3A_2097 = tpu.memref_slice %arg8[%dma_start3A_2094, %dma_start3A_2095, %dma_start3A_2096] : memref<32x50x32xf32, #tpu.memory_space<vmem>> -> memref<1x50x32xf32, #tpu.memory_space<vmem>>
      %dma_start3A_2098 = tpu.memref_squeeze %dma_start3A_2097 : memref<1x50x32xf32, #tpu.memory_space<vmem>> -> memref<50x32xf32, #tpu.memory_space<vmem>>
      %dma_start3A_2099 = arith.constant 0 : i32
      %dma_start3A_2100 = tpu.memref_slice %arg6[%dma_start3A_2093, %dma_start3A_2099] : memref<32x50xi32, #tpu.memory_space<vmem>> -> memref<1x50xi32, #tpu.memory_space<vmem>>
      %dma_start3A_2101 = tpu.memref_squeeze %dma_start3A_2100 : memref<1x50xi32, #tpu.memory_space<vmem>> -> memref<50xi32, #tpu.memory_space<vmem>>
      %dma_start3A_2102 = arith.constant 0 : i32
      %dma_start3A_2103 = arith.constant 0 : i32
      %dma_start3A_2104 = tpu.memref_slice %arg2[%dma_start3A_2102, %dma_start3A_2103] : memref<1000000x32xf32, #tpu.memory_space<hbm>> -> memref<1000000x32xf32, #tpu.memory_space<hbm>>
      tpu.enqueue_indirect_dma source(%dma_start3A_2104 : memref<1000000x32xf32, #tpu.memory_space<hbm>>) target(%dma_start3A_2098 : memref<50x32xf32, #tpu.memory_space<vmem>>) offsets(%dma_start3A_2101 : memref<50xi32, #tpu.memory_space<vmem>>) semaphore(%arg12 : memref<!tpu.dma_semaphore, #tpu.memory_space<semaphore_mem>>)
      %dma_start3A_2105 = arith.constant 3 : i32
      %dma_start3A_2106 = arith.constant 3 : i32
      %dma_start3A_2107 = arith.constant 0 : i32
      %dma_start3A_2108 = arith.constant 0 : i32
      %dma_start3A_2109 = tpu.memref_slice %arg8[%dma_start3A_2106, %dma_start3A_2107, %dma_start3A_2108] : memref<32x50x32xf32, #tpu.memory_space<vmem>> -> memref<1x50x32xf32, #tpu.memory_space<vmem>>
      %dma_start3A_2110 = tpu.memref_squeeze %dma_start3A_2109 : memref<1x50x32xf32, #tpu.memory_space<vmem>> -> memref<50x32xf32, #tpu.memory_space<vmem>>
      %dma_start3A_2111 = arith.constant 0 : i32
      %dma_start3A_2112 = tpu.memref_slice %arg6[%dma_start3A_2105, %dma_start3A_2111] : memref<32x50xi32, #tpu.memory_space<vmem>> -> memref<1x50xi32, #tpu.memory_space<vmem>>
      %dma_start3A_2113 = tpu.memref_squeeze %dma_start3A_2112 : memref<1x50xi32, #tpu.memory_space<vmem>> -> memref<50xi32, #tpu.memory_space<vmem>>
      %dma_start3A_2114 = arith.constant 0 : i32
      %dma_start3A_2115 = arith.constant 0 : i32
      %dma_start3A_2116 = tpu.memref_slice %arg2[%dma_start3A_2114, %dma_start3A_2115] : memref<1000000x32xf32, #tpu.memory_space<hbm>> -> memref<1000000x32xf32, #tpu.memory_space<hbm>>
      tpu.enqueue_indirect_dma source(%dma_start3A_2116 : memref<1000000x32xf32, #tpu.memory_space<hbm>>) target(%dma_start3A_2110 : memref<50x32xf32, #tpu.memory_space<vmem>>) offsets(%dma_start3A_2113 : memref<50xi32, #tpu.memory_space<vmem>>) semaphore(%arg12 : memref<!tpu.dma_semaphore, #tpu.memory_space<semaphore_mem>>)
      %dma_start3A_2117 = arith.constant 4 : i32
      %dma_start3A_2118 = arith.constant 4 : i32
      %dma_start3A_2119 = arith.constant 0 : i32
      %dma_start3A_2120 = arith.constant 0 : i32
      %dma_start3A_2121 = tpu.memref_slice %arg8[%dma_start3A_2118, %dma_start3A_2119, %dma_start3A_2120] : memref<32x50x32xf32, #tpu.memory_space<vmem>> -> memref<1x50x32xf32, #tpu.memory_space<vmem>>
      %dma_start3A_2122 = tpu.memref_squeeze %dma_start3A_2121 : memref<1x50x32xf32, #tpu.memory_space<vmem>> -> memref<50x32xf32, #tpu.memory_space<vmem>>
      %dma_start3A_2123 = arith.constant 0 : i32
      %dma_start3A_2124 = tpu.memref_slice %arg6[%dma_start3A_2117, %dma_start3A_2123] : memref<32x50xi32, #tpu.memory_space<vmem>> -> memref<1x50xi32, #tpu.memory_space<vmem>>
      %dma_start3A_2125 = tpu.memref_squeeze %dma_start3A_2124 : memref<1x50xi32, #tpu.memory_space<vmem>> -> memref<50xi32, #tpu.memory_space<vmem>>
      %dma_start3A_2126 = arith.constant 0 : i32
      %dma_start3A_2127 = arith.constant 0 : i32
      %dma_start3A_2128 = tpu.memref_slice %arg2[%dma_start3A_2126, %dma_start3A_2127] : memref<1000000x32xf32, #tpu.memory_space<hbm>> -> memref<1000000x32xf32, #tpu.memory_space<hbm>>
      tpu.enqueue_indirect_dma source(%dma_start3A_2128 : memref<1000000x32xf32, #tpu.memory_space<hbm>>) target(%dma_start3A_2122 : memref<50x32xf32, #tpu.memory_space<vmem>>) offsets(%dma_start3A_2125 : memref<50xi32, #tpu.memory_space<vmem>>) semaphore(%arg12 : memref<!tpu.dma_semaphore, #tpu.memory_space<semaphore_mem>>)
      %dma_start3A_2129 = arith.constant 5 : i32
      %dma_start3A_2130 = arith.constant 5 : i32
      %dma_start3A_2131 = arith.constant 0 : i32
      %dma_start3A_2132 = arith.constant 0 : i32
      %dma_start3A_2133 = tpu.memref_slice %arg8[%dma_start3A_2130, %dma_start3A_2131, %dma_start3A_2132] : memref<32x50x32xf32, #tpu.memory_space<vmem>> -> memref<1x50x32xf32, #tpu.memory_space<vmem>>
      %dma_start3A_2134 = tpu.memref_squeeze %dma_start3A_2133 : memref<1x50x32xf32, #tpu.memory_space<vmem>> -> memref<50x32xf32, #tpu.memory_space<vmem>>
      %dma_start3A_2135 = arith.constant 0 : i32
      %dma_start3A_2136 = tpu.memref_slice %arg6[%dma_start3A_2129, %dma_start3A_2135] : memref<32x50xi32, #tpu.memory_space<vmem>> -> memref<1x50xi32, #tpu.memory_space<vmem>>
      %dma_start3A_2137 = tpu.memref_squeeze %dma_start3A_2136 : memref<1x50xi32, #tpu.memory_space<vmem>> -> memref<50xi32, #tpu.memory_space<vmem>>
      %dma_start3A_2138 = arith.constant 0 : i32
      %dma_start3A_2139 = arith.constant 0 : i32
      %dma_start3A_2140 = tpu.memref_slice %arg2[%dma_start3A_2138, %dma_start3A_2139] : memref<1000000x32xf32, #tpu.memory_space<hbm>> -> memref<1000000x32xf32, #tpu.memory_space<hbm>>
      tpu.enqueue_indirect_dma source(%dma_start3A_2140 : memref<1000000x32xf32, #tpu.memory_space<hbm>>) target(%dma_start3A_2134 : memref<50x32xf32, #tpu.memory_space<vmem>>) offsets(%dma_start3A_2137 : memref<50xi32, #tpu.memory_space<vmem>>) semaphore(%arg12 : memref<!tpu.dma_semaphore, #tpu.memory_space<semaphore_mem>>)
      %dma_start3A_2141 = arith.constant 6 : i32
      %dma_start3A_2142 = arith.constant 6 : i32
      %dma_start3A_2143 = arith.constant 0 : i32
      %dma_start3A_2144 = arith.constant 0 : i32
      %dma_start3A_2145 = tpu.memref_slice %arg8[%dma_start3A_2142, %dma_start3A_2143, %dma_start3A_2144] : memref<32x50x32xf32, #tpu.memory_space<vmem>> -> memref<1x50x32xf32, #tpu.memory_space<vmem>>
      %dma_start3A_2146 = tpu.memref_squeeze %dma_start3A_2145 : memref<1x50x32xf32, #tpu.memory_space<vmem>> -> memref<50x32xf32, #tpu.memory_space<vmem>>
      %dma_start3A_2147 = arith.constant 0 : i32
      %dma_start3A_2148 = tpu.memref_slice %arg6[%dma_start3A_2141, %dma_start3A_2147] : memref<32x50xi32, #tpu.memory_space<vmem>> -> memref<1x50xi32, #tpu.memory_space<vmem>>
      %dma_start3A_2149 = tpu.memref_squeeze %dma_start3A_2148 : memref<1x50xi32, #tpu.memory_space<vmem>> -> memref<50xi32, #tpu.memory_space<vmem>>
      %dma_start3A_2150 = arith.constant 0 : i32
      %dma_start3A_2151 = arith.constant 0 : i32
      %dma_start3A_2152 = tpu.memref_slice %arg2[%dma_start3A_2150, %dma_start3A_2151] : memref<1000000x32xf32, #tpu.memory_space<hbm>> -> memref<1000000x32xf32, #tpu.memory_space<hbm>>
      tpu.enqueue_indirect_dma source(%dma_start3A_2152 : memref<1000000x32xf32, #tpu.memory_space<hbm>>) target(%dma_start3A_2146 : memref<50x32xf32, #tpu.memory_space<vmem>>) offsets(%dma_start3A_2149 : memref<50xi32, #tpu.memory_space<vmem>>) semaphore(%arg12 : memref<!tpu.dma_semaphore, #tpu.memory_space<semaphore_mem>>)
      %dma_start3A_2153 = arith.constant 7 : i32
      %dma_start3A_2154 = arith.constant 7 : i32
      %dma_start3A_2155 = arith.constant 0 : i32
      %dma_start3A_2156 = arith.constant 0 : i32
      %dma_start3A_2157 = tpu.memref_slice %arg8[%dma_start3A_2154, %dma_start3A_2155, %dma_start3A_2156] : memref<32x50x32xf32, #tpu.memory_space<vmem>> -> memref<1x50x32xf32, #tpu.memory_space<vmem>>
      %dma_start3A_2158 = tpu.memref_squeeze %dma_start3A_2157 : memref<1x50x32xf32, #tpu.memory_space<vmem>> -> memref<50x32xf32, #tpu.memory_space<vmem>>
      %dma_start3A_2159 = arith.constant 0 : i32
      %dma_start3A_2160 = tpu.memref_slice %arg6[%dma_start3A_2153, %dma_start3A_2159] : memref<32x50xi32, #tpu.memory_space<vmem>> -> memref<1x50xi32, #tpu.memory_space<vmem>>
      %dma_start3A_2161 = tpu.memref_squeeze %dma_start3A_2160 : memref<1x50xi32, #tpu.memory_space<vmem>> -> memref<50xi32, #tpu.memory_space<vmem>>
      %dma_start3A_2162 = arith.constant 0 : i32
      %dma_start3A_2163 = arith.constant 0 : i32
      %dma_start3A_2164 = tpu.memref_slice %arg2[%dma_start3A_2162, %dma_start3A_2163] : memref<1000000x32xf32, #tpu.memory_space<hbm>> -> memref<1000000x32xf32, #tpu.memory_space<hbm>>
      tpu.enqueue_indirect_dma source(%dma_start3A_2164 : memref<1000000x32xf32, #tpu.memory_space<hbm>>) target(%dma_start3A_2158 : memref<50x32xf32, #tpu.memory_space<vmem>>) offsets(%dma_start3A_2161 : memref<50xi32, #tpu.memory_space<vmem>>) semaphore(%arg12 : memref<!tpu.dma_semaphore, #tpu.memory_space<semaphore_mem>>)
      %dma_start3A_2165 = arith.constant 8 : i32
      %dma_start3A_2166 = arith.constant 8 : i32
      %dma_start3A_2167 = arith.constant 0 : i32
      %dma_start3A_2168 = arith.constant 0 : i32
      %dma_start3A_2169 = tpu.memref_slice %arg8[%dma_start3A_2166, %dma_start3A_2167, %dma_start3A_2168] : memref<32x50x32xf32, #tpu.memory_space<vmem>> -> memref<1x50x32xf32, #tpu.memory_space<vmem>>
      %dma_start3A_2170 = tpu.memref_squeeze %dma_start3A_2169 : memref<1x50x32xf32, #tpu.memory_space<vmem>> -> memref<50x32xf32, #tpu.memory_space<vmem>>
      %dma_start3A_2171 = arith.constant 0 : i32
      %dma_start3A_2172 = tpu.memref_slice %arg6[%dma_start3A_2165, %dma_start3A_2171] : memref<32x50xi32, #tpu.memory_space<vmem>> -> memref<1x50xi32, #tpu.memory_space<vmem>>
      %dma_start3A_2173 = tpu.memref_squeeze %dma_start3A_2172 : memref<1x50xi32, #tpu.memory_space<vmem>> -> memref<50xi32, #tpu.memory_space<vmem>>
      %dma_start3A_2174 = arith.constant 0 : i32
      %dma_start3A_2175 = arith.constant 0 : i32
      %dma_start3A_2176 = tpu.memref_slice %arg2[%dma_start3A_2174, %dma_start3A_2175] : memref<1000000x32xf32, #tpu.memory_space<hbm>> -> memref<1000000x32xf32, #tpu.memory_space<hbm>>
      tpu.enqueue_indirect_dma source(%dma_start3A_2176 : memref<1000000x32xf32, #tpu.memory_space<hbm>>) target(%dma_start3A_2170 : memref<50x32xf32, #tpu.memory_space<vmem>>) offsets(%dma_start3A_2173 : memref<50xi32, #tpu.memory_space<vmem>>) semaphore(%arg12 : memref<!tpu.dma_semaphore, #tpu.memory_space<semaphore_mem>>)
      %dma_start3A_2177 = arith.constant 9 : i32
      %dma_start3A_2178 = arith.constant 9 : i32
      %dma_start3A_2179 = arith.constant 0 : i32
      %dma_start3A_2180 = arith.constant 0 : i32
      %dma_start3A_2181 = tpu.memref_slice %arg8[%dma_start3A_2178, %dma_start3A_2179, %dma_start3A_2180] : memref<32x50x32xf32, #tpu.memory_space<vmem>> -> memref<1x50x32xf32, #tpu.memory_space<vmem>>
      %dma_start3A_2182 = tpu.memref_squeeze %dma_start3A_2181 : memref<1x50x32xf32, #tpu.memory_space<vmem>> -> memref<50x32xf32, #tpu.memory_space<vmem>>
      %dma_start3A_2183 = arith.constant 0 : i32
      %dma_start3A_2184 = tpu.memref_slice %arg6[%dma_start3A_2177, %dma_start3A_2183] : memref<32x50xi32, #tpu.memory_space<vmem>> -> memref<1x50xi32, #tpu.memory_space<vmem>>
      %dma_start3A_2185 = tpu.memref_squeeze %dma_start3A_2184 : memref<1x50xi32, #tpu.memory_space<vmem>> -> memref<50xi32, #tpu.memory_space<vmem>>
      %dma_start3A_2186 = arith.constant 0 : i32
      %dma_start3A_2187 = arith.constant 0 : i32
      %dma_start3A_2188 = tpu.memref_slice %arg2[%dma_start3A_2186, %dma_start3A_2187] : memref<1000000x32xf32, #tpu.memory_space<hbm>> -> memref<1000000x32xf32, #tpu.memory_space<hbm>>
      tpu.enqueue_indirect_dma source(%dma_start3A_2188 : memref<1000000x32xf32, #tpu.memory_space<hbm>>) target(%dma_start3A_2182 : memref<50x32xf32, #tpu.memory_space<vmem>>) offsets(%dma_start3A_2185 : memref<50xi32, #tpu.memory_space<vmem>>) semaphore(%arg12 : memref<!tpu.dma_semaphore, #tpu.memory_space<semaphore_mem>>)
      %dma_start3A_2189 = arith.constant 10 : i32
      %dma_start3A_2190 = arith.constant 10 : i32
      %dma_start3A_2191 = arith.constant 0 : i32
      %dma_start3A_2192 = arith.constant 0 : i32
      %dma_start3A_2193 = tpu.memref_slice %arg8[%dma_start3A_2190, %dma_start3A_2191, %dma_start3A_2192] : memref<32x50x32xf32, #tpu.memory_space<vmem>> -> memref<1x50x32xf32, #tpu.memory_space<vmem>>
      %dma_start3A_2194 = tpu.memref_squeeze %dma_start3A_2193 : memref<1x50x32xf32, #tpu.memory_space<vmem>> -> memref<50x32xf32, #tpu.memory_space<vmem>>
      %dma_start3A_2195 = arith.constant 0 : i32
      %dma_start3A_2196 = tpu.memref_slice %arg6[%dma_start3A_2189, %dma_start3A_2195] : memref<32x50xi32, #tpu.memory_space<vmem>> -> memref<1x50xi32, #tpu.memory_space<vmem>>
      %dma_start3A_2197 = tpu.memref_squeeze %dma_start3A_2196 : memref<1x50xi32, #tpu.memory_space<vmem>> -> memref<50xi32, #tpu.memory_space<vmem>>
      %dma_start3A_2198 = arith.constant 0 : i32
      %dma_start3A_2199 = arith.constant 0 : i32
      %dma_start3A_2200 = tpu.memref_slice %arg2[%dma_start3A_2198, %dma_start3A_2199] : memref<1000000x32xf32, #tpu.memory_space<hbm>> -> memref<1000000x32xf32, #tpu.memory_space<hbm>>
      tpu.enqueue_indirect_dma source(%dma_start3A_2200 : memref<1000000x32xf32, #tpu.memory_space<hbm>>) target(%dma_start3A_2194 : memref<50x32xf32, #tpu.memory_space<vmem>>) offsets(%dma_start3A_2197 : memref<50xi32, #tpu.memory_space<vmem>>) semaphore(%arg12 : memref<!tpu.dma_semaphore, #tpu.memory_space<semaphore_mem>>)
      %dma_start3A_2201 = arith.constant 11 : i32
      %dma_start3A_2202 = arith.constant 11 : i32
      %dma_start3A_2203 = arith.constant 0 : i32
      %dma_start3A_2204 = arith.constant 0 : i32
      %dma_start3A_2205 = tpu.memref_slice %arg8[%dma_start3A_2202, %dma_start3A_2203, %dma_start3A_2204] : memref<32x50x32xf32, #tpu.memory_space<vmem>> -> memref<1x50x32xf32, #tpu.memory_space<vmem>>
      %dma_start3A_2206 = tpu.memref_squeeze %dma_start3A_2205 : memref<1x50x32xf32, #tpu.memory_space<vmem>> -> memref<50x32xf32, #tpu.memory_space<vmem>>
      %dma_start3A_2207 = arith.constant 0 : i32
      %dma_start3A_2208 = tpu.memref_slice %arg6[%dma_start3A_2201, %dma_start3A_2207] : memref<32x50xi32, #tpu.memory_space<vmem>> -> memref<1x50xi32, #tpu.memory_space<vmem>>
      %dma_start3A_2209 = tpu.memref_squeeze %dma_start3A_2208 : memref<1x50xi32, #tpu.memory_space<vmem>> -> memref<50xi32, #tpu.memory_space<vmem>>
      %dma_start3A_2210 = arith.constant 0 : i32
      %dma_start3A_2211 = arith.constant 0 : i32
      %dma_start3A_2212 = tpu.memref_slice %arg2[%dma_start3A_2210, %dma_start3A_2211] : memref<1000000x32xf32, #tpu.memory_space<hbm>> -> memref<1000000x32xf32, #tpu.memory_space<hbm>>
      tpu.enqueue_indirect_dma source(%dma_start3A_2212 : memref<1000000x32xf32, #tpu.memory_space<hbm>>) target(%dma_start3A_2206 : memref<50x32xf32, #tpu.memory_space<vmem>>) offsets(%dma_start3A_2209 : memref<50xi32, #tpu.memory_space<vmem>>) semaphore(%arg12 : memref<!tpu.dma_semaphore, #tpu.memory_space<semaphore_mem>>)
      %dma_start3A_2213 = arith.constant 12 : i32
      %dma_start3A_2214 = arith.constant 12 : i32
      %dma_start3A_2215 = arith.constant 0 : i32
      %dma_start3A_2216 = arith.constant 0 : i32
      %dma_start3A_2217 = tpu.memref_slice %arg8[%dma_start3A_2214, %dma_start3A_2215, %dma_start3A_2216] : memref<32x50x32xf32, #tpu.memory_space<vmem>> -> memref<1x50x32xf32, #tpu.memory_space<vmem>>
      %dma_start3A_2218 = tpu.memref_squeeze %dma_start3A_2217 : memref<1x50x32xf32, #tpu.memory_space<vmem>> -> memref<50x32xf32, #tpu.memory_space<vmem>>
      %dma_start3A_2219 = arith.constant 0 : i32
      %dma_start3A_2220 = tpu.memref_slice %arg6[%dma_start3A_2213, %dma_start3A_2219] : memref<32x50xi32, #tpu.memory_space<vmem>> -> memref<1x50xi32, #tpu.memory_space<vmem>>
      %dma_start3A_2221 = tpu.memref_squeeze %dma_start3A_2220 : memref<1x50xi32, #tpu.memory_space<vmem>> -> memref<50xi32, #tpu.memory_space<vmem>>
      %dma_start3A_2222 = arith.constant 0 : i32
      %dma_start3A_2223 = arith.constant 0 : i32
      %dma_start3A_2224 = tpu.memref_slice %arg2[%dma_start3A_2222, %dma_start3A_2223] : memref<1000000x32xf32, #tpu.memory_space<hbm>> -> memref<1000000x32xf32, #tpu.memory_space<hbm>>
      tpu.enqueue_indirect_dma source(%dma_start3A_2224 : memref<1000000x32xf32, #tpu.memory_space<hbm>>) target(%dma_start3A_2218 : memref<50x32xf32, #tpu.memory_space<vmem>>) offsets(%dma_start3A_2221 : memref<50xi32, #tpu.memory_space<vmem>>) semaphore(%arg12 : memref<!tpu.dma_semaphore, #tpu.memory_space<semaphore_mem>>)
      %dma_start3A_2225 = arith.constant 13 : i32
      %dma_start3A_2226 = arith.constant 13 : i32
      %dma_start3A_2227 = arith.constant 0 : i32
      %dma_start3A_2228 = arith.constant 0 : i32
      %dma_start3A_2229 = tpu.memref_slice %arg8[%dma_start3A_2226, %dma_start3A_2227, %dma_start3A_2228] : memref<32x50x32xf32, #tpu.memory_space<vmem>> -> memref<1x50x32xf32, #tpu.memory_space<vmem>>
      %dma_start3A_2230 = tpu.memref_squeeze %dma_start3A_2229 : memref<1x50x32xf32, #tpu.memory_space<vmem>> -> memref<50x32xf32, #tpu.memory_space<vmem>>
      %dma_start3A_2231 = arith.constant 0 : i32
      %dma_start3A_2232 = tpu.memref_slice %arg6[%dma_start3A_2225, %dma_start3A_2231] : memref<32x50xi32, #tpu.memory_space<vmem>> -> memref<1x50xi32, #tpu.memory_space<vmem>>
      %dma_start3A_2233 = tpu.memref_squeeze %dma_start3A_2232 : memref<1x50xi32, #tpu.memory_space<vmem>> -> memref<50xi32, #tpu.memory_space<vmem>>
      %dma_start3A_2234 = arith.constant 0 : i32
      %dma_start3A_2235 = arith.constant 0 : i32
      %dma_start3A_2236 = tpu.memref_slice %arg2[%dma_start3A_2234, %dma_start3A_2235] : memref<1000000x32xf32, #tpu.memory_space<hbm>> -> memref<1000000x32xf32, #tpu.memory_space<hbm>>
      tpu.enqueue_indirect_dma source(%dma_start3A_2236 : memref<1000000x32xf32, #tpu.memory_space<hbm>>) target(%dma_start3A_2230 : memref<50x32xf32, #tpu.memory_space<vmem>>) offsets(%dma_start3A_2233 : memref<50xi32, #tpu.memory_space<vmem>>) semaphore(%arg12 : memref<!tpu.dma_semaphore, #tpu.memory_space<semaphore_mem>>)
      %dma_start3A_2237 = arith.constant 14 : i32
      %dma_start3A_2238 = arith.constant 14 : i32
      %dma_start3A_2239 = arith.constant 0 : i32
      %dma_start3A_2240 = arith.constant 0 : i32
      %dma_start3A_2241 = tpu.memref_slice %arg8[%dma_start3A_2238, %dma_start3A_2239, %dma_start3A_2240] : memref<32x50x32xf32, #tpu.memory_space<vmem>> -> memref<1x50x32xf32, #tpu.memory_space<vmem>>
      %dma_start3A_2242 = tpu.memref_squeeze %dma_start3A_2241 : memref<1x50x32xf32, #tpu.memory_space<vmem>> -> memref<50x32xf32, #tpu.memory_space<vmem>>
      %dma_start3A_2243 = arith.constant 0 : i32
      %dma_start3A_2244 = tpu.memref_slice %arg6[%dma_start3A_2237, %dma_start3A_2243] : memref<32x50xi32, #tpu.memory_space<vmem>> -> memref<1x50xi32, #tpu.memory_space<vmem>>
      %dma_start3A_2245 = tpu.memref_squeeze %dma_start3A_2244 : memref<1x50xi32, #tpu.memory_space<vmem>> -> memref<50xi32, #tpu.memory_space<vmem>>
      %dma_start3A_2246 = arith.constant 0 : i32
      %dma_start3A_2247 = arith.constant 0 : i32
      %dma_start3A_2248 = tpu.memref_slice %arg2[%dma_start3A_2246, %dma_start3A_2247] : memref<1000000x32xf32, #tpu.memory_space<hbm>> -> memref<1000000x32xf32, #tpu.memory_space<hbm>>
      tpu.enqueue_indirect_dma source(%dma_start3A_2248 : memref<1000000x32xf32, #tpu.memory_space<hbm>>) target(%dma_start3A_2242 : memref<50x32xf32, #tpu.memory_space<vmem>>) offsets(%dma_start3A_2245 : memref<50xi32, #tpu.memory_space<vmem>>) semaphore(%arg12 : memref<!tpu.dma_semaphore, #tpu.memory_space<semaphore_mem>>)
      %dma_start3A_2249 = arith.constant 15 : i32
      %dma_start3A_2250 = arith.constant 15 : i32
      %dma_start3A_2251 = arith.constant 0 : i32
      %dma_start3A_2252 = arith.constant 0 : i32
      %dma_start3A_2253 = tpu.memref_slice %arg8[%dma_start3A_2250, %dma_start3A_2251, %dma_start3A_2252] : memref<32x50x32xf32, #tpu.memory_space<vmem>> -> memref<1x50x32xf32, #tpu.memory_space<vmem>>
      %dma_start3A_2254 = tpu.memref_squeeze %dma_start3A_2253 : memref<1x50x32xf32, #tpu.memory_space<vmem>> -> memref<50x32xf32, #tpu.memory_space<vmem>>
      %dma_start3A_2255 = arith.constant 0 : i32
      %dma_start3A_2256 = tpu.memref_slice %arg6[%dma_start3A_2249, %dma_start3A_2255] : memref<32x50xi32, #tpu.memory_space<vmem>> -> memref<1x50xi32, #tpu.memory_space<vmem>>
      %dma_start3A_2257 = tpu.memref_squeeze %dma_start3A_2256 : memref<1x50xi32, #tpu.memory_space<vmem>> -> memref<50xi32, #tpu.memory_space<vmem>>
      %dma_start3A_2258 = arith.constant 0 : i32
      %dma_start3A_2259 = arith.constant 0 : i32
      %dma_start3A_2260 = tpu.memref_slice %arg2[%dma_start3A_2258, %dma_start3A_2259] : memref<1000000x32xf32, #tpu.memory_space<hbm>> -> memref<1000000x32xf32, #tpu.memory_space<hbm>>
      tpu.enqueue_indirect_dma source(%dma_start3A_2260 : memref<1000000x32xf32, #tpu.memory_space<hbm>>) target(%dma_start3A_2254 : memref<50x32xf32, #tpu.memory_space<vmem>>) offsets(%dma_start3A_2257 : memref<50xi32, #tpu.memory_space<vmem>>) semaphore(%arg12 : memref<!tpu.dma_semaphore, #tpu.memory_space<semaphore_mem>>)
      %dma_start3A_2261 = arith.constant 16 : i32
      %dma_start3A_2262 = arith.constant 16 : i32
      %dma_start3A_2263 = arith.constant 0 : i32
      %dma_start3A_2264 = arith.constant 0 : i32
      %dma_start3A_2265 = tpu.memref_slice %arg8[%dma_start3A_2262, %dma_start3A_2263, %dma_start3A_2264] : memref<32x50x32xf32, #tpu.memory_space<vmem>> -> memref<1x50x32xf32, #tpu.memory_space<vmem>>
      %dma_start3A_2266 = tpu.memref_squeeze %dma_start3A_2265 : memref<1x50x32xf32, #tpu.memory_space<vmem>> -> memref<50x32xf32, #tpu.memory_space<vmem>>
      %dma_start3A_2267 = arith.constant 0 : i32
      %dma_start3A_2268 = tpu.memref_slice %arg6[%dma_start3A_2261, %dma_start3A_2267] : memref<32x50xi32, #tpu.memory_space<vmem>> -> memref<1x50xi32, #tpu.memory_space<vmem>>
      %dma_start3A_2269 = tpu.memref_squeeze %dma_start3A_2268 : memref<1x50xi32, #tpu.memory_space<vmem>> -> memref<50xi32, #tpu.memory_space<vmem>>
      %dma_start3A_2270 = arith.constant 0 : i32
      %dma_start3A_2271 = arith.constant 0 : i32
      %dma_start3A_2272 = tpu.memref_slice %arg2[%dma_start3A_2270, %dma_start3A_2271] : memref<1000000x32xf32, #tpu.memory_space<hbm>> -> memref<1000000x32xf32, #tpu.memory_space<hbm>>
      tpu.enqueue_indirect_dma source(%dma_start3A_2272 : memref<1000000x32xf32, #tpu.memory_space<hbm>>) target(%dma_start3A_2266 : memref<50x32xf32, #tpu.memory_space<vmem>>) offsets(%dma_start3A_2269 : memref<50xi32, #tpu.memory_space<vmem>>) semaphore(%arg12 : memref<!tpu.dma_semaphore, #tpu.memory_space<semaphore_mem>>)
      %dma_start3A_2273 = arith.constant 17 : i32
      %dma_start3A_2274 = arith.constant 17 : i32
      %dma_start3A_2275 = arith.constant 0 : i32
      %dma_start3A_2276 = arith.constant 0 : i32
      %dma_start3A_2277 = tpu.memref_slice %arg8[%dma_start3A_2274, %dma_start3A_2275, %dma_start3A_2276] : memref<32x50x32xf32, #tpu.memory_space<vmem>> -> memref<1x50x32xf32, #tpu.memory_space<vmem>>
      %dma_start3A_2278 = tpu.memref_squeeze %dma_start3A_2277 : memref<1x50x32xf32, #tpu.memory_space<vmem>> -> memref<50x32xf32, #tpu.memory_space<vmem>>
      %dma_start3A_2279 = arith.constant 0 : i32
      %dma_start3A_2280 = tpu.memref_slice %arg6[%dma_start3A_2273, %dma_start3A_2279] : memref<32x50xi32, #tpu.memory_space<vmem>> -> memref<1x50xi32, #tpu.memory_space<vmem>>
      %dma_start3A_2281 = tpu.memref_squeeze %dma_start3A_2280 : memref<1x50xi32, #tpu.memory_space<vmem>> -> memref<50xi32, #tpu.memory_space<vmem>>
      %dma_start3A_2282 = arith.constant 0 : i32
      %dma_start3A_2283 = arith.constant 0 : i32
      %dma_start3A_2284 = tpu.memref_slice %arg2[%dma_start3A_2282, %dma_start3A_2283] : memref<1000000x32xf32, #tpu.memory_space<hbm>> -> memref<1000000x32xf32, #tpu.memory_space<hbm>>
      tpu.enqueue_indirect_dma source(%dma_start3A_2284 : memref<1000000x32xf32, #tpu.memory_space<hbm>>) target(%dma_start3A_2278 : memref<50x32xf32, #tpu.memory_space<vmem>>) offsets(%dma_start3A_2281 : memref<50xi32, #tpu.memory_space<vmem>>) semaphore(%arg12 : memref<!tpu.dma_semaphore, #tpu.memory_space<semaphore_mem>>)
      %dma_start3A_2285 = arith.constant 18 : i32
      %dma_start3A_2286 = arith.constant 18 : i32
      %dma_start3A_2287 = arith.constant 0 : i32
      %dma_start3A_2288 = arith.constant 0 : i32
      %dma_start3A_2289 = tpu.memref_slice %arg8[%dma_start3A_2286, %dma_start3A_2287, %dma_start3A_2288] : memref<32x50x32xf32, #tpu.memory_space<vmem>> -> memref<1x50x32xf32, #tpu.memory_space<vmem>>
      %dma_start3A_2290 = tpu.memref_squeeze %dma_start3A_2289 : memref<1x50x32xf32, #tpu.memory_space<vmem>> -> memref<50x32xf32, #tpu.memory_space<vmem>>
      %dma_start3A_2291 = arith.constant 0 : i32
      %dma_start3A_2292 = tpu.memref_slice %arg6[%dma_start3A_2285, %dma_start3A_2291] : memref<32x50xi32, #tpu.memory_space<vmem>> -> memref<1x50xi32, #tpu.memory_space<vmem>>
      %dma_start3A_2293 = tpu.memref_squeeze %dma_start3A_2292 : memref<1x50xi32, #tpu.memory_space<vmem>> -> memref<50xi32, #tpu.memory_space<vmem>>
      %dma_start3A_2294 = arith.constant 0 : i32
      %dma_start3A_2295 = arith.constant 0 : i32
      %dma_start3A_2296 = tpu.memref_slice %arg2[%dma_start3A_2294, %dma_start3A_2295] : memref<1000000x32xf32, #tpu.memory_space<hbm>> -> memref<1000000x32xf32, #tpu.memory_space<hbm>>
      tpu.enqueue_indirect_dma source(%dma_start3A_2296 : memref<1000000x32xf32, #tpu.memory_space<hbm>>) target(%dma_start3A_2290 : memref<50x32xf32, #tpu.memory_space<vmem>>) offsets(%dma_start3A_2293 : memref<50xi32, #tpu.memory_space<vmem>>) semaphore(%arg12 : memref<!tpu.dma_semaphore, #tpu.memory_space<semaphore_mem>>)
      %dma_start3A_2297 = arith.constant 19 : i32
      %dma_start3A_2298 = arith.constant 19 : i32
      %dma_start3A_2299 = arith.constant 0 : i32
      %dma_start3A_2300 = arith.constant 0 : i32
      %dma_start3A_2301 = tpu.memref_slice %arg8[%dma_start3A_2298, %dma_start3A_2299, %dma_start3A_2300] : memref<32x50x32xf32, #tpu.memory_space<vmem>> -> memref<1x50x32xf32, #tpu.memory_space<vmem>>
      %dma_start3A_2302 = tpu.memref_squeeze %dma_start3A_2301 : memref<1x50x32xf32, #tpu.memory_space<vmem>> -> memref<50x32xf32, #tpu.memory_space<vmem>>
      %dma_start3A_2303 = arith.constant 0 : i32
      %dma_start3A_2304 = tpu.memref_slice %arg6[%dma_start3A_2297, %dma_start3A_2303] : memref<32x50xi32, #tpu.memory_space<vmem>> -> memref<1x50xi32, #tpu.memory_space<vmem>>
      %dma_start3A_2305 = tpu.memref_squeeze %dma_start3A_2304 : memref<1x50xi32, #tpu.memory_space<vmem>> -> memref<50xi32, #tpu.memory_space<vmem>>
      %dma_start3A_2306 = arith.constant 0 : i32
      %dma_start3A_2307 = arith.constant 0 : i32
      %dma_start3A_2308 = tpu.memref_slice %arg2[%dma_start3A_2306, %dma_start3A_2307] : memref<1000000x32xf32, #tpu.memory_space<hbm>> -> memref<1000000x32xf32, #tpu.memory_space<hbm>>
      tpu.enqueue_indirect_dma source(%dma_start3A_2308 : memref<1000000x32xf32, #tpu.memory_space<hbm>>) target(%dma_start3A_2302 : memref<50x32xf32, #tpu.memory_space<vmem>>) offsets(%dma_start3A_2305 : memref<50xi32, #tpu.memory_space<vmem>>) semaphore(%arg12 : memref<!tpu.dma_semaphore, #tpu.memory_space<semaphore_mem>>)
      %dma_start3A_2309 = arith.constant 20 : i32
      %dma_start3A_2310 = arith.constant 20 : i32
      %dma_start3A_2311 = arith.constant 0 : i32
      %dma_start3A_2312 = arith.constant 0 : i32
      %dma_start3A_2313 = tpu.memref_slice %arg8[%dma_start3A_2310, %dma_start3A_2311, %dma_start3A_2312] : memref<32x50x32xf32, #tpu.memory_space<vmem>> -> memref<1x50x32xf32, #tpu.memory_space<vmem>>
      %dma_start3A_2314 = tpu.memref_squeeze %dma_start3A_2313 : memref<1x50x32xf32, #tpu.memory_space<vmem>> -> memref<50x32xf32, #tpu.memory_space<vmem>>
      %dma_start3A_2315 = arith.constant 0 : i32
      %dma_start3A_2316 = tpu.memref_slice %arg6[%dma_start3A_2309, %dma_start3A_2315] : memref<32x50xi32, #tpu.memory_space<vmem>> -> memref<1x50xi32, #tpu.memory_space<vmem>>
      %dma_start3A_2317 = tpu.memref_squeeze %dma_start3A_2316 : memref<1x50xi32, #tpu.memory_space<vmem>> -> memref<50xi32, #tpu.memory_space<vmem>>
      %dma_start3A_2318 = arith.constant 0 : i32
      %dma_start3A_2319 = arith.constant 0 : i32
      %dma_start3A_2320 = tpu.memref_slice %arg2[%dma_start3A_2318, %dma_start3A_2319] : memref<1000000x32xf32, #tpu.memory_space<hbm>> -> memref<1000000x32xf32, #tpu.memory_space<hbm>>
      tpu.enqueue_indirect_dma source(%dma_start3A_2320 : memref<1000000x32xf32, #tpu.memory_space<hbm>>) target(%dma_start3A_2314 : memref<50x32xf32, #tpu.memory_space<vmem>>) offsets(%dma_start3A_2317 : memref<50xi32, #tpu.memory_space<vmem>>) semaphore(%arg12 : memref<!tpu.dma_semaphore, #tpu.memory_space<semaphore_mem>>)
      %dma_start3A_2321 = arith.constant 21 : i32
      %dma_start3A_2322 = arith.constant 21 : i32
      %dma_start3A_2323 = arith.constant 0 : i32
      %dma_start3A_2324 = arith.constant 0 : i32
      %dma_start3A_2325 = tpu.memref_slice %arg8[%dma_start3A_2322, %dma_start3A_2323, %dma_start3A_2324] : memref<32x50x32xf32, #tpu.memory_space<vmem>> -> memref<1x50x32xf32, #tpu.memory_space<vmem>>
      %dma_start3A_2326 = tpu.memref_squeeze %dma_start3A_2325 : memref<1x50x32xf32, #tpu.memory_space<vmem>> -> memref<50x32xf32, #tpu.memory_space<vmem>>
      %dma_start3A_2327 = arith.constant 0 : i32
      %dma_start3A_2328 = tpu.memref_slice %arg6[%dma_start3A_2321, %dma_start3A_2327] : memref<32x50xi32, #tpu.memory_space<vmem>> -> memref<1x50xi32, #tpu.memory_space<vmem>>
      %dma_start3A_2329 = tpu.memref_squeeze %dma_start3A_2328 : memref<1x50xi32, #tpu.memory_space<vmem>> -> memref<50xi32, #tpu.memory_space<vmem>>
      %dma_start3A_2330 = arith.constant 0 : i32
      %dma_start3A_2331 = arith.constant 0 : i32
      %dma_start3A_2332 = tpu.memref_slice %arg2[%dma_start3A_2330, %dma_start3A_2331] : memref<1000000x32xf32, #tpu.memory_space<hbm>> -> memref<1000000x32xf32, #tpu.memory_space<hbm>>
      tpu.enqueue_indirect_dma source(%dma_start3A_2332 : memref<1000000x32xf32, #tpu.memory_space<hbm>>) target(%dma_start3A_2326 : memref<50x32xf32, #tpu.memory_space<vmem>>) offsets(%dma_start3A_2329 : memref<50xi32, #tpu.memory_space<vmem>>) semaphore(%arg12 : memref<!tpu.dma_semaphore, #tpu.memory_space<semaphore_mem>>)
      %dma_start3A_2333 = arith.constant 22 : i32
      %dma_start3A_2334 = arith.constant 22 : i32
      %dma_start3A_2335 = arith.constant 0 : i32
      %dma_start3A_2336 = arith.constant 0 : i32
      %dma_start3A_2337 = tpu.memref_slice %arg8[%dma_start3A_2334, %dma_start3A_2335, %dma_start3A_2336] : memref<32x50x32xf32, #tpu.memory_space<vmem>> -> memref<1x50x32xf32, #tpu.memory_space<vmem>>
      %dma_start3A_2338 = tpu.memref_squeeze %dma_start3A_2337 : memref<1x50x32xf32, #tpu.memory_space<vmem>> -> memref<50x32xf32, #tpu.memory_space<vmem>>
      %dma_start3A_2339 = arith.constant 0 : i32
      %dma_start3A_2340 = tpu.memref_slice %arg6[%dma_start3A_2333, %dma_start3A_2339] : memref<32x50xi32, #tpu.memory_space<vmem>> -> memref<1x50xi32, #tpu.memory_space<vmem>>
      %dma_start3A_2341 = tpu.memref_squeeze %dma_start3A_2340 : memref<1x50xi32, #tpu.memory_space<vmem>> -> memref<50xi32, #tpu.memory_space<vmem>>
      %dma_start3A_2342 = arith.constant 0 : i32
      %dma_start3A_2343 = arith.constant 0 : i32
      %dma_start3A_2344 = tpu.memref_slice %arg2[%dma_start3A_2342, %dma_start3A_2343] : memref<1000000x32xf32, #tpu.memory_space<hbm>> -> memref<1000000x32xf32, #tpu.memory_space<hbm>>
      tpu.enqueue_indirect_dma source(%dma_start3A_2344 : memref<1000000x32xf32, #tpu.memory_space<hbm>>) target(%dma_start3A_2338 : memref<50x32xf32, #tpu.memory_space<vmem>>) offsets(%dma_start3A_2341 : memref<50xi32, #tpu.memory_space<vmem>>) semaphore(%arg12 : memref<!tpu.dma_semaphore, #tpu.memory_space<semaphore_mem>>)
      %dma_start3A_2345 = arith.constant 23 : i32
      %dma_start3A_2346 = arith.constant 23 : i32
      %dma_start3A_2347 = arith.constant 0 : i32
      %dma_start3A_2348 = arith.constant 0 : i32
      %dma_start3A_2349 = tpu.memref_slice %arg8[%dma_start3A_2346, %dma_start3A_2347, %dma_start3A_2348] : memref<32x50x32xf32, #tpu.memory_space<vmem>> -> memref<1x50x32xf32, #tpu.memory_space<vmem>>
      %dma_start3A_2350 = tpu.memref_squeeze %dma_start3A_2349 : memref<1x50x32xf32, #tpu.memory_space<vmem>> -> memref<50x32xf32, #tpu.memory_space<vmem>>
      %dma_start3A_2351 = arith.constant 0 : i32
      %dma_start3A_2352 = tpu.memref_slice %arg6[%dma_start3A_2345, %dma_start3A_2351] : memref<32x50xi32, #tpu.memory_space<vmem>> -> memref<1x50xi32, #tpu.memory_space<vmem>>
      %dma_start3A_2353 = tpu.memref_squeeze %dma_start3A_2352 : memref<1x50xi32, #tpu.memory_space<vmem>> -> memref<50xi32, #tpu.memory_space<vmem>>
      %dma_start3A_2354 = arith.constant 0 : i32
      %dma_start3A_2355 = arith.constant 0 : i32
      %dma_start3A_2356 = tpu.memref_slice %arg2[%dma_start3A_2354, %dma_start3A_2355] : memref<1000000x32xf32, #tpu.memory_space<hbm>> -> memref<1000000x32xf32, #tpu.memory_space<hbm>>
      tpu.enqueue_indirect_dma source(%dma_start3A_2356 : memref<1000000x32xf32, #tpu.memory_space<hbm>>) target(%dma_start3A_2350 : memref<50x32xf32, #tpu.memory_space<vmem>>) offsets(%dma_start3A_2353 : memref<50xi32, #tpu.memory_space<vmem>>) semaphore(%arg12 : memref<!tpu.dma_semaphore, #tpu.memory_space<semaphore_mem>>)
      %dma_start3A_2357 = arith.constant 24 : i32
      %dma_start3A_2358 = arith.constant 24 : i32
      %dma_start3A_2359 = arith.constant 0 : i32
      %dma_start3A_2360 = arith.constant 0 : i32
      %dma_start3A_2361 = tpu.memref_slice %arg8[%dma_start3A_2358, %dma_start3A_2359, %dma_start3A_2360] : memref<32x50x32xf32, #tpu.memory_space<vmem>> -> memref<1x50x32xf32, #tpu.memory_space<vmem>>
      %dma_start3A_2362 = tpu.memref_squeeze %dma_start3A_2361 : memref<1x50x32xf32, #tpu.memory_space<vmem>> -> memref<50x32xf32, #tpu.memory_space<vmem>>
      %dma_start3A_2363 = arith.constant 0 : i32
      %dma_start3A_2364 = tpu.memref_slice %arg6[%dma_start3A_2357, %dma_start3A_2363] : memref<32x50xi32, #tpu.memory_space<vmem>> -> memref<1x50xi32, #tpu.memory_space<vmem>>
      %dma_start3A_2365 = tpu.memref_squeeze %dma_start3A_2364 : memref<1x50xi32, #tpu.memory_space<vmem>> -> memref<50xi32, #tpu.memory_space<vmem>>
      %dma_start3A_2366 = arith.constant 0 : i32
      %dma_start3A_2367 = arith.constant 0 : i32
      %dma_start3A_2368 = tpu.memref_slice %arg2[%dma_start3A_2366, %dma_start3A_2367] : memref<1000000x32xf32, #tpu.memory_space<hbm>> -> memref<1000000x32xf32, #tpu.memory_space<hbm>>
      tpu.enqueue_indirect_dma source(%dma_start3A_2368 : memref<1000000x32xf32, #tpu.memory_space<hbm>>) target(%dma_start3A_2362 : memref<50x32xf32, #tpu.memory_space<vmem>>) offsets(%dma_start3A_2365 : memref<50xi32, #tpu.memory_space<vmem>>) semaphore(%arg12 : memref<!tpu.dma_semaphore, #tpu.memory_space<semaphore_mem>>)
      %dma_start3A_2369 = arith.constant 25 : i32
      %dma_start3A_2370 = arith.constant 25 : i32
      %dma_start3A_2371 = arith.constant 0 : i32
      %dma_start3A_2372 = arith.constant 0 : i32
      %dma_start3A_2373 = tpu.memref_slice %arg8[%dma_start3A_2370, %dma_start3A_2371, %dma_start3A_2372] : memref<32x50x32xf32, #tpu.memory_space<vmem>> -> memref<1x50x32xf32, #tpu.memory_space<vmem>>
      %dma_start3A_2374 = tpu.memref_squeeze %dma_start3A_2373 : memref<1x50x32xf32, #tpu.memory_space<vmem>> -> memref<50x32xf32, #tpu.memory_space<vmem>>
      %dma_start3A_2375 = arith.constant 0 : i32
      %dma_start3A_2376 = tpu.memref_slice %arg6[%dma_start3A_2369, %dma_start3A_2375] : memref<32x50xi32, #tpu.memory_space<vmem>> -> memref<1x50xi32, #tpu.memory_space<vmem>>
      %dma_start3A_2377 = tpu.memref_squeeze %dma_start3A_2376 : memref<1x50xi32, #tpu.memory_space<vmem>> -> memref<50xi32, #tpu.memory_space<vmem>>
      %dma_start3A_2378 = arith.constant 0 : i32
      %dma_start3A_2379 = arith.constant 0 : i32
      %dma_start3A_2380 = tpu.memref_slice %arg2[%dma_start3A_2378, %dma_start3A_2379] : memref<1000000x32xf32, #tpu.memory_space<hbm>> -> memref<1000000x32xf32, #tpu.memory_space<hbm>>
      tpu.enqueue_indirect_dma source(%dma_start3A_2380 : memref<1000000x32xf32, #tpu.memory_space<hbm>>) target(%dma_start3A_2374 : memref<50x32xf32, #tpu.memory_space<vmem>>) offsets(%dma_start3A_2377 : memref<50xi32, #tpu.memory_space<vmem>>) semaphore(%arg12 : memref<!tpu.dma_semaphore, #tpu.memory_space<semaphore_mem>>)
      %dma_start3A_2381 = arith.constant 26 : i32
      %dma_start3A_2382 = arith.constant 26 : i32
      %dma_start3A_2383 = arith.constant 0 : i32
      %dma_start3A_2384 = arith.constant 0 : i32
      %dma_start3A_2385 = tpu.memref_slice %arg8[%dma_start3A_2382, %dma_start3A_2383, %dma_start3A_2384] : memref<32x50x32xf32, #tpu.memory_space<vmem>> -> memref<1x50x32xf32, #tpu.memory_space<vmem>>
      %dma_start3A_2386 = tpu.memref_squeeze %dma_start3A_2385 : memref<1x50x32xf32, #tpu.memory_space<vmem>> -> memref<50x32xf32, #tpu.memory_space<vmem>>
      %dma_start3A_2387 = arith.constant 0 : i32
      %dma_start3A_2388 = tpu.memref_slice %arg6[%dma_start3A_2381, %dma_start3A_2387] : memref<32x50xi32, #tpu.memory_space<vmem>> -> memref<1x50xi32, #tpu.memory_space<vmem>>
      %dma_start3A_2389 = tpu.memref_squeeze %dma_start3A_2388 : memref<1x50xi32, #tpu.memory_space<vmem>> -> memref<50xi32, #tpu.memory_space<vmem>>
      %dma_start3A_2390 = arith.constant 0 : i32
      %dma_start3A_2391 = arith.constant 0 : i32
      %dma_start3A_2392 = tpu.memref_slice %arg2[%dma_start3A_2390, %dma_start3A_2391] : memref<1000000x32xf32, #tpu.memory_space<hbm>> -> memref<1000000x32xf32, #tpu.memory_space<hbm>>
      tpu.enqueue_indirect_dma source(%dma_start3A_2392 : memref<1000000x32xf32, #tpu.memory_space<hbm>>) target(%dma_start3A_2386 : memref<50x32xf32, #tpu.memory_space<vmem>>) offsets(%dma_start3A_2389 : memref<50xi32, #tpu.memory_space<vmem>>) semaphore(%arg12 : memref<!tpu.dma_semaphore, #tpu.memory_space<semaphore_mem>>)
      %dma_start3A_2393 = arith.constant 27 : i32
      %dma_start3A_2394 = arith.constant 27 : i32
      %dma_start3A_2395 = arith.constant 0 : i32
      %dma_start3A_2396 = arith.constant 0 : i32
      %dma_start3A_2397 = tpu.memref_slice %arg8[%dma_start3A_2394, %dma_start3A_2395, %dma_start3A_2396] : memref<32x50x32xf32, #tpu.memory_space<vmem>> -> memref<1x50x32xf32, #tpu.memory_space<vmem>>
      %dma_start3A_2398 = tpu.memref_squeeze %dma_start3A_2397 : memref<1x50x32xf32, #tpu.memory_space<vmem>> -> memref<50x32xf32, #tpu.memory_space<vmem>>
      %dma_start3A_2399 = arith.constant 0 : i32
      %dma_start3A_2400 = tpu.memref_slice %arg6[%dma_start3A_2393, %dma_start3A_2399] : memref<32x50xi32, #tpu.memory_space<vmem>> -> memref<1x50xi32, #tpu.memory_space<vmem>>
      %dma_start3A_2401 = tpu.memref_squeeze %dma_start3A_2400 : memref<1x50xi32, #tpu.memory_space<vmem>> -> memref<50xi32, #tpu.memory_space<vmem>>
      %dma_start3A_2402 = arith.constant 0 : i32
      %dma_start3A_2403 = arith.constant 0 : i32
      %dma_start3A_2404 = tpu.memref_slice %arg2[%dma_start3A_2402, %dma_start3A_2403] : memref<1000000x32xf32, #tpu.memory_space<hbm>> -> memref<1000000x32xf32, #tpu.memory_space<hbm>>
      tpu.enqueue_indirect_dma source(%dma_start3A_2404 : memref<1000000x32xf32, #tpu.memory_space<hbm>>) target(%dma_start3A_2398 : memref<50x32xf32, #tpu.memory_space<vmem>>) offsets(%dma_start3A_2401 : memref<50xi32, #tpu.memory_space<vmem>>) semaphore(%arg12 : memref<!tpu.dma_semaphore, #tpu.memory_space<semaphore_mem>>)
      %dma_start3A_2405 = arith.constant 28 : i32
      %dma_start3A_2406 = arith.constant 28 : i32
      %dma_start3A_2407 = arith.constant 0 : i32
      %dma_start3A_2408 = arith.constant 0 : i32
      %dma_start3A_2409 = tpu.memref_slice %arg8[%dma_start3A_2406, %dma_start3A_2407, %dma_start3A_2408] : memref<32x50x32xf32, #tpu.memory_space<vmem>> -> memref<1x50x32xf32, #tpu.memory_space<vmem>>
      %dma_start3A_2410 = tpu.memref_squeeze %dma_start3A_2409 : memref<1x50x32xf32, #tpu.memory_space<vmem>> -> memref<50x32xf32, #tpu.memory_space<vmem>>
      %dma_start3A_2411 = arith.constant 0 : i32
      %dma_start3A_2412 = tpu.memref_slice %arg6[%dma_start3A_2405, %dma_start3A_2411] : memref<32x50xi32, #tpu.memory_space<vmem>> -> memref<1x50xi32, #tpu.memory_space<vmem>>
      %dma_start3A_2413 = tpu.memref_squeeze %dma_start3A_2412 : memref<1x50xi32, #tpu.memory_space<vmem>> -> memref<50xi32, #tpu.memory_space<vmem>>
      %dma_start3A_2414 = arith.constant 0 : i32
      %dma_start3A_2415 = arith.constant 0 : i32
      %dma_start3A_2416 = tpu.memref_slice %arg2[%dma_start3A_2414, %dma_start3A_2415] : memref<1000000x32xf32, #tpu.memory_space<hbm>> -> memref<1000000x32xf32, #tpu.memory_space<hbm>>
      tpu.enqueue_indirect_dma source(%dma_start3A_2416 : memref<1000000x32xf32, #tpu.memory_space<hbm>>) target(%dma_start3A_2410 : memref<50x32xf32, #tpu.memory_space<vmem>>) offsets(%dma_start3A_2413 : memref<50xi32, #tpu.memory_space<vmem>>) semaphore(%arg12 : memref<!tpu.dma_semaphore, #tpu.memory_space<semaphore_mem>>)
      %dma_start3A_2417 = arith.constant 29 : i32
      %dma_start3A_2418 = arith.constant 29 : i32
      %dma_start3A_2419 = arith.constant 0 : i32
      %dma_start3A_2420 = arith.constant 0 : i32
      %dma_start3A_2421 = tpu.memref_slice %arg8[%dma_start3A_2418, %dma_start3A_2419, %dma_start3A_2420] : memref<32x50x32xf32, #tpu.memory_space<vmem>> -> memref<1x50x32xf32, #tpu.memory_space<vmem>>
      %dma_start3A_2422 = tpu.memref_squeeze %dma_start3A_2421 : memref<1x50x32xf32, #tpu.memory_space<vmem>> -> memref<50x32xf32, #tpu.memory_space<vmem>>
      %dma_start3A_2423 = arith.constant 0 : i32
      %dma_start3A_2424 = tpu.memref_slice %arg6[%dma_start3A_2417, %dma_start3A_2423] : memref<32x50xi32, #tpu.memory_space<vmem>> -> memref<1x50xi32, #tpu.memory_space<vmem>>
      %dma_start3A_2425 = tpu.memref_squeeze %dma_start3A_2424 : memref<1x50xi32, #tpu.memory_space<vmem>> -> memref<50xi32, #tpu.memory_space<vmem>>
      %dma_start3A_2426 = arith.constant 0 : i32
      %dma_start3A_2427 = arith.constant 0 : i32
      %dma_start3A_2428 = tpu.memref_slice %arg2[%dma_start3A_2426, %dma_start3A_2427] : memref<1000000x32xf32, #tpu.memory_space<hbm>> -> memref<1000000x32xf32, #tpu.memory_space<hbm>>
      tpu.enqueue_indirect_dma source(%dma_start3A_2428 : memref<1000000x32xf32, #tpu.memory_space<hbm>>) target(%dma_start3A_2422 : memref<50x32xf32, #tpu.memory_space<vmem>>) offsets(%dma_start3A_2425 : memref<50xi32, #tpu.memory_space<vmem>>) semaphore(%arg12 : memref<!tpu.dma_semaphore, #tpu.memory_space<semaphore_mem>>)
      %dma_start3A_2429 = arith.constant 30 : i32
      %dma_start3A_2430 = arith.constant 30 : i32
      %dma_start3A_2431 = arith.constant 0 : i32
      %dma_start3A_2432 = arith.constant 0 : i32
      %dma_start3A_2433 = tpu.memref_slice %arg8[%dma_start3A_2430, %dma_start3A_2431, %dma_start3A_2432] : memref<32x50x32xf32, #tpu.memory_space<vmem>> -> memref<1x50x32xf32, #tpu.memory_space<vmem>>
      %dma_start3A_2434 = tpu.memref_squeeze %dma_start3A_2433 : memref<1x50x32xf32, #tpu.memory_space<vmem>> -> memref<50x32xf32, #tpu.memory_space<vmem>>
      %dma_start3A_2435 = arith.constant 0 : i32
      %dma_start3A_2436 = tpu.memref_slice %arg6[%dma_start3A_2429, %dma_start3A_2435] : memref<32x50xi32, #tpu.memory_space<vmem>> -> memref<1x50xi32, #tpu.memory_space<vmem>>
      %dma_start3A_2437 = tpu.memref_squeeze %dma_start3A_2436 : memref<1x50xi32, #tpu.memory_space<vmem>> -> memref<50xi32, #tpu.memory_space<vmem>>
      %dma_start3A_2438 = arith.constant 0 : i32
      %dma_start3A_2439 = arith.constant 0 : i32
      %dma_start3A_2440 = tpu.memref_slice %arg2[%dma_start3A_2438, %dma_start3A_2439] : memref<1000000x32xf32, #tpu.memory_space<hbm>> -> memref<1000000x32xf32, #tpu.memory_space<hbm>>
      tpu.enqueue_indirect_dma source(%dma_start3A_2440 : memref<1000000x32xf32, #tpu.memory_space<hbm>>) target(%dma_start3A_2434 : memref<50x32xf32, #tpu.memory_space<vmem>>) offsets(%dma_start3A_2437 : memref<50xi32, #tpu.memory_space<vmem>>) semaphore(%arg12 : memref<!tpu.dma_semaphore, #tpu.memory_space<semaphore_mem>>)
      %dma_start3A_2441 = arith.constant 31 : i32
      %dma_start3A_2442 = arith.constant 31 : i32
      %dma_start3A_2443 = arith.constant 0 : i32
      %dma_start3A_2444 = arith.constant 0 : i32
      %dma_start3A_2445 = tpu.memref_slice %arg8[%dma_start3A_2442, %dma_start3A_2443, %dma_start3A_2444] : memref<32x50x32xf32, #tpu.memory_space<vmem>> -> memref<1x50x32xf32, #tpu.memory_space<vmem>>
      %dma_start3A_2446 = tpu.memref_squeeze %dma_start3A_2445 : memref<1x50x32xf32, #tpu.memory_space<vmem>> -> memref<50x32xf32, #tpu.memory_space<vmem>>
      %dma_start3A_2447 = arith.constant 0 : i32
      %dma_start3A_2448 = tpu.memref_slice %arg6[%dma_start3A_2441, %dma_start3A_2447] : memref<32x50xi32, #tpu.memory_space<vmem>> -> memref<1x50xi32, #tpu.memory_space<vmem>>
      %dma_start3A_2449 = tpu.memref_squeeze %dma_start3A_2448 : memref<1x50xi32, #tpu.memory_space<vmem>> -> memref<50xi32, #tpu.memory_space<vmem>>
      %dma_start3A_2450 = arith.constant 0 : i32
      %dma_start3A_2451 = arith.constant 0 : i32
      %dma_start3A_2452 = tpu.memref_slice %arg2[%dma_start3A_2450, %dma_start3A_2451] : memref<1000000x32xf32, #tpu.memory_space<hbm>> -> memref<1000000x32xf32, #tpu.memory_space<hbm>>
      tpu.enqueue_indirect_dma source(%dma_start3A_2452 : memref<1000000x32xf32, #tpu.memory_space<hbm>>) target(%dma_start3A_2446 : memref<50x32xf32, #tpu.memory_space<vmem>>) offsets(%dma_start3A_2449 : memref<50xi32, #tpu.memory_space<vmem>>) semaphore(%arg12 : memref<!tpu.dma_semaphore, #tpu.memory_space<semaphore_mem>>)
      %mul3A_2453 = arith.constant 2 : i32
      %mul3A_2454 = arith.muli %scan3A_1637, %mul3A_2453 : i32
      %add3A_2455 = arith.constant 0 : i32
      %add3A_2456 = arith.addi %mul3A_2454, %add3A_2455 : i32
      %dma_wait3A_2457 = arith.constant 0 : i32
      %dma_wait3A_2458 = arith.constant 0 : i32
      %dma_wait3A_2459 = arith.constant 0 : i32
      %dma_wait3A_2460 = arith.constant 0 : i32
      %dma_wait3A_2461 = tpu.memref_slice %arg7[%dma_wait3A_2458, %dma_wait3A_2459, %dma_wait3A_2460] : memref<32x50x32xf32, #tpu.memory_space<vmem>> -> memref<1x50x32xf32, #tpu.memory_space<vmem>>
      %dma_wait3A_2462 = tpu.memref_squeeze %dma_wait3A_2461 : memref<1x50x32xf32, #tpu.memory_space<vmem>> -> memref<50x32xf32, #tpu.memory_space<vmem>>
      %dma_wait3A_2463 = arith.constant 0 : i32
      %dma_wait3A_2464 = tpu.memref_slice %arg5[%dma_wait3A_2457, %dma_wait3A_2463] : memref<32x50xi32, #tpu.memory_space<vmem>> -> memref<1x50xi32, #tpu.memory_space<vmem>>
      %dma_wait3A_2465 = tpu.memref_squeeze %dma_wait3A_2464 : memref<1x50xi32, #tpu.memory_space<vmem>> -> memref<50xi32, #tpu.memory_space<vmem>>
      %dma_wait3A_2466 = arith.constant 0 : i32
      %dma_wait3A_2467 = arith.constant 0 : i32
      %dma_wait3A_2468 = tpu.memref_slice %arg2[%dma_wait3A_2466, %dma_wait3A_2467] : memref<1000000x32xf32, #tpu.memory_space<hbm>> -> memref<1000000x32xf32, #tpu.memory_space<hbm>>
      tpu.wait_indirect_dma semaphore(%arg11 : memref<!tpu.dma_semaphore, #tpu.memory_space<semaphore_mem>>) src(%dma_wait3A_2468 : memref<1000000x32xf32, #tpu.memory_space<hbm>>) dst(%dma_wait3A_2462 : memref<50x32xf32, #tpu.memory_space<vmem>>)
      %dma_wait3A_2469 = arith.constant 1 : i32
      %dma_wait3A_2470 = arith.constant 1 : i32
      %dma_wait3A_2471 = arith.constant 0 : i32
      %dma_wait3A_2472 = arith.constant 0 : i32
      %dma_wait3A_2473 = tpu.memref_slice %arg7[%dma_wait3A_2470, %dma_wait3A_2471, %dma_wait3A_2472] : memref<32x50x32xf32, #tpu.memory_space<vmem>> -> memref<1x50x32xf32, #tpu.memory_space<vmem>>
      %dma_wait3A_2474 = tpu.memref_squeeze %dma_wait3A_2473 : memref<1x50x32xf32, #tpu.memory_space<vmem>> -> memref<50x32xf32, #tpu.memory_space<vmem>>
      %dma_wait3A_2475 = arith.constant 0 : i32
      %dma_wait3A_2476 = tpu.memref_slice %arg5[%dma_wait3A_2469, %dma_wait3A_2475] : memref<32x50xi32, #tpu.memory_space<vmem>> -> memref<1x50xi32, #tpu.memory_space<vmem>>
      %dma_wait3A_2477 = tpu.memref_squeeze %dma_wait3A_2476 : memref<1x50xi32, #tpu.memory_space<vmem>> -> memref<50xi32, #tpu.memory_space<vmem>>
      %dma_wait3A_2478 = arith.constant 0 : i32
      %dma_wait3A_2479 = arith.constant 0 : i32
      %dma_wait3A_2480 = tpu.memref_slice %arg2[%dma_wait3A_2478, %dma_wait3A_2479] : memref<1000000x32xf32, #tpu.memory_space<hbm>> -> memref<1000000x32xf32, #tpu.memory_space<hbm>>
      tpu.wait_indirect_dma semaphore(%arg11 : memref<!tpu.dma_semaphore, #tpu.memory_space<semaphore_mem>>) src(%dma_wait3A_2480 : memref<1000000x32xf32, #tpu.memory_space<hbm>>) dst(%dma_wait3A_2474 : memref<50x32xf32, #tpu.memory_space<vmem>>)
      %dma_wait3A_2481 = arith.constant 2 : i32
      %dma_wait3A_2482 = arith.constant 2 : i32
      %dma_wait3A_2483 = arith.constant 0 : i32
      %dma_wait3A_2484 = arith.constant 0 : i32
      %dma_wait3A_2485 = tpu.memref_slice %arg7[%dma_wait3A_2482, %dma_wait3A_2483, %dma_wait3A_2484] : memref<32x50x32xf32, #tpu.memory_space<vmem>> -> memref<1x50x32xf32, #tpu.memory_space<vmem>>
      %dma_wait3A_2486 = tpu.memref_squeeze %dma_wait3A_2485 : memref<1x50x32xf32, #tpu.memory_space<vmem>> -> memref<50x32xf32, #tpu.memory_space<vmem>>
      %dma_wait3A_2487 = arith.constant 0 : i32
      %dma_wait3A_2488 = tpu.memref_slice %arg5[%dma_wait3A_2481, %dma_wait3A_2487] : memref<32x50xi32, #tpu.memory_space<vmem>> -> memref<1x50xi32, #tpu.memory_space<vmem>>
      %dma_wait3A_2489 = tpu.memref_squeeze %dma_wait3A_2488 : memref<1x50xi32, #tpu.memory_space<vmem>> -> memref<50xi32, #tpu.memory_space<vmem>>
      %dma_wait3A_2490 = arith.constant 0 : i32
      %dma_wait3A_2491 = arith.constant 0 : i32
      %dma_wait3A_2492 = tpu.memref_slice %arg2[%dma_wait3A_2490, %dma_wait3A_2491] : memref<1000000x32xf32, #tpu.memory_space<hbm>> -> memref<1000000x32xf32, #tpu.memory_space<hbm>>
      tpu.wait_indirect_dma semaphore(%arg11 : memref<!tpu.dma_semaphore, #tpu.memory_space<semaphore_mem>>) src(%dma_wait3A_2492 : memref<1000000x32xf32, #tpu.memory_space<hbm>>) dst(%dma_wait3A_2486 : memref<50x32xf32, #tpu.memory_space<vmem>>)
      %dma_wait3A_2493 = arith.constant 3 : i32
      %dma_wait3A_2494 = arith.constant 3 : i32
      %dma_wait3A_2495 = arith.constant 0 : i32
      %dma_wait3A_2496 = arith.constant 0 : i32
      %dma_wait3A_2497 = tpu.memref_slice %arg7[%dma_wait3A_2494, %dma_wait3A_2495, %dma_wait3A_2496] : memref<32x50x32xf32, #tpu.memory_space<vmem>> -> memref<1x50x32xf32, #tpu.memory_space<vmem>>
      %dma_wait3A_2498 = tpu.memref_squeeze %dma_wait3A_2497 : memref<1x50x32xf32, #tpu.memory_space<vmem>> -> memref<50x32xf32, #tpu.memory_space<vmem>>
      %dma_wait3A_2499 = arith.constant 0 : i32
      %dma_wait3A_2500 = tpu.memref_slice %arg5[%dma_wait3A_2493, %dma_wait3A_2499] : memref<32x50xi32, #tpu.memory_space<vmem>> -> memref<1x50xi32, #tpu.memory_space<vmem>>
      %dma_wait3A_2501 = tpu.memref_squeeze %dma_wait3A_2500 : memref<1x50xi32, #tpu.memory_space<vmem>> -> memref<50xi32, #tpu.memory_space<vmem>>
      %dma_wait3A_2502 = arith.constant 0 : i32
      %dma_wait3A_2503 = arith.constant 0 : i32
      %dma_wait3A_2504 = tpu.memref_slice %arg2[%dma_wait3A_2502, %dma_wait3A_2503] : memref<1000000x32xf32, #tpu.memory_space<hbm>> -> memref<1000000x32xf32, #tpu.memory_space<hbm>>
      tpu.wait_indirect_dma semaphore(%arg11 : memref<!tpu.dma_semaphore, #tpu.memory_space<semaphore_mem>>) src(%dma_wait3A_2504 : memref<1000000x32xf32, #tpu.memory_space<hbm>>) dst(%dma_wait3A_2498 : memref<50x32xf32, #tpu.memory_space<vmem>>)
      %dma_wait3A_2505 = arith.constant 4 : i32
      %dma_wait3A_2506 = arith.constant 4 : i32
      %dma_wait3A_2507 = arith.constant 0 : i32
      %dma_wait3A_2508 = arith.constant 0 : i32
      %dma_wait3A_2509 = tpu.memref_slice %arg7[%dma_wait3A_2506, %dma_wait3A_2507, %dma_wait3A_2508] : memref<32x50x32xf32, #tpu.memory_space<vmem>> -> memref<1x50x32xf32, #tpu.memory_space<vmem>>
      %dma_wait3A_2510 = tpu.memref_squeeze %dma_wait3A_2509 : memref<1x50x32xf32, #tpu.memory_space<vmem>> -> memref<50x32xf32, #tpu.memory_space<vmem>>
      %dma_wait3A_2511 = arith.constant 0 : i32
      %dma_wait3A_2512 = tpu.memref_slice %arg5[%dma_wait3A_2505, %dma_wait3A_2511] : memref<32x50xi32, #tpu.memory_space<vmem>> -> memref<1x50xi32, #tpu.memory_space<vmem>>
      %dma_wait3A_2513 = tpu.memref_squeeze %dma_wait3A_2512 : memref<1x50xi32, #tpu.memory_space<vmem>> -> memref<50xi32, #tpu.memory_space<vmem>>
      %dma_wait3A_2514 = arith.constant 0 : i32
      %dma_wait3A_2515 = arith.constant 0 : i32
      %dma_wait3A_2516 = tpu.memref_slice %arg2[%dma_wait3A_2514, %dma_wait3A_2515] : memref<1000000x32xf32, #tpu.memory_space<hbm>> -> memref<1000000x32xf32, #tpu.memory_space<hbm>>
      tpu.wait_indirect_dma semaphore(%arg11 : memref<!tpu.dma_semaphore, #tpu.memory_space<semaphore_mem>>) src(%dma_wait3A_2516 : memref<1000000x32xf32, #tpu.memory_space<hbm>>) dst(%dma_wait3A_2510 : memref<50x32xf32, #tpu.memory_space<vmem>>)
      %dma_wait3A_2517 = arith.constant 5 : i32
      %dma_wait3A_2518 = arith.constant 5 : i32
      %dma_wait3A_2519 = arith.constant 0 : i32
      %dma_wait3A_2520 = arith.constant 0 : i32
      %dma_wait3A_2521 = tpu.memref_slice %arg7[%dma_wait3A_2518, %dma_wait3A_2519, %dma_wait3A_2520] : memref<32x50x32xf32, #tpu.memory_space<vmem>> -> memref<1x50x32xf32, #tpu.memory_space<vmem>>
      %dma_wait3A_2522 = tpu.memref_squeeze %dma_wait3A_2521 : memref<1x50x32xf32, #tpu.memory_space<vmem>> -> memref<50x32xf32, #tpu.memory_space<vmem>>
      %dma_wait3A_2523 = arith.constant 0 : i32
      %dma_wait3A_2524 = tpu.memref_slice %arg5[%dma_wait3A_2517, %dma_wait3A_2523] : memref<32x50xi32, #tpu.memory_space<vmem>> -> memref<1x50xi32, #tpu.memory_space<vmem>>
      %dma_wait3A_2525 = tpu.memref_squeeze %dma_wait3A_2524 : memref<1x50xi32, #tpu.memory_space<vmem>> -> memref<50xi32, #tpu.memory_space<vmem>>
      %dma_wait3A_2526 = arith.constant 0 : i32
      %dma_wait3A_2527 = arith.constant 0 : i32
      %dma_wait3A_2528 = tpu.memref_slice %arg2[%dma_wait3A_2526, %dma_wait3A_2527] : memref<1000000x32xf32, #tpu.memory_space<hbm>> -> memref<1000000x32xf32, #tpu.memory_space<hbm>>
      tpu.wait_indirect_dma semaphore(%arg11 : memref<!tpu.dma_semaphore, #tpu.memory_space<semaphore_mem>>) src(%dma_wait3A_2528 : memref<1000000x32xf32, #tpu.memory_space<hbm>>) dst(%dma_wait3A_2522 : memref<50x32xf32, #tpu.memory_space<vmem>>)
      %dma_wait3A_2529 = arith.constant 6 : i32
      %dma_wait3A_2530 = arith.constant 6 : i32
      %dma_wait3A_2531 = arith.constant 0 : i32
      %dma_wait3A_2532 = arith.constant 0 : i32
      %dma_wait3A_2533 = tpu.memref_slice %arg7[%dma_wait3A_2530, %dma_wait3A_2531, %dma_wait3A_2532] : memref<32x50x32xf32, #tpu.memory_space<vmem>> -> memref<1x50x32xf32, #tpu.memory_space<vmem>>
      %dma_wait3A_2534 = tpu.memref_squeeze %dma_wait3A_2533 : memref<1x50x32xf32, #tpu.memory_space<vmem>> -> memref<50x32xf32, #tpu.memory_space<vmem>>
      %dma_wait3A_2535 = arith.constant 0 : i32
      %dma_wait3A_2536 = tpu.memref_slice %arg5[%dma_wait3A_2529, %dma_wait3A_2535] : memref<32x50xi32, #tpu.memory_space<vmem>> -> memref<1x50xi32, #tpu.memory_space<vmem>>
      %dma_wait3A_2537 = tpu.memref_squeeze %dma_wait3A_2536 : memref<1x50xi32, #tpu.memory_space<vmem>> -> memref<50xi32, #tpu.memory_space<vmem>>
      %dma_wait3A_2538 = arith.constant 0 : i32
      %dma_wait3A_2539 = arith.constant 0 : i32
      %dma_wait3A_2540 = tpu.memref_slice %arg2[%dma_wait3A_2538, %dma_wait3A_2539] : memref<1000000x32xf32, #tpu.memory_space<hbm>> -> memref<1000000x32xf32, #tpu.memory_space<hbm>>
      tpu.wait_indirect_dma semaphore(%arg11 : memref<!tpu.dma_semaphore, #tpu.memory_space<semaphore_mem>>) src(%dma_wait3A_2540 : memref<1000000x32xf32, #tpu.memory_space<hbm>>) dst(%dma_wait3A_2534 : memref<50x32xf32, #tpu.memory_space<vmem>>)
      %dma_wait3A_2541 = arith.constant 7 : i32
      %dma_wait3A_2542 = arith.constant 7 : i32
      %dma_wait3A_2543 = arith.constant 0 : i32
      %dma_wait3A_2544 = arith.constant 0 : i32
      %dma_wait3A_2545 = tpu.memref_slice %arg7[%dma_wait3A_2542, %dma_wait3A_2543, %dma_wait3A_2544] : memref<32x50x32xf32, #tpu.memory_space<vmem>> -> memref<1x50x32xf32, #tpu.memory_space<vmem>>
      %dma_wait3A_2546 = tpu.memref_squeeze %dma_wait3A_2545 : memref<1x50x32xf32, #tpu.memory_space<vmem>> -> memref<50x32xf32, #tpu.memory_space<vmem>>
      %dma_wait3A_2547 = arith.constant 0 : i32
      %dma_wait3A_2548 = tpu.memref_slice %arg5[%dma_wait3A_2541, %dma_wait3A_2547] : memref<32x50xi32, #tpu.memory_space<vmem>> -> memref<1x50xi32, #tpu.memory_space<vmem>>
      %dma_wait3A_2549 = tpu.memref_squeeze %dma_wait3A_2548 : memref<1x50xi32, #tpu.memory_space<vmem>> -> memref<50xi32, #tpu.memory_space<vmem>>
      %dma_wait3A_2550 = arith.constant 0 : i32
      %dma_wait3A_2551 = arith.constant 0 : i32
      %dma_wait3A_2552 = tpu.memref_slice %arg2[%dma_wait3A_2550, %dma_wait3A_2551] : memref<1000000x32xf32, #tpu.memory_space<hbm>> -> memref<1000000x32xf32, #tpu.memory_space<hbm>>
      tpu.wait_indirect_dma semaphore(%arg11 : memref<!tpu.dma_semaphore, #tpu.memory_space<semaphore_mem>>) src(%dma_wait3A_2552 : memref<1000000x32xf32, #tpu.memory_space<hbm>>) dst(%dma_wait3A_2546 : memref<50x32xf32, #tpu.memory_space<vmem>>)
      %dma_wait3A_2553 = arith.constant 8 : i32
      %dma_wait3A_2554 = arith.constant 8 : i32
      %dma_wait3A_2555 = arith.constant 0 : i32
      %dma_wait3A_2556 = arith.constant 0 : i32
      %dma_wait3A_2557 = tpu.memref_slice %arg7[%dma_wait3A_2554, %dma_wait3A_2555, %dma_wait3A_2556] : memref<32x50x32xf32, #tpu.memory_space<vmem>> -> memref<1x50x32xf32, #tpu.memory_space<vmem>>
      %dma_wait3A_2558 = tpu.memref_squeeze %dma_wait3A_2557 : memref<1x50x32xf32, #tpu.memory_space<vmem>> -> memref<50x32xf32, #tpu.memory_space<vmem>>
      %dma_wait3A_2559 = arith.constant 0 : i32
      %dma_wait3A_2560 = tpu.memref_slice %arg5[%dma_wait3A_2553, %dma_wait3A_2559] : memref<32x50xi32, #tpu.memory_space<vmem>> -> memref<1x50xi32, #tpu.memory_space<vmem>>
      %dma_wait3A_2561 = tpu.memref_squeeze %dma_wait3A_2560 : memref<1x50xi32, #tpu.memory_space<vmem>> -> memref<50xi32, #tpu.memory_space<vmem>>
      %dma_wait3A_2562 = arith.constant 0 : i32
      %dma_wait3A_2563 = arith.constant 0 : i32
      %dma_wait3A_2564 = tpu.memref_slice %arg2[%dma_wait3A_2562, %dma_wait3A_2563] : memref<1000000x32xf32, #tpu.memory_space<hbm>> -> memref<1000000x32xf32, #tpu.memory_space<hbm>>
      tpu.wait_indirect_dma semaphore(%arg11 : memref<!tpu.dma_semaphore, #tpu.memory_space<semaphore_mem>>) src(%dma_wait3A_2564 : memref<1000000x32xf32, #tpu.memory_space<hbm>>) dst(%dma_wait3A_2558 : memref<50x32xf32, #tpu.memory_space<vmem>>)
      %dma_wait3A_2565 = arith.constant 9 : i32
      %dma_wait3A_2566 = arith.constant 9 : i32
      %dma_wait3A_2567 = arith.constant 0 : i32
      %dma_wait3A_2568 = arith.constant 0 : i32
      %dma_wait3A_2569 = tpu.memref_slice %arg7[%dma_wait3A_2566, %dma_wait3A_2567, %dma_wait3A_2568] : memref<32x50x32xf32, #tpu.memory_space<vmem>> -> memref<1x50x32xf32, #tpu.memory_space<vmem>>
      %dma_wait3A_2570 = tpu.memref_squeeze %dma_wait3A_2569 : memref<1x50x32xf32, #tpu.memory_space<vmem>> -> memref<50x32xf32, #tpu.memory_space<vmem>>
      %dma_wait3A_2571 = arith.constant 0 : i32
      %dma_wait3A_2572 = tpu.memref_slice %arg5[%dma_wait3A_2565, %dma_wait3A_2571] : memref<32x50xi32, #tpu.memory_space<vmem>> -> memref<1x50xi32, #tpu.memory_space<vmem>>
      %dma_wait3A_2573 = tpu.memref_squeeze %dma_wait3A_2572 : memref<1x50xi32, #tpu.memory_space<vmem>> -> memref<50xi32, #tpu.memory_space<vmem>>
      %dma_wait3A_2574 = arith.constant 0 : i32
      %dma_wait3A_2575 = arith.constant 0 : i32
      %dma_wait3A_2576 = tpu.memref_slice %arg2[%dma_wait3A_2574, %dma_wait3A_2575] : memref<1000000x32xf32, #tpu.memory_space<hbm>> -> memref<1000000x32xf32, #tpu.memory_space<hbm>>
      tpu.wait_indirect_dma semaphore(%arg11 : memref<!tpu.dma_semaphore, #tpu.memory_space<semaphore_mem>>) src(%dma_wait3A_2576 : memref<1000000x32xf32, #tpu.memory_space<hbm>>) dst(%dma_wait3A_2570 : memref<50x32xf32, #tpu.memory_space<vmem>>)
      %dma_wait3A_2577 = arith.constant 10 : i32
      %dma_wait3A_2578 = arith.constant 10 : i32
      %dma_wait3A_2579 = arith.constant 0 : i32
      %dma_wait3A_2580 = arith.constant 0 : i32
      %dma_wait3A_2581 = tpu.memref_slice %arg7[%dma_wait3A_2578, %dma_wait3A_2579, %dma_wait3A_2580] : memref<32x50x32xf32, #tpu.memory_space<vmem>> -> memref<1x50x32xf32, #tpu.memory_space<vmem>>
      %dma_wait3A_2582 = tpu.memref_squeeze %dma_wait3A_2581 : memref<1x50x32xf32, #tpu.memory_space<vmem>> -> memref<50x32xf32, #tpu.memory_space<vmem>>
      %dma_wait3A_2583 = arith.constant 0 : i32
      %dma_wait3A_2584 = tpu.memref_slice %arg5[%dma_wait3A_2577, %dma_wait3A_2583] : memref<32x50xi32, #tpu.memory_space<vmem>> -> memref<1x50xi32, #tpu.memory_space<vmem>>
      %dma_wait3A_2585 = tpu.memref_squeeze %dma_wait3A_2584 : memref<1x50xi32, #tpu.memory_space<vmem>> -> memref<50xi32, #tpu.memory_space<vmem>>
      %dma_wait3A_2586 = arith.constant 0 : i32
      %dma_wait3A_2587 = arith.constant 0 : i32
      %dma_wait3A_2588 = tpu.memref_slice %arg2[%dma_wait3A_2586, %dma_wait3A_2587] : memref<1000000x32xf32, #tpu.memory_space<hbm>> -> memref<1000000x32xf32, #tpu.memory_space<hbm>>
      tpu.wait_indirect_dma semaphore(%arg11 : memref<!tpu.dma_semaphore, #tpu.memory_space<semaphore_mem>>) src(%dma_wait3A_2588 : memref<1000000x32xf32, #tpu.memory_space<hbm>>) dst(%dma_wait3A_2582 : memref<50x32xf32, #tpu.memory_space<vmem>>)
      %dma_wait3A_2589 = arith.constant 11 : i32
      %dma_wait3A_2590 = arith.constant 11 : i32
      %dma_wait3A_2591 = arith.constant 0 : i32
      %dma_wait3A_2592 = arith.constant 0 : i32
      %dma_wait3A_2593 = tpu.memref_slice %arg7[%dma_wait3A_2590, %dma_wait3A_2591, %dma_wait3A_2592] : memref<32x50x32xf32, #tpu.memory_space<vmem>> -> memref<1x50x32xf32, #tpu.memory_space<vmem>>
      %dma_wait3A_2594 = tpu.memref_squeeze %dma_wait3A_2593 : memref<1x50x32xf32, #tpu.memory_space<vmem>> -> memref<50x32xf32, #tpu.memory_space<vmem>>
      %dma_wait3A_2595 = arith.constant 0 : i32
      %dma_wait3A_2596 = tpu.memref_slice %arg5[%dma_wait3A_2589, %dma_wait3A_2595] : memref<32x50xi32, #tpu.memory_space<vmem>> -> memref<1x50xi32, #tpu.memory_space<vmem>>
      %dma_wait3A_2597 = tpu.memref_squeeze %dma_wait3A_2596 : memref<1x50xi32, #tpu.memory_space<vmem>> -> memref<50xi32, #tpu.memory_space<vmem>>
      %dma_wait3A_2598 = arith.constant 0 : i32
      %dma_wait3A_2599 = arith.constant 0 : i32
      %dma_wait3A_2600 = tpu.memref_slice %arg2[%dma_wait3A_2598, %dma_wait3A_2599] : memref<1000000x32xf32, #tpu.memory_space<hbm>> -> memref<1000000x32xf32, #tpu.memory_space<hbm>>
      tpu.wait_indirect_dma semaphore(%arg11 : memref<!tpu.dma_semaphore, #tpu.memory_space<semaphore_mem>>) src(%dma_wait3A_2600 : memref<1000000x32xf32, #tpu.memory_space<hbm>>) dst(%dma_wait3A_2594 : memref<50x32xf32, #tpu.memory_space<vmem>>)
      %dma_wait3A_2601 = arith.constant 12 : i32
      %dma_wait3A_2602 = arith.constant 12 : i32
      %dma_wait3A_2603 = arith.constant 0 : i32
      %dma_wait3A_2604 = arith.constant 0 : i32
      %dma_wait3A_2605 = tpu.memref_slice %arg7[%dma_wait3A_2602, %dma_wait3A_2603, %dma_wait3A_2604] : memref<32x50x32xf32, #tpu.memory_space<vmem>> -> memref<1x50x32xf32, #tpu.memory_space<vmem>>
      %dma_wait3A_2606 = tpu.memref_squeeze %dma_wait3A_2605 : memref<1x50x32xf32, #tpu.memory_space<vmem>> -> memref<50x32xf32, #tpu.memory_space<vmem>>
      %dma_wait3A_2607 = arith.constant 0 : i32
      %dma_wait3A_2608 = tpu.memref_slice %arg5[%dma_wait3A_2601, %dma_wait3A_2607] : memref<32x50xi32, #tpu.memory_space<vmem>> -> memref<1x50xi32, #tpu.memory_space<vmem>>
      %dma_wait3A_2609 = tpu.memref_squeeze %dma_wait3A_2608 : memref<1x50xi32, #tpu.memory_space<vmem>> -> memref<50xi32, #tpu.memory_space<vmem>>
      %dma_wait3A_2610 = arith.constant 0 : i32
      %dma_wait3A_2611 = arith.constant 0 : i32
      %dma_wait3A_2612 = tpu.memref_slice %arg2[%dma_wait3A_2610, %dma_wait3A_2611] : memref<1000000x32xf32, #tpu.memory_space<hbm>> -> memref<1000000x32xf32, #tpu.memory_space<hbm>>
      tpu.wait_indirect_dma semaphore(%arg11 : memref<!tpu.dma_semaphore, #tpu.memory_space<semaphore_mem>>) src(%dma_wait3A_2612 : memref<1000000x32xf32, #tpu.memory_space<hbm>>) dst(%dma_wait3A_2606 : memref<50x32xf32, #tpu.memory_space<vmem>>)
      %dma_wait3A_2613 = arith.constant 13 : i32
      %dma_wait3A_2614 = arith.constant 13 : i32
      %dma_wait3A_2615 = arith.constant 0 : i32
      %dma_wait3A_2616 = arith.constant 0 : i32
      %dma_wait3A_2617 = tpu.memref_slice %arg7[%dma_wait3A_2614, %dma_wait3A_2615, %dma_wait3A_2616] : memref<32x50x32xf32, #tpu.memory_space<vmem>> -> memref<1x50x32xf32, #tpu.memory_space<vmem>>
      %dma_wait3A_2618 = tpu.memref_squeeze %dma_wait3A_2617 : memref<1x50x32xf32, #tpu.memory_space<vmem>> -> memref<50x32xf32, #tpu.memory_space<vmem>>
      %dma_wait3A_2619 = arith.constant 0 : i32
      %dma_wait3A_2620 = tpu.memref_slice %arg5[%dma_wait3A_2613, %dma_wait3A_2619] : memref<32x50xi32, #tpu.memory_space<vmem>> -> memref<1x50xi32, #tpu.memory_space<vmem>>
      %dma_wait3A_2621 = tpu.memref_squeeze %dma_wait3A_2620 : memref<1x50xi32, #tpu.memory_space<vmem>> -> memref<50xi32, #tpu.memory_space<vmem>>
      %dma_wait3A_2622 = arith.constant 0 : i32
      %dma_wait3A_2623 = arith.constant 0 : i32
      %dma_wait3A_2624 = tpu.memref_slice %arg2[%dma_wait3A_2622, %dma_wait3A_2623] : memref<1000000x32xf32, #tpu.memory_space<hbm>> -> memref<1000000x32xf32, #tpu.memory_space<hbm>>
      tpu.wait_indirect_dma semaphore(%arg11 : memref<!tpu.dma_semaphore, #tpu.memory_space<semaphore_mem>>) src(%dma_wait3A_2624 : memref<1000000x32xf32, #tpu.memory_space<hbm>>) dst(%dma_wait3A_2618 : memref<50x32xf32, #tpu.memory_space<vmem>>)
      %dma_wait3A_2625 = arith.constant 14 : i32
      %dma_wait3A_2626 = arith.constant 14 : i32
      %dma_wait3A_2627 = arith.constant 0 : i32
      %dma_wait3A_2628 = arith.constant 0 : i32
      %dma_wait3A_2629 = tpu.memref_slice %arg7[%dma_wait3A_2626, %dma_wait3A_2627, %dma_wait3A_2628] : memref<32x50x32xf32, #tpu.memory_space<vmem>> -> memref<1x50x32xf32, #tpu.memory_space<vmem>>
      %dma_wait3A_2630 = tpu.memref_squeeze %dma_wait3A_2629 : memref<1x50x32xf32, #tpu.memory_space<vmem>> -> memref<50x32xf32, #tpu.memory_space<vmem>>
      %dma_wait3A_2631 = arith.constant 0 : i32
      %dma_wait3A_2632 = tpu.memref_slice %arg5[%dma_wait3A_2625, %dma_wait3A_2631] : memref<32x50xi32, #tpu.memory_space<vmem>> -> memref<1x50xi32, #tpu.memory_space<vmem>>
      %dma_wait3A_2633 = tpu.memref_squeeze %dma_wait3A_2632 : memref<1x50xi32, #tpu.memory_space<vmem>> -> memref<50xi32, #tpu.memory_space<vmem>>
      %dma_wait3A_2634 = arith.constant 0 : i32
      %dma_wait3A_2635 = arith.constant 0 : i32
      %dma_wait3A_2636 = tpu.memref_slice %arg2[%dma_wait3A_2634, %dma_wait3A_2635] : memref<1000000x32xf32, #tpu.memory_space<hbm>> -> memref<1000000x32xf32, #tpu.memory_space<hbm>>
      tpu.wait_indirect_dma semaphore(%arg11 : memref<!tpu.dma_semaphore, #tpu.memory_space<semaphore_mem>>) src(%dma_wait3A_2636 : memref<1000000x32xf32, #tpu.memory_space<hbm>>) dst(%dma_wait3A_2630 : memref<50x32xf32, #tpu.memory_space<vmem>>)
      %dma_wait3A_2637 = arith.constant 15 : i32
      %dma_wait3A_2638 = arith.constant 15 : i32
      %dma_wait3A_2639 = arith.constant 0 : i32
      %dma_wait3A_2640 = arith.constant 0 : i32
      %dma_wait3A_2641 = tpu.memref_slice %arg7[%dma_wait3A_2638, %dma_wait3A_2639, %dma_wait3A_2640] : memref<32x50x32xf32, #tpu.memory_space<vmem>> -> memref<1x50x32xf32, #tpu.memory_space<vmem>>
      %dma_wait3A_2642 = tpu.memref_squeeze %dma_wait3A_2641 : memref<1x50x32xf32, #tpu.memory_space<vmem>> -> memref<50x32xf32, #tpu.memory_space<vmem>>
      %dma_wait3A_2643 = arith.constant 0 : i32
      %dma_wait3A_2644 = tpu.memref_slice %arg5[%dma_wait3A_2637, %dma_wait3A_2643] : memref<32x50xi32, #tpu.memory_space<vmem>> -> memref<1x50xi32, #tpu.memory_space<vmem>>
      %dma_wait3A_2645 = tpu.memref_squeeze %dma_wait3A_2644 : memref<1x50xi32, #tpu.memory_space<vmem>> -> memref<50xi32, #tpu.memory_space<vmem>>
      %dma_wait3A_2646 = arith.constant 0 : i32
      %dma_wait3A_2647 = arith.constant 0 : i32
      %dma_wait3A_2648 = tpu.memref_slice %arg2[%dma_wait3A_2646, %dma_wait3A_2647] : memref<1000000x32xf32, #tpu.memory_space<hbm>> -> memref<1000000x32xf32, #tpu.memory_space<hbm>>
      tpu.wait_indirect_dma semaphore(%arg11 : memref<!tpu.dma_semaphore, #tpu.memory_space<semaphore_mem>>) src(%dma_wait3A_2648 : memref<1000000x32xf32, #tpu.memory_space<hbm>>) dst(%dma_wait3A_2642 : memref<50x32xf32, #tpu.memory_space<vmem>>)
      %dma_wait3A_2649 = arith.constant 16 : i32
      %dma_wait3A_2650 = arith.constant 16 : i32
      %dma_wait3A_2651 = arith.constant 0 : i32
      %dma_wait3A_2652 = arith.constant 0 : i32
      %dma_wait3A_2653 = tpu.memref_slice %arg7[%dma_wait3A_2650, %dma_wait3A_2651, %dma_wait3A_2652] : memref<32x50x32xf32, #tpu.memory_space<vmem>> -> memref<1x50x32xf32, #tpu.memory_space<vmem>>
      %dma_wait3A_2654 = tpu.memref_squeeze %dma_wait3A_2653 : memref<1x50x32xf32, #tpu.memory_space<vmem>> -> memref<50x32xf32, #tpu.memory_space<vmem>>
      %dma_wait3A_2655 = arith.constant 0 : i32
      %dma_wait3A_2656 = tpu.memref_slice %arg5[%dma_wait3A_2649, %dma_wait3A_2655] : memref<32x50xi32, #tpu.memory_space<vmem>> -> memref<1x50xi32, #tpu.memory_space<vmem>>
      %dma_wait3A_2657 = tpu.memref_squeeze %dma_wait3A_2656 : memref<1x50xi32, #tpu.memory_space<vmem>> -> memref<50xi32, #tpu.memory_space<vmem>>
      %dma_wait3A_2658 = arith.constant 0 : i32
      %dma_wait3A_2659 = arith.constant 0 : i32
      %dma_wait3A_2660 = tpu.memref_slice %arg2[%dma_wait3A_2658, %dma_wait3A_2659] : memref<1000000x32xf32, #tpu.memory_space<hbm>> -> memref<1000000x32xf32, #tpu.memory_space<hbm>>
      tpu.wait_indirect_dma semaphore(%arg11 : memref<!tpu.dma_semaphore, #tpu.memory_space<semaphore_mem>>) src(%dma_wait3A_2660 : memref<1000000x32xf32, #tpu.memory_space<hbm>>) dst(%dma_wait3A_2654 : memref<50x32xf32, #tpu.memory_space<vmem>>)
      %dma_wait3A_2661 = arith.constant 17 : i32
      %dma_wait3A_2662 = arith.constant 17 : i32
      %dma_wait3A_2663 = arith.constant 0 : i32
      %dma_wait3A_2664 = arith.constant 0 : i32
      %dma_wait3A_2665 = tpu.memref_slice %arg7[%dma_wait3A_2662, %dma_wait3A_2663, %dma_wait3A_2664] : memref<32x50x32xf32, #tpu.memory_space<vmem>> -> memref<1x50x32xf32, #tpu.memory_space<vmem>>
      %dma_wait3A_2666 = tpu.memref_squeeze %dma_wait3A_2665 : memref<1x50x32xf32, #tpu.memory_space<vmem>> -> memref<50x32xf32, #tpu.memory_space<vmem>>
      %dma_wait3A_2667 = arith.constant 0 : i32
      %dma_wait3A_2668 = tpu.memref_slice %arg5[%dma_wait3A_2661, %dma_wait3A_2667] : memref<32x50xi32, #tpu.memory_space<vmem>> -> memref<1x50xi32, #tpu.memory_space<vmem>>
      %dma_wait3A_2669 = tpu.memref_squeeze %dma_wait3A_2668 : memref<1x50xi32, #tpu.memory_space<vmem>> -> memref<50xi32, #tpu.memory_space<vmem>>
      %dma_wait3A_2670 = arith.constant 0 : i32
      %dma_wait3A_2671 = arith.constant 0 : i32
      %dma_wait3A_2672 = tpu.memref_slice %arg2[%dma_wait3A_2670, %dma_wait3A_2671] : memref<1000000x32xf32, #tpu.memory_space<hbm>> -> memref<1000000x32xf32, #tpu.memory_space<hbm>>
      tpu.wait_indirect_dma semaphore(%arg11 : memref<!tpu.dma_semaphore, #tpu.memory_space<semaphore_mem>>) src(%dma_wait3A_2672 : memref<1000000x32xf32, #tpu.memory_space<hbm>>) dst(%dma_wait3A_2666 : memref<50x32xf32, #tpu.memory_space<vmem>>)
      %dma_wait3A_2673 = arith.constant 18 : i32
      %dma_wait3A_2674 = arith.constant 18 : i32
      %dma_wait3A_2675 = arith.constant 0 : i32
      %dma_wait3A_2676 = arith.constant 0 : i32
      %dma_wait3A_2677 = tpu.memref_slice %arg7[%dma_wait3A_2674, %dma_wait3A_2675, %dma_wait3A_2676] : memref<32x50x32xf32, #tpu.memory_space<vmem>> -> memref<1x50x32xf32, #tpu.memory_space<vmem>>
      %dma_wait3A_2678 = tpu.memref_squeeze %dma_wait3A_2677 : memref<1x50x32xf32, #tpu.memory_space<vmem>> -> memref<50x32xf32, #tpu.memory_space<vmem>>
      %dma_wait3A_2679 = arith.constant 0 : i32
      %dma_wait3A_2680 = tpu.memref_slice %arg5[%dma_wait3A_2673, %dma_wait3A_2679] : memref<32x50xi32, #tpu.memory_space<vmem>> -> memref<1x50xi32, #tpu.memory_space<vmem>>
      %dma_wait3A_2681 = tpu.memref_squeeze %dma_wait3A_2680 : memref<1x50xi32, #tpu.memory_space<vmem>> -> memref<50xi32, #tpu.memory_space<vmem>>
      %dma_wait3A_2682 = arith.constant 0 : i32
      %dma_wait3A_2683 = arith.constant 0 : i32
      %dma_wait3A_2684 = tpu.memref_slice %arg2[%dma_wait3A_2682, %dma_wait3A_2683] : memref<1000000x32xf32, #tpu.memory_space<hbm>> -> memref<1000000x32xf32, #tpu.memory_space<hbm>>
      tpu.wait_indirect_dma semaphore(%arg11 : memref<!tpu.dma_semaphore, #tpu.memory_space<semaphore_mem>>) src(%dma_wait3A_2684 : memref<1000000x32xf32, #tpu.memory_space<hbm>>) dst(%dma_wait3A_2678 : memref<50x32xf32, #tpu.memory_space<vmem>>)
      %dma_wait3A_2685 = arith.constant 19 : i32
      %dma_wait3A_2686 = arith.constant 19 : i32
      %dma_wait3A_2687 = arith.constant 0 : i32
      %dma_wait3A_2688 = arith.constant 0 : i32
      %dma_wait3A_2689 = tpu.memref_slice %arg7[%dma_wait3A_2686, %dma_wait3A_2687, %dma_wait3A_2688] : memref<32x50x32xf32, #tpu.memory_space<vmem>> -> memref<1x50x32xf32, #tpu.memory_space<vmem>>
      %dma_wait3A_2690 = tpu.memref_squeeze %dma_wait3A_2689 : memref<1x50x32xf32, #tpu.memory_space<vmem>> -> memref<50x32xf32, #tpu.memory_space<vmem>>
      %dma_wait3A_2691 = arith.constant 0 : i32
      %dma_wait3A_2692 = tpu.memref_slice %arg5[%dma_wait3A_2685, %dma_wait3A_2691] : memref<32x50xi32, #tpu.memory_space<vmem>> -> memref<1x50xi32, #tpu.memory_space<vmem>>
      %dma_wait3A_2693 = tpu.memref_squeeze %dma_wait3A_2692 : memref<1x50xi32, #tpu.memory_space<vmem>> -> memref<50xi32, #tpu.memory_space<vmem>>
      %dma_wait3A_2694 = arith.constant 0 : i32
      %dma_wait3A_2695 = arith.constant 0 : i32
      %dma_wait3A_2696 = tpu.memref_slice %arg2[%dma_wait3A_2694, %dma_wait3A_2695] : memref<1000000x32xf32, #tpu.memory_space<hbm>> -> memref<1000000x32xf32, #tpu.memory_space<hbm>>
      tpu.wait_indirect_dma semaphore(%arg11 : memref<!tpu.dma_semaphore, #tpu.memory_space<semaphore_mem>>) src(%dma_wait3A_2696 : memref<1000000x32xf32, #tpu.memory_space<hbm>>) dst(%dma_wait3A_2690 : memref<50x32xf32, #tpu.memory_space<vmem>>)
      %dma_wait3A_2697 = arith.constant 20 : i32
      %dma_wait3A_2698 = arith.constant 20 : i32
      %dma_wait3A_2699 = arith.constant 0 : i32
      %dma_wait3A_2700 = arith.constant 0 : i32
      %dma_wait3A_2701 = tpu.memref_slice %arg7[%dma_wait3A_2698, %dma_wait3A_2699, %dma_wait3A_2700] : memref<32x50x32xf32, #tpu.memory_space<vmem>> -> memref<1x50x32xf32, #tpu.memory_space<vmem>>
      %dma_wait3A_2702 = tpu.memref_squeeze %dma_wait3A_2701 : memref<1x50x32xf32, #tpu.memory_space<vmem>> -> memref<50x32xf32, #tpu.memory_space<vmem>>
      %dma_wait3A_2703 = arith.constant 0 : i32
      %dma_wait3A_2704 = tpu.memref_slice %arg5[%dma_wait3A_2697, %dma_wait3A_2703] : memref<32x50xi32, #tpu.memory_space<vmem>> -> memref<1x50xi32, #tpu.memory_space<vmem>>
      %dma_wait3A_2705 = tpu.memref_squeeze %dma_wait3A_2704 : memref<1x50xi32, #tpu.memory_space<vmem>> -> memref<50xi32, #tpu.memory_space<vmem>>
      %dma_wait3A_2706 = arith.constant 0 : i32
      %dma_wait3A_2707 = arith.constant 0 : i32
      %dma_wait3A_2708 = tpu.memref_slice %arg2[%dma_wait3A_2706, %dma_wait3A_2707] : memref<1000000x32xf32, #tpu.memory_space<hbm>> -> memref<1000000x32xf32, #tpu.memory_space<hbm>>
      tpu.wait_indirect_dma semaphore(%arg11 : memref<!tpu.dma_semaphore, #tpu.memory_space<semaphore_mem>>) src(%dma_wait3A_2708 : memref<1000000x32xf32, #tpu.memory_space<hbm>>) dst(%dma_wait3A_2702 : memref<50x32xf32, #tpu.memory_space<vmem>>)
      %dma_wait3A_2709 = arith.constant 21 : i32
      %dma_wait3A_2710 = arith.constant 21 : i32
      %dma_wait3A_2711 = arith.constant 0 : i32
      %dma_wait3A_2712 = arith.constant 0 : i32
      %dma_wait3A_2713 = tpu.memref_slice %arg7[%dma_wait3A_2710, %dma_wait3A_2711, %dma_wait3A_2712] : memref<32x50x32xf32, #tpu.memory_space<vmem>> -> memref<1x50x32xf32, #tpu.memory_space<vmem>>
      %dma_wait3A_2714 = tpu.memref_squeeze %dma_wait3A_2713 : memref<1x50x32xf32, #tpu.memory_space<vmem>> -> memref<50x32xf32, #tpu.memory_space<vmem>>
      %dma_wait3A_2715 = arith.constant 0 : i32
      %dma_wait3A_2716 = tpu.memref_slice %arg5[%dma_wait3A_2709, %dma_wait3A_2715] : memref<32x50xi32, #tpu.memory_space<vmem>> -> memref<1x50xi32, #tpu.memory_space<vmem>>
      %dma_wait3A_2717 = tpu.memref_squeeze %dma_wait3A_2716 : memref<1x50xi32, #tpu.memory_space<vmem>> -> memref<50xi32, #tpu.memory_space<vmem>>
      %dma_wait3A_2718 = arith.constant 0 : i32
      %dma_wait3A_2719 = arith.constant 0 : i32
      %dma_wait3A_2720 = tpu.memref_slice %arg2[%dma_wait3A_2718, %dma_wait3A_2719] : memref<1000000x32xf32, #tpu.memory_space<hbm>> -> memref<1000000x32xf32, #tpu.memory_space<hbm>>
      tpu.wait_indirect_dma semaphore(%arg11 : memref<!tpu.dma_semaphore, #tpu.memory_space<semaphore_mem>>) src(%dma_wait3A_2720 : memref<1000000x32xf32, #tpu.memory_space<hbm>>) dst(%dma_wait3A_2714 : memref<50x32xf32, #tpu.memory_space<vmem>>)
      %dma_wait3A_2721 = arith.constant 22 : i32
      %dma_wait3A_2722 = arith.constant 22 : i32
      %dma_wait3A_2723 = arith.constant 0 : i32
      %dma_wait3A_2724 = arith.constant 0 : i32
      %dma_wait3A_2725 = tpu.memref_slice %arg7[%dma_wait3A_2722, %dma_wait3A_2723, %dma_wait3A_2724] : memref<32x50x32xf32, #tpu.memory_space<vmem>> -> memref<1x50x32xf32, #tpu.memory_space<vmem>>
      %dma_wait3A_2726 = tpu.memref_squeeze %dma_wait3A_2725 : memref<1x50x32xf32, #tpu.memory_space<vmem>> -> memref<50x32xf32, #tpu.memory_space<vmem>>
      %dma_wait3A_2727 = arith.constant 0 : i32
      %dma_wait3A_2728 = tpu.memref_slice %arg5[%dma_wait3A_2721, %dma_wait3A_2727] : memref<32x50xi32, #tpu.memory_space<vmem>> -> memref<1x50xi32, #tpu.memory_space<vmem>>
      %dma_wait3A_2729 = tpu.memref_squeeze %dma_wait3A_2728 : memref<1x50xi32, #tpu.memory_space<vmem>> -> memref<50xi32, #tpu.memory_space<vmem>>
      %dma_wait3A_2730 = arith.constant 0 : i32
      %dma_wait3A_2731 = arith.constant 0 : i32
      %dma_wait3A_2732 = tpu.memref_slice %arg2[%dma_wait3A_2730, %dma_wait3A_2731] : memref<1000000x32xf32, #tpu.memory_space<hbm>> -> memref<1000000x32xf32, #tpu.memory_space<hbm>>
      tpu.wait_indirect_dma semaphore(%arg11 : memref<!tpu.dma_semaphore, #tpu.memory_space<semaphore_mem>>) src(%dma_wait3A_2732 : memref<1000000x32xf32, #tpu.memory_space<hbm>>) dst(%dma_wait3A_2726 : memref<50x32xf32, #tpu.memory_space<vmem>>)
      %dma_wait3A_2733 = arith.constant 23 : i32
      %dma_wait3A_2734 = arith.constant 23 : i32
      %dma_wait3A_2735 = arith.constant 0 : i32
      %dma_wait3A_2736 = arith.constant 0 : i32
      %dma_wait3A_2737 = tpu.memref_slice %arg7[%dma_wait3A_2734, %dma_wait3A_2735, %dma_wait3A_2736] : memref<32x50x32xf32, #tpu.memory_space<vmem>> -> memref<1x50x32xf32, #tpu.memory_space<vmem>>
      %dma_wait3A_2738 = tpu.memref_squeeze %dma_wait3A_2737 : memref<1x50x32xf32, #tpu.memory_space<vmem>> -> memref<50x32xf32, #tpu.memory_space<vmem>>
      %dma_wait3A_2739 = arith.constant 0 : i32
      %dma_wait3A_2740 = tpu.memref_slice %arg5[%dma_wait3A_2733, %dma_wait3A_2739] : memref<32x50xi32, #tpu.memory_space<vmem>> -> memref<1x50xi32, #tpu.memory_space<vmem>>
      %dma_wait3A_2741 = tpu.memref_squeeze %dma_wait3A_2740 : memref<1x50xi32, #tpu.memory_space<vmem>> -> memref<50xi32, #tpu.memory_space<vmem>>
      %dma_wait3A_2742 = arith.constant 0 : i32
      %dma_wait3A_2743 = arith.constant 0 : i32
      %dma_wait3A_2744 = tpu.memref_slice %arg2[%dma_wait3A_2742, %dma_wait3A_2743] : memref<1000000x32xf32, #tpu.memory_space<hbm>> -> memref<1000000x32xf32, #tpu.memory_space<hbm>>
      tpu.wait_indirect_dma semaphore(%arg11 : memref<!tpu.dma_semaphore, #tpu.memory_space<semaphore_mem>>) src(%dma_wait3A_2744 : memref<1000000x32xf32, #tpu.memory_space<hbm>>) dst(%dma_wait3A_2738 : memref<50x32xf32, #tpu.memory_space<vmem>>)
      %dma_wait3A_2745 = arith.constant 24 : i32
      %dma_wait3A_2746 = arith.constant 24 : i32
      %dma_wait3A_2747 = arith.constant 0 : i32
      %dma_wait3A_2748 = arith.constant 0 : i32
      %dma_wait3A_2749 = tpu.memref_slice %arg7[%dma_wait3A_2746, %dma_wait3A_2747, %dma_wait3A_2748] : memref<32x50x32xf32, #tpu.memory_space<vmem>> -> memref<1x50x32xf32, #tpu.memory_space<vmem>>
      %dma_wait3A_2750 = tpu.memref_squeeze %dma_wait3A_2749 : memref<1x50x32xf32, #tpu.memory_space<vmem>> -> memref<50x32xf32, #tpu.memory_space<vmem>>
      %dma_wait3A_2751 = arith.constant 0 : i32
      %dma_wait3A_2752 = tpu.memref_slice %arg5[%dma_wait3A_2745, %dma_wait3A_2751] : memref<32x50xi32, #tpu.memory_space<vmem>> -> memref<1x50xi32, #tpu.memory_space<vmem>>
      %dma_wait3A_2753 = tpu.memref_squeeze %dma_wait3A_2752 : memref<1x50xi32, #tpu.memory_space<vmem>> -> memref<50xi32, #tpu.memory_space<vmem>>
      %dma_wait3A_2754 = arith.constant 0 : i32
      %dma_wait3A_2755 = arith.constant 0 : i32
      %dma_wait3A_2756 = tpu.memref_slice %arg2[%dma_wait3A_2754, %dma_wait3A_2755] : memref<1000000x32xf32, #tpu.memory_space<hbm>> -> memref<1000000x32xf32, #tpu.memory_space<hbm>>
      tpu.wait_indirect_dma semaphore(%arg11 : memref<!tpu.dma_semaphore, #tpu.memory_space<semaphore_mem>>) src(%dma_wait3A_2756 : memref<1000000x32xf32, #tpu.memory_space<hbm>>) dst(%dma_wait3A_2750 : memref<50x32xf32, #tpu.memory_space<vmem>>)
      %dma_wait3A_2757 = arith.constant 25 : i32
      %dma_wait3A_2758 = arith.constant 25 : i32
      %dma_wait3A_2759 = arith.constant 0 : i32
      %dma_wait3A_2760 = arith.constant 0 : i32
      %dma_wait3A_2761 = tpu.memref_slice %arg7[%dma_wait3A_2758, %dma_wait3A_2759, %dma_wait3A_2760] : memref<32x50x32xf32, #tpu.memory_space<vmem>> -> memref<1x50x32xf32, #tpu.memory_space<vmem>>
      %dma_wait3A_2762 = tpu.memref_squeeze %dma_wait3A_2761 : memref<1x50x32xf32, #tpu.memory_space<vmem>> -> memref<50x32xf32, #tpu.memory_space<vmem>>
      %dma_wait3A_2763 = arith.constant 0 : i32
      %dma_wait3A_2764 = tpu.memref_slice %arg5[%dma_wait3A_2757, %dma_wait3A_2763] : memref<32x50xi32, #tpu.memory_space<vmem>> -> memref<1x50xi32, #tpu.memory_space<vmem>>
      %dma_wait3A_2765 = tpu.memref_squeeze %dma_wait3A_2764 : memref<1x50xi32, #tpu.memory_space<vmem>> -> memref<50xi32, #tpu.memory_space<vmem>>
      %dma_wait3A_2766 = arith.constant 0 : i32
      %dma_wait3A_2767 = arith.constant 0 : i32
      %dma_wait3A_2768 = tpu.memref_slice %arg2[%dma_wait3A_2766, %dma_wait3A_2767] : memref<1000000x32xf32, #tpu.memory_space<hbm>> -> memref<1000000x32xf32, #tpu.memory_space<hbm>>
      tpu.wait_indirect_dma semaphore(%arg11 : memref<!tpu.dma_semaphore, #tpu.memory_space<semaphore_mem>>) src(%dma_wait3A_2768 : memref<1000000x32xf32, #tpu.memory_space<hbm>>) dst(%dma_wait3A_2762 : memref<50x32xf32, #tpu.memory_space<vmem>>)
      %dma_wait3A_2769 = arith.constant 26 : i32
      %dma_wait3A_2770 = arith.constant 26 : i32
      %dma_wait3A_2771 = arith.constant 0 : i32
      %dma_wait3A_2772 = arith.constant 0 : i32
      %dma_wait3A_2773 = tpu.memref_slice %arg7[%dma_wait3A_2770, %dma_wait3A_2771, %dma_wait3A_2772] : memref<32x50x32xf32, #tpu.memory_space<vmem>> -> memref<1x50x32xf32, #tpu.memory_space<vmem>>
      %dma_wait3A_2774 = tpu.memref_squeeze %dma_wait3A_2773 : memref<1x50x32xf32, #tpu.memory_space<vmem>> -> memref<50x32xf32, #tpu.memory_space<vmem>>
      %dma_wait3A_2775 = arith.constant 0 : i32
      %dma_wait3A_2776 = tpu.memref_slice %arg5[%dma_wait3A_2769, %dma_wait3A_2775] : memref<32x50xi32, #tpu.memory_space<vmem>> -> memref<1x50xi32, #tpu.memory_space<vmem>>
      %dma_wait3A_2777 = tpu.memref_squeeze %dma_wait3A_2776 : memref<1x50xi32, #tpu.memory_space<vmem>> -> memref<50xi32, #tpu.memory_space<vmem>>
      %dma_wait3A_2778 = arith.constant 0 : i32
      %dma_wait3A_2779 = arith.constant 0 : i32
      %dma_wait3A_2780 = tpu.memref_slice %arg2[%dma_wait3A_2778, %dma_wait3A_2779] : memref<1000000x32xf32, #tpu.memory_space<hbm>> -> memref<1000000x32xf32, #tpu.memory_space<hbm>>
      tpu.wait_indirect_dma semaphore(%arg11 : memref<!tpu.dma_semaphore, #tpu.memory_space<semaphore_mem>>) src(%dma_wait3A_2780 : memref<1000000x32xf32, #tpu.memory_space<hbm>>) dst(%dma_wait3A_2774 : memref<50x32xf32, #tpu.memory_space<vmem>>)
      %dma_wait3A_2781 = arith.constant 27 : i32
      %dma_wait3A_2782 = arith.constant 27 : i32
      %dma_wait3A_2783 = arith.constant 0 : i32
      %dma_wait3A_2784 = arith.constant 0 : i32
      %dma_wait3A_2785 = tpu.memref_slice %arg7[%dma_wait3A_2782, %dma_wait3A_2783, %dma_wait3A_2784] : memref<32x50x32xf32, #tpu.memory_space<vmem>> -> memref<1x50x32xf32, #tpu.memory_space<vmem>>
      %dma_wait3A_2786 = tpu.memref_squeeze %dma_wait3A_2785 : memref<1x50x32xf32, #tpu.memory_space<vmem>> -> memref<50x32xf32, #tpu.memory_space<vmem>>
      %dma_wait3A_2787 = arith.constant 0 : i32
      %dma_wait3A_2788 = tpu.memref_slice %arg5[%dma_wait3A_2781, %dma_wait3A_2787] : memref<32x50xi32, #tpu.memory_space<vmem>> -> memref<1x50xi32, #tpu.memory_space<vmem>>
      %dma_wait3A_2789 = tpu.memref_squeeze %dma_wait3A_2788 : memref<1x50xi32, #tpu.memory_space<vmem>> -> memref<50xi32, #tpu.memory_space<vmem>>
      %dma_wait3A_2790 = arith.constant 0 : i32
      %dma_wait3A_2791 = arith.constant 0 : i32
      %dma_wait3A_2792 = tpu.memref_slice %arg2[%dma_wait3A_2790, %dma_wait3A_2791] : memref<1000000x32xf32, #tpu.memory_space<hbm>> -> memref<1000000x32xf32, #tpu.memory_space<hbm>>
      tpu.wait_indirect_dma semaphore(%arg11 : memref<!tpu.dma_semaphore, #tpu.memory_space<semaphore_mem>>) src(%dma_wait3A_2792 : memref<1000000x32xf32, #tpu.memory_space<hbm>>) dst(%dma_wait3A_2786 : memref<50x32xf32, #tpu.memory_space<vmem>>)
      %dma_wait3A_2793 = arith.constant 28 : i32
      %dma_wait3A_2794 = arith.constant 28 : i32
      %dma_wait3A_2795 = arith.constant 0 : i32
      %dma_wait3A_2796 = arith.constant 0 : i32
      %dma_wait3A_2797 = tpu.memref_slice %arg7[%dma_wait3A_2794, %dma_wait3A_2795, %dma_wait3A_2796] : memref<32x50x32xf32, #tpu.memory_space<vmem>> -> memref<1x50x32xf32, #tpu.memory_space<vmem>>
      %dma_wait3A_2798 = tpu.memref_squeeze %dma_wait3A_2797 : memref<1x50x32xf32, #tpu.memory_space<vmem>> -> memref<50x32xf32, #tpu.memory_space<vmem>>
      %dma_wait3A_2799 = arith.constant 0 : i32
      %dma_wait3A_2800 = tpu.memref_slice %arg5[%dma_wait3A_2793, %dma_wait3A_2799] : memref<32x50xi32, #tpu.memory_space<vmem>> -> memref<1x50xi32, #tpu.memory_space<vmem>>
      %dma_wait3A_2801 = tpu.memref_squeeze %dma_wait3A_2800 : memref<1x50xi32, #tpu.memory_space<vmem>> -> memref<50xi32, #tpu.memory_space<vmem>>
      %dma_wait3A_2802 = arith.constant 0 : i32
      %dma_wait3A_2803 = arith.constant 0 : i32
      %dma_wait3A_2804 = tpu.memref_slice %arg2[%dma_wait3A_2802, %dma_wait3A_2803] : memref<1000000x32xf32, #tpu.memory_space<hbm>> -> memref<1000000x32xf32, #tpu.memory_space<hbm>>
      tpu.wait_indirect_dma semaphore(%arg11 : memref<!tpu.dma_semaphore, #tpu.memory_space<semaphore_mem>>) src(%dma_wait3A_2804 : memref<1000000x32xf32, #tpu.memory_space<hbm>>) dst(%dma_wait3A_2798 : memref<50x32xf32, #tpu.memory_space<vmem>>)
      %dma_wait3A_2805 = arith.constant 29 : i32
      %dma_wait3A_2806 = arith.constant 29 : i32
      %dma_wait3A_2807 = arith.constant 0 : i32
      %dma_wait3A_2808 = arith.constant 0 : i32
      %dma_wait3A_2809 = tpu.memref_slice %arg7[%dma_wait3A_2806, %dma_wait3A_2807, %dma_wait3A_2808] : memref<32x50x32xf32, #tpu.memory_space<vmem>> -> memref<1x50x32xf32, #tpu.memory_space<vmem>>
      %dma_wait3A_2810 = tpu.memref_squeeze %dma_wait3A_2809 : memref<1x50x32xf32, #tpu.memory_space<vmem>> -> memref<50x32xf32, #tpu.memory_space<vmem>>
      %dma_wait3A_2811 = arith.constant 0 : i32
      %dma_wait3A_2812 = tpu.memref_slice %arg5[%dma_wait3A_2805, %dma_wait3A_2811] : memref<32x50xi32, #tpu.memory_space<vmem>> -> memref<1x50xi32, #tpu.memory_space<vmem>>
      %dma_wait3A_2813 = tpu.memref_squeeze %dma_wait3A_2812 : memref<1x50xi32, #tpu.memory_space<vmem>> -> memref<50xi32, #tpu.memory_space<vmem>>
      %dma_wait3A_2814 = arith.constant 0 : i32
      %dma_wait3A_2815 = arith.constant 0 : i32
      %dma_wait3A_2816 = tpu.memref_slice %arg2[%dma_wait3A_2814, %dma_wait3A_2815] : memref<1000000x32xf32, #tpu.memory_space<hbm>> -> memref<1000000x32xf32, #tpu.memory_space<hbm>>
      tpu.wait_indirect_dma semaphore(%arg11 : memref<!tpu.dma_semaphore, #tpu.memory_space<semaphore_mem>>) src(%dma_wait3A_2816 : memref<1000000x32xf32, #tpu.memory_space<hbm>>) dst(%dma_wait3A_2810 : memref<50x32xf32, #tpu.memory_space<vmem>>)
      %dma_wait3A_2817 = arith.constant 30 : i32
      %dma_wait3A_2818 = arith.constant 30 : i32
      %dma_wait3A_2819 = arith.constant 0 : i32
      %dma_wait3A_2820 = arith.constant 0 : i32
      %dma_wait3A_2821 = tpu.memref_slice %arg7[%dma_wait3A_2818, %dma_wait3A_2819, %dma_wait3A_2820] : memref<32x50x32xf32, #tpu.memory_space<vmem>> -> memref<1x50x32xf32, #tpu.memory_space<vmem>>
      %dma_wait3A_2822 = tpu.memref_squeeze %dma_wait3A_2821 : memref<1x50x32xf32, #tpu.memory_space<vmem>> -> memref<50x32xf32, #tpu.memory_space<vmem>>
      %dma_wait3A_2823 = arith.constant 0 : i32
      %dma_wait3A_2824 = tpu.memref_slice %arg5[%dma_wait3A_2817, %dma_wait3A_2823] : memref<32x50xi32, #tpu.memory_space<vmem>> -> memref<1x50xi32, #tpu.memory_space<vmem>>
      %dma_wait3A_2825 = tpu.memref_squeeze %dma_wait3A_2824 : memref<1x50xi32, #tpu.memory_space<vmem>> -> memref<50xi32, #tpu.memory_space<vmem>>
      %dma_wait3A_2826 = arith.constant 0 : i32
      %dma_wait3A_2827 = arith.constant 0 : i32
      %dma_wait3A_2828 = tpu.memref_slice %arg2[%dma_wait3A_2826, %dma_wait3A_2827] : memref<1000000x32xf32, #tpu.memory_space<hbm>> -> memref<1000000x32xf32, #tpu.memory_space<hbm>>
      tpu.wait_indirect_dma semaphore(%arg11 : memref<!tpu.dma_semaphore, #tpu.memory_space<semaphore_mem>>) src(%dma_wait3A_2828 : memref<1000000x32xf32, #tpu.memory_space<hbm>>) dst(%dma_wait3A_2822 : memref<50x32xf32, #tpu.memory_space<vmem>>)
      %dma_wait3A_2829 = arith.constant 31 : i32
      %dma_wait3A_2830 = arith.constant 31 : i32
      %dma_wait3A_2831 = arith.constant 0 : i32
      %dma_wait3A_2832 = arith.constant 0 : i32
      %dma_wait3A_2833 = tpu.memref_slice %arg7[%dma_wait3A_2830, %dma_wait3A_2831, %dma_wait3A_2832] : memref<32x50x32xf32, #tpu.memory_space<vmem>> -> memref<1x50x32xf32, #tpu.memory_space<vmem>>
      %dma_wait3A_2834 = tpu.memref_squeeze %dma_wait3A_2833 : memref<1x50x32xf32, #tpu.memory_space<vmem>> -> memref<50x32xf32, #tpu.memory_space<vmem>>
      %dma_wait3A_2835 = arith.constant 0 : i32
      %dma_wait3A_2836 = tpu.memref_slice %arg5[%dma_wait3A_2829, %dma_wait3A_2835] : memref<32x50xi32, #tpu.memory_space<vmem>> -> memref<1x50xi32, #tpu.memory_space<vmem>>
      %dma_wait3A_2837 = tpu.memref_squeeze %dma_wait3A_2836 : memref<1x50xi32, #tpu.memory_space<vmem>> -> memref<50xi32, #tpu.memory_space<vmem>>
      %dma_wait3A_2838 = arith.constant 0 : i32
      %dma_wait3A_2839 = arith.constant 0 : i32
      %dma_wait3A_2840 = tpu.memref_slice %arg2[%dma_wait3A_2838, %dma_wait3A_2839] : memref<1000000x32xf32, #tpu.memory_space<hbm>> -> memref<1000000x32xf32, #tpu.memory_space<hbm>>
      tpu.wait_indirect_dma semaphore(%arg11 : memref<!tpu.dma_semaphore, #tpu.memory_space<semaphore_mem>>) src(%dma_wait3A_2840 : memref<1000000x32xf32, #tpu.memory_space<hbm>>) dst(%dma_wait3A_2834 : memref<50x32xf32, #tpu.memory_space<vmem>>)
      %mul3A_2841 = arith.constant 32 : i32
      %mul3A_2842 = arith.muli %add3A_2456, %mul3A_2841 : i32
      %add3A_2843 = arith.addi %mul3A_2, %mul3A_2842 : i32
      %dma_start3A_2844 = arith.constant 0 : i32
      %dma_start3A_2845 = arith.constant 0 : i32
      %dma_start3A_2846 = tpu.memref_slice %arg4[%add3A_2843, %dma_start3A_2844, %dma_start3A_2845] : memref<16384x50x32xf32, #tpu.memory_space<hbm>> -> memref<32x50x32xf32, #tpu.memory_space<hbm>>
      %dma_start3A_2847 = arith.constant 0 : i32
      %dma_start3A_2848 = arith.constant 0 : i32
      %dma_start3A_2849 = tpu.memref_slice %arg4[%add3A_2843, %dma_start3A_2847, %dma_start3A_2848] : memref<16384x50x32xf32, #tpu.memory_space<hbm>> -> memref<32x50x32xf32, #tpu.memory_space<hbm>>
      tpu.enqueue_dma source(%arg7 : memref<32x50x32xf32, #tpu.memory_space<vmem>>) target(%dma_start3A_2849 : memref<32x50x32xf32, #tpu.memory_space<hbm>>) target_semaphore(%arg13 : memref<!tpu.dma_semaphore, #tpu.memory_space<semaphore_mem>>)
      %add3A_2850 = arith.constant 2 : i32
      %add3A_2851 = arith.addi %add3A_2456, %add3A_2850 : i32
      %mul3A_2852 = arith.constant 32 : i32
      %mul3A_2853 = arith.muli %add3A_2851, %mul3A_2852 : i32
      %add3A_2854 = arith.addi %mul3A_2, %mul3A_2853 : i32
      %min3A_2855 = arith.constant 16352 : i32
      %min3A_2856 = arith.minsi %add3A_2854, %min3A_2855 : i32
      %dma_start3A_2857 = arith.constant 0 : i32
      %dma_start3A_2858 = tpu.memref_slice %arg3[%min3A_2856, %dma_start3A_2857] : memref<16384x50xi32, #tpu.memory_space<hbm>> -> memref<32x50xi32, #tpu.memory_space<hbm>>
      %dma_start3A_2859 = arith.constant 0 : i32
      %dma_start3A_2860 = tpu.memref_slice %arg3[%min3A_2856, %dma_start3A_2859] : memref<16384x50xi32, #tpu.memory_space<hbm>> -> memref<32x50xi32, #tpu.memory_space<hbm>>
      tpu.enqueue_dma source(%dma_start3A_2860 : memref<32x50xi32, #tpu.memory_space<hbm>>) target(%arg5 : memref<32x50xi32, #tpu.memory_space<vmem>>) target_semaphore(%arg9 : memref<!tpu.dma_semaphore, #tpu.memory_space<semaphore_mem>>)
      %mul3A_2861 = arith.constant 2 : i32
      %mul3A_2862 = arith.muli %scan3A_1637, %mul3A_2861 : i32
      %add3A_2863 = arith.constant 1 : i32
      %add3A_2864 = arith.addi %mul3A_2862, %add3A_2863 : i32
      %dma_wait3A_2865 = arith.constant 0 : i32
      %dma_wait3A_2866 = arith.constant 0 : i32
      %dma_wait3A_2867 = arith.constant 0 : i32
      %dma_wait3A_2868 = arith.constant 0 : i32
      %dma_wait3A_2869 = tpu.memref_slice %arg8[%dma_wait3A_2866, %dma_wait3A_2867, %dma_wait3A_2868] : memref<32x50x32xf32, #tpu.memory_space<vmem>> -> memref<1x50x32xf32, #tpu.memory_space<vmem>>
      %dma_wait3A_2870 = tpu.memref_squeeze %dma_wait3A_2869 : memref<1x50x32xf32, #tpu.memory_space<vmem>> -> memref<50x32xf32, #tpu.memory_space<vmem>>
      %dma_wait3A_2871 = arith.constant 0 : i32
      %dma_wait3A_2872 = tpu.memref_slice %arg6[%dma_wait3A_2865, %dma_wait3A_2871] : memref<32x50xi32, #tpu.memory_space<vmem>> -> memref<1x50xi32, #tpu.memory_space<vmem>>
      %dma_wait3A_2873 = tpu.memref_squeeze %dma_wait3A_2872 : memref<1x50xi32, #tpu.memory_space<vmem>> -> memref<50xi32, #tpu.memory_space<vmem>>
      %dma_wait3A_2874 = arith.constant 0 : i32
      %dma_wait3A_2875 = arith.constant 0 : i32
      %dma_wait3A_2876 = tpu.memref_slice %arg2[%dma_wait3A_2874, %dma_wait3A_2875] : memref<1000000x32xf32, #tpu.memory_space<hbm>> -> memref<1000000x32xf32, #tpu.memory_space<hbm>>
      tpu.wait_indirect_dma semaphore(%arg12 : memref<!tpu.dma_semaphore, #tpu.memory_space<semaphore_mem>>) src(%dma_wait3A_2876 : memref<1000000x32xf32, #tpu.memory_space<hbm>>) dst(%dma_wait3A_2870 : memref<50x32xf32, #tpu.memory_space<vmem>>)
      %dma_wait3A_2877 = arith.constant 1 : i32
      %dma_wait3A_2878 = arith.constant 1 : i32
      %dma_wait3A_2879 = arith.constant 0 : i32
      %dma_wait3A_2880 = arith.constant 0 : i32
      %dma_wait3A_2881 = tpu.memref_slice %arg8[%dma_wait3A_2878, %dma_wait3A_2879, %dma_wait3A_2880] : memref<32x50x32xf32, #tpu.memory_space<vmem>> -> memref<1x50x32xf32, #tpu.memory_space<vmem>>
      %dma_wait3A_2882 = tpu.memref_squeeze %dma_wait3A_2881 : memref<1x50x32xf32, #tpu.memory_space<vmem>> -> memref<50x32xf32, #tpu.memory_space<vmem>>
      %dma_wait3A_2883 = arith.constant 0 : i32
      %dma_wait3A_2884 = tpu.memref_slice %arg6[%dma_wait3A_2877, %dma_wait3A_2883] : memref<32x50xi32, #tpu.memory_space<vmem>> -> memref<1x50xi32, #tpu.memory_space<vmem>>
      %dma_wait3A_2885 = tpu.memref_squeeze %dma_wait3A_2884 : memref<1x50xi32, #tpu.memory_space<vmem>> -> memref<50xi32, #tpu.memory_space<vmem>>
      %dma_wait3A_2886 = arith.constant 0 : i32
      %dma_wait3A_2887 = arith.constant 0 : i32
      %dma_wait3A_2888 = tpu.memref_slice %arg2[%dma_wait3A_2886, %dma_wait3A_2887] : memref<1000000x32xf32, #tpu.memory_space<hbm>> -> memref<1000000x32xf32, #tpu.memory_space<hbm>>
      tpu.wait_indirect_dma semaphore(%arg12 : memref<!tpu.dma_semaphore, #tpu.memory_space<semaphore_mem>>) src(%dma_wait3A_2888 : memref<1000000x32xf32, #tpu.memory_space<hbm>>) dst(%dma_wait3A_2882 : memref<50x32xf32, #tpu.memory_space<vmem>>)
      %dma_wait3A_2889 = arith.constant 2 : i32
      %dma_wait3A_2890 = arith.constant 2 : i32
      %dma_wait3A_2891 = arith.constant 0 : i32
      %dma_wait3A_2892 = arith.constant 0 : i32
      %dma_wait3A_2893 = tpu.memref_slice %arg8[%dma_wait3A_2890, %dma_wait3A_2891, %dma_wait3A_2892] : memref<32x50x32xf32, #tpu.memory_space<vmem>> -> memref<1x50x32xf32, #tpu.memory_space<vmem>>
      %dma_wait3A_2894 = tpu.memref_squeeze %dma_wait3A_2893 : memref<1x50x32xf32, #tpu.memory_space<vmem>> -> memref<50x32xf32, #tpu.memory_space<vmem>>
      %dma_wait3A_2895 = arith.constant 0 : i32
      %dma_wait3A_2896 = tpu.memref_slice %arg6[%dma_wait3A_2889, %dma_wait3A_2895] : memref<32x50xi32, #tpu.memory_space<vmem>> -> memref<1x50xi32, #tpu.memory_space<vmem>>
      %dma_wait3A_2897 = tpu.memref_squeeze %dma_wait3A_2896 : memref<1x50xi32, #tpu.memory_space<vmem>> -> memref<50xi32, #tpu.memory_space<vmem>>
      %dma_wait3A_2898 = arith.constant 0 : i32
      %dma_wait3A_2899 = arith.constant 0 : i32
      %dma_wait3A_2900 = tpu.memref_slice %arg2[%dma_wait3A_2898, %dma_wait3A_2899] : memref<1000000x32xf32, #tpu.memory_space<hbm>> -> memref<1000000x32xf32, #tpu.memory_space<hbm>>
      tpu.wait_indirect_dma semaphore(%arg12 : memref<!tpu.dma_semaphore, #tpu.memory_space<semaphore_mem>>) src(%dma_wait3A_2900 : memref<1000000x32xf32, #tpu.memory_space<hbm>>) dst(%dma_wait3A_2894 : memref<50x32xf32, #tpu.memory_space<vmem>>)
      %dma_wait3A_2901 = arith.constant 3 : i32
      %dma_wait3A_2902 = arith.constant 3 : i32
      %dma_wait3A_2903 = arith.constant 0 : i32
      %dma_wait3A_2904 = arith.constant 0 : i32
      %dma_wait3A_2905 = tpu.memref_slice %arg8[%dma_wait3A_2902, %dma_wait3A_2903, %dma_wait3A_2904] : memref<32x50x32xf32, #tpu.memory_space<vmem>> -> memref<1x50x32xf32, #tpu.memory_space<vmem>>
      %dma_wait3A_2906 = tpu.memref_squeeze %dma_wait3A_2905 : memref<1x50x32xf32, #tpu.memory_space<vmem>> -> memref<50x32xf32, #tpu.memory_space<vmem>>
      %dma_wait3A_2907 = arith.constant 0 : i32
      %dma_wait3A_2908 = tpu.memref_slice %arg6[%dma_wait3A_2901, %dma_wait3A_2907] : memref<32x50xi32, #tpu.memory_space<vmem>> -> memref<1x50xi32, #tpu.memory_space<vmem>>
      %dma_wait3A_2909 = tpu.memref_squeeze %dma_wait3A_2908 : memref<1x50xi32, #tpu.memory_space<vmem>> -> memref<50xi32, #tpu.memory_space<vmem>>
      %dma_wait3A_2910 = arith.constant 0 : i32
      %dma_wait3A_2911 = arith.constant 0 : i32
      %dma_wait3A_2912 = tpu.memref_slice %arg2[%dma_wait3A_2910, %dma_wait3A_2911] : memref<1000000x32xf32, #tpu.memory_space<hbm>> -> memref<1000000x32xf32, #tpu.memory_space<hbm>>
      tpu.wait_indirect_dma semaphore(%arg12 : memref<!tpu.dma_semaphore, #tpu.memory_space<semaphore_mem>>) src(%dma_wait3A_2912 : memref<1000000x32xf32, #tpu.memory_space<hbm>>) dst(%dma_wait3A_2906 : memref<50x32xf32, #tpu.memory_space<vmem>>)
      %dma_wait3A_2913 = arith.constant 4 : i32
      %dma_wait3A_2914 = arith.constant 4 : i32
      %dma_wait3A_2915 = arith.constant 0 : i32
      %dma_wait3A_2916 = arith.constant 0 : i32
      %dma_wait3A_2917 = tpu.memref_slice %arg8[%dma_wait3A_2914, %dma_wait3A_2915, %dma_wait3A_2916] : memref<32x50x32xf32, #tpu.memory_space<vmem>> -> memref<1x50x32xf32, #tpu.memory_space<vmem>>
      %dma_wait3A_2918 = tpu.memref_squeeze %dma_wait3A_2917 : memref<1x50x32xf32, #tpu.memory_space<vmem>> -> memref<50x32xf32, #tpu.memory_space<vmem>>
      %dma_wait3A_2919 = arith.constant 0 : i32
      %dma_wait3A_2920 = tpu.memref_slice %arg6[%dma_wait3A_2913, %dma_wait3A_2919] : memref<32x50xi32, #tpu.memory_space<vmem>> -> memref<1x50xi32, #tpu.memory_space<vmem>>
      %dma_wait3A_2921 = tpu.memref_squeeze %dma_wait3A_2920 : memref<1x50xi32, #tpu.memory_space<vmem>> -> memref<50xi32, #tpu.memory_space<vmem>>
      %dma_wait3A_2922 = arith.constant 0 : i32
      %dma_wait3A_2923 = arith.constant 0 : i32
      %dma_wait3A_2924 = tpu.memref_slice %arg2[%dma_wait3A_2922, %dma_wait3A_2923] : memref<1000000x32xf32, #tpu.memory_space<hbm>> -> memref<1000000x32xf32, #tpu.memory_space<hbm>>
      tpu.wait_indirect_dma semaphore(%arg12 : memref<!tpu.dma_semaphore, #tpu.memory_space<semaphore_mem>>) src(%dma_wait3A_2924 : memref<1000000x32xf32, #tpu.memory_space<hbm>>) dst(%dma_wait3A_2918 : memref<50x32xf32, #tpu.memory_space<vmem>>)
      %dma_wait3A_2925 = arith.constant 5 : i32
      %dma_wait3A_2926 = arith.constant 5 : i32
      %dma_wait3A_2927 = arith.constant 0 : i32
      %dma_wait3A_2928 = arith.constant 0 : i32
      %dma_wait3A_2929 = tpu.memref_slice %arg8[%dma_wait3A_2926, %dma_wait3A_2927, %dma_wait3A_2928] : memref<32x50x32xf32, #tpu.memory_space<vmem>> -> memref<1x50x32xf32, #tpu.memory_space<vmem>>
      %dma_wait3A_2930 = tpu.memref_squeeze %dma_wait3A_2929 : memref<1x50x32xf32, #tpu.memory_space<vmem>> -> memref<50x32xf32, #tpu.memory_space<vmem>>
      %dma_wait3A_2931 = arith.constant 0 : i32
      %dma_wait3A_2932 = tpu.memref_slice %arg6[%dma_wait3A_2925, %dma_wait3A_2931] : memref<32x50xi32, #tpu.memory_space<vmem>> -> memref<1x50xi32, #tpu.memory_space<vmem>>
      %dma_wait3A_2933 = tpu.memref_squeeze %dma_wait3A_2932 : memref<1x50xi32, #tpu.memory_space<vmem>> -> memref<50xi32, #tpu.memory_space<vmem>>
      %dma_wait3A_2934 = arith.constant 0 : i32
      %dma_wait3A_2935 = arith.constant 0 : i32
      %dma_wait3A_2936 = tpu.memref_slice %arg2[%dma_wait3A_2934, %dma_wait3A_2935] : memref<1000000x32xf32, #tpu.memory_space<hbm>> -> memref<1000000x32xf32, #tpu.memory_space<hbm>>
      tpu.wait_indirect_dma semaphore(%arg12 : memref<!tpu.dma_semaphore, #tpu.memory_space<semaphore_mem>>) src(%dma_wait3A_2936 : memref<1000000x32xf32, #tpu.memory_space<hbm>>) dst(%dma_wait3A_2930 : memref<50x32xf32, #tpu.memory_space<vmem>>)
      %dma_wait3A_2937 = arith.constant 6 : i32
      %dma_wait3A_2938 = arith.constant 6 : i32
      %dma_wait3A_2939 = arith.constant 0 : i32
      %dma_wait3A_2940 = arith.constant 0 : i32
      %dma_wait3A_2941 = tpu.memref_slice %arg8[%dma_wait3A_2938, %dma_wait3A_2939, %dma_wait3A_2940] : memref<32x50x32xf32, #tpu.memory_space<vmem>> -> memref<1x50x32xf32, #tpu.memory_space<vmem>>
      %dma_wait3A_2942 = tpu.memref_squeeze %dma_wait3A_2941 : memref<1x50x32xf32, #tpu.memory_space<vmem>> -> memref<50x32xf32, #tpu.memory_space<vmem>>
      %dma_wait3A_2943 = arith.constant 0 : i32
      %dma_wait3A_2944 = tpu.memref_slice %arg6[%dma_wait3A_2937, %dma_wait3A_2943] : memref<32x50xi32, #tpu.memory_space<vmem>> -> memref<1x50xi32, #tpu.memory_space<vmem>>
      %dma_wait3A_2945 = tpu.memref_squeeze %dma_wait3A_2944 : memref<1x50xi32, #tpu.memory_space<vmem>> -> memref<50xi32, #tpu.memory_space<vmem>>
      %dma_wait3A_2946 = arith.constant 0 : i32
      %dma_wait3A_2947 = arith.constant 0 : i32
      %dma_wait3A_2948 = tpu.memref_slice %arg2[%dma_wait3A_2946, %dma_wait3A_2947] : memref<1000000x32xf32, #tpu.memory_space<hbm>> -> memref<1000000x32xf32, #tpu.memory_space<hbm>>
      tpu.wait_indirect_dma semaphore(%arg12 : memref<!tpu.dma_semaphore, #tpu.memory_space<semaphore_mem>>) src(%dma_wait3A_2948 : memref<1000000x32xf32, #tpu.memory_space<hbm>>) dst(%dma_wait3A_2942 : memref<50x32xf32, #tpu.memory_space<vmem>>)
      %dma_wait3A_2949 = arith.constant 7 : i32
      %dma_wait3A_2950 = arith.constant 7 : i32
      %dma_wait3A_2951 = arith.constant 0 : i32
      %dma_wait3A_2952 = arith.constant 0 : i32
      %dma_wait3A_2953 = tpu.memref_slice %arg8[%dma_wait3A_2950, %dma_wait3A_2951, %dma_wait3A_2952] : memref<32x50x32xf32, #tpu.memory_space<vmem>> -> memref<1x50x32xf32, #tpu.memory_space<vmem>>
      %dma_wait3A_2954 = tpu.memref_squeeze %dma_wait3A_2953 : memref<1x50x32xf32, #tpu.memory_space<vmem>> -> memref<50x32xf32, #tpu.memory_space<vmem>>
      %dma_wait3A_2955 = arith.constant 0 : i32
      %dma_wait3A_2956 = tpu.memref_slice %arg6[%dma_wait3A_2949, %dma_wait3A_2955] : memref<32x50xi32, #tpu.memory_space<vmem>> -> memref<1x50xi32, #tpu.memory_space<vmem>>
      %dma_wait3A_2957 = tpu.memref_squeeze %dma_wait3A_2956 : memref<1x50xi32, #tpu.memory_space<vmem>> -> memref<50xi32, #tpu.memory_space<vmem>>
      %dma_wait3A_2958 = arith.constant 0 : i32
      %dma_wait3A_2959 = arith.constant 0 : i32
      %dma_wait3A_2960 = tpu.memref_slice %arg2[%dma_wait3A_2958, %dma_wait3A_2959] : memref<1000000x32xf32, #tpu.memory_space<hbm>> -> memref<1000000x32xf32, #tpu.memory_space<hbm>>
      tpu.wait_indirect_dma semaphore(%arg12 : memref<!tpu.dma_semaphore, #tpu.memory_space<semaphore_mem>>) src(%dma_wait3A_2960 : memref<1000000x32xf32, #tpu.memory_space<hbm>>) dst(%dma_wait3A_2954 : memref<50x32xf32, #tpu.memory_space<vmem>>)
      %dma_wait3A_2961 = arith.constant 8 : i32
      %dma_wait3A_2962 = arith.constant 8 : i32
      %dma_wait3A_2963 = arith.constant 0 : i32
      %dma_wait3A_2964 = arith.constant 0 : i32
      %dma_wait3A_2965 = tpu.memref_slice %arg8[%dma_wait3A_2962, %dma_wait3A_2963, %dma_wait3A_2964] : memref<32x50x32xf32, #tpu.memory_space<vmem>> -> memref<1x50x32xf32, #tpu.memory_space<vmem>>
      %dma_wait3A_2966 = tpu.memref_squeeze %dma_wait3A_2965 : memref<1x50x32xf32, #tpu.memory_space<vmem>> -> memref<50x32xf32, #tpu.memory_space<vmem>>
      %dma_wait3A_2967 = arith.constant 0 : i32
      %dma_wait3A_2968 = tpu.memref_slice %arg6[%dma_wait3A_2961, %dma_wait3A_2967] : memref<32x50xi32, #tpu.memory_space<vmem>> -> memref<1x50xi32, #tpu.memory_space<vmem>>
      %dma_wait3A_2969 = tpu.memref_squeeze %dma_wait3A_2968 : memref<1x50xi32, #tpu.memory_space<vmem>> -> memref<50xi32, #tpu.memory_space<vmem>>
      %dma_wait3A_2970 = arith.constant 0 : i32
      %dma_wait3A_2971 = arith.constant 0 : i32
      %dma_wait3A_2972 = tpu.memref_slice %arg2[%dma_wait3A_2970, %dma_wait3A_2971] : memref<1000000x32xf32, #tpu.memory_space<hbm>> -> memref<1000000x32xf32, #tpu.memory_space<hbm>>
      tpu.wait_indirect_dma semaphore(%arg12 : memref<!tpu.dma_semaphore, #tpu.memory_space<semaphore_mem>>) src(%dma_wait3A_2972 : memref<1000000x32xf32, #tpu.memory_space<hbm>>) dst(%dma_wait3A_2966 : memref<50x32xf32, #tpu.memory_space<vmem>>)
      %dma_wait3A_2973 = arith.constant 9 : i32
      %dma_wait3A_2974 = arith.constant 9 : i32
      %dma_wait3A_2975 = arith.constant 0 : i32
      %dma_wait3A_2976 = arith.constant 0 : i32
      %dma_wait3A_2977 = tpu.memref_slice %arg8[%dma_wait3A_2974, %dma_wait3A_2975, %dma_wait3A_2976] : memref<32x50x32xf32, #tpu.memory_space<vmem>> -> memref<1x50x32xf32, #tpu.memory_space<vmem>>
      %dma_wait3A_2978 = tpu.memref_squeeze %dma_wait3A_2977 : memref<1x50x32xf32, #tpu.memory_space<vmem>> -> memref<50x32xf32, #tpu.memory_space<vmem>>
      %dma_wait3A_2979 = arith.constant 0 : i32
      %dma_wait3A_2980 = tpu.memref_slice %arg6[%dma_wait3A_2973, %dma_wait3A_2979] : memref<32x50xi32, #tpu.memory_space<vmem>> -> memref<1x50xi32, #tpu.memory_space<vmem>>
      %dma_wait3A_2981 = tpu.memref_squeeze %dma_wait3A_2980 : memref<1x50xi32, #tpu.memory_space<vmem>> -> memref<50xi32, #tpu.memory_space<vmem>>
      %dma_wait3A_2982 = arith.constant 0 : i32
      %dma_wait3A_2983 = arith.constant 0 : i32
      %dma_wait3A_2984 = tpu.memref_slice %arg2[%dma_wait3A_2982, %dma_wait3A_2983] : memref<1000000x32xf32, #tpu.memory_space<hbm>> -> memref<1000000x32xf32, #tpu.memory_space<hbm>>
      tpu.wait_indirect_dma semaphore(%arg12 : memref<!tpu.dma_semaphore, #tpu.memory_space<semaphore_mem>>) src(%dma_wait3A_2984 : memref<1000000x32xf32, #tpu.memory_space<hbm>>) dst(%dma_wait3A_2978 : memref<50x32xf32, #tpu.memory_space<vmem>>)
      %dma_wait3A_2985 = arith.constant 10 : i32
      %dma_wait3A_2986 = arith.constant 10 : i32
      %dma_wait3A_2987 = arith.constant 0 : i32
      %dma_wait3A_2988 = arith.constant 0 : i32
      %dma_wait3A_2989 = tpu.memref_slice %arg8[%dma_wait3A_2986, %dma_wait3A_2987, %dma_wait3A_2988] : memref<32x50x32xf32, #tpu.memory_space<vmem>> -> memref<1x50x32xf32, #tpu.memory_space<vmem>>
      %dma_wait3A_2990 = tpu.memref_squeeze %dma_wait3A_2989 : memref<1x50x32xf32, #tpu.memory_space<vmem>> -> memref<50x32xf32, #tpu.memory_space<vmem>>
      %dma_wait3A_2991 = arith.constant 0 : i32
      %dma_wait3A_2992 = tpu.memref_slice %arg6[%dma_wait3A_2985, %dma_wait3A_2991] : memref<32x50xi32, #tpu.memory_space<vmem>> -> memref<1x50xi32, #tpu.memory_space<vmem>>
      %dma_wait3A_2993 = tpu.memref_squeeze %dma_wait3A_2992 : memref<1x50xi32, #tpu.memory_space<vmem>> -> memref<50xi32, #tpu.memory_space<vmem>>
      %dma_wait3A_2994 = arith.constant 0 : i32
      %dma_wait3A_2995 = arith.constant 0 : i32
      %dma_wait3A_2996 = tpu.memref_slice %arg2[%dma_wait3A_2994, %dma_wait3A_2995] : memref<1000000x32xf32, #tpu.memory_space<hbm>> -> memref<1000000x32xf32, #tpu.memory_space<hbm>>
      tpu.wait_indirect_dma semaphore(%arg12 : memref<!tpu.dma_semaphore, #tpu.memory_space<semaphore_mem>>) src(%dma_wait3A_2996 : memref<1000000x32xf32, #tpu.memory_space<hbm>>) dst(%dma_wait3A_2990 : memref<50x32xf32, #tpu.memory_space<vmem>>)
      %dma_wait3A_2997 = arith.constant 11 : i32
      %dma_wait3A_2998 = arith.constant 11 : i32
      %dma_wait3A_2999 = arith.constant 0 : i32
      %dma_wait3A_3000 = arith.constant 0 : i32
      %dma_wait3A_3001 = tpu.memref_slice %arg8[%dma_wait3A_2998, %dma_wait3A_2999, %dma_wait3A_3000] : memref<32x50x32xf32, #tpu.memory_space<vmem>> -> memref<1x50x32xf32, #tpu.memory_space<vmem>>
      %dma_wait3A_3002 = tpu.memref_squeeze %dma_wait3A_3001 : memref<1x50x32xf32, #tpu.memory_space<vmem>> -> memref<50x32xf32, #tpu.memory_space<vmem>>
      %dma_wait3A_3003 = arith.constant 0 : i32
      %dma_wait3A_3004 = tpu.memref_slice %arg6[%dma_wait3A_2997, %dma_wait3A_3003] : memref<32x50xi32, #tpu.memory_space<vmem>> -> memref<1x50xi32, #tpu.memory_space<vmem>>
      %dma_wait3A_3005 = tpu.memref_squeeze %dma_wait3A_3004 : memref<1x50xi32, #tpu.memory_space<vmem>> -> memref<50xi32, #tpu.memory_space<vmem>>
      %dma_wait3A_3006 = arith.constant 0 : i32
      %dma_wait3A_3007 = arith.constant 0 : i32
      %dma_wait3A_3008 = tpu.memref_slice %arg2[%dma_wait3A_3006, %dma_wait3A_3007] : memref<1000000x32xf32, #tpu.memory_space<hbm>> -> memref<1000000x32xf32, #tpu.memory_space<hbm>>
      tpu.wait_indirect_dma semaphore(%arg12 : memref<!tpu.dma_semaphore, #tpu.memory_space<semaphore_mem>>) src(%dma_wait3A_3008 : memref<1000000x32xf32, #tpu.memory_space<hbm>>) dst(%dma_wait3A_3002 : memref<50x32xf32, #tpu.memory_space<vmem>>)
      %dma_wait3A_3009 = arith.constant 12 : i32
      %dma_wait3A_3010 = arith.constant 12 : i32
      %dma_wait3A_3011 = arith.constant 0 : i32
      %dma_wait3A_3012 = arith.constant 0 : i32
      %dma_wait3A_3013 = tpu.memref_slice %arg8[%dma_wait3A_3010, %dma_wait3A_3011, %dma_wait3A_3012] : memref<32x50x32xf32, #tpu.memory_space<vmem>> -> memref<1x50x32xf32, #tpu.memory_space<vmem>>
      %dma_wait3A_3014 = tpu.memref_squeeze %dma_wait3A_3013 : memref<1x50x32xf32, #tpu.memory_space<vmem>> -> memref<50x32xf32, #tpu.memory_space<vmem>>
      %dma_wait3A_3015 = arith.constant 0 : i32
      %dma_wait3A_3016 = tpu.memref_slice %arg6[%dma_wait3A_3009, %dma_wait3A_3015] : memref<32x50xi32, #tpu.memory_space<vmem>> -> memref<1x50xi32, #tpu.memory_space<vmem>>
      %dma_wait3A_3017 = tpu.memref_squeeze %dma_wait3A_3016 : memref<1x50xi32, #tpu.memory_space<vmem>> -> memref<50xi32, #tpu.memory_space<vmem>>
      %dma_wait3A_3018 = arith.constant 0 : i32
      %dma_wait3A_3019 = arith.constant 0 : i32
      %dma_wait3A_3020 = tpu.memref_slice %arg2[%dma_wait3A_3018, %dma_wait3A_3019] : memref<1000000x32xf32, #tpu.memory_space<hbm>> -> memref<1000000x32xf32, #tpu.memory_space<hbm>>
      tpu.wait_indirect_dma semaphore(%arg12 : memref<!tpu.dma_semaphore, #tpu.memory_space<semaphore_mem>>) src(%dma_wait3A_3020 : memref<1000000x32xf32, #tpu.memory_space<hbm>>) dst(%dma_wait3A_3014 : memref<50x32xf32, #tpu.memory_space<vmem>>)
      %dma_wait3A_3021 = arith.constant 13 : i32
      %dma_wait3A_3022 = arith.constant 13 : i32
      %dma_wait3A_3023 = arith.constant 0 : i32
      %dma_wait3A_3024 = arith.constant 0 : i32
      %dma_wait3A_3025 = tpu.memref_slice %arg8[%dma_wait3A_3022, %dma_wait3A_3023, %dma_wait3A_3024] : memref<32x50x32xf32, #tpu.memory_space<vmem>> -> memref<1x50x32xf32, #tpu.memory_space<vmem>>
      %dma_wait3A_3026 = tpu.memref_squeeze %dma_wait3A_3025 : memref<1x50x32xf32, #tpu.memory_space<vmem>> -> memref<50x32xf32, #tpu.memory_space<vmem>>
      %dma_wait3A_3027 = arith.constant 0 : i32
      %dma_wait3A_3028 = tpu.memref_slice %arg6[%dma_wait3A_3021, %dma_wait3A_3027] : memref<32x50xi32, #tpu.memory_space<vmem>> -> memref<1x50xi32, #tpu.memory_space<vmem>>
      %dma_wait3A_3029 = tpu.memref_squeeze %dma_wait3A_3028 : memref<1x50xi32, #tpu.memory_space<vmem>> -> memref<50xi32, #tpu.memory_space<vmem>>
      %dma_wait3A_3030 = arith.constant 0 : i32
      %dma_wait3A_3031 = arith.constant 0 : i32
      %dma_wait3A_3032 = tpu.memref_slice %arg2[%dma_wait3A_3030, %dma_wait3A_3031] : memref<1000000x32xf32, #tpu.memory_space<hbm>> -> memref<1000000x32xf32, #tpu.memory_space<hbm>>
      tpu.wait_indirect_dma semaphore(%arg12 : memref<!tpu.dma_semaphore, #tpu.memory_space<semaphore_mem>>) src(%dma_wait3A_3032 : memref<1000000x32xf32, #tpu.memory_space<hbm>>) dst(%dma_wait3A_3026 : memref<50x32xf32, #tpu.memory_space<vmem>>)
      %dma_wait3A_3033 = arith.constant 14 : i32
      %dma_wait3A_3034 = arith.constant 14 : i32
      %dma_wait3A_3035 = arith.constant 0 : i32
      %dma_wait3A_3036 = arith.constant 0 : i32
      %dma_wait3A_3037 = tpu.memref_slice %arg8[%dma_wait3A_3034, %dma_wait3A_3035, %dma_wait3A_3036] : memref<32x50x32xf32, #tpu.memory_space<vmem>> -> memref<1x50x32xf32, #tpu.memory_space<vmem>>
      %dma_wait3A_3038 = tpu.memref_squeeze %dma_wait3A_3037 : memref<1x50x32xf32, #tpu.memory_space<vmem>> -> memref<50x32xf32, #tpu.memory_space<vmem>>
      %dma_wait3A_3039 = arith.constant 0 : i32
      %dma_wait3A_3040 = tpu.memref_slice %arg6[%dma_wait3A_3033, %dma_wait3A_3039] : memref<32x50xi32, #tpu.memory_space<vmem>> -> memref<1x50xi32, #tpu.memory_space<vmem>>
      %dma_wait3A_3041 = tpu.memref_squeeze %dma_wait3A_3040 : memref<1x50xi32, #tpu.memory_space<vmem>> -> memref<50xi32, #tpu.memory_space<vmem>>
      %dma_wait3A_3042 = arith.constant 0 : i32
      %dma_wait3A_3043 = arith.constant 0 : i32
      %dma_wait3A_3044 = tpu.memref_slice %arg2[%dma_wait3A_3042, %dma_wait3A_3043] : memref<1000000x32xf32, #tpu.memory_space<hbm>> -> memref<1000000x32xf32, #tpu.memory_space<hbm>>
      tpu.wait_indirect_dma semaphore(%arg12 : memref<!tpu.dma_semaphore, #tpu.memory_space<semaphore_mem>>) src(%dma_wait3A_3044 : memref<1000000x32xf32, #tpu.memory_space<hbm>>) dst(%dma_wait3A_3038 : memref<50x32xf32, #tpu.memory_space<vmem>>)
      %dma_wait3A_3045 = arith.constant 15 : i32
      %dma_wait3A_3046 = arith.constant 15 : i32
      %dma_wait3A_3047 = arith.constant 0 : i32
      %dma_wait3A_3048 = arith.constant 0 : i32
      %dma_wait3A_3049 = tpu.memref_slice %arg8[%dma_wait3A_3046, %dma_wait3A_3047, %dma_wait3A_3048] : memref<32x50x32xf32, #tpu.memory_space<vmem>> -> memref<1x50x32xf32, #tpu.memory_space<vmem>>
      %dma_wait3A_3050 = tpu.memref_squeeze %dma_wait3A_3049 : memref<1x50x32xf32, #tpu.memory_space<vmem>> -> memref<50x32xf32, #tpu.memory_space<vmem>>
      %dma_wait3A_3051 = arith.constant 0 : i32
      %dma_wait3A_3052 = tpu.memref_slice %arg6[%dma_wait3A_3045, %dma_wait3A_3051] : memref<32x50xi32, #tpu.memory_space<vmem>> -> memref<1x50xi32, #tpu.memory_space<vmem>>
      %dma_wait3A_3053 = tpu.memref_squeeze %dma_wait3A_3052 : memref<1x50xi32, #tpu.memory_space<vmem>> -> memref<50xi32, #tpu.memory_space<vmem>>
      %dma_wait3A_3054 = arith.constant 0 : i32
      %dma_wait3A_3055 = arith.constant 0 : i32
      %dma_wait3A_3056 = tpu.memref_slice %arg2[%dma_wait3A_3054, %dma_wait3A_3055] : memref<1000000x32xf32, #tpu.memory_space<hbm>> -> memref<1000000x32xf32, #tpu.memory_space<hbm>>
      tpu.wait_indirect_dma semaphore(%arg12 : memref<!tpu.dma_semaphore, #tpu.memory_space<semaphore_mem>>) src(%dma_wait3A_3056 : memref<1000000x32xf32, #tpu.memory_space<hbm>>) dst(%dma_wait3A_3050 : memref<50x32xf32, #tpu.memory_space<vmem>>)
      %dma_wait3A_3057 = arith.constant 16 : i32
      %dma_wait3A_3058 = arith.constant 16 : i32
      %dma_wait3A_3059 = arith.constant 0 : i32
      %dma_wait3A_3060 = arith.constant 0 : i32
      %dma_wait3A_3061 = tpu.memref_slice %arg8[%dma_wait3A_3058, %dma_wait3A_3059, %dma_wait3A_3060] : memref<32x50x32xf32, #tpu.memory_space<vmem>> -> memref<1x50x32xf32, #tpu.memory_space<vmem>>
      %dma_wait3A_3062 = tpu.memref_squeeze %dma_wait3A_3061 : memref<1x50x32xf32, #tpu.memory_space<vmem>> -> memref<50x32xf32, #tpu.memory_space<vmem>>
      %dma_wait3A_3063 = arith.constant 0 : i32
      %dma_wait3A_3064 = tpu.memref_slice %arg6[%dma_wait3A_3057, %dma_wait3A_3063] : memref<32x50xi32, #tpu.memory_space<vmem>> -> memref<1x50xi32, #tpu.memory_space<vmem>>
      %dma_wait3A_3065 = tpu.memref_squeeze %dma_wait3A_3064 : memref<1x50xi32, #tpu.memory_space<vmem>> -> memref<50xi32, #tpu.memory_space<vmem>>
      %dma_wait3A_3066 = arith.constant 0 : i32
      %dma_wait3A_3067 = arith.constant 0 : i32
      %dma_wait3A_3068 = tpu.memref_slice %arg2[%dma_wait3A_3066, %dma_wait3A_3067] : memref<1000000x32xf32, #tpu.memory_space<hbm>> -> memref<1000000x32xf32, #tpu.memory_space<hbm>>
      tpu.wait_indirect_dma semaphore(%arg12 : memref<!tpu.dma_semaphore, #tpu.memory_space<semaphore_mem>>) src(%dma_wait3A_3068 : memref<1000000x32xf32, #tpu.memory_space<hbm>>) dst(%dma_wait3A_3062 : memref<50x32xf32, #tpu.memory_space<vmem>>)
      %dma_wait3A_3069 = arith.constant 17 : i32
      %dma_wait3A_3070 = arith.constant 17 : i32
      %dma_wait3A_3071 = arith.constant 0 : i32
      %dma_wait3A_3072 = arith.constant 0 : i32
      %dma_wait3A_3073 = tpu.memref_slice %arg8[%dma_wait3A_3070, %dma_wait3A_3071, %dma_wait3A_3072] : memref<32x50x32xf32, #tpu.memory_space<vmem>> -> memref<1x50x32xf32, #tpu.memory_space<vmem>>
      %dma_wait3A_3074 = tpu.memref_squeeze %dma_wait3A_3073 : memref<1x50x32xf32, #tpu.memory_space<vmem>> -> memref<50x32xf32, #tpu.memory_space<vmem>>
      %dma_wait3A_3075 = arith.constant 0 : i32
      %dma_wait3A_3076 = tpu.memref_slice %arg6[%dma_wait3A_3069, %dma_wait3A_3075] : memref<32x50xi32, #tpu.memory_space<vmem>> -> memref<1x50xi32, #tpu.memory_space<vmem>>
      %dma_wait3A_3077 = tpu.memref_squeeze %dma_wait3A_3076 : memref<1x50xi32, #tpu.memory_space<vmem>> -> memref<50xi32, #tpu.memory_space<vmem>>
      %dma_wait3A_3078 = arith.constant 0 : i32
      %dma_wait3A_3079 = arith.constant 0 : i32
      %dma_wait3A_3080 = tpu.memref_slice %arg2[%dma_wait3A_3078, %dma_wait3A_3079] : memref<1000000x32xf32, #tpu.memory_space<hbm>> -> memref<1000000x32xf32, #tpu.memory_space<hbm>>
      tpu.wait_indirect_dma semaphore(%arg12 : memref<!tpu.dma_semaphore, #tpu.memory_space<semaphore_mem>>) src(%dma_wait3A_3080 : memref<1000000x32xf32, #tpu.memory_space<hbm>>) dst(%dma_wait3A_3074 : memref<50x32xf32, #tpu.memory_space<vmem>>)
      %dma_wait3A_3081 = arith.constant 18 : i32
      %dma_wait3A_3082 = arith.constant 18 : i32
      %dma_wait3A_3083 = arith.constant 0 : i32
      %dma_wait3A_3084 = arith.constant 0 : i32
      %dma_wait3A_3085 = tpu.memref_slice %arg8[%dma_wait3A_3082, %dma_wait3A_3083, %dma_wait3A_3084] : memref<32x50x32xf32, #tpu.memory_space<vmem>> -> memref<1x50x32xf32, #tpu.memory_space<vmem>>
      %dma_wait3A_3086 = tpu.memref_squeeze %dma_wait3A_3085 : memref<1x50x32xf32, #tpu.memory_space<vmem>> -> memref<50x32xf32, #tpu.memory_space<vmem>>
      %dma_wait3A_3087 = arith.constant 0 : i32
      %dma_wait3A_3088 = tpu.memref_slice %arg6[%dma_wait3A_3081, %dma_wait3A_3087] : memref<32x50xi32, #tpu.memory_space<vmem>> -> memref<1x50xi32, #tpu.memory_space<vmem>>
      %dma_wait3A_3089 = tpu.memref_squeeze %dma_wait3A_3088 : memref<1x50xi32, #tpu.memory_space<vmem>> -> memref<50xi32, #tpu.memory_space<vmem>>
      %dma_wait3A_3090 = arith.constant 0 : i32
      %dma_wait3A_3091 = arith.constant 0 : i32
      %dma_wait3A_3092 = tpu.memref_slice %arg2[%dma_wait3A_3090, %dma_wait3A_3091] : memref<1000000x32xf32, #tpu.memory_space<hbm>> -> memref<1000000x32xf32, #tpu.memory_space<hbm>>
      tpu.wait_indirect_dma semaphore(%arg12 : memref<!tpu.dma_semaphore, #tpu.memory_space<semaphore_mem>>) src(%dma_wait3A_3092 : memref<1000000x32xf32, #tpu.memory_space<hbm>>) dst(%dma_wait3A_3086 : memref<50x32xf32, #tpu.memory_space<vmem>>)
      %dma_wait3A_3093 = arith.constant 19 : i32
      %dma_wait3A_3094 = arith.constant 19 : i32
      %dma_wait3A_3095 = arith.constant 0 : i32
      %dma_wait3A_3096 = arith.constant 0 : i32
      %dma_wait3A_3097 = tpu.memref_slice %arg8[%dma_wait3A_3094, %dma_wait3A_3095, %dma_wait3A_3096] : memref<32x50x32xf32, #tpu.memory_space<vmem>> -> memref<1x50x32xf32, #tpu.memory_space<vmem>>
      %dma_wait3A_3098 = tpu.memref_squeeze %dma_wait3A_3097 : memref<1x50x32xf32, #tpu.memory_space<vmem>> -> memref<50x32xf32, #tpu.memory_space<vmem>>
      %dma_wait3A_3099 = arith.constant 0 : i32
      %dma_wait3A_3100 = tpu.memref_slice %arg6[%dma_wait3A_3093, %dma_wait3A_3099] : memref<32x50xi32, #tpu.memory_space<vmem>> -> memref<1x50xi32, #tpu.memory_space<vmem>>
      %dma_wait3A_3101 = tpu.memref_squeeze %dma_wait3A_3100 : memref<1x50xi32, #tpu.memory_space<vmem>> -> memref<50xi32, #tpu.memory_space<vmem>>
      %dma_wait3A_3102 = arith.constant 0 : i32
      %dma_wait3A_3103 = arith.constant 0 : i32
      %dma_wait3A_3104 = tpu.memref_slice %arg2[%dma_wait3A_3102, %dma_wait3A_3103] : memref<1000000x32xf32, #tpu.memory_space<hbm>> -> memref<1000000x32xf32, #tpu.memory_space<hbm>>
      tpu.wait_indirect_dma semaphore(%arg12 : memref<!tpu.dma_semaphore, #tpu.memory_space<semaphore_mem>>) src(%dma_wait3A_3104 : memref<1000000x32xf32, #tpu.memory_space<hbm>>) dst(%dma_wait3A_3098 : memref<50x32xf32, #tpu.memory_space<vmem>>)
      %dma_wait3A_3105 = arith.constant 20 : i32
      %dma_wait3A_3106 = arith.constant 20 : i32
      %dma_wait3A_3107 = arith.constant 0 : i32
      %dma_wait3A_3108 = arith.constant 0 : i32
      %dma_wait3A_3109 = tpu.memref_slice %arg8[%dma_wait3A_3106, %dma_wait3A_3107, %dma_wait3A_3108] : memref<32x50x32xf32, #tpu.memory_space<vmem>> -> memref<1x50x32xf32, #tpu.memory_space<vmem>>
      %dma_wait3A_3110 = tpu.memref_squeeze %dma_wait3A_3109 : memref<1x50x32xf32, #tpu.memory_space<vmem>> -> memref<50x32xf32, #tpu.memory_space<vmem>>
      %dma_wait3A_3111 = arith.constant 0 : i32
      %dma_wait3A_3112 = tpu.memref_slice %arg6[%dma_wait3A_3105, %dma_wait3A_3111] : memref<32x50xi32, #tpu.memory_space<vmem>> -> memref<1x50xi32, #tpu.memory_space<vmem>>
      %dma_wait3A_3113 = tpu.memref_squeeze %dma_wait3A_3112 : memref<1x50xi32, #tpu.memory_space<vmem>> -> memref<50xi32, #tpu.memory_space<vmem>>
      %dma_wait3A_3114 = arith.constant 0 : i32
      %dma_wait3A_3115 = arith.constant 0 : i32
      %dma_wait3A_3116 = tpu.memref_slice %arg2[%dma_wait3A_3114, %dma_wait3A_3115] : memref<1000000x32xf32, #tpu.memory_space<hbm>> -> memref<1000000x32xf32, #tpu.memory_space<hbm>>
      tpu.wait_indirect_dma semaphore(%arg12 : memref<!tpu.dma_semaphore, #tpu.memory_space<semaphore_mem>>) src(%dma_wait3A_3116 : memref<1000000x32xf32, #tpu.memory_space<hbm>>) dst(%dma_wait3A_3110 : memref<50x32xf32, #tpu.memory_space<vmem>>)
      %dma_wait3A_3117 = arith.constant 21 : i32
      %dma_wait3A_3118 = arith.constant 21 : i32
      %dma_wait3A_3119 = arith.constant 0 : i32
      %dma_wait3A_3120 = arith.constant 0 : i32
      %dma_wait3A_3121 = tpu.memref_slice %arg8[%dma_wait3A_3118, %dma_wait3A_3119, %dma_wait3A_3120] : memref<32x50x32xf32, #tpu.memory_space<vmem>> -> memref<1x50x32xf32, #tpu.memory_space<vmem>>
      %dma_wait3A_3122 = tpu.memref_squeeze %dma_wait3A_3121 : memref<1x50x32xf32, #tpu.memory_space<vmem>> -> memref<50x32xf32, #tpu.memory_space<vmem>>
      %dma_wait3A_3123 = arith.constant 0 : i32
      %dma_wait3A_3124 = tpu.memref_slice %arg6[%dma_wait3A_3117, %dma_wait3A_3123] : memref<32x50xi32, #tpu.memory_space<vmem>> -> memref<1x50xi32, #tpu.memory_space<vmem>>
      %dma_wait3A_3125 = tpu.memref_squeeze %dma_wait3A_3124 : memref<1x50xi32, #tpu.memory_space<vmem>> -> memref<50xi32, #tpu.memory_space<vmem>>
      %dma_wait3A_3126 = arith.constant 0 : i32
      %dma_wait3A_3127 = arith.constant 0 : i32
      %dma_wait3A_3128 = tpu.memref_slice %arg2[%dma_wait3A_3126, %dma_wait3A_3127] : memref<1000000x32xf32, #tpu.memory_space<hbm>> -> memref<1000000x32xf32, #tpu.memory_space<hbm>>
      tpu.wait_indirect_dma semaphore(%arg12 : memref<!tpu.dma_semaphore, #tpu.memory_space<semaphore_mem>>) src(%dma_wait3A_3128 : memref<1000000x32xf32, #tpu.memory_space<hbm>>) dst(%dma_wait3A_3122 : memref<50x32xf32, #tpu.memory_space<vmem>>)
      %dma_wait3A_3129 = arith.constant 22 : i32
      %dma_wait3A_3130 = arith.constant 22 : i32
      %dma_wait3A_3131 = arith.constant 0 : i32
      %dma_wait3A_3132 = arith.constant 0 : i32
      %dma_wait3A_3133 = tpu.memref_slice %arg8[%dma_wait3A_3130, %dma_wait3A_3131, %dma_wait3A_3132] : memref<32x50x32xf32, #tpu.memory_space<vmem>> -> memref<1x50x32xf32, #tpu.memory_space<vmem>>
      %dma_wait3A_3134 = tpu.memref_squeeze %dma_wait3A_3133 : memref<1x50x32xf32, #tpu.memory_space<vmem>> -> memref<50x32xf32, #tpu.memory_space<vmem>>
      %dma_wait3A_3135 = arith.constant 0 : i32
      %dma_wait3A_3136 = tpu.memref_slice %arg6[%dma_wait3A_3129, %dma_wait3A_3135] : memref<32x50xi32, #tpu.memory_space<vmem>> -> memref<1x50xi32, #tpu.memory_space<vmem>>
      %dma_wait3A_3137 = tpu.memref_squeeze %dma_wait3A_3136 : memref<1x50xi32, #tpu.memory_space<vmem>> -> memref<50xi32, #tpu.memory_space<vmem>>
      %dma_wait3A_3138 = arith.constant 0 : i32
      %dma_wait3A_3139 = arith.constant 0 : i32
      %dma_wait3A_3140 = tpu.memref_slice %arg2[%dma_wait3A_3138, %dma_wait3A_3139] : memref<1000000x32xf32, #tpu.memory_space<hbm>> -> memref<1000000x32xf32, #tpu.memory_space<hbm>>
      tpu.wait_indirect_dma semaphore(%arg12 : memref<!tpu.dma_semaphore, #tpu.memory_space<semaphore_mem>>) src(%dma_wait3A_3140 : memref<1000000x32xf32, #tpu.memory_space<hbm>>) dst(%dma_wait3A_3134 : memref<50x32xf32, #tpu.memory_space<vmem>>)
      %dma_wait3A_3141 = arith.constant 23 : i32
      %dma_wait3A_3142 = arith.constant 23 : i32
      %dma_wait3A_3143 = arith.constant 0 : i32
      %dma_wait3A_3144 = arith.constant 0 : i32
      %dma_wait3A_3145 = tpu.memref_slice %arg8[%dma_wait3A_3142, %dma_wait3A_3143, %dma_wait3A_3144] : memref<32x50x32xf32, #tpu.memory_space<vmem>> -> memref<1x50x32xf32, #tpu.memory_space<vmem>>
      %dma_wait3A_3146 = tpu.memref_squeeze %dma_wait3A_3145 : memref<1x50x32xf32, #tpu.memory_space<vmem>> -> memref<50x32xf32, #tpu.memory_space<vmem>>
      %dma_wait3A_3147 = arith.constant 0 : i32
      %dma_wait3A_3148 = tpu.memref_slice %arg6[%dma_wait3A_3141, %dma_wait3A_3147] : memref<32x50xi32, #tpu.memory_space<vmem>> -> memref<1x50xi32, #tpu.memory_space<vmem>>
      %dma_wait3A_3149 = tpu.memref_squeeze %dma_wait3A_3148 : memref<1x50xi32, #tpu.memory_space<vmem>> -> memref<50xi32, #tpu.memory_space<vmem>>
      %dma_wait3A_3150 = arith.constant 0 : i32
      %dma_wait3A_3151 = arith.constant 0 : i32
      %dma_wait3A_3152 = tpu.memref_slice %arg2[%dma_wait3A_3150, %dma_wait3A_3151] : memref<1000000x32xf32, #tpu.memory_space<hbm>> -> memref<1000000x32xf32, #tpu.memory_space<hbm>>
      tpu.wait_indirect_dma semaphore(%arg12 : memref<!tpu.dma_semaphore, #tpu.memory_space<semaphore_mem>>) src(%dma_wait3A_3152 : memref<1000000x32xf32, #tpu.memory_space<hbm>>) dst(%dma_wait3A_3146 : memref<50x32xf32, #tpu.memory_space<vmem>>)
      %dma_wait3A_3153 = arith.constant 24 : i32
      %dma_wait3A_3154 = arith.constant 24 : i32
      %dma_wait3A_3155 = arith.constant 0 : i32
      %dma_wait3A_3156 = arith.constant 0 : i32
      %dma_wait3A_3157 = tpu.memref_slice %arg8[%dma_wait3A_3154, %dma_wait3A_3155, %dma_wait3A_3156] : memref<32x50x32xf32, #tpu.memory_space<vmem>> -> memref<1x50x32xf32, #tpu.memory_space<vmem>>
      %dma_wait3A_3158 = tpu.memref_squeeze %dma_wait3A_3157 : memref<1x50x32xf32, #tpu.memory_space<vmem>> -> memref<50x32xf32, #tpu.memory_space<vmem>>
      %dma_wait3A_3159 = arith.constant 0 : i32
      %dma_wait3A_3160 = tpu.memref_slice %arg6[%dma_wait3A_3153, %dma_wait3A_3159] : memref<32x50xi32, #tpu.memory_space<vmem>> -> memref<1x50xi32, #tpu.memory_space<vmem>>
      %dma_wait3A_3161 = tpu.memref_squeeze %dma_wait3A_3160 : memref<1x50xi32, #tpu.memory_space<vmem>> -> memref<50xi32, #tpu.memory_space<vmem>>
      %dma_wait3A_3162 = arith.constant 0 : i32
      %dma_wait3A_3163 = arith.constant 0 : i32
      %dma_wait3A_3164 = tpu.memref_slice %arg2[%dma_wait3A_3162, %dma_wait3A_3163] : memref<1000000x32xf32, #tpu.memory_space<hbm>> -> memref<1000000x32xf32, #tpu.memory_space<hbm>>
      tpu.wait_indirect_dma semaphore(%arg12 : memref<!tpu.dma_semaphore, #tpu.memory_space<semaphore_mem>>) src(%dma_wait3A_3164 : memref<1000000x32xf32, #tpu.memory_space<hbm>>) dst(%dma_wait3A_3158 : memref<50x32xf32, #tpu.memory_space<vmem>>)
      %dma_wait3A_3165 = arith.constant 25 : i32
      %dma_wait3A_3166 = arith.constant 25 : i32
      %dma_wait3A_3167 = arith.constant 0 : i32
      %dma_wait3A_3168 = arith.constant 0 : i32
      %dma_wait3A_3169 = tpu.memref_slice %arg8[%dma_wait3A_3166, %dma_wait3A_3167, %dma_wait3A_3168] : memref<32x50x32xf32, #tpu.memory_space<vmem>> -> memref<1x50x32xf32, #tpu.memory_space<vmem>>
      %dma_wait3A_3170 = tpu.memref_squeeze %dma_wait3A_3169 : memref<1x50x32xf32, #tpu.memory_space<vmem>> -> memref<50x32xf32, #tpu.memory_space<vmem>>
      %dma_wait3A_3171 = arith.constant 0 : i32
      %dma_wait3A_3172 = tpu.memref_slice %arg6[%dma_wait3A_3165, %dma_wait3A_3171] : memref<32x50xi32, #tpu.memory_space<vmem>> -> memref<1x50xi32, #tpu.memory_space<vmem>>
      %dma_wait3A_3173 = tpu.memref_squeeze %dma_wait3A_3172 : memref<1x50xi32, #tpu.memory_space<vmem>> -> memref<50xi32, #tpu.memory_space<vmem>>
      %dma_wait3A_3174 = arith.constant 0 : i32
      %dma_wait3A_3175 = arith.constant 0 : i32
      %dma_wait3A_3176 = tpu.memref_slice %arg2[%dma_wait3A_3174, %dma_wait3A_3175] : memref<1000000x32xf32, #tpu.memory_space<hbm>> -> memref<1000000x32xf32, #tpu.memory_space<hbm>>
      tpu.wait_indirect_dma semaphore(%arg12 : memref<!tpu.dma_semaphore, #tpu.memory_space<semaphore_mem>>) src(%dma_wait3A_3176 : memref<1000000x32xf32, #tpu.memory_space<hbm>>) dst(%dma_wait3A_3170 : memref<50x32xf32, #tpu.memory_space<vmem>>)
      %dma_wait3A_3177 = arith.constant 26 : i32
      %dma_wait3A_3178 = arith.constant 26 : i32
      %dma_wait3A_3179 = arith.constant 0 : i32
      %dma_wait3A_3180 = arith.constant 0 : i32
      %dma_wait3A_3181 = tpu.memref_slice %arg8[%dma_wait3A_3178, %dma_wait3A_3179, %dma_wait3A_3180] : memref<32x50x32xf32, #tpu.memory_space<vmem>> -> memref<1x50x32xf32, #tpu.memory_space<vmem>>
      %dma_wait3A_3182 = tpu.memref_squeeze %dma_wait3A_3181 : memref<1x50x32xf32, #tpu.memory_space<vmem>> -> memref<50x32xf32, #tpu.memory_space<vmem>>
      %dma_wait3A_3183 = arith.constant 0 : i32
      %dma_wait3A_3184 = tpu.memref_slice %arg6[%dma_wait3A_3177, %dma_wait3A_3183] : memref<32x50xi32, #tpu.memory_space<vmem>> -> memref<1x50xi32, #tpu.memory_space<vmem>>
      %dma_wait3A_3185 = tpu.memref_squeeze %dma_wait3A_3184 : memref<1x50xi32, #tpu.memory_space<vmem>> -> memref<50xi32, #tpu.memory_space<vmem>>
      %dma_wait3A_3186 = arith.constant 0 : i32
      %dma_wait3A_3187 = arith.constant 0 : i32
      %dma_wait3A_3188 = tpu.memref_slice %arg2[%dma_wait3A_3186, %dma_wait3A_3187] : memref<1000000x32xf32, #tpu.memory_space<hbm>> -> memref<1000000x32xf32, #tpu.memory_space<hbm>>
      tpu.wait_indirect_dma semaphore(%arg12 : memref<!tpu.dma_semaphore, #tpu.memory_space<semaphore_mem>>) src(%dma_wait3A_3188 : memref<1000000x32xf32, #tpu.memory_space<hbm>>) dst(%dma_wait3A_3182 : memref<50x32xf32, #tpu.memory_space<vmem>>)
      %dma_wait3A_3189 = arith.constant 27 : i32
      %dma_wait3A_3190 = arith.constant 27 : i32
      %dma_wait3A_3191 = arith.constant 0 : i32
      %dma_wait3A_3192 = arith.constant 0 : i32
      %dma_wait3A_3193 = tpu.memref_slice %arg8[%dma_wait3A_3190, %dma_wait3A_3191, %dma_wait3A_3192] : memref<32x50x32xf32, #tpu.memory_space<vmem>> -> memref<1x50x32xf32, #tpu.memory_space<vmem>>
      %dma_wait3A_3194 = tpu.memref_squeeze %dma_wait3A_3193 : memref<1x50x32xf32, #tpu.memory_space<vmem>> -> memref<50x32xf32, #tpu.memory_space<vmem>>
      %dma_wait3A_3195 = arith.constant 0 : i32
      %dma_wait3A_3196 = tpu.memref_slice %arg6[%dma_wait3A_3189, %dma_wait3A_3195] : memref<32x50xi32, #tpu.memory_space<vmem>> -> memref<1x50xi32, #tpu.memory_space<vmem>>
      %dma_wait3A_3197 = tpu.memref_squeeze %dma_wait3A_3196 : memref<1x50xi32, #tpu.memory_space<vmem>> -> memref<50xi32, #tpu.memory_space<vmem>>
      %dma_wait3A_3198 = arith.constant 0 : i32
      %dma_wait3A_3199 = arith.constant 0 : i32
      %dma_wait3A_3200 = tpu.memref_slice %arg2[%dma_wait3A_3198, %dma_wait3A_3199] : memref<1000000x32xf32, #tpu.memory_space<hbm>> -> memref<1000000x32xf32, #tpu.memory_space<hbm>>
      tpu.wait_indirect_dma semaphore(%arg12 : memref<!tpu.dma_semaphore, #tpu.memory_space<semaphore_mem>>) src(%dma_wait3A_3200 : memref<1000000x32xf32, #tpu.memory_space<hbm>>) dst(%dma_wait3A_3194 : memref<50x32xf32, #tpu.memory_space<vmem>>)
      %dma_wait3A_3201 = arith.constant 28 : i32
      %dma_wait3A_3202 = arith.constant 28 : i32
      %dma_wait3A_3203 = arith.constant 0 : i32
      %dma_wait3A_3204 = arith.constant 0 : i32
      %dma_wait3A_3205 = tpu.memref_slice %arg8[%dma_wait3A_3202, %dma_wait3A_3203, %dma_wait3A_3204] : memref<32x50x32xf32, #tpu.memory_space<vmem>> -> memref<1x50x32xf32, #tpu.memory_space<vmem>>
      %dma_wait3A_3206 = tpu.memref_squeeze %dma_wait3A_3205 : memref<1x50x32xf32, #tpu.memory_space<vmem>> -> memref<50x32xf32, #tpu.memory_space<vmem>>
      %dma_wait3A_3207 = arith.constant 0 : i32
      %dma_wait3A_3208 = tpu.memref_slice %arg6[%dma_wait3A_3201, %dma_wait3A_3207] : memref<32x50xi32, #tpu.memory_space<vmem>> -> memref<1x50xi32, #tpu.memory_space<vmem>>
      %dma_wait3A_3209 = tpu.memref_squeeze %dma_wait3A_3208 : memref<1x50xi32, #tpu.memory_space<vmem>> -> memref<50xi32, #tpu.memory_space<vmem>>
      %dma_wait3A_3210 = arith.constant 0 : i32
      %dma_wait3A_3211 = arith.constant 0 : i32
      %dma_wait3A_3212 = tpu.memref_slice %arg2[%dma_wait3A_3210, %dma_wait3A_3211] : memref<1000000x32xf32, #tpu.memory_space<hbm>> -> memref<1000000x32xf32, #tpu.memory_space<hbm>>
      tpu.wait_indirect_dma semaphore(%arg12 : memref<!tpu.dma_semaphore, #tpu.memory_space<semaphore_mem>>) src(%dma_wait3A_3212 : memref<1000000x32xf32, #tpu.memory_space<hbm>>) dst(%dma_wait3A_3206 : memref<50x32xf32, #tpu.memory_space<vmem>>)
      %dma_wait3A_3213 = arith.constant 29 : i32
      %dma_wait3A_3214 = arith.constant 29 : i32
      %dma_wait3A_3215 = arith.constant 0 : i32
      %dma_wait3A_3216 = arith.constant 0 : i32
      %dma_wait3A_3217 = tpu.memref_slice %arg8[%dma_wait3A_3214, %dma_wait3A_3215, %dma_wait3A_3216] : memref<32x50x32xf32, #tpu.memory_space<vmem>> -> memref<1x50x32xf32, #tpu.memory_space<vmem>>
      %dma_wait3A_3218 = tpu.memref_squeeze %dma_wait3A_3217 : memref<1x50x32xf32, #tpu.memory_space<vmem>> -> memref<50x32xf32, #tpu.memory_space<vmem>>
      %dma_wait3A_3219 = arith.constant 0 : i32
      %dma_wait3A_3220 = tpu.memref_slice %arg6[%dma_wait3A_3213, %dma_wait3A_3219] : memref<32x50xi32, #tpu.memory_space<vmem>> -> memref<1x50xi32, #tpu.memory_space<vmem>>
      %dma_wait3A_3221 = tpu.memref_squeeze %dma_wait3A_3220 : memref<1x50xi32, #tpu.memory_space<vmem>> -> memref<50xi32, #tpu.memory_space<vmem>>
      %dma_wait3A_3222 = arith.constant 0 : i32
      %dma_wait3A_3223 = arith.constant 0 : i32
      %dma_wait3A_3224 = tpu.memref_slice %arg2[%dma_wait3A_3222, %dma_wait3A_3223] : memref<1000000x32xf32, #tpu.memory_space<hbm>> -> memref<1000000x32xf32, #tpu.memory_space<hbm>>
      tpu.wait_indirect_dma semaphore(%arg12 : memref<!tpu.dma_semaphore, #tpu.memory_space<semaphore_mem>>) src(%dma_wait3A_3224 : memref<1000000x32xf32, #tpu.memory_space<hbm>>) dst(%dma_wait3A_3218 : memref<50x32xf32, #tpu.memory_space<vmem>>)
      %dma_wait3A_3225 = arith.constant 30 : i32
      %dma_wait3A_3226 = arith.constant 30 : i32
      %dma_wait3A_3227 = arith.constant 0 : i32
      %dma_wait3A_3228 = arith.constant 0 : i32
      %dma_wait3A_3229 = tpu.memref_slice %arg8[%dma_wait3A_3226, %dma_wait3A_3227, %dma_wait3A_3228] : memref<32x50x32xf32, #tpu.memory_space<vmem>> -> memref<1x50x32xf32, #tpu.memory_space<vmem>>
      %dma_wait3A_3230 = tpu.memref_squeeze %dma_wait3A_3229 : memref<1x50x32xf32, #tpu.memory_space<vmem>> -> memref<50x32xf32, #tpu.memory_space<vmem>>
      %dma_wait3A_3231 = arith.constant 0 : i32
      %dma_wait3A_3232 = tpu.memref_slice %arg6[%dma_wait3A_3225, %dma_wait3A_3231] : memref<32x50xi32, #tpu.memory_space<vmem>> -> memref<1x50xi32, #tpu.memory_space<vmem>>
      %dma_wait3A_3233 = tpu.memref_squeeze %dma_wait3A_3232 : memref<1x50xi32, #tpu.memory_space<vmem>> -> memref<50xi32, #tpu.memory_space<vmem>>
      %dma_wait3A_3234 = arith.constant 0 : i32
      %dma_wait3A_3235 = arith.constant 0 : i32
      %dma_wait3A_3236 = tpu.memref_slice %arg2[%dma_wait3A_3234, %dma_wait3A_3235] : memref<1000000x32xf32, #tpu.memory_space<hbm>> -> memref<1000000x32xf32, #tpu.memory_space<hbm>>
      tpu.wait_indirect_dma semaphore(%arg12 : memref<!tpu.dma_semaphore, #tpu.memory_space<semaphore_mem>>) src(%dma_wait3A_3236 : memref<1000000x32xf32, #tpu.memory_space<hbm>>) dst(%dma_wait3A_3230 : memref<50x32xf32, #tpu.memory_space<vmem>>)
      %dma_wait3A_3237 = arith.constant 31 : i32
      %dma_wait3A_3238 = arith.constant 31 : i32
      %dma_wait3A_3239 = arith.constant 0 : i32
      %dma_wait3A_3240 = arith.constant 0 : i32
      %dma_wait3A_3241 = tpu.memref_slice %arg8[%dma_wait3A_3238, %dma_wait3A_3239, %dma_wait3A_3240] : memref<32x50x32xf32, #tpu.memory_space<vmem>> -> memref<1x50x32xf32, #tpu.memory_space<vmem>>
      %dma_wait3A_3242 = tpu.memref_squeeze %dma_wait3A_3241 : memref<1x50x32xf32, #tpu.memory_space<vmem>> -> memref<50x32xf32, #tpu.memory_space<vmem>>
      %dma_wait3A_3243 = arith.constant 0 : i32
      %dma_wait3A_3244 = tpu.memref_slice %arg6[%dma_wait3A_3237, %dma_wait3A_3243] : memref<32x50xi32, #tpu.memory_space<vmem>> -> memref<1x50xi32, #tpu.memory_space<vmem>>
      %dma_wait3A_3245 = tpu.memref_squeeze %dma_wait3A_3244 : memref<1x50xi32, #tpu.memory_space<vmem>> -> memref<50xi32, #tpu.memory_space<vmem>>
      %dma_wait3A_3246 = arith.constant 0 : i32
      %dma_wait3A_3247 = arith.constant 0 : i32
      %dma_wait3A_3248 = tpu.memref_slice %arg2[%dma_wait3A_3246, %dma_wait3A_3247] : memref<1000000x32xf32, #tpu.memory_space<hbm>> -> memref<1000000x32xf32, #tpu.memory_space<hbm>>
      tpu.wait_indirect_dma semaphore(%arg12 : memref<!tpu.dma_semaphore, #tpu.memory_space<semaphore_mem>>) src(%dma_wait3A_3248 : memref<1000000x32xf32, #tpu.memory_space<hbm>>) dst(%dma_wait3A_3242 : memref<50x32xf32, #tpu.memory_space<vmem>>)
      %mul3A_3249 = arith.constant 32 : i32
      %mul3A_3250 = arith.muli %add3A_2864, %mul3A_3249 : i32
      %add3A_3251 = arith.addi %mul3A_2, %mul3A_3250 : i32
      %dma_start3A_3252 = arith.constant 0 : i32
      %dma_start3A_3253 = arith.constant 0 : i32
      %dma_start3A_3254 = tpu.memref_slice %arg4[%add3A_3251, %dma_start3A_3252, %dma_start3A_3253] : memref<16384x50x32xf32, #tpu.memory_space<hbm>> -> memref<32x50x32xf32, #tpu.memory_space<hbm>>
      %dma_start3A_3255 = arith.constant 0 : i32
      %dma_start3A_3256 = arith.constant 0 : i32
      %dma_start3A_3257 = tpu.memref_slice %arg4[%add3A_3251, %dma_start3A_3255, %dma_start3A_3256] : memref<16384x50x32xf32, #tpu.memory_space<hbm>> -> memref<32x50x32xf32, #tpu.memory_space<hbm>>
      tpu.enqueue_dma source(%arg8 : memref<32x50x32xf32, #tpu.memory_space<vmem>>) target(%dma_start3A_3257 : memref<32x50x32xf32, #tpu.memory_space<hbm>>) target_semaphore(%arg14 : memref<!tpu.dma_semaphore, #tpu.memory_space<semaphore_mem>>)
      %add3A_3258 = arith.constant 2 : i32
      %add3A_3259 = arith.addi %add3A_2864, %add3A_3258 : i32
      %mul3A_3260 = arith.constant 32 : i32
      %mul3A_3261 = arith.muli %add3A_3259, %mul3A_3260 : i32
      %add3A_3262 = arith.addi %mul3A_2, %mul3A_3261 : i32
      %min3A_3263 = arith.constant 16352 : i32
      %min3A_3264 = arith.minsi %add3A_3262, %min3A_3263 : i32
      %dma_start3A_3265 = arith.constant 0 : i32
      %dma_start3A_3266 = tpu.memref_slice %arg3[%min3A_3264, %dma_start3A_3265] : memref<16384x50xi32, #tpu.memory_space<hbm>> -> memref<32x50xi32, #tpu.memory_space<hbm>>
      %dma_start3A_3267 = arith.constant 0 : i32
      %dma_start3A_3268 = tpu.memref_slice %arg3[%min3A_3264, %dma_start3A_3267] : memref<16384x50xi32, #tpu.memory_space<hbm>> -> memref<32x50xi32, #tpu.memory_space<hbm>>
      tpu.enqueue_dma source(%dma_start3A_3268 : memref<32x50xi32, #tpu.memory_space<hbm>>) target(%arg6 : memref<32x50xi32, #tpu.memory_space<vmem>>) target_semaphore(%arg10 : memref<!tpu.dma_semaphore, #tpu.memory_space<semaphore_mem>>)
    }
    %scan3A_1604 = arith.constant 7 : i32
    %add3A_1605 = arith.constant 448 : i32
    %add3A_1606 = arith.addi %mul3A_2, %add3A_1605 : i32
    %dma_wait3A_1607 = arith.constant 0 : i32
    %dma_wait3A_1608 = arith.constant 0 : i32
    %dma_wait3A_1609 = tpu.memref_slice %arg4[%add3A_1606, %dma_wait3A_1607, %dma_wait3A_1608] : memref<16384x50x32xf32, #tpu.memory_space<hbm>> -> memref<32x50x32xf32, #tpu.memory_space<hbm>>
    %dma_wait3A_1610 = arith.constant 0 : i32
    %dma_wait3A_1611 = arith.constant 0 : i32
    %dma_wait3A_1612 = tpu.memref_slice %arg4[%add3A_1606, %dma_wait3A_1610, %dma_wait3A_1611] : memref<16384x50x32xf32, #tpu.memory_space<hbm>> -> memref<32x50x32xf32, #tpu.memory_space<hbm>>
    tpu.wait_dma2 semaphore(%arg13 : memref<!tpu.dma_semaphore, #tpu.memory_space<semaphore_mem>>) src(%arg7 : memref<32x50x32xf32, #tpu.memory_space<vmem>>) dst(%dma_wait3A_1612 : memref<32x50x32xf32, #tpu.memory_space<hbm>>)
    %add3A_1613 = arith.constant 0 : i32
    %add3A_1614 = arith.addi %mul3A_2, %add3A_1613 : i32
    %min3A_1615 = arith.constant 16352 : i32
    %min3A_1616 = arith.minsi %add3A_1614, %min3A_1615 : i32
    %dma_wait3A_1617 = arith.constant 0 : i32
    %dma_wait3A_1618 = tpu.memref_slice %arg3[%min3A_1616, %dma_wait3A_1617] : memref<16384x50xi32, #tpu.memory_space<hbm>> -> memref<32x50xi32, #tpu.memory_space<hbm>>
    %dma_wait3A_1619 = arith.constant 0 : i32
    %dma_wait3A_1620 = tpu.memref_slice %arg3[%min3A_1616, %dma_wait3A_1619] : memref<16384x50xi32, #tpu.memory_space<hbm>> -> memref<32x50xi32, #tpu.memory_space<hbm>>
    tpu.wait_dma2 semaphore(%arg9 : memref<!tpu.dma_semaphore, #tpu.memory_space<semaphore_mem>>) src(%dma_wait3A_1620 : memref<32x50xi32, #tpu.memory_space<hbm>>) dst(%arg5 : memref<32x50xi32, #tpu.memory_space<vmem>>)
    %add3A_1621 = arith.constant 480 : i32
    %add3A_1622 = arith.addi %mul3A_2, %add3A_1621 : i32
    %dma_wait3A_1623 = arith.constant 0 : i32
    %dma_wait3A_1624 = arith.constant 0 : i32
    %dma_wait3A_1625 = tpu.memref_slice %arg4[%add3A_1622, %dma_wait3A_1623, %dma_wait3A_1624] : memref<16384x50x32xf32, #tpu.memory_space<hbm>> -> memref<32x50x32xf32, #tpu.memory_space<hbm>>
    %dma_wait3A_1626 = arith.constant 0 : i32
    %dma_wait3A_1627 = arith.constant 0 : i32
    %dma_wait3A_1628 = tpu.memref_slice %arg4[%add3A_1622, %dma_wait3A_1626, %dma_wait3A_1627] : memref<16384x50x32xf32, #tpu.memory_space<hbm>> -> memref<32x50x32xf32, #tpu.memory_space<hbm>>
    tpu.wait_dma2 semaphore(%arg14 : memref<!tpu.dma_semaphore, #tpu.memory_space<semaphore_mem>>) src(%arg8 : memref<32x50x32xf32, #tpu.memory_space<vmem>>) dst(%dma_wait3A_1628 : memref<32x50x32xf32, #tpu.memory_space<hbm>>)
    %add3A_1629 = arith.constant 0 : i32
    %add3A_1630 = arith.addi %mul3A_2, %add3A_1629 : i32
    %min3A_1631 = arith.constant 16352 : i32
    %min3A_1632 = arith.minsi %add3A_1630, %min3A_1631 : i32
    %dma_wait3A_1633 = arith.constant 0 : i32
    %dma_wait3A_1634 = tpu.memref_slice %arg3[%min3A_1632, %dma_wait3A_1633] : memref<16384x50xi32, #tpu.memory_space<hbm>> -> memref<32x50xi32, #tpu.memory_space<hbm>>
    %dma_wait3A_1635 = arith.constant 0 : i32
    %dma_wait3A_1636 = tpu.memref_slice %arg3[%min3A_1632, %dma_wait3A_1635] : memref<16384x50xi32, #tpu.memory_space<hbm>> -> memref<32x50xi32, #tpu.memory_space<hbm>>
    tpu.wait_dma2 semaphore(%arg10 : memref<!tpu.dma_semaphore, #tpu.memory_space<semaphore_mem>>) src(%dma_wait3A_1636 : memref<32x50xi32, #tpu.memory_space<hbm>>) dst(%arg6 : memref<32x50xi32, #tpu.memory_space<vmem>>)
    return
  }
}

</mosaic_0001>

<sc_bundles>
// kernel: kernel.3.cloned.1.call-start
scs
__scs_entry_jumppad:
0x0: {  	(pc) =	sbr.rel $0x88, $3  }
0x1: {  	(tag) =	ssettag $0x0;
	lr =	simm.s32 $0x1  }
0x2: {  	[smem:$0x3F9F] =	sst lr;
	_ =	strace $0xD0000000  }
0x3: {  	_ = 	snop  }
0x4: {  	_ = 	snop  }
0x5: {  	_ = 	snop  }
0x6: {  	_ = 	snop  }
0x7: {  	_ = 	snop  }
__scs_overlays_trampoline_lowered:
0x8: {  	[smem:$0x3FAE] =	sst s0  }
0x9: {  	[smem:$0x3FAF] =	sst s1  }
0xa: {  	[smem:$0x3FB0] =	sst s2  }
0xb: {  	[smem:$0x3FB1] =	sst s3  }
0xc: {  	[smem:$0x3FB2] =	sst s4  }
0xd: {  	[smem:$0x3FB3] =	sst s5  }
0xe: {  	[smem:$0x3FB4] =	sst s6  }
0xf: {  	[smem:$0x3FB5] =	sst s7  }
0x10: {  	[smem:$0x3FB6] =	sst s8  }
0x11: {  	[smem:$0x3FB7] =	sst s9;
	s0 =	simm.s32 @!p0 $0x0  }
0x12: {  	s1 =	sld [smem:$0x3F9D];
	s0 =	simm.s32 @p0 $0x1  }
0x13: {  	[smem:$0x3FB8] =	sst s0;
	s0 =	simm.s32 @!p1 $0x0  }
0x14: {  	s2 =	sld [smem:$0x3F9C];
	s0 =	simm.s32 @p1 $0x1  }
0x15: {  	[smem:$0x3FB9] =	sst s0;
	s0 =	simm.s32 @!p2 $0x0  }
0x16: {  	s3 =	sld [smem:$0x3FDB];
	s0 =	simm.s32 @p2 $0x1  }
0x17: {  	s4 =	simm.s32 $0x1BF5;
	[smem:$0x3FBB] =	sst s0  }
0x18: {  	s0 =	sld [smem:$0x3F9E];
	_ =	swait.ge [sflag:s4], $0x0  }
0x19: {  	s7 =	sld [smem:$0x3F9F]  }
0x1a: {  	s8 =	sadd.s32 $0xFFFFE003, lr  }
0x1b: {  	s9 =	sadd.s32 $0xFFFFFEF7, lr;
	s5 =	simm.s32 $0xFFFFFFFF;
	p2 =	slt.u32 s8, $0xFFFFF086  }
0x1c: {  	p1 =	slt.u32 s9, $0xF7A;
	s5 =	simm.s32 @!p2 $0x0  }
0x1d: {  	s5 =	simm.s32 @p1 $0x1;
	p0 =	seq.s32 s7, s2  }
0x1e: {  	s7 =	smul.u32 @!p0 $0xF7A, s2;
	p2 =	seq.s32 @!p0 s5, $0x0  }
0x1f: {  	s9 =	smul.u32 $0xF7A, s1;
	s8 =	simm.s32 @!p0 $0x1BF5;
	p2 =	por !p2, p0  }
0x20: {  	[sflag:s8] =	ssyncset.s32 @!p0 $0xFFFFF086;
	s6 =	sadd.s32 @!p0 s3, s7;
	s7 =	simm.s32 @!p0 $0x108  }
0x21: {  	s3 =	sadd.s32 s3, s9;
	s6 =	sadd.s32 @!p0 $0x88, s6;
	s7 =	simm.s32 @p2 $0x1082  }
0x22: {  	[simem:s7], [sflag:s8] =	dma.local @!p0 [hbm:s6], $0xF7A  }
0x23: {  	s9 =	sor.u32 $0xD0000000, s2;
	s6 =	simm.s32 $0x108;
	_ =	swait.ge @!p0 [sflag:s8], $0x0  }
0x24: {  	s3 =	sadd.s32 $0x88, s3;
	s6 =	simm.s32 @!p1 $0x1082;
	[sflag:s4] =	ssyncset.s32 $0xFFFFF086  }
0x25: {  	[simem:s6], [sflag:s4] =	dma.local [hbm:s3], $0xF7A  }
0x26: {  	[smem:$0x3F9F] =	sst s1;
	(tag) =	ssettag s2;
	_ =	strace s9  }
0x27: {  	s1 =	sld [smem:$0x3FAF]  }
0x28: {  	s2 =	sld [smem:$0x3FB0]  }
0x29: {  	s4 =	sld [smem:$0x3FB2]  }
0x2a: {  	p0 =	seq.s32 s5, $0x0;
	s5 =	sld [smem:$0x3FB3]  }
0x2b: {  	s6 =	sld [smem:$0x3FB4]  }
0x2c: {  	s7 =	sld [smem:$0x3FB5]  }
0x2d: {  	s3 =	simm.s32 $0x108;
	s8 =	sld [smem:$0x3FB6]  }
0x2e: {  	s3 =	simm.s32 @!p0 $0x1082;
	s9 =	sld [smem:$0x3FB7]  }
0x2f: {  	lr =	sadd.s32 s0, s3;
	s0 =	sld [smem:$0x3FAE]  }
0x30: {  	s3 =	sld [smem:$0x3FB1]  }
0x31: {  	[smem:$0x3FBA] =	sst s10  }
0x32: {  	s10 =	sld [smem:$0x3FB8];
	_ =	sdelay $0x3  }
0x33: {  	p0 =	seq.s32 s10, $0x1;
	s10 =	sld [smem:$0x3FBA];
	_ =	sdelay $0x3  }
0x34: {  	[smem:$0x3FBA] =	sst s10  }
0x35: {  	s10 =	sld [smem:$0x3FB9];
	_ =	sdelay $0x3  }
0x36: {  	p1 =	seq.s32 s10, $0x1;
	s10 =	sld [smem:$0x3FBA];
	_ =	sdelay $0x3  }
0x37: {  	[smem:$0x3FBA] =	sst s10  }
0x38: {  	s10 =	sld [smem:$0x3FBB]  }
0x39: {  	_ = 	snop;
	(pc) =	sbr.ind lr, $3  }
0x3a: {  	_ = 	snop  }
0x3b: {  	_ = 	snop  }
0x3c: {  	p2 =	seq.s32 s10, $0x1;
	s10 =	sld [smem:$0x3FBA]  }
0x3d: {  	_ =	shalt  }
0x3e: {  	_ =	shalt  }
0x3f: {  	_ =	shalt  }
0x40: {  	_ =	shalt  }
0x41: {  	_ =	shalt  }
0x42: {  	_ =	shalt  }
0x43: {  	_ =	shalt  }
0x44: {  	_ =	shalt  }
0x45: {  	_ =	shalt  }
0x46: {  	_ =	shalt  }
0x47: {  	_ =	shalt  }
0x48: {  	_ =	shalt  }
0x49: {  	_ =	shalt  }
0x4a: {  	_ =	shalt  }
0x4b: {  	_ =	shalt  }
0x4c: {  	_ =	shalt  }
0x4d: {  	_ =	shalt  }
0x4e: {  	_ =	shalt  }
0x4f: {  	_ =	shalt  }
0x50: {  	_ =	shalt  }
0x51: {  	_ =	shalt  }
0x52: {  	_ =	shalt  }
0x53: {  	_ =	shalt  }
0x54: {  	_ =	shalt  }
0x55: {  	_ =	shalt  }
0x56: {  	_ =	shalt  }
0x57: {  	_ =	shalt  }
0x58: {  	_ =	shalt  }
0x59: {  	_ =	shalt  }
0x5a: {  	_ =	shalt  }
0x5b: {  	_ =	shalt  }
0x5c: {  	_ =	shalt  }
0x5d: {  	_ =	shalt  }
0x5e: {  	_ =	shalt  }
0x5f: {  	_ =	shalt  }
0x60: {  	_ =	shalt  }
0x61: {  	_ =	shalt  }
0x62: {  	_ =	shalt  }
0x63: {  	_ =	shalt  }
0x64: {  	_ =	shalt  }
0x65: {  	_ =	shalt  }
0x66: {  	_ =	shalt  }
0x67: {  	_ =	shalt  }
0x68: {  	_ =	shalt  }
0x69: {  	_ =	shalt  }
0x6a: {  	_ =	shalt  }
0x6b: {  	_ =	shalt  }
0x6c: {  	_ =	shalt  }
0x6d: {  	_ =	shalt  }
0x6e: {  	_ =	shalt  }
0x6f: {  	_ =	shalt  }
0x70: {  	_ =	shalt  }
0x71: {  	_ =	shalt  }
0x72: {  	_ =	shalt  }
0x73: {  	_ =	shalt  }
0x74: {  	_ =	shalt  }
0x75: {  	_ =	shalt  }
0x76: {  	_ =	shalt  }
0x77: {  	_ =	shalt  }
0x78: {  	_ =	shalt  }
0x79: {  	_ =	shalt  }
0x7a: {  	_ =	shalt  }
0x7b: {  	_ =	shalt  }
0x7c: {  	_ =	shalt  }
0x7d: {  	_ =	shalt  }
0x7e: {  	_ =	shalt  }
0x7f: {  	_ =	shalt  }
0x80: {  	_ =	shalt  }
0x81: {  	_ =	shalt  }
0x82: {  	_ =	shalt  }
0x83: {  	_ =	shalt  }
0x84: {  	_ =	shalt  }
0x85: {  	_ =	shalt  }
0x86: {  	_ =	shalt  }
0x87: {  	_ =	shalt  }
.Lfunc_end0:
.L_simem_size_0:
called_computation.1_lowered:
.L_overlay_start_0:
0x88: {  	s2 =	sld [smem:$0x3FD9]  }
0x89: {  	s3 =	sld [smem:$0x3FFE];
	_ =	sdelay $0x1  }
0x8a: {  	s1 =	srdreg.scid  }
0x8b: {  	s0 =	sand.u32 $0x1, s1  }
0x8c: {  	s17 =	sshll.u32 s0, $0xA;
	s2 =	sadd.s32 s3, s2  }
0x8d: {  	s2 =	sadd.s32 s2, s17  }
0x8e: {  	[smem:$0x3FC6] =	sst s2  }
0x8f: {  	_ = 	snop  }
0x90: {  	s2 =	sld [smem:$0x3FD0];
	(tm) =	ssettm $0x1  }
0x91: {  	s18 =	sld [smem:$0x3FFB];
	_ =	sdelay $0x3  }
0x92: {  	_ =	strace s18  }
0x93: {  	s3 =	sld [smem:$0x3FFC];
	_ =	sdelay $0x3  }
0x94: {  	_ =	strace s3  }
0x95: {  	s3 =	sld [smem:$0x3FFD];
	_ =	sdelay $0x3  }
0x96: {  	_ =	strace s3  }
0x97: {  	_ =	strace $0x8FFFFFFF  }
0x98: {  	s19 =	sld [smem:$0x3FDB];
	_ =	sdelay $0x1  }
0x99: {  	s4 =	simm.s32 $_scs_section_size  }
0x9a: {  	s5 =	simm.s32 $_size__tile_overlayer_lowered;
	s6 =	simm.s32 $_tile_overlayer_lowered  }
0x9b: {  	s22 =	simm.s32 $0x1BFF;
	s21 =	sshll.u32 s6, $0x1;
	s3 =	sadd.s32 s4, s19  }
0x9c: {  	s7 =	simm.s32 $0x0;
	s20 =	sshll.u32 s5, $0x1;
	s5 =	sadd.s32 s21, s3  }
0x9d: {  	[timem:s7], [sflag:s22] =	dma.local [hbm:s5], s20  }
0x9e: {  	_ =	swait.ge [sflag:s22], s20  }
0x9f: {  	s4 =	ssub.s32 $0x0, s20;
	[sflag:s22] =	ssyncset.done $0x0  }
0xa0: {  	[sflag:s22] =	ssyncadd.s32 s4;
	_ =	sdelay $0x1  }
0xa1: {  	s23 =	simm.s32 $0x1B8B  }
0xa2: {  	_ =	swait.ge [sflag:s23], $0x1  }
0xa3: {  	[sflag:s23] =	ssyncset.done $0x0  }
0xa4: {  	s25 =	simm.s32 $0x1B8E;
	s24 =	sld [smem:$0x3FFE];
	[sflag:s23] =	ssyncadd.s32 $0xFFFFFFFF  }
0xa5: {  	s26 =	simm.s32 $execute0_lowered;
	[smem:$0x3FD2] =	sst s25  }
0xa6: {  	s5 =	sshll.u32 s26, $0x1;
	_ =	strace $0x80000046;
	[dreg:$0x1] =	wrdreg $0xFFFFFFFF  }
0xa7: {  	s28 =	simm.s32 $_size_execute0_lowered;
	s3 =	sadd.s32 s3, s5;
	[dreg:$0x0] =	wrdreg $0x0  }
0xa8: {  	s5 =	sshll.u32 s28, $0x1;
	[dreg:$0x2] =	wrdreg s3  }
0xa9: {  	[dreg:$0x3] =	wrdreg s5  }
0xaa: {  	[dreg:$0x4] =	wrdreg $0xC0  }
0xab: {  	_ =	task [dreg:s7], $0x5FFFF  }
0xac: {  	[dreg:$0x1] =	wrdreg $0xFFFFFFFF  }
0xad: {  	[dreg:$0x0] =	wrdreg $0x60  }
0xae: {  	[dreg:$0x2] =	wrdreg s24  }
0xaf: {  	[dreg:$0x3] =	wrdreg s2  }
0xb0: {  	[dreg:$0x4] =	wrdreg $0x9  }
0xb1: {  	_ =	task.clear_ibuf [dreg:s7], $0x5FFFF;
	_ =	strace $0x90000046  }
0xb2: {  	s29 =	simm.s32 $0x9;
	_ =	strace $0x80000048  }
0xb3: {  	_ =	swait.ge [sflag:s29], $0x1  }
0xb4: {  	[sflag:s29] =	ssyncadd.s32 $0xFFFFFFFF  }
0xb5: {  	_ =	strace $0x90000048  }
0xb6: {  	_ =	sfence  }
0xb7: {  	s30 =	sld [smem:$0x0];
	_ =	sdelay $0x2  }
0xb8: {  	s31 =	sshll.u32 s1, $0xD;
	s1 =	sshrl.u32 s1, $0x2  }
0xb9: {  	s3 =	sand.u32 $0x4000, s31;
	s1 =	sadd.s32 s1, s30  }
0xba: {  	s0 =	sor.u32 s3, s0;
	s1 =	sshll.u32 s1, $0x11  }
0xbb: {  	s0 =	sor.u32 s1, s0  }
0xbc: {  	s0 =	sadd.s32 $0x8F2B, s0  }
0xbd: {  	[sflag:s0] =	ssyncadd.remote.s32 $0x1  }
0xbe: {  	_ =	sfence.sel $0xFFFF  }
0xbf: {  	[dreg:$0x0] =	wrdreg $0xFFFFFFFF;
	(pc) =	sbr.abs _section_cstart, $3  }
0xc0: {  	[dreg:$0x1] =	wrdreg $0xFFFFFFFF  }
0xc1: {  	_ =	task.clear_ibuf [dreg:s7], $0x2FFFF;
	_ =	strace $0x9FFFFFFF  }
0xc2: {  	(tm) =	ssettm $0x7FFFFFFF  }
0xc3: {  	_ =	shalt  }
tec
execute0_lowered:
.L_overlay_start_1:
0x0: {  	(tag) =	ssettag $0x1  }
0x1: {  	s0 =	srdreg.scid  }
0x2: {  	s1 =	rddreg [dreg:$0x0];
	s12 =	stileid.u32  }
0x3: {  	s6 =	rddreg [dreg:$0x1];
	s14 =	simm.s32 $0x700;
	s15 =	simm.s32 $0x1  }
0x4: {  	s16 =	simm.s32 $0x32;
	s17 =	simm.s32 $0xE00;
	s13 =	simm.s32 $0x38  }
0x5: {  	s18 =	simm.s32 $0x1440;
	s19 =	simm.s32 $0x70;
	s28 =	simm.s32 $0x150  }
0x6: {  	s29 =	simm.s32 $0x39C0;
	s30 =	simm.s32 $0x1C0;
	s31 =	simm.s32 $0x4000  }
0x7: {  	s0 =	sand.u32 $0x1, s0;
	s2 =	sshll.u32 s12, $0xA;
	s4 =	sadd.s32 $0xF42E00, s1  }
0x8: {  	s12 =	smul.u32 $0x32000, s12;
	s3 =	sshll.u32 s0, $0x9;
	s10 =	ssub.s32 $0x2, s0  }
0x9: {  	s0 =	smul.u32 $0x19000, s0;
	s2 =	sor.u32 s3, s2;
	s3 =	simm.s32 $0x0  }
0xa: {  	s20 =	sshrl.u32 s10, $0x1;
	s24 =	sadd.s32 s12, s6;
	s7 =	smul.u32 $0x7, s2  }
0xb: {  	s12 =	simm.s32 $0x6;
	s5 =	sor.u32 $0x20, s2;
	s9 =	smul.u32 $0xC8, s2  }
0xc: {  	[smem:$0x7FF] =	sst s3;
	s0 =	sadd.s32 s0, s24;
	s8 =	smul.u32 $0x7, s5  }
0xd: {  	s24 =	simm.s32 $0x2700;
	_ =	strace $0x80000047;
	s11 =	smul.u32 $0xC8, s5  }
0xe: {  	s5 =	sadd.s32 $0xA00, s1;
	s1 =	ssub.s32 s10, s20;
	s0 =	sadd.s32 $0x3200, s0  }
0xf: {  	s20 =	simm.s32 $0x1A80;
	s10 =	simm.s32 $0x4;
	s21 =	sadd.s32 s5, s7  }
0x10: {  	s23 =	sadd.s32 s6, s9;
	s1 =	smax.u32 s1, $0x1;
	[dreg:$0xa] =	wrdreg s0  }
0x11: {  	s0 =	simm.s32 $0x188;
	s9 =	simm.s32 $0xD600;
	[dreg:$0x5] =	wrdreg s23  }
0x12: {  	s7 =	simm.s32 $0x3;
	s22 =	sadd.s32 s5, s8;
	[dreg:$0x3] =	wrdreg s21  }
0x13: {  	s25 =	sadd.s32 $0x1C0, s21;
	s6 =	sadd.s32 s6, s11;
	[dreg:$0x9] =	wrdreg s1  }
0x14: {  	s26 =	sadd.s32 $0x2A0, s21;
	s21 =	simm.s32 $0xA8;
	[dreg:$0x4] =	wrdreg s22  }
0x15: {  	s23 =	simm.s32 $0xE0;
	s1 =	simm.s32 $0x3380;
	[dreg:$0x6] =	wrdreg s25  }
0x16: {  	s8 =	simm.s32 $0x2;
	s11 =	simm.s32 $0x5;
	[dreg:$0x7] =	wrdreg s6  }
0x17: {  	[dreg:$0x8] =	wrdreg s26;
	s22 =	simm.s32 $0x20C0;
	s6 =	simm.s32 $0x0  }
0x18: {  	s25 =	simm.s32 $0x118;
	s26 =	simm.s32 $0x2D40;
	[dreg:$0xb] =	wrdreg s6  }
.LBB2_1:
0x19: {  	s6 =	rddreg [dreg:$0x3]  }
0x1a: {  	[tilespmem:s3], [sflag:$0x1] =	stream.linear.gather [hbm4b:s6+s3], $0x700, $0x38;
	[tilespmem:$0x19E00] =	vst v63  }
0x1b: {  	s6 =	rddreg [dreg:$0x4]  }
0x1c: {  	[tilespmem:s14], [sflag:$0x2] =	stream.linear.gather [hbm4b:s6+s3], $0x700, $0x38;
	[tilespmem:$0x19E00] =	vst v63  }
0x1d: {  	_ =	swait.ge [sflag:s15], $0x700  }
0x1e: {  	[sflag:s15] =	ssyncset.done $0x0  }
0x1f: {  	[sflag:s15] =	ssyncadd.s32 $0xFFFFF900  }
0x20: {  	[tilespmem:s17], [sflag:$0x3] =	stream.indirect.gather [hbm4b:s4+s16], $0x20, s3, s16, $0xb8;
	[tilespmem:$0x19E00] =	vst v63  }
0x21: {  	_ = 	snop  }
0x22: {  	[tilespmem:s18], [sflag:$0x3] =	stream.indirect.gather [hbm4b:s4+s16], $0x20, s13, s16, $0xb8;
	[tilespmem:$0x19E00] =	vst v63  }
0x23: {  	_ = 	snop  }
0x24: {  	[tilespmem:s20], [sflag:$0x3] =	stream.indirect.gather [hbm4b:s4+s16], $0x20, s19, s16, $0xb8;
	[tilespmem:$0x19E00] =	vst v63  }
0x25: {  	_ = 	snop  }
0x26: {  	[tilespmem:s22], [sflag:$0x3] =	stream.indirect.gather [hbm4b:s4+s16], $0x20, s21, s16, $0xb8;
	[tilespmem:$0x19E00] =	vst v63  }
0x27: {  	_ = 	snop  }
0x28: {  	[tilespmem:s24], [sflag:$0x3] =	stream.indirect.gather [hbm4b:s4+s16], $0x20, s23, s16, $0xb8;
	[tilespmem:$0x19E00] =	vst v63  }
0x29: {  	_ = 	snop  }
0x2a: {  	[tilespmem:s26], [sflag:$0x3] =	stream.indirect.gather [hbm4b:s4+s16], $0x20, s25, s16, $0xb8;
	[tilespmem:$0x19E00] =	vst v63  }
0x2b: {  	_ = 	snop  }
0x2c: {  	[tilespmem:s1], [sflag:$0x3] =	stream.indirect.gather [hbm4b:s4+s16], $0x20, s28, s16, $0xb8;
	[tilespmem:$0x19E00] =	vst v63  }
0x2d: {  	_ = 	snop  }
0x2e: {  	[tilespmem:s29], [sflag:$0x3] =	stream.indirect.gather [hbm4b:s4+s16], $0x20, s0, s16, $0xb8;
	[tilespmem:$0x19E00] =	vst v63  }
0x2f: {  	_ = 	snop  }
0x30: {  	[tilespmem:s31], [sflag:$0x3] =	stream.indirect.gather [hbm4b:s4+s16], $0x20, s30, s16, $0xb8;
	[tilespmem:$0x19E00] =	vst v63  }
0x31: {  	s6 =	simm.s32 $0x1F8;
	s13 =	simm.s32 $0x4640  }
0x32: {  	[tilespmem:s13], [sflag:$0x3] =	stream.indirect.gather [hbm4b:s4+s16], $0x20, s6, s16, $0xb8;
	[tilespmem:$0x19E00] =	vst v63  }
0x33: {  	s6 =	simm.s32 $0x230;
	s13 =	simm.s32 $0x4C80  }
0x34: {  	[tilespmem:s13], [sflag:$0x3] =	stream.indirect.gather [hbm4b:s4+s16], $0x20, s6, s16, $0xb8;
	[tilespmem:$0x19E00] =	vst v63  }
0x35: {  	s6 =	simm.s32 $0x268;
	s13 =	simm.s32 $0x52C0  }
0x36: {  	[tilespmem:s13], [sflag:$0x3] =	stream.indirect.gather [hbm4b:s4+s16], $0x20, s6, s16, $0xb8;
	[tilespmem:$0x19E00] =	vst v63  }
0x37: {  	s6 =	simm.s32 $0x2A0;
	s13 =	simm.s32 $0x5900  }
0x38: {  	[tilespmem:s13], [sflag:$0x3] =	stream.indirect.gather [hbm4b:s4+s16], $0x20, s6, s16, $0xb8;
	[tilespmem:$0x19E00] =	vst v63  }
0x39: {  	s6 =	simm.s32 $0x2D8;
	s13 =	simm.s32 $0x5F40  }
0x3a: {  	[tilespmem:s13], [sflag:$0x3] =	stream.indirect.gather [hbm4b:s4+s16], $0x20, s6, s16, $0xb8;
	[tilespmem:$0x19E00] =	vst v63  }
0x3b: {  	s6 =	simm.s32 $0x310;
	s13 =	simm.s32 $0x6580  }
0x3c: {  	[tilespmem:s13], [sflag:$0x3] =	stream.indirect.gather [hbm4b:s4+s16], $0x20, s6, s16, $0xb8;
	[tilespmem:$0x19E00] =	vst v63  }
0x3d: {  	s6 =	simm.s32 $0x348;
	s13 =	simm.s32 $0x6BC0  }
0x3e: {  	[tilespmem:s13], [sflag:$0x3] =	stream.indirect.gather [hbm4b:s4+s16], $0x20, s6, s16, $0xb8;
	[tilespmem:$0x19E00] =	vst v63  }
0x3f: {  	s6 =	simm.s32 $0x380;
	s13 =	simm.s32 $0x7200  }
0x40: {  	[tilespmem:s13], [sflag:$0x3] =	stream.indirect.gather [hbm4b:s4+s16], $0x20, s6, s16, $0xb8;
	[tilespmem:$0x19E00] =	vst v63  }
0x41: {  	s6 =	simm.s32 $0x3B8;
	s13 =	simm.s32 $0x7840  }
0x42: {  	[tilespmem:s13], [sflag:$0x3] =	stream.indirect.gather [hbm4b:s4+s16], $0x20, s6, s16, $0xb8;
	[tilespmem:$0x19E00] =	vst v63  }
0x43: {  	s6 =	simm.s32 $0x3F0;
	s13 =	simm.s32 $0x7E80  }
0x44: {  	[tilespmem:s13], [sflag:$0x3] =	stream.indirect.gather [hbm4b:s4+s16], $0x20, s6, s16, $0xb8;
	[tilespmem:$0x19E00] =	vst v63  }
0x45: {  	s6 =	simm.s32 $0x428;
	s13 =	simm.s32 $0x84C0  }
0x46: {  	[tilespmem:s13], [sflag:$0x3] =	stream.indirect.gather [hbm4b:s4+s16], $0x20, s6, s16, $0xb8;
	[tilespmem:$0x19E00] =	vst v63  }
0x47: {  	s6 =	simm.s32 $0x460;
	s13 =	simm.s32 $0x8B00  }
0x48: {  	[tilespmem:s13], [sflag:$0x3] =	stream.indirect.gather [hbm4b:s4+s16], $0x20, s6, s16, $0xb8;
	[tilespmem:$0x19E00] =	vst v63  }
0x49: {  	s6 =	simm.s32 $0x498;
	s13 =	simm.s32 $0x9140  }
0x4a: {  	[tilespmem:s13], [sflag:$0x3] =	stream.indirect.gather [hbm4b:s4+s16], $0x20, s6, s16, $0xb8;
	[tilespmem:$0x19E00] =	vst v63  }
0x4b: {  	s6 =	simm.s32 $0x4D0;
	s13 =	simm.s32 $0x9780  }
0x4c: {  	[tilespmem:s13], [sflag:$0x3] =	stream.indirect.gather [hbm4b:s4+s16], $0x20, s6, s16, $0xb8;
	[tilespmem:$0x19E00] =	vst v63  }
0x4d: {  	s6 =	simm.s32 $0x508;
	s13 =	simm.s32 $0x9DC0  }
0x4e: {  	[tilespmem:s13], [sflag:$0x3] =	stream.indirect.gather [hbm4b:s4+s16], $0x20, s6, s16, $0xb8;
	[tilespmem:$0x19E00] =	vst v63  }
0x4f: {  	s6 =	simm.s32 $0x540;
	s13 =	simm.s32 $0xA400  }
0x50: {  	[tilespmem:s13], [sflag:$0x3] =	stream.indirect.gather [hbm4b:s4+s16], $0x20, s6, s16, $0xb8;
	[tilespmem:$0x19E00] =	vst v63  }
0x51: {  	s6 =	simm.s32 $0x578;
	s13 =	simm.s32 $0xAA40  }
0x52: {  	[tilespmem:s13], [sflag:$0x3] =	stream.indirect.gather [hbm4b:s4+s16], $0x20, s6, s16, $0xb8;
	[tilespmem:$0x19E00] =	vst v63  }
0x53: {  	s6 =	simm.s32 $0x5B0;
	s13 =	simm.s32 $0xB080  }
0x54: {  	[tilespmem:s13], [sflag:$0x3] =	stream.indirect.gather [hbm4b:s4+s16], $0x20, s6, s16, $0xb8;
	[tilespmem:$0x19E00] =	vst v63  }
0x55: {  	s6 =	simm.s32 $0x5E8;
	s13 =	simm.s32 $0xB6C0  }
0x56: {  	[tilespmem:s13], [sflag:$0x3] =	stream.indirect.gather [hbm4b:s4+s16], $0x20, s6, s16, $0xb8;
	[tilespmem:$0x19E00] =	vst v63  }
0x57: {  	s6 =	simm.s32 $0x620;
	s13 =	simm.s32 $0xBD00  }
0x58: {  	[tilespmem:s13], [sflag:$0x3] =	stream.indirect.gather [hbm4b:s4+s16], $0x20, s6, s16, $0xb8;
	[tilespmem:$0x19E00] =	vst v63  }
0x59: {  	s6 =	simm.s32 $0x658;
	s13 =	simm.s32 $0xC340  }
0x5a: {  	[tilespmem:s13], [sflag:$0x3] =	stream.indirect.gather [hbm4b:s4+s16], $0x20, s6, s16, $0xb8;
	[tilespmem:$0x19E00] =	vst v63  }
0x5b: {  	s6 =	simm.s32 $0x690;
	s13 =	simm.s32 $0xC980  }
0x5c: {  	[tilespmem:s13], [sflag:$0x3] =	stream.indirect.gather [hbm4b:s4+s16], $0x20, s6, s16, $0xb8;
	[tilespmem:$0x19E00] =	vst v63  }
0x5d: {  	s6 =	simm.s32 $0x6C8;
	s13 =	simm.s32 $0xCFC0  }
0x5e: {  	[tilespmem:s13], [sflag:$0x3] =	stream.indirect.gather [hbm4b:s4+s16], $0x20, s6, s16, $0xb8;
	[tilespmem:$0x19E00] =	vst v63  }
0x5f: {  	_ =	swait.ge [sflag:s8], $0x700  }
0x60: {  	[sflag:s8] =	ssyncset.done $0x0  }
0x61: {  	[sflag:s8] =	ssyncadd.s32 $0xFFFFF900  }
0x62: {  	[tilespmem:s9], [sflag:$0x4] =	stream.indirect.gather [hbm4b:s4+s16], $0x20, s14, s16, $0xb8;
	[tilespmem:$0x19E00] =	vst v63  }
0x63: {  	s6 =	simm.s32 $0x738;
	s13 =	simm.s32 $0xDC40  }
0x64: {  	[tilespmem:s13], [sflag:$0x4] =	stream.indirect.gather [hbm4b:s4+s16], $0x20, s6, s16, $0xb8;
	[tilespmem:$0x19E00] =	vst v63  }
0x65: {  	s6 =	simm.s32 $0x770;
	s13 =	simm.s32 $0xE280  }
0x66: {  	[tilespmem:s13], [sflag:$0x4] =	stream.indirect.gather [hbm4b:s4+s16], $0x20, s6, s16, $0xb8;
	[tilespmem:$0x19E00] =	vst v63  }
0x67: {  	s6 =	simm.s32 $0x7A8;
	s13 =	simm.s32 $0xE8C0  }
0x68: {  	[tilespmem:s13], [sflag:$0x4] =	stream.indirect.gather [hbm4b:s4+s16], $0x20, s6, s16, $0xb8;
	[tilespmem:$0x19E00] =	vst v63  }
0x69: {  	s6 =	simm.s32 $0x7E0;
	s13 =	simm.s32 $0xEF00  }
0x6a: {  	[tilespmem:s13], [sflag:$0x4] =	stream.indirect.gather [hbm4b:s4+s16], $0x20, s6, s16, $0xb8;
	[tilespmem:$0x19E00] =	vst v63  }
0x6b: {  	s6 =	simm.s32 $0x818;
	s13 =	simm.s32 $0xF540  }
0x6c: {  	[tilespmem:s13], [sflag:$0x4] =	stream.indirect.gather [hbm4b:s4+s16], $0x20, s6, s16, $0xb8;
	[tilespmem:$0x19E00] =	vst v63  }
0x6d: {  	s6 =	simm.s32 $0x850;
	s13 =	simm.s32 $0xFB80  }
0x6e: {  	[tilespmem:s13], [sflag:$0x4] =	stream.indirect.gather [hbm4b:s4+s16], $0x20, s6, s16, $0xb8;
	[tilespmem:$0x19E00] =	vst v63  }
0x6f: {  	s6 =	simm.s32 $0x888;
	s13 =	simm.s32 $0x101C0  }
0x70: {  	[tilespmem:s13], [sflag:$0x4] =	stream.indirect.gather [hbm4b:s4+s16], $0x20, s6, s16, $0xb8;
	[tilespmem:$0x19E00] =	vst v63  }
0x71: {  	s6 =	simm.s32 $0x8C0;
	s13 =	simm.s32 $0x10800  }
0x72: {  	[tilespmem:s13], [sflag:$0x4] =	stream.indirect.gather [hbm4b:s4+s16], $0x20, s6, s16, $0xb8;
	[tilespmem:$0x19E00] =	vst v63  }
0x73: {  	s6 =	simm.s32 $0x8F8;
	s13 =	simm.s32 $0x10E40  }
0x74: {  	[tilespmem:s13], [sflag:$0x4] =	stream.indirect.gather [hbm4b:s4+s16], $0x20, s6, s16, $0xb8;
	[tilespmem:$0x19E00] =	vst v63  }
0x75: {  	s6 =	simm.s32 $0x930;
	s13 =	simm.s32 $0x11480  }
0x76: {  	[tilespmem:s13], [sflag:$0x4] =	stream.indirect.gather [hbm4b:s4+s16], $0x20, s6, s16, $0xb8;
	[tilespmem:$0x19E00] =	vst v63  }
0x77: {  	s6 =	simm.s32 $0x968;
	s13 =	simm.s32 $0x11AC0  }
0x78: {  	[tilespmem:s13], [sflag:$0x4] =	stream.indirect.gather [hbm4b:s4+s16], $0x20, s6, s16, $0xb8;
	[tilespmem:$0x19E00] =	vst v63  }
0x79: {  	s6 =	simm.s32 $0x9A0;
	s13 =	simm.s32 $0x12100  }
0x7a: {  	[tilespmem:s13], [sflag:$0x4] =	stream.indirect.gather [hbm4b:s4+s16], $0x20, s6, s16, $0xb8;
	[tilespmem:$0x19E00] =	vst v63  }
0x7b: {  	s6 =	simm.s32 $0x9D8;
	s13 =	simm.s32 $0x12740  }
0x7c: {  	[tilespmem:s13], [sflag:$0x4] =	stream.indirect.gather [hbm4b:s4+s16], $0x20, s6, s16, $0xb8;
	[tilespmem:$0x19E00] =	vst v63  }
0x7d: {  	s6 =	simm.s32 $0xA10;
	s13 =	simm.s32 $0x12D80  }
0x7e: {  	[tilespmem:s13], [sflag:$0x4] =	stream.indirect.gather [hbm4b:s4+s16], $0x20, s6, s16, $0xb8;
	[tilespmem:$0x19E00] =	vst v63  }
0x7f: {  	s6 =	simm.s32 $0xA48;
	s13 =	simm.s32 $0x133C0  }
0x80: {  	[tilespmem:s13], [sflag:$0x4] =	stream.indirect.gather [hbm4b:s4+s16], $0x20, s6, s16, $0xb8;
	[tilespmem:$0x19E00] =	vst v63  }
0x81: {  	s6 =	simm.s32 $0xA80;
	s13 =	simm.s32 $0x13A00  }
0x82: {  	[tilespmem:s13], [sflag:$0x4] =	stream.indirect.gather [hbm4b:s4+s16], $0x20, s6, s16, $0xb8;
	[tilespmem:$0x19E00] =	vst v63  }
0x83: {  	s6 =	simm.s32 $0xAB8;
	s13 =	simm.s32 $0x14040  }
0x84: {  	[tilespmem:s13], [sflag:$0x4] =	stream.indirect.gather [hbm4b:s4+s16], $0x20, s6, s16, $0xb8;
	[tilespmem:$0x19E00] =	vst v63  }
0x85: {  	s6 =	simm.s32 $0xAF0;
	s13 =	simm.s32 $0x14680  }
0x86: {  	[tilespmem:s13], [sflag:$0x4] =	stream.indirect.gather [hbm4b:s4+s16], $0x20, s6, s16, $0xb8;
	[tilespmem:$0x19E00] =	vst v63  }
0x87: {  	s6 =	simm.s32 $0xB28;
	s13 =	simm.s32 $0x14CC0  }
0x88: {  	[tilespmem:s13], [sflag:$0x4] =	stream.indirect.gather [hbm4b:s4+s16], $0x20, s6, s16, $0xb8;
	[tilespmem:$0x19E00] =	vst v63  }
0x89: {  	s6 =	simm.s32 $0xB60;
	s13 =	simm.s32 $0x15300  }
0x8a: {  	[tilespmem:s13], [sflag:$0x4] =	stream.indirect.gather [hbm4b:s4+s16], $0x20, s6, s16, $0xb8;
	[tilespmem:$0x19E00] =	vst v63  }
0x8b: {  	s6 =	simm.s32 $0xB98;
	s13 =	simm.s32 $0x15940  }
0x8c: {  	[tilespmem:s13], [sflag:$0x4] =	stream.indirect.gather [hbm4b:s4+s16], $0x20, s6, s16, $0xb8;
	[tilespmem:$0x19E00] =	vst v63  }
0x8d: {  	s6 =	simm.s32 $0xBD0;
	s13 =	simm.s32 $0x15F80  }
0x8e: {  	[tilespmem:s13], [sflag:$0x4] =	stream.indirect.gather [hbm4b:s4+s16], $0x20, s6, s16, $0xb8;
	[tilespmem:$0x19E00] =	vst v63  }
0x8f: {  	s6 =	simm.s32 $0xC08;
	s13 =	simm.s32 $0x165C0  }
0x90: {  	[tilespmem:s13], [sflag:$0x4] =	stream.indirect.gather [hbm4b:s4+s16], $0x20, s6, s16, $0xb8;
	[tilespmem:$0x19E00] =	vst v63  }
0x91: {  	s6 =	simm.s32 $0xC40;
	s13 =	simm.s32 $0x16C00  }
0x92: {  	[tilespmem:s13], [sflag:$0x4] =	stream.indirect.gather [hbm4b:s4+s16], $0x20, s6, s16, $0xb8;
	[tilespmem:$0x19E00] =	vst v63  }
0x93: {  	s6 =	simm.s32 $0xC78;
	s13 =	simm.s32 $0x17240  }
0x94: {  	[tilespmem:s13], [sflag:$0x4] =	stream.indirect.gather [hbm4b:s4+s16], $0x20, s6, s16, $0xb8;
	[tilespmem:$0x19E00] =	vst v63  }
0x95: {  	s6 =	simm.s32 $0xCB0;
	s13 =	simm.s32 $0x17880  }
0x96: {  	[tilespmem:s13], [sflag:$0x4] =	stream.indirect.gather [hbm4b:s4+s16], $0x20, s6, s16, $0xb8;
	[tilespmem:$0x19E00] =	vst v63  }
0x97: {  	s6 =	simm.s32 $0xCE8;
	s13 =	simm.s32 $0x17EC0  }
0x98: {  	[tilespmem:s13], [sflag:$0x4] =	stream.indirect.gather [hbm4b:s4+s16], $0x20, s6, s16, $0xb8;
	[tilespmem:$0x19E00] =	vst v63  }
0x99: {  	s6 =	simm.s32 $0xD20;
	s13 =	simm.s32 $0x18500  }
0x9a: {  	[tilespmem:s13], [sflag:$0x4] =	stream.indirect.gather [hbm4b:s4+s16], $0x20, s6, s16, $0xb8;
	[tilespmem:$0x19E00] =	vst v63  }
0x9b: {  	s6 =	simm.s32 $0xD58;
	s13 =	simm.s32 $0x18B40  }
0x9c: {  	[tilespmem:s13], [sflag:$0x4] =	stream.indirect.gather [hbm4b:s4+s16], $0x20, s6, s16, $0xb8;
	[tilespmem:$0x19E00] =	vst v63  }
0x9d: {  	s6 =	simm.s32 $0xD90;
	s13 =	simm.s32 $0x19180  }
0x9e: {  	[tilespmem:s13], [sflag:$0x4] =	stream.indirect.gather [hbm4b:s4+s16], $0x20, s6, s16, $0xb8;
	[tilespmem:$0x19E00] =	vst v63  }
0x9f: {  	s6 =	simm.s32 $0xDC8;
	s13 =	simm.s32 $0x197C0  }
0xa0: {  	[tilespmem:s13], [sflag:$0x4] =	stream.indirect.gather [hbm4b:s4+s16], $0x20, s6, s16, $0xb8;
	[tilespmem:$0x19E00] =	vst v63  }
0xa1: {  	_ =	swait.ge [sflag:s7], $0x640  }
0xa2: {  	[sflag:s7] =	ssyncset.done $0x0  }
0xa3: {  	[sflag:s7] =	ssyncadd.s32 $0xFFFFF9C0  }
0xa4: {  	_ =	swait.ge [sflag:s7], $0x640  }
0xa5: {  	[sflag:s7] =	ssyncset.done $0x0  }
0xa6: {  	[sflag:s7] =	ssyncadd.s32 $0xFFFFF9C0  }
0xa7: {  	_ =	swait.ge [sflag:s7], $0x640  }
0xa8: {  	[sflag:s7] =	ssyncset.done $0x0  }
0xa9: {  	[sflag:s7] =	ssyncadd.s32 $0xFFFFF9C0  }
0xaa: {  	_ =	swait.ge [sflag:s7], $0x640  }
0xab: {  	[sflag:s7] =	ssyncset.done $0x0  }
0xac: {  	[sflag:s7] =	ssyncadd.s32 $0xFFFFF9C0  }
0xad: {  	_ =	swait.ge [sflag:s7], $0x640  }
0xae: {  	[sflag:s7] =	ssyncset.done $0x0  }
0xaf: {  	[sflag:s7] =	ssyncadd.s32 $0xFFFFF9C0  }
0xb0: {  	_ =	swait.ge [sflag:s7], $0x640  }
0xb1: {  	[sflag:s7] =	ssyncset.done $0x0  }
0xb2: {  	[sflag:s7] =	ssyncadd.s32 $0xFFFFF9C0  }
0xb3: {  	_ =	swait.ge [sflag:s7], $0x640  }
0xb4: {  	[sflag:s7] =	ssyncset.done $0x0  }
0xb5: {  	[sflag:s7] =	ssyncadd.s32 $0xFFFFF9C0  }
0xb6: {  	_ =	swait.ge [sflag:s7], $0x640  }
0xb7: {  	[sflag:s7] =	ssyncset.done $0x0  }
0xb8: {  	[sflag:s7] =	ssyncadd.s32 $0xFFFFF9C0  }
0xb9: {  	_ =	swait.ge [sflag:s7], $0x640  }
0xba: {  	[sflag:s7] =	ssyncset.done $0x0  }
0xbb: {  	[sflag:s7] =	ssyncadd.s32 $0xFFFFF9C0  }
0xbc: {  	_ =	swait.ge [sflag:s7], $0x640  }
0xbd: {  	[sflag:s7] =	ssyncset.done $0x0  }
0xbe: {  	[sflag:s7] =	ssyncadd.s32 $0xFFFFF9C0  }
0xbf: {  	_ =	swait.ge [sflag:s7], $0x640  }
0xc0: {  	[sflag:s7] =	ssyncset.done $0x0  }
0xc1: {  	[sflag:s7] =	ssyncadd.s32 $0xFFFFF9C0  }
0xc2: {  	_ =	swait.ge [sflag:s7], $0x640  }
0xc3: {  	[sflag:s7] =	ssyncset.done $0x0  }
0xc4: {  	[sflag:s7] =	ssyncadd.s32 $0xFFFFF9C0  }
0xc5: {  	_ =	swait.ge [sflag:s7], $0x640  }
0xc6: {  	[sflag:s7] =	ssyncset.done $0x0  }
0xc7: {  	[sflag:s7] =	ssyncadd.s32 $0xFFFFF9C0  }
0xc8: {  	_ =	swait.ge [sflag:s7], $0x640  }
0xc9: {  	[sflag:s7] =	ssyncset.done $0x0  }
0xca: {  	[sflag:s7] =	ssyncadd.s32 $0xFFFFF9C0  }
0xcb: {  	_ =	swait.ge [sflag:s7], $0x640  }
0xcc: {  	[sflag:s7] =	ssyncset.done $0x0  }
0xcd: {  	[sflag:s7] =	ssyncadd.s32 $0xFFFFF9C0  }
0xce: {  	_ =	swait.ge [sflag:s7], $0x640  }
0xcf: {  	[sflag:s7] =	ssyncset.done $0x0  }
0xd0: {  	[sflag:s7] =	ssyncadd.s32 $0xFFFFF9C0  }
0xd1: {  	_ =	swait.ge [sflag:s7], $0x640  }
0xd2: {  	[sflag:s7] =	ssyncset.done $0x0  }
0xd3: {  	[sflag:s7] =	ssyncadd.s32 $0xFFFFF9C0  }
0xd4: {  	_ =	swait.ge [sflag:s7], $0x640  }
0xd5: {  	[sflag:s7] =	ssyncset.done $0x0  }
0xd6: {  	[sflag:s7] =	ssyncadd.s32 $0xFFFFF9C0  }
0xd7: {  	_ =	swait.ge [sflag:s7], $0x640  }
0xd8: {  	[sflag:s7] =	ssyncset.done $0x0  }
0xd9: {  	[sflag:s7] =	ssyncadd.s32 $0xFFFFF9C0  }
0xda: {  	_ =	swait.ge [sflag:s7], $0x640  }
0xdb: {  	[sflag:s7] =	ssyncset.done $0x0  }
0xdc: {  	[sflag:s7] =	ssyncadd.s32 $0xFFFFF9C0  }
0xdd: {  	_ =	swait.ge [sflag:s7], $0x640  }
0xde: {  	[sflag:s7] =	ssyncset.done $0x0  }
0xdf: {  	[sflag:s7] =	ssyncadd.s32 $0xFFFFF9C0  }
0xe0: {  	_ =	swait.ge [sflag:s7], $0x640  }
0xe1: {  	[sflag:s7] =	ssyncset.done $0x0  }
0xe2: {  	[sflag:s7] =	ssyncadd.s32 $0xFFFFF9C0  }
0xe3: {  	_ =	swait.ge [sflag:s7], $0x640  }
0xe4: {  	[sflag:s7] =	ssyncset.done $0x0  }
0xe5: {  	[sflag:s7] =	ssyncadd.s32 $0xFFFFF9C0  }
0xe6: {  	_ =	swait.ge [sflag:s7], $0x640  }
0xe7: {  	[sflag:s7] =	ssyncset.done $0x0  }
0xe8: {  	[sflag:s7] =	ssyncadd.s32 $0xFFFFF9C0  }
0xe9: {  	_ =	swait.ge [sflag:s7], $0x640  }
0xea: {  	[sflag:s7] =	ssyncset.done $0x0  }
0xeb: {  	[sflag:s7] =	ssyncadd.s32 $0xFFFFF9C0  }
0xec: {  	_ =	swait.ge [sflag:s7], $0x640  }
0xed: {  	[sflag:s7] =	ssyncset.done $0x0  }
0xee: {  	[sflag:s7] =	ssyncadd.s32 $0xFFFFF9C0  }
0xef: {  	_ =	swait.ge [sflag:s7], $0x640  }
0xf0: {  	[sflag:s7] =	ssyncset.done $0x0  }
0xf1: {  	[sflag:s7] =	ssyncadd.s32 $0xFFFFF9C0  }
0xf2: {  	_ =	swait.ge [sflag:s7], $0x640  }
0xf3: {  	[sflag:s7] =	ssyncset.done $0x0  }
0xf4: {  	[sflag:s7] =	ssyncadd.s32 $0xFFFFF9C0  }
0xf5: {  	_ =	swait.ge [sflag:s7], $0x640  }
0xf6: {  	[sflag:s7] =	ssyncset.done $0x0  }
0xf7: {  	[sflag:s7] =	ssyncadd.s32 $0xFFFFF9C0  }
0xf8: {  	_ =	swait.ge [sflag:s7], $0x640  }
0xf9: {  	[sflag:s7] =	ssyncset.done $0x0  }
0xfa: {  	[sflag:s7] =	ssyncadd.s32 $0xFFFFF9C0  }
0xfb: {  	_ =	swait.ge [sflag:s7], $0x640  }
0xfc: {  	[sflag:s7] =	ssyncset.done $0x0  }
0xfd: {  	[sflag:s7] =	ssyncadd.s32 $0xFFFFF9C0  }
0xfe: {  	_ =	swait.ge [sflag:s7], $0x640  }
0xff: {  	[sflag:s7] =	ssyncset.done $0x0  }
0x100: {  	s6 =	rddreg [dreg:$0x5];
	[sflag:s7] =	ssyncadd.s32 $0xFFFFF9C0  }
0x101: {  	[hbm4b:s6+s3] =	stream.linear.scatter [tilespmem:s17], [sflag:$0x5], $0xC800, $0x38;
	[tilespmem:$0x19E00] =	vst v63  }
0x102: {  	s6 =	rddreg [dreg:$0x6]  }
0x103: {  	[tilespmem:s3], [sflag:$0x1] =	stream.linear.gather [hbm4b:s6+s3], $0x700, $0x38;
	[tilespmem:$0x19E00] =	vst v63  }
0x104: {  	_ =	swait.ge [sflag:s10], $0x640  }
0x105: {  	[sflag:s10] =	ssyncset.done $0x0  }
0x106: {  	[sflag:s10] =	ssyncadd.s32 $0xFFFFF9C0  }
0x107: {  	_ =	swait.ge [sflag:s10], $0x640  }
0x108: {  	[sflag:s10] =	ssyncset.done $0x0  }
0x109: {  	[sflag:s10] =	ssyncadd.s32 $0xFFFFF9C0  }
0x10a: {  	_ =	swait.ge [sflag:s10], $0x640  }
0x10b: {  	[sflag:s10] =	ssyncset.done $0x0  }
0x10c: {  	[sflag:s10] =	ssyncadd.s32 $0xFFFFF9C0  }
0x10d: {  	_ =	swait.ge [sflag:s10], $0x640  }
0x10e: {  	[sflag:s10] =	ssyncset.done $0x0  }
0x10f: {  	[sflag:s10] =	ssyncadd.s32 $0xFFFFF9C0  }
0x110: {  	_ =	swait.ge [sflag:s10], $0x640  }
0x111: {  	[sflag:s10] =	ssyncset.done $0x0  }
0x112: {  	[sflag:s10] =	ssyncadd.s32 $0xFFFFF9C0  }
0x113: {  	_ =	swait.ge [sflag:s10], $0x640  }
0x114: {  	[sflag:s10] =	ssyncset.done $0x0  }
0x115: {  	[sflag:s10] =	ssyncadd.s32 $0xFFFFF9C0  }
0x116: {  	_ =	swait.ge [sflag:s10], $0x640  }
0x117: {  	[sflag:s10] =	ssyncset.done $0x0  }
0x118: {  	[sflag:s10] =	ssyncadd.s32 $0xFFFFF9C0  }
0x119: {  	_ =	swait.ge [sflag:s10], $0x640  }
0x11a: {  	[sflag:s10] =	ssyncset.done $0x0  }
0x11b: {  	[sflag:s10] =	ssyncadd.s32 $0xFFFFF9C0  }
0x11c: {  	_ =	swait.ge [sflag:s10], $0x640  }
0x11d: {  	[sflag:s10] =	ssyncset.done $0x0  }
0x11e: {  	[sflag:s10] =	ssyncadd.s32 $0xFFFFF9C0  }
0x11f: {  	_ =	swait.ge [sflag:s10], $0x640  }
0x120: {  	[sflag:s10] =	ssyncset.done $0x0  }
0x121: {  	[sflag:s10] =	ssyncadd.s32 $0xFFFFF9C0  }
0x122: {  	_ =	swait.ge [sflag:s10], $0x640  }
0x123: {  	[sflag:s10] =	ssyncset.done $0x0  }
0x124: {  	[sflag:s10] =	ssyncadd.s32 $0xFFFFF9C0  }
0x125: {  	_ =	swait.ge [sflag:s10], $0x640  }
0x126: {  	[sflag:s10] =	ssyncset.done $0x0  }
0x127: {  	[sflag:s10] =	ssyncadd.s32 $0xFFFFF9C0  }
0x128: {  	_ =	swait.ge [sflag:s10], $0x640  }
0x129: {  	[sflag:s10] =	ssyncset.done $0x0  }
0x12a: {  	[sflag:s10] =	ssyncadd.s32 $0xFFFFF9C0  }
0x12b: {  	_ =	swait.ge [sflag:s10], $0x640  }
0x12c: {  	[sflag:s10] =	ssyncset.done $0x0  }
0x12d: {  	[sflag:s10] =	ssyncadd.s32 $0xFFFFF9C0  }
0x12e: {  	_ =	swait.ge [sflag:s10], $0x640  }
0x12f: {  	[sflag:s10] =	ssyncset.done $0x0  }
0x130: {  	[sflag:s10] =	ssyncadd.s32 $0xFFFFF9C0  }
0x131: {  	_ =	swait.ge [sflag:s10], $0x640  }
0x132: {  	[sflag:s10] =	ssyncset.done $0x0  }
0x133: {  	[sflag:s10] =	ssyncadd.s32 $0xFFFFF9C0  }
0x134: {  	_ =	swait.ge [sflag:s10], $0x640  }
0x135: {  	[sflag:s10] =	ssyncset.done $0x0  }
0x136: {  	[sflag:s10] =	ssyncadd.s32 $0xFFFFF9C0  }
0x137: {  	_ =	swait.ge [sflag:s10], $0x640  }
0x138: {  	[sflag:s10] =	ssyncset.done $0x0  }
0x139: {  	[sflag:s10] =	ssyncadd.s32 $0xFFFFF9C0  }
0x13a: {  	_ =	swait.ge [sflag:s10], $0x640  }
0x13b: {  	[sflag:s10] =	ssyncset.done $0x0  }
0x13c: {  	[sflag:s10] =	ssyncadd.s32 $0xFFFFF9C0  }
0x13d: {  	_ =	swait.ge [sflag:s10], $0x640  }
0x13e: {  	[sflag:s10] =	ssyncset.done $0x0  }
0x13f: {  	[sflag:s10] =	ssyncadd.s32 $0xFFFFF9C0  }
0x140: {  	_ =	swait.ge [sflag:s10], $0x640  }
0x141: {  	[sflag:s10] =	ssyncset.done $0x0  }
0x142: {  	[sflag:s10] =	ssyncadd.s32 $0xFFFFF9C0  }
0x143: {  	_ =	swait.ge [sflag:s10], $0x640  }
0x144: {  	[sflag:s10] =	ssyncset.done $0x0  }
0x145: {  	[sflag:s10] =	ssyncadd.s32 $0xFFFFF9C0  }
0x146: {  	_ =	swait.ge [sflag:s10], $0x640  }
0x147: {  	[sflag:s10] =	ssyncset.done $0x0  }
0x148: {  	[sflag:s10] =	ssyncadd.s32 $0xFFFFF9C0  }
0x149: {  	_ =	swait.ge [sflag:s10], $0x640  }
0x14a: {  	[sflag:s10] =	ssyncset.done $0x0  }
0x14b: {  	[sflag:s10] =	ssyncadd.s32 $0xFFFFF9C0  }
0x14c: {  	_ =	swait.ge [sflag:s10], $0x640  }
0x14d: {  	[sflag:s10] =	ssyncset.done $0x0  }
0x14e: {  	[sflag:s10] =	ssyncadd.s32 $0xFFFFF9C0  }
0x14f: {  	_ =	swait.ge [sflag:s10], $0x640  }
0x150: {  	[sflag:s10] =	ssyncset.done $0x0  }
0x151: {  	[sflag:s10] =	ssyncadd.s32 $0xFFFFF9C0  }
0x152: {  	_ =	swait.ge [sflag:s10], $0x640  }
0x153: {  	[sflag:s10] =	ssyncset.done $0x0  }
0x154: {  	[sflag:s10] =	ssyncadd.s32 $0xFFFFF9C0  }
0x155: {  	_ =	swait.ge [sflag:s10], $0x640  }
0x156: {  	[sflag:s10] =	ssyncset.done $0x0  }
0x157: {  	[sflag:s10] =	ssyncadd.s32 $0xFFFFF9C0  }
0x158: {  	_ =	swait.ge [sflag:s10], $0x640  }
0x159: {  	[sflag:s10] =	ssyncset.done $0x0  }
0x15a: {  	[sflag:s10] =	ssyncadd.s32 $0xFFFFF9C0  }
0x15b: {  	_ =	swait.ge [sflag:s10], $0x640  }
0x15c: {  	[sflag:s10] =	ssyncset.done $0x0  }
0x15d: {  	[sflag:s10] =	ssyncadd.s32 $0xFFFFF9C0  }
0x15e: {  	_ =	swait.ge [sflag:s10], $0x640  }
0x15f: {  	[sflag:s10] =	ssyncset.done $0x0  }
0x160: {  	[sflag:s10] =	ssyncadd.s32 $0xFFFFF9C0  }
0x161: {  	_ =	swait.ge [sflag:s10], $0x640  }
0x162: {  	[sflag:s10] =	ssyncset.done $0x0  }
0x163: {  	s6 =	rddreg [dreg:$0x7];
	[sflag:s10] =	ssyncadd.s32 $0xFFFFF9C0  }
0x164: {  	[hbm4b:s6+s3] =	stream.linear.scatter [tilespmem:s9], [sflag:$0x6], $0xC800, $0x38;
	[tilespmem:$0x19E00] =	vst v63  }
0x165: {  	s6 =	rddreg [dreg:$0x8]  }
0x166: {  	[tilespmem:s14], [sflag:$0x2] =	stream.linear.gather [hbm4b:s6+s3], $0x700, $0x38;
	[tilespmem:$0x19E00] =	vst v63  }
0x167: {  	_ =	swait.ge [sflag:s11], $0xC800  }
0x168: {  	[sflag:s11] =	ssyncset.done $0x0  }
0x169: {  	[sflag:s11] =	ssyncadd.s32 $0xFFFF3800  }
0x16a: {  	_ =	swait.ge [sflag:s15], $0x700  }
0x16b: {  	[sflag:s15] =	ssyncset.done $0x0  }
0x16c: {  	[sflag:s15] =	ssyncadd.s32 $0xFFFFF900  }
0x16d: {  	[tilespmem:s17], [sflag:$0x3] =	stream.indirect.gather [hbm4b:s4+s16], $0x20, s3, s16, $0xb8;
	[tilespmem:$0x19E00] =	vst v63  }
0x16e: {  	s6 =	simm.s32 $0x38  }
0x16f: {  	[tilespmem:s18], [sflag:$0x3] =	stream.indirect.gather [hbm4b:s4+s16], $0x20, s6, s16, $0xb8;
	[tilespmem:$0x19E00] =	vst v63  }
0x170: {  	_ = 	snop  }
0x171: {  	[tilespmem:s20], [sflag:$0x3] =	stream.indirect.gather [hbm4b:s4+s16], $0x20, s19, s16, $0xb8;
	[tilespmem:$0x19E00] =	vst v63  }
0x172: {  	_ = 	snop  }
0x173: {  	[tilespmem:s22], [sflag:$0x3] =	stream.indirect.gather [hbm4b:s4+s16], $0x20, s21, s16, $0xb8;
	[tilespmem:$0x19E00] =	vst v63  }
0x174: {  	_ = 	snop  }
0x175: {  	[tilespmem:s24], [sflag:$0x3] =	stream.indirect.gather [hbm4b:s4+s16], $0x20, s23, s16, $0xb8;
	[tilespmem:$0x19E00] =	vst v63  }
0x176: {  	_ = 	snop  }
0x177: {  	[tilespmem:s26], [sflag:$0x3] =	stream.indirect.gather [hbm4b:s4+s16], $0x20, s25, s16, $0xb8;
	[tilespmem:$0x19E00] =	vst v63  }
0x178: {  	_ = 	snop  }
0x179: {  	[tilespmem:s1], [sflag:$0x3] =	stream.indirect.gather [hbm4b:s4+s16], $0x20, s28, s16, $0xb8;
	[tilespmem:$0x19E00] =	vst v63  }
0x17a: {  	_ = 	snop  }
0x17b: {  	[tilespmem:s29], [sflag:$0x3] =	stream.indirect.gather [hbm4b:s4+s16], $0x20, s0, s16, $0xb8;
	[tilespmem:$0x19E00] =	vst v63  }
0x17c: {  	_ = 	snop  }
0x17d: {  	[tilespmem:s31], [sflag:$0x3] =	stream.indirect.gather [hbm4b:s4+s16], $0x20, s30, s16, $0xb8;
	[tilespmem:$0x19E00] =	vst v63  }
0x17e: {  	s19 =	simm.s32 $0x1F8;
	s20 =	simm.s32 $0x4640  }
0x17f: {  	[tilespmem:s20], [sflag:$0x3] =	stream.indirect.gather [hbm4b:s4+s16], $0x20, s19, s16, $0xb8;
	[tilespmem:$0x19E00] =	vst v63  }
0x180: {  	s21 =	simm.s32 $0x230;
	s22 =	simm.s32 $0x4C80  }
0x181: {  	[tilespmem:s22], [sflag:$0x3] =	stream.indirect.gather [hbm4b:s4+s16], $0x20, s21, s16, $0xb8;
	[tilespmem:$0x19E00] =	vst v63  }
0x182: {  	s23 =	simm.s32 $0x268;
	s24 =	simm.s32 $0x52C0  }
0x183: {  	[tilespmem:s24], [sflag:$0x3] =	stream.indirect.gather [hbm4b:s4+s16], $0x20, s23, s16, $0xb8;
	[tilespmem:$0x19E00] =	vst v63  }
0x184: {  	s25 =	simm.s32 $0x2A0;
	s26 =	simm.s32 $0x5900  }
0x185: {  	[tilespmem:s26], [sflag:$0x3] =	stream.indirect.gather [hbm4b:s4+s16], $0x20, s25, s16, $0xb8;
	[tilespmem:$0x19E00] =	vst v63  }
0x186: {  	s6 =	simm.s32 $0x2D8;
	s18 =	simm.s32 $0x5F40  }
0x187: {  	[tilespmem:s18], [sflag:$0x3] =	stream.indirect.gather [hbm4b:s4+s16], $0x20, s6, s16, $0xb8;
	[tilespmem:$0x19E00] =	vst v63  }
0x188: {  	s19 =	simm.s32 $0x310;
	s20 =	simm.s32 $0x6580  }
0x189: {  	[tilespmem:s20], [sflag:$0x3] =	stream.indirect.gather [hbm4b:s4+s16], $0x20, s19, s16, $0xb8;
	[tilespmem:$0x19E00] =	vst v63  }
0x18a: {  	s21 =	simm.s32 $0x348;
	s22 =	simm.s32 $0x6BC0  }
0x18b: {  	[tilespmem:s22], [sflag:$0x3] =	stream.indirect.gather [hbm4b:s4+s16], $0x20, s21, s16, $0xb8;
	[tilespmem:$0x19E00] =	vst v63  }
0x18c: {  	s23 =	simm.s32 $0x380;
	s24 =	simm.s32 $0x7200  }
0x18d: {  	[tilespmem:s24], [sflag:$0x3] =	stream.indirect.gather [hbm4b:s4+s16], $0x20, s23, s16, $0xb8;
	[tilespmem:$0x19E00] =	vst v63  }
0x18e: {  	s25 =	simm.s32 $0x3B8;
	s26 =	simm.s32 $0x7840  }
0x18f: {  	[tilespmem:s26], [sflag:$0x3] =	stream.indirect.gather [hbm4b:s4+s16], $0x20, s25, s16, $0xb8;
	[tilespmem:$0x19E00] =	vst v63  }
0x190: {  	s6 =	simm.s32 $0x3F0;
	s18 =	simm.s32 $0x7E80  }
0x191: {  	[tilespmem:s18], [sflag:$0x3] =	stream.indirect.gather [hbm4b:s4+s16], $0x20, s6, s16, $0xb8;
	[tilespmem:$0x19E00] =	vst v63  }
0x192: {  	s19 =	simm.s32 $0x428;
	s20 =	simm.s32 $0x84C0  }
0x193: {  	[tilespmem:s20], [sflag:$0x3] =	stream.indirect.gather [hbm4b:s4+s16], $0x20, s19, s16, $0xb8;
	[tilespmem:$0x19E00] =	vst v63  }
0x194: {  	s21 =	simm.s32 $0x460;
	s22 =	simm.s32 $0x8B00  }
0x195: {  	[tilespmem:s22], [sflag:$0x3] =	stream.indirect.gather [hbm4b:s4+s16], $0x20, s21, s16, $0xb8;
	[tilespmem:$0x19E00] =	vst v63  }
0x196: {  	s23 =	simm.s32 $0x498;
	s24 =	simm.s32 $0x9140  }
0x197: {  	[tilespmem:s24], [sflag:$0x3] =	stream.indirect.gather [hbm4b:s4+s16], $0x20, s23, s16, $0xb8;
	[tilespmem:$0x19E00] =	vst v63  }
0x198: {  	s25 =	simm.s32 $0x4D0;
	s26 =	simm.s32 $0x9780  }
0x199: {  	[tilespmem:s26], [sflag:$0x3] =	stream.indirect.gather [hbm4b:s4+s16], $0x20, s25, s16, $0xb8;
	[tilespmem:$0x19E00] =	vst v63  }
0x19a: {  	s6 =	simm.s32 $0x508;
	s18 =	simm.s32 $0x9DC0  }
0x19b: {  	[tilespmem:s18], [sflag:$0x3] =	stream.indirect.gather [hbm4b:s4+s16], $0x20, s6, s16, $0xb8;
	[tilespmem:$0x19E00] =	vst v63  }
0x19c: {  	s19 =	simm.s32 $0x540;
	s20 =	simm.s32 $0xA400  }
0x19d: {  	[tilespmem:s20], [sflag:$0x3] =	stream.indirect.gather [hbm4b:s4+s16], $0x20, s19, s16, $0xb8;
	[tilespmem:$0x19E00] =	vst v63  }
0x19e: {  	s21 =	simm.s32 $0x578;
	s22 =	simm.s32 $0xAA40  }
0x19f: {  	[tilespmem:s22], [sflag:$0x3] =	stream.indirect.gather [hbm4b:s4+s16], $0x20, s21, s16, $0xb8;
	[tilespmem:$0x19E00] =	vst v63  }
0x1a0: {  	s23 =	simm.s32 $0x5B0;
	s24 =	simm.s32 $0xB080  }
0x1a1: {  	[tilespmem:s24], [sflag:$0x3] =	stream.indirect.gather [hbm4b:s4+s16], $0x20, s23, s16, $0xb8;
	[tilespmem:$0x19E00] =	vst v63  }
0x1a2: {  	s25 =	simm.s32 $0x5E8;
	s26 =	simm.s32 $0xB6C0  }
0x1a3: {  	[tilespmem:s26], [sflag:$0x3] =	stream.indirect.gather [hbm4b:s4+s16], $0x20, s25, s16, $0xb8;
	[tilespmem:$0x19E00] =	vst v63  }
0x1a4: {  	s6 =	simm.s32 $0x620;
	s18 =	simm.s32 $0xBD00  }
0x1a5: {  	[tilespmem:s18], [sflag:$0x3] =	stream.indirect.gather [hbm4b:s4+s16], $0x20, s6, s16, $0xb8;
	[tilespmem:$0x19E00] =	vst v63  }
0x1a6: {  	s19 =	simm.s32 $0x658;
	s20 =	simm.s32 $0xC340  }
0x1a7: {  	[tilespmem:s20], [sflag:$0x3] =	stream.indirect.gather [hbm4b:s4+s16], $0x20, s19, s16, $0xb8;
	[tilespmem:$0x19E00] =	vst v63  }
0x1a8: {  	s21 =	simm.s32 $0x690;
	s22 =	simm.s32 $0xC980  }
0x1a9: {  	[tilespmem:s22], [sflag:$0x3] =	stream.indirect.gather [hbm4b:s4+s16], $0x20, s21, s16, $0xb8;
	[tilespmem:$0x19E00] =	vst v63  }
0x1aa: {  	s23 =	simm.s32 $0x6C8;
	s24 =	simm.s32 $0xCFC0  }
0x1ab: {  	[tilespmem:s24], [sflag:$0x3] =	stream.indirect.gather [hbm4b:s4+s16], $0x20, s23, s16, $0xb8;
	[tilespmem:$0x19E00] =	vst v63  }
0x1ac: {  	_ =	swait.ge [sflag:s12], $0xC800  }
0x1ad: {  	[sflag:s12] =	ssyncset.done $0x0  }
0x1ae: {  	[sflag:s12] =	ssyncadd.s32 $0xFFFF3800  }
0x1af: {  	_ =	swait.ge [sflag:s8], $0x700  }
0x1b0: {  	[sflag:s8] =	ssyncset.done $0x0  }
0x1b1: {  	[sflag:s8] =	ssyncadd.s32 $0xFFFFF900  }
0x1b2: {  	[tilespmem:s9], [sflag:$0x4] =	stream.indirect.gather [hbm4b:s4+s16], $0x20, s14, s16, $0xb8;
	[tilespmem:$0x19E00] =	vst v63  }
0x1b3: {  	s25 =	simm.s32 $0x738;
	s26 =	simm.s32 $0xDC40  }
0x1b4: {  	[tilespmem:s26], [sflag:$0x4] =	stream.indirect.gather [hbm4b:s4+s16], $0x20, s25, s16, $0xb8;
	[tilespmem:$0x19E00] =	vst v63  }
0x1b5: {  	s6 =	simm.s32 $0x770;
	s18 =	simm.s32 $0xE280  }
0x1b6: {  	[tilespmem:s18], [sflag:$0x4] =	stream.indirect.gather [hbm4b:s4+s16], $0x20, s6, s16, $0xb8;
	[tilespmem:$0x19E00] =	vst v63  }
0x1b7: {  	s19 =	simm.s32 $0x7A8;
	s20 =	simm.s32 $0xE8C0  }
0x1b8: {  	[tilespmem:s20], [sflag:$0x4] =	stream.indirect.gather [hbm4b:s4+s16], $0x20, s19, s16, $0xb8;
	[tilespmem:$0x19E00] =	vst v63  }
0x1b9: {  	s21 =	simm.s32 $0x7E0;
	s22 =	simm.s32 $0xEF00  }
0x1ba: {  	[tilespmem:s22], [sflag:$0x4] =	stream.indirect.gather [hbm4b:s4+s16], $0x20, s21, s16, $0xb8;
	[tilespmem:$0x19E00] =	vst v63  }
0x1bb: {  	s23 =	simm.s32 $0x818;
	s24 =	simm.s32 $0xF540  }
0x1bc: {  	[tilespmem:s24], [sflag:$0x4] =	stream.indirect.gather [hbm4b:s4+s16], $0x20, s23, s16, $0xb8;
	[tilespmem:$0x19E00] =	vst v63  }
0x1bd: {  	s25 =	simm.s32 $0x850;
	s26 =	simm.s32 $0xFB80  }
0x1be: {  	[tilespmem:s26], [sflag:$0x4] =	stream.indirect.gather [hbm4b:s4+s16], $0x20, s25, s16, $0xb8;
	[tilespmem:$0x19E00] =	vst v63  }
0x1bf: {  	s6 =	simm.s32 $0x888;
	s18 =	simm.s32 $0x101C0  }
0x1c0: {  	[tilespmem:s18], [sflag:$0x4] =	stream.indirect.gather [hbm4b:s4+s16], $0x20, s6, s16, $0xb8;
	[tilespmem:$0x19E00] =	vst v63  }
0x1c1: {  	s19 =	simm.s32 $0x8C0;
	s20 =	simm.s32 $0x10800  }
0x1c2: {  	[tilespmem:s20], [sflag:$0x4] =	stream.indirect.gather [hbm4b:s4+s16], $0x20, s19, s16, $0xb8;
	[tilespmem:$0x19E00] =	vst v63  }
0x1c3: {  	s21 =	simm.s32 $0x8F8;
	s22 =	simm.s32 $0x10E40  }
0x1c4: {  	[tilespmem:s22], [sflag:$0x4] =	stream.indirect.gather [hbm4b:s4+s16], $0x20, s21, s16, $0xb8;
	[tilespmem:$0x19E00] =	vst v63  }
0x1c5: {  	s23 =	simm.s32 $0x930;
	s24 =	simm.s32 $0x11480  }
0x1c6: {  	[tilespmem:s24], [sflag:$0x4] =	stream.indirect.gather [hbm4b:s4+s16], $0x20, s23, s16, $0xb8;
	[tilespmem:$0x19E00] =	vst v63  }
0x1c7: {  	s25 =	simm.s32 $0x968;
	s26 =	simm.s32 $0x11AC0  }
0x1c8: {  	[tilespmem:s26], [sflag:$0x4] =	stream.indirect.gather [hbm4b:s4+s16], $0x20, s25, s16, $0xb8;
	[tilespmem:$0x19E00] =	vst v63  }
0x1c9: {  	s6 =	simm.s32 $0x9A0;
	s18 =	simm.s32 $0x12100  }
0x1ca: {  	[tilespmem:s18], [sflag:$0x4] =	stream.indirect.gather [hbm4b:s4+s16], $0x20, s6, s16, $0xb8;
	[tilespmem:$0x19E00] =	vst v63  }
0x1cb: {  	s19 =	simm.s32 $0x9D8;
	s20 =	simm.s32 $0x12740  }
0x1cc: {  	[tilespmem:s20], [sflag:$0x4] =	stream.indirect.gather [hbm4b:s4+s16], $0x20, s19, s16, $0xb8;
	[tilespmem:$0x19E00] =	vst v63  }
0x1cd: {  	s21 =	simm.s32 $0xA10;
	s22 =	simm.s32 $0x12D80  }
0x1ce: {  	[tilespmem:s22], [sflag:$0x4] =	stream.indirect.gather [hbm4b:s4+s16], $0x20, s21, s16, $0xb8;
	[tilespmem:$0x19E00] =	vst v63  }
0x1cf: {  	s23 =	simm.s32 $0xA48;
	s24 =	simm.s32 $0x133C0  }
0x1d0: {  	[tilespmem:s24], [sflag:$0x4] =	stream.indirect.gather [hbm4b:s4+s16], $0x20, s23, s16, $0xb8;
	[tilespmem:$0x19E00] =	vst v63  }
0x1d1: {  	s25 =	simm.s32 $0xA80;
	s26 =	simm.s32 $0x13A00  }
0x1d2: {  	[tilespmem:s26], [sflag:$0x4] =	stream.indirect.gather [hbm4b:s4+s16], $0x20, s25, s16, $0xb8;
	[tilespmem:$0x19E00] =	vst v63  }
0x1d3: {  	s6 =	simm.s32 $0xAB8;
	s18 =	simm.s32 $0x14040  }
0x1d4: {  	[tilespmem:s18], [sflag:$0x4] =	stream.indirect.gather [hbm4b:s4+s16], $0x20, s6, s16, $0xb8;
	[tilespmem:$0x19E00] =	vst v63  }
0x1d5: {  	s19 =	simm.s32 $0xAF0;
	s20 =	simm.s32 $0x14680  }
0x1d6: {  	[tilespmem:s20], [sflag:$0x4] =	stream.indirect.gather [hbm4b:s4+s16], $0x20, s19, s16, $0xb8;
	[tilespmem:$0x19E00] =	vst v63  }
0x1d7: {  	s21 =	simm.s32 $0xB28;
	s22 =	simm.s32 $0x14CC0  }
0x1d8: {  	[tilespmem:s22], [sflag:$0x4] =	stream.indirect.gather [hbm4b:s4+s16], $0x20, s21, s16, $0xb8;
	[tilespmem:$0x19E00] =	vst v63  }
0x1d9: {  	s23 =	simm.s32 $0xB60;
	s24 =	simm.s32 $0x15300  }
0x1da: {  	[tilespmem:s24], [sflag:$0x4] =	stream.indirect.gather [hbm4b:s4+s16], $0x20, s23, s16, $0xb8;
	[tilespmem:$0x19E00] =	vst v63  }
0x1db: {  	s25 =	simm.s32 $0xB98;
	s26 =	simm.s32 $0x15940  }
0x1dc: {  	[tilespmem:s26], [sflag:$0x4] =	stream.indirect.gather [hbm4b:s4+s16], $0x20, s25, s16, $0xb8;
	[tilespmem:$0x19E00] =	vst v63  }
0x1dd: {  	s6 =	simm.s32 $0xBD0;
	s18 =	simm.s32 $0x15F80  }
0x1de: {  	[tilespmem:s18], [sflag:$0x4] =	stream.indirect.gather [hbm4b:s4+s16], $0x20, s6, s16, $0xb8;
	[tilespmem:$0x19E00] =	vst v63  }
0x1df: {  	s19 =	simm.s32 $0xC08;
	s20 =	simm.s32 $0x165C0  }
0x1e0: {  	[tilespmem:s20], [sflag:$0x4] =	stream.indirect.gather [hbm4b:s4+s16], $0x20, s19, s16, $0xb8;
	[tilespmem:$0x19E00] =	vst v63  }
0x1e1: {  	s21 =	simm.s32 $0xC40;
	s22 =	simm.s32 $0x16C00  }
0x1e2: {  	[tilespmem:s22], [sflag:$0x4] =	stream.indirect.gather [hbm4b:s4+s16], $0x20, s21, s16, $0xb8;
	[tilespmem:$0x19E00] =	vst v63  }
0x1e3: {  	s23 =	simm.s32 $0xC78;
	s24 =	simm.s32 $0x17240  }
0x1e4: {  	[tilespmem:s24], [sflag:$0x4] =	stream.indirect.gather [hbm4b:s4+s16], $0x20, s23, s16, $0xb8;
	[tilespmem:$0x19E00] =	vst v63  }
0x1e5: {  	s25 =	simm.s32 $0xCB0;
	s26 =	simm.s32 $0x17880  }
0x1e6: {  	[tilespmem:s26], [sflag:$0x4] =	stream.indirect.gather [hbm4b:s4+s16], $0x20, s25, s16, $0xb8;
	[tilespmem:$0x19E00] =	vst v63  }
0x1e7: {  	s6 =	simm.s32 $0xCE8;
	s18 =	simm.s32 $0x17EC0  }
0x1e8: {  	[tilespmem:s18], [sflag:$0x4] =	stream.indirect.gather [hbm4b:s4+s16], $0x20, s6, s16, $0xb8;
	[tilespmem:$0x19E00] =	vst v63  }
0x1e9: {  	s19 =	simm.s32 $0xD20;
	s20 =	simm.s32 $0x18500  }
0x1ea: {  	[tilespmem:s20], [sflag:$0x4] =	stream.indirect.gather [hbm4b:s4+s16], $0x20, s19, s16, $0xb8;
	[tilespmem:$0x19E00] =	vst v63  }
0x1eb: {  	s21 =	simm.s32 $0xD58;
	s22 =	simm.s32 $0x18B40  }
0x1ec: {  	[tilespmem:s22], [sflag:$0x4] =	stream.indirect.gather [hbm4b:s4+s16], $0x20, s21, s16, $0xb8;
	[tilespmem:$0x19E00] =	vst v63  }
0x1ed: {  	s23 =	simm.s32 $0xD90;
	s24 =	simm.s32 $0x19180  }
0x1ee: {  	[tilespmem:s24], [sflag:$0x4] =	stream.indirect.gather [hbm4b:s4+s16], $0x20, s23, s16, $0xb8;
	[tilespmem:$0x19E00] =	vst v63  }
0x1ef: {  	s13 =	simm.s32 $0xDC8;
	s25 =	simm.s32 $0x197C0  }
0x1f0: {  	[tilespmem:s25], [sflag:$0x4] =	stream.indirect.gather [hbm4b:s4+s16], $0x20, s13, s16, $0xb8;
	[tilespmem:$0x19E00] =	vst v63  }
0x1f1: {  	_ =	swait.ge [sflag:s7], $0x640  }
0x1f2: {  	[sflag:s7] =	ssyncset.done $0x0  }
0x1f3: {  	[sflag:s7] =	ssyncadd.s32 $0xFFFFF9C0  }
0x1f4: {  	_ =	swait.ge [sflag:s7], $0x640  }
0x1f5: {  	[sflag:s7] =	ssyncset.done $0x0  }
0x1f6: {  	[sflag:s7] =	ssyncadd.s32 $0xFFFFF9C0  }
0x1f7: {  	_ =	swait.ge [sflag:s7], $0x640  }
0x1f8: {  	[sflag:s7] =	ssyncset.done $0x0  }
0x1f9: {  	[sflag:s7] =	ssyncadd.s32 $0xFFFFF9C0  }
0x1fa: {  	_ =	swait.ge [sflag:s7], $0x640  }
0x1fb: {  	[sflag:s7] =	ssyncset.done $0x0  }
0x1fc: {  	[sflag:s7] =	ssyncadd.s32 $0xFFFFF9C0  }
0x1fd: {  	_ =	swait.ge [sflag:s7], $0x640  }
0x1fe: {  	[sflag:s7] =	ssyncset.done $0x0  }
0x1ff: {  	[sflag:s7] =	ssyncadd.s32 $0xFFFFF9C0  }
0x200: {  	_ =	swait.ge [sflag:s7], $0x640  }
0x201: {  	[sflag:s7] =	ssyncset.done $0x0  }
0x202: {  	[sflag:s7] =	ssyncadd.s32 $0xFFFFF9C0  }
0x203: {  	_ =	swait.ge [sflag:s7], $0x640  }
0x204: {  	[sflag:s7] =	ssyncset.done $0x0  }
0x205: {  	[sflag:s7] =	ssyncadd.s32 $0xFFFFF9C0  }
0x206: {  	_ =	swait.ge [sflag:s7], $0x640  }
0x207: {  	[sflag:s7] =	ssyncset.done $0x0  }
0x208: {  	[sflag:s7] =	ssyncadd.s32 $0xFFFFF9C0  }
0x209: {  	_ =	swait.ge [sflag:s7], $0x640  }
0x20a: {  	[sflag:s7] =	ssyncset.done $0x0  }
0x20b: {  	[sflag:s7] =	ssyncadd.s32 $0xFFFFF9C0  }
0x20c: {  	_ =	swait.ge [sflag:s7], $0x640  }
0x20d: {  	[sflag:s7] =	ssyncset.done $0x0  }
0x20e: {  	[sflag:s7] =	ssyncadd.s32 $0xFFFFF9C0  }
0x20f: {  	_ =	swait.ge [sflag:s7], $0x640  }
0x210: {  	[sflag:s7] =	ssyncset.done $0x0  }
0x211: {  	[sflag:s7] =	ssyncadd.s32 $0xFFFFF9C0  }
0x212: {  	_ =	swait.ge [sflag:s7], $0x640  }
0x213: {  	[sflag:s7] =	ssyncset.done $0x0  }
0x214: {  	[sflag:s7] =	ssyncadd.s32 $0xFFFFF9C0  }
0x215: {  	_ =	swait.ge [sflag:s7], $0x640  }
0x216: {  	[sflag:s7] =	ssyncset.done $0x0  }
0x217: {  	[sflag:s7] =	ssyncadd.s32 $0xFFFFF9C0  }
0x218: {  	_ =	swait.ge [sflag:s7], $0x640  }
0x219: {  	[sflag:s7] =	ssyncset.done $0x0  }
0x21a: {  	[sflag:s7] =	ssyncadd.s32 $0xFFFFF9C0  }
0x21b: {  	_ =	swait.ge [sflag:s7], $0x640  }
0x21c: {  	[sflag:s7] =	ssyncset.done $0x0  }
0x21d: {  	[sflag:s7] =	ssyncadd.s32 $0xFFFFF9C0  }
0x21e: {  	_ =	swait.ge [sflag:s7], $0x640  }
0x21f: {  	[sflag:s7] =	ssyncset.done $0x0  }
0x220: {  	[sflag:s7] =	ssyncadd.s32 $0xFFFFF9C0  }
0x221: {  	_ =	swait.ge [sflag:s7], $0x640  }
0x222: {  	[sflag:s7] =	ssyncset.done $0x0  }
0x223: {  	[sflag:s7] =	ssyncadd.s32 $0xFFFFF9C0  }
0x224: {  	_ =	swait.ge [sflag:s7], $0x640  }
0x225: {  	[sflag:s7] =	ssyncset.done $0x0  }
0x226: {  	[sflag:s7] =	ssyncadd.s32 $0xFFFFF9C0  }
0x227: {  	_ =	swait.ge [sflag:s7], $0x640  }
0x228: {  	[sflag:s7] =	ssyncset.done $0x0  }
0x229: {  	[sflag:s7] =	ssyncadd.s32 $0xFFFFF9C0  }
0x22a: {  	_ =	swait.ge [sflag:s7], $0x640  }
0x22b: {  	[sflag:s7] =	ssyncset.done $0x0  }
0x22c: {  	[sflag:s7] =	ssyncadd.s32 $0xFFFFF9C0  }
0x22d: {  	_ =	swait.ge [sflag:s7], $0x640  }
0x22e: {  	[sflag:s7] =	ssyncset.done $0x0  }
0x22f: {  	[sflag:s7] =	ssyncadd.s32 $0xFFFFF9C0  }
0x230: {  	_ =	swait.ge [sflag:s7], $0x640  }
0x231: {  	[sflag:s7] =	ssyncset.done $0x0  }
0x232: {  	[sflag:s7] =	ssyncadd.s32 $0xFFFFF9C0  }
0x233: {  	_ =	swait.ge [sflag:s7], $0x640  }
0x234: {  	[sflag:s7] =	ssyncset.done $0x0  }
0x235: {  	[sflag:s7] =	ssyncadd.s32 $0xFFFFF9C0  }
0x236: {  	_ =	swait.ge [sflag:s7], $0x640  }
0x237: {  	[sflag:s7] =	ssyncset.done $0x0  }
0x238: {  	[sflag:s7] =	ssyncadd.s32 $0xFFFFF9C0  }
0x239: {  	_ =	swait.ge [sflag:s7], $0x640  }
0x23a: {  	[sflag:s7] =	ssyncset.done $0x0  }
0x23b: {  	[sflag:s7] =	ssyncadd.s32 $0xFFFFF9C0  }
0x23c: {  	_ =	swait.ge [sflag:s7], $0x640  }
0x23d: {  	[sflag:s7] =	ssyncset.done $0x0  }
0x23e: {  	[sflag:s7] =	ssyncadd.s32 $0xFFFFF9C0  }
0x23f: {  	_ =	swait.ge [sflag:s7], $0x640  }
0x240: {  	[sflag:s7] =	ssyncset.done $0x0  }
0x241: {  	[sflag:s7] =	ssyncadd.s32 $0xFFFFF9C0  }
0x242: {  	_ =	swait.ge [sflag:s7], $0x640  }
0x243: {  	[sflag:s7] =	ssyncset.done $0x0  }
0x244: {  	[sflag:s7] =	ssyncadd.s32 $0xFFFFF9C0  }
0x245: {  	_ =	swait.ge [sflag:s7], $0x640  }
0x246: {  	[sflag:s7] =	ssyncset.done $0x0  }
0x247: {  	[sflag:s7] =	ssyncadd.s32 $0xFFFFF9C0  }
0x248: {  	_ =	swait.ge [sflag:s7], $0x640  }
0x249: {  	[sflag:s7] =	ssyncset.done $0x0  }
0x24a: {  	[sflag:s7] =	ssyncadd.s32 $0xFFFFF9C0  }
0x24b: {  	_ =	swait.ge [sflag:s7], $0x640  }
0x24c: {  	s26 =	sadd.s32 $0x0, s2;
	[sflag:s7] =	ssyncset.done $0x0  }
0x24d: {  	s13 =	sadd.s32 $0x80, s26;
	[sflag:s7] =	ssyncadd.s32 $0xFFFFF9C0  }
0x24e: {  	p0 =	slt.s32 s13, $0x3FE0;
	_ =	swait.ge [sflag:s7], $0x640  }
0x24f: {  	s13 =	simm.s32 @!p0 $0x3FE0;
	[sflag:s7] =	ssyncset.done $0x0  }
0x250: {  	s13 =	smul.u32 $0x7, s13;
	s19 =	rddreg [dreg:$0xa];
	[sflag:s7] =	ssyncadd.s32 $0xFFFFF9C0  }
0x251: {  	[hbm4b:s19+s3] =	stream.linear.scatter [tilespmem:s17], [sflag:$0x5], $0xC800, $0x38;
	[tilespmem:$0x19E00] =	vst v63  }
0x252: {  	s13 =	sadd.s32 s5, s13  }
0x253: {  	[tilespmem:s3], [sflag:$0x1] =	stream.linear.gather [hbm4b:s13+s3], $0x700, $0x38;
	[tilespmem:$0x19E00] =	vst v63  }
0x254: {  	_ =	swait.ge [sflag:s10], $0x640  }
0x255: {  	[sflag:s10] =	ssyncset.done $0x0  }
0x256: {  	[sflag:s10] =	ssyncadd.s32 $0xFFFFF9C0  }
0x257: {  	_ =	swait.ge [sflag:s10], $0x640  }
0x258: {  	[sflag:s10] =	ssyncset.done $0x0  }
0x259: {  	[sflag:s10] =	ssyncadd.s32 $0xFFFFF9C0  }
0x25a: {  	_ =	swait.ge [sflag:s10], $0x640  }
0x25b: {  	[sflag:s10] =	ssyncset.done $0x0  }
0x25c: {  	[sflag:s10] =	ssyncadd.s32 $0xFFFFF9C0  }
0x25d: {  	_ =	swait.ge [sflag:s10], $0x640  }
0x25e: {  	[sflag:s10] =	ssyncset.done $0x0  }
0x25f: {  	[sflag:s10] =	ssyncadd.s32 $0xFFFFF9C0  }
0x260: {  	_ =	swait.ge [sflag:s10], $0x640  }
0x261: {  	[sflag:s10] =	ssyncset.done $0x0  }
0x262: {  	[sflag:s10] =	ssyncadd.s32 $0xFFFFF9C0  }
0x263: {  	_ =	swait.ge [sflag:s10], $0x640  }
0x264: {  	[sflag:s10] =	ssyncset.done $0x0  }
0x265: {  	[sflag:s10] =	ssyncadd.s32 $0xFFFFF9C0  }
0x266: {  	_ =	swait.ge [sflag:s10], $0x640  }
0x267: {  	[sflag:s10] =	ssyncset.done $0x0  }
0x268: {  	[sflag:s10] =	ssyncadd.s32 $0xFFFFF9C0  }
0x269: {  	_ =	swait.ge [sflag:s10], $0x640  }
0x26a: {  	[sflag:s10] =	ssyncset.done $0x0  }
0x26b: {  	[sflag:s10] =	ssyncadd.s32 $0xFFFFF9C0  }
0x26c: {  	_ =	swait.ge [sflag:s10], $0x640  }
0x26d: {  	[sflag:s10] =	ssyncset.done $0x0  }
0x26e: {  	[sflag:s10] =	ssyncadd.s32 $0xFFFFF9C0  }
0x26f: {  	_ =	swait.ge [sflag:s10], $0x640  }
0x270: {  	[sflag:s10] =	ssyncset.done $0x0  }
0x271: {  	[sflag:s10] =	ssyncadd.s32 $0xFFFFF9C0  }
0x272: {  	_ =	swait.ge [sflag:s10], $0x640  }
0x273: {  	[sflag:s10] =	ssyncset.done $0x0  }
0x274: {  	[sflag:s10] =	ssyncadd.s32 $0xFFFFF9C0  }
0x275: {  	_ =	swait.ge [sflag:s10], $0x640  }
0x276: {  	[sflag:s10] =	ssyncset.done $0x0  }
0x277: {  	[sflag:s10] =	ssyncadd.s32 $0xFFFFF9C0  }
0x278: {  	_ =	swait.ge [sflag:s10], $0x640  }
0x279: {  	[sflag:s10] =	ssyncset.done $0x0  }
0x27a: {  	[sflag:s10] =	ssyncadd.s32 $0xFFFFF9C0  }
0x27b: {  	_ =	swait.ge [sflag:s10], $0x640  }
0x27c: {  	[sflag:s10] =	ssyncset.done $0x0  }
0x27d: {  	[sflag:s10] =	ssyncadd.s32 $0xFFFFF9C0  }
0x27e: {  	_ =	swait.ge [sflag:s10], $0x640  }
0x27f: {  	[sflag:s10] =	ssyncset.done $0x0  }
0x280: {  	[sflag:s10] =	ssyncadd.s32 $0xFFFFF9C0  }
0x281: {  	_ =	swait.ge [sflag:s10], $0x640  }
0x282: {  	[sflag:s10] =	ssyncset.done $0x0  }
0x283: {  	[sflag:s10] =	ssyncadd.s32 $0xFFFFF9C0  }
0x284: {  	_ =	swait.ge [sflag:s10], $0x640  }
0x285: {  	[sflag:s10] =	ssyncset.done $0x0  }
0x286: {  	[sflag:s10] =	ssyncadd.s32 $0xFFFFF9C0  }
0x287: {  	_ =	swait.ge [sflag:s10], $0x640  }
0x288: {  	[sflag:s10] =	ssyncset.done $0x0  }
0x289: {  	[sflag:s10] =	ssyncadd.s32 $0xFFFFF9C0  }
0x28a: {  	_ =	swait.ge [sflag:s10], $0x640  }
0x28b: {  	[sflag:s10] =	ssyncset.done $0x0  }
0x28c: {  	[sflag:s10] =	ssyncadd.s32 $0xFFFFF9C0  }
0x28d: {  	_ =	swait.ge [sflag:s10], $0x640  }
0x28e: {  	[sflag:s10] =	ssyncset.done $0x0  }
0x28f: {  	[sflag:s10] =	ssyncadd.s32 $0xFFFFF9C0  }
0x290: {  	_ =	swait.ge [sflag:s10], $0x640  }
0x291: {  	[sflag:s10] =	ssyncset.done $0x0  }
0x292: {  	[sflag:s10] =	ssyncadd.s32 $0xFFFFF9C0  }
0x293: {  	_ =	swait.ge [sflag:s10], $0x640  }
0x294: {  	[sflag:s10] =	ssyncset.done $0x0  }
0x295: {  	[sflag:s10] =	ssyncadd.s32 $0xFFFFF9C0  }
0x296: {  	_ =	swait.ge [sflag:s10], $0x640  }
0x297: {  	[sflag:s10] =	ssyncset.done $0x0  }
0x298: {  	[sflag:s10] =	ssyncadd.s32 $0xFFFFF9C0  }
0x299: {  	_ =	swait.ge [sflag:s10], $0x640  }
0x29a: {  	[sflag:s10] =	ssyncset.done $0x0  }
0x29b: {  	[sflag:s10] =	ssyncadd.s32 $0xFFFFF9C0  }
0x29c: {  	_ =	swait.ge [sflag:s10], $0x640  }
0x29d: {  	[sflag:s10] =	ssyncset.done $0x0  }
0x29e: {  	[sflag:s10] =	ssyncadd.s32 $0xFFFFF9C0  }
0x29f: {  	_ =	swait.ge [sflag:s10], $0x640  }
0x2a0: {  	[sflag:s10] =	ssyncset.done $0x0  }
0x2a1: {  	[sflag:s10] =	ssyncadd.s32 $0xFFFFF9C0  }
0x2a2: {  	_ =	swait.ge [sflag:s10], $0x640  }
0x2a3: {  	[sflag:s10] =	ssyncset.done $0x0  }
0x2a4: {  	[sflag:s10] =	ssyncadd.s32 $0xFFFFF9C0  }
0x2a5: {  	_ =	swait.ge [sflag:s10], $0x640  }
0x2a6: {  	[sflag:s10] =	ssyncset.done $0x0  }
0x2a7: {  	[sflag:s10] =	ssyncadd.s32 $0xFFFFF9C0  }
0x2a8: {  	_ =	swait.ge [sflag:s10], $0x640  }
0x2a9: {  	[sflag:s10] =	ssyncset.done $0x0  }
0x2aa: {  	s1 =	simm.s32 $0x3380;
	s28 =	simm.s32 $0x2700;
	[sflag:s10] =	ssyncadd.s32 $0xFFFFF9C0  }
0x2ab: {  	s0 =	simm.s32 $0x188;
	s29 =	simm.s32 $0x118;
	_ =	swait.ge [sflag:s10], $0x640  }
0x2ac: {  	s30 =	simm.s32 $0x1C0;
	s31 =	simm.s32 $0x150;
	[sflag:s10] =	ssyncset.done $0x0  }
0x2ad: {  	s6 =	sadd.s32 $0xA0, s26;
	s20 =	simm.s32 $0x4000;
	[sflag:s10] =	ssyncadd.s32 $0xFFFFF9C0  }
0x2ae: {  	s22 =	simm.s32 $0x70;
	p0 =	slt.s32 s6, $0x3FE0;
	_ =	swait.ge [sflag:s10], $0x640  }
0x2af: {  	s21 =	simm.s32 $0x1440;
	s6 =	simm.s32 @!p0 $0x3FE0;
	[sflag:s10] =	ssyncset.done $0x0  }
0x2b0: {  	s23 =	simm.s32 $0x39C0;
	s18 =	smul.u32 $0x7, s6;
	[sflag:s10] =	ssyncadd.s32 $0xFFFFF9C0  }
0x2b1: {  	s24 =	simm.s32 $0xA8;
	s25 =	simm.s32 $0x20C0;
	_ =	swait.ge [sflag:s10], $0x640  }
0x2b2: {  	s6 =	simm.s32 $0x40;
	s18 =	sadd.s32 s5, s18;
	[sflag:s10] =	ssyncset.done $0x0  }
0x2b3: {  	s26 =	sadd.s32 $0x1900, s19;
	s13 =	sadd.s32 $0x3200, s19;
	[sflag:s10] =	ssyncadd.s32 $0xFFFFF9C0  }
0x2b4: {  	[hbm4b:s26+s3] =	stream.linear.scatter [tilespmem:s9], [sflag:$0x6], $0xC800, $0x38;
	[tilespmem:$0x19E00] =	vst v63  }
.LBB2_2:
0x2b5: {  	[tilespmem:s14], [sflag:$0x2] =	stream.linear.gather [hbm4b:s18+s3], $0x700, $0x38;
	[tilespmem:$0x19E00] =	vst v63  }
0x2b6: {  	s18 =	smov.u32 s6  }
0x2b7: {  	p0 =	sne.s32 s6, $0x180;
	s6 =	sadd.s32 $0x40, s6;
	_ =	swait.ge [sflag:s11], $0xC800  }
0x2b8: {  	[sflag:s11] =	ssyncset.done $0x0  }
0x2b9: {  	[sflag:s11] =	ssyncadd.s32 $0xFFFF3800  }
0x2ba: {  	_ =	swait.ge [sflag:s15], $0x700  }
0x2bb: {  	[sflag:s15] =	ssyncset.done $0x0  }
0x2bc: {  	[sflag:s15] =	ssyncadd.s32 $0xFFFFF900  }
0x2bd: {  	[tilespmem:s17], [sflag:$0x3] =	stream.indirect.gather [hbm4b:s4+s16], $0x20, s3, s16, $0xb8;
	[tilespmem:$0x19E00] =	vst v63  }
0x2be: {  	s19 =	simm.s32 $0x38  }
0x2bf: {  	[tilespmem:s21], [sflag:$0x3] =	stream.indirect.gather [hbm4b:s4+s16], $0x20, s19, s16, $0xb8;
	[tilespmem:$0x19E00] =	vst v63  }
0x2c0: {  	s19 =	simm.s32 $0x1A80  }
0x2c1: {  	[tilespmem:s19], [sflag:$0x3] =	stream.indirect.gather [hbm4b:s4+s16], $0x20, s22, s16, $0xb8;
	[tilespmem:$0x19E00] =	vst v63  }
0x2c2: {  	_ = 	snop  }
0x2c3: {  	[tilespmem:s25], [sflag:$0x3] =	stream.indirect.gather [hbm4b:s4+s16], $0x20, s24, s16, $0xb8;
	[tilespmem:$0x19E00] =	vst v63  }
0x2c4: {  	s19 =	simm.s32 $0xE0  }
0x2c5: {  	[tilespmem:s28], [sflag:$0x3] =	stream.indirect.gather [hbm4b:s4+s16], $0x20, s19, s16, $0xb8;
	[tilespmem:$0x19E00] =	vst v63  }
0x2c6: {  	s19 =	simm.s32 $0x2D40  }
0x2c7: {  	[tilespmem:s19], [sflag:$0x3] =	stream.indirect.gather [hbm4b:s4+s16], $0x20, s29, s16, $0xb8;
	[tilespmem:$0x19E00] =	vst v63  }
0x2c8: {  	_ = 	snop  }
0x2c9: {  	[tilespmem:s1], [sflag:$0x3] =	stream.indirect.gather [hbm4b:s4+s16], $0x20, s31, s16, $0xb8;
	[tilespmem:$0x19E00] =	vst v63  }
0x2ca: {  	_ = 	snop  }
0x2cb: {  	[tilespmem:s23], [sflag:$0x3] =	stream.indirect.gather [hbm4b:s4+s16], $0x20, s0, s16, $0xb8;
	[tilespmem:$0x19E00] =	vst v63  }
0x2cc: {  	_ = 	snop  }
0x2cd: {  	[tilespmem:s20], [sflag:$0x3] =	stream.indirect.gather [hbm4b:s4+s16], $0x20, s30, s16, $0xb8;
	[tilespmem:$0x19E00] =	vst v63  }
0x2ce: {  	s26 =	simm.s32 $0x4640;
	s19 =	simm.s32 $0x1F8  }
0x2cf: {  	[tilespmem:s26], [sflag:$0x3] =	stream.indirect.gather [hbm4b:s4+s16], $0x20, s19, s16, $0xb8;
	[tilespmem:$0x19E00] =	vst v63  }
0x2d0: {  	s19 =	simm.s32 $0x230;
	s26 =	simm.s32 $0x4C80  }
0x2d1: {  	[tilespmem:s26], [sflag:$0x3] =	stream.indirect.gather [hbm4b:s4+s16], $0x20, s19, s16, $0xb8;
	[tilespmem:$0x19E00] =	vst v63  }
0x2d2: {  	s19 =	simm.s32 $0x268;
	s26 =	simm.s32 $0x52C0  }
0x2d3: {  	[tilespmem:s26], [sflag:$0x3] =	stream.indirect.gather [hbm4b:s4+s16], $0x20, s19, s16, $0xb8;
	[tilespmem:$0x19E00] =	vst v63  }
0x2d4: {  	s19 =	simm.s32 $0x2A0;
	s26 =	simm.s32 $0x5900  }
0x2d5: {  	[tilespmem:s26], [sflag:$0x3] =	stream.indirect.gather [hbm4b:s4+s16], $0x20, s19, s16, $0xb8;
	[tilespmem:$0x19E00] =	vst v63  }
0x2d6: {  	s19 =	simm.s32 $0x2D8;
	s26 =	simm.s32 $0x5F40  }
0x2d7: {  	[tilespmem:s26], [sflag:$0x3] =	stream.indirect.gather [hbm4b:s4+s16], $0x20, s19, s16, $0xb8;
	[tilespmem:$0x19E00] =	vst v63  }
0x2d8: {  	s19 =	simm.s32 $0x310;
	s26 =	simm.s32 $0x6580  }
0x2d9: {  	[tilespmem:s26], [sflag:$0x3] =	stream.indirect.gather [hbm4b:s4+s16], $0x20, s19, s16, $0xb8;
	[tilespmem:$0x19E00] =	vst v63  }
0x2da: {  	s19 =	simm.s32 $0x348;
	s26 =	simm.s32 $0x6BC0  }
0x2db: {  	[tilespmem:s26], [sflag:$0x3] =	stream.indirect.gather [hbm4b:s4+s16], $0x20, s19, s16, $0xb8;
	[tilespmem:$0x19E00] =	vst v63  }
0x2dc: {  	s19 =	simm.s32 $0x380;
	s26 =	simm.s32 $0x7200  }
0x2dd: {  	[tilespmem:s26], [sflag:$0x3] =	stream.indirect.gather [hbm4b:s4+s16], $0x20, s19, s16, $0xb8;
	[tilespmem:$0x19E00] =	vst v63  }
0x2de: {  	s19 =	simm.s32 $0x3B8;
	s26 =	simm.s32 $0x7840  }
0x2df: {  	[tilespmem:s26], [sflag:$0x3] =	stream.indirect.gather [hbm4b:s4+s16], $0x20, s19, s16, $0xb8;
	[tilespmem:$0x19E00] =	vst v63  }
0x2e0: {  	s19 =	simm.s32 $0x3F0;
	s26 =	simm.s32 $0x7E80  }
0x2e1: {  	[tilespmem:s26], [sflag:$0x3] =	stream.indirect.gather [hbm4b:s4+s16], $0x20, s19, s16, $0xb8;
	[tilespmem:$0x19E00] =	vst v63  }
0x2e2: {  	s19 =	simm.s32 $0x428;
	s26 =	simm.s32 $0x84C0  }
0x2e3: {  	[tilespmem:s26], [sflag:$0x3] =	stream.indirect.gather [hbm4b:s4+s16], $0x20, s19, s16, $0xb8;
	[tilespmem:$0x19E00] =	vst v63  }
0x2e4: {  	s19 =	simm.s32 $0x460;
	s26 =	simm.s32 $0x8B00  }
0x2e5: {  	[tilespmem:s26], [sflag:$0x3] =	stream.indirect.gather [hbm4b:s4+s16], $0x20, s19, s16, $0xb8;
	[tilespmem:$0x19E00] =	vst v63  }
0x2e6: {  	s19 =	simm.s32 $0x498;
	s26 =	simm.s32 $0x9140  }
0x2e7: {  	[tilespmem:s26], [sflag:$0x3] =	stream.indirect.gather [hbm4b:s4+s16], $0x20, s19, s16, $0xb8;
	[tilespmem:$0x19E00] =	vst v63  }
0x2e8: {  	s19 =	simm.s32 $0x4D0;
	s26 =	simm.s32 $0x9780  }
0x2e9: {  	[tilespmem:s26], [sflag:$0x3] =	stream.indirect.gather [hbm4b:s4+s16], $0x20, s19, s16, $0xb8;
	[tilespmem:$0x19E00] =	vst v63  }
0x2ea: {  	s19 =	simm.s32 $0x508;
	s26 =	simm.s32 $0x9DC0  }
0x2eb: {  	[tilespmem:s26], [sflag:$0x3] =	stream.indirect.gather [hbm4b:s4+s16], $0x20, s19, s16, $0xb8;
	[tilespmem:$0x19E00] =	vst v63  }
0x2ec: {  	s19 =	simm.s32 $0x540;
	s26 =	simm.s32 $0xA400  }
0x2ed: {  	[tilespmem:s26], [sflag:$0x3] =	stream.indirect.gather [hbm4b:s4+s16], $0x20, s19, s16, $0xb8;
	[tilespmem:$0x19E00] =	vst v63  }
0x2ee: {  	s19 =	simm.s32 $0x578;
	s26 =	simm.s32 $0xAA40  }
0x2ef: {  	[tilespmem:s26], [sflag:$0x3] =	stream.indirect.gather [hbm4b:s4+s16], $0x20, s19, s16, $0xb8;
	[tilespmem:$0x19E00] =	vst v63  }
0x2f0: {  	s19 =	simm.s32 $0x5B0;
	s26 =	simm.s32 $0xB080  }
0x2f1: {  	[tilespmem:s26], [sflag:$0x3] =	stream.indirect.gather [hbm4b:s4+s16], $0x20, s19, s16, $0xb8;
	[tilespmem:$0x19E00] =	vst v63  }
0x2f2: {  	s19 =	simm.s32 $0x5E8;
	s26 =	simm.s32 $0xB6C0  }
0x2f3: {  	[tilespmem:s26], [sflag:$0x3] =	stream.indirect.gather [hbm4b:s4+s16], $0x20, s19, s16, $0xb8;
	[tilespmem:$0x19E00] =	vst v63  }
0x2f4: {  	s19 =	simm.s32 $0x620;
	s26 =	simm.s32 $0xBD00  }
0x2f5: {  	[tilespmem:s26], [sflag:$0x3] =	stream.indirect.gather [hbm4b:s4+s16], $0x20, s19, s16, $0xb8;
	[tilespmem:$0x19E00] =	vst v63  }
0x2f6: {  	s19 =	simm.s32 $0x658;
	s26 =	simm.s32 $0xC340  }
0x2f7: {  	[tilespmem:s26], [sflag:$0x3] =	stream.indirect.gather [hbm4b:s4+s16], $0x20, s19, s16, $0xb8;
	[tilespmem:$0x19E00] =	vst v63  }
0x2f8: {  	s19 =	simm.s32 $0x690;
	s26 =	simm.s32 $0xC980  }
0x2f9: {  	[tilespmem:s26], [sflag:$0x3] =	stream.indirect.gather [hbm4b:s4+s16], $0x20, s19, s16, $0xb8;
	[tilespmem:$0x19E00] =	vst v63  }
0x2fa: {  	s19 =	simm.s32 $0x6C8;
	s26 =	simm.s32 $0xCFC0  }
0x2fb: {  	[tilespmem:s26], [sflag:$0x3] =	stream.indirect.gather [hbm4b:s4+s16], $0x20, s19, s16, $0xb8;
	[tilespmem:$0x19E00] =	vst v63  }
0x2fc: {  	_ =	swait.ge [sflag:s12], $0xC800  }
0x2fd: {  	[sflag:s12] =	ssyncset.done $0x0  }
0x2fe: {  	[sflag:s12] =	ssyncadd.s32 $0xFFFF3800  }
0x2ff: {  	_ =	swait.ge [sflag:s8], $0x700  }
0x300: {  	[sflag:s8] =	ssyncset.done $0x0  }
0x301: {  	[sflag:s8] =	ssyncadd.s32 $0xFFFFF900  }
0x302: {  	[tilespmem:s9], [sflag:$0x4] =	stream.indirect.gather [hbm4b:s4+s16], $0x20, s14, s16, $0xb8;
	[tilespmem:$0x19E00] =	vst v63  }
0x303: {  	s19 =	simm.s32 $0x738;
	s26 =	simm.s32 $0xDC40  }
0x304: {  	[tilespmem:s26], [sflag:$0x4] =	stream.indirect.gather [hbm4b:s4+s16], $0x20, s19, s16, $0xb8;
	[tilespmem:$0x19E00] =	vst v63  }
0x305: {  	s19 =	simm.s32 $0x770;
	s26 =	simm.s32 $0xE280  }
0x306: {  	[tilespmem:s26], [sflag:$0x4] =	stream.indirect.gather [hbm4b:s4+s16], $0x20, s19, s16, $0xb8;
	[tilespmem:$0x19E00] =	vst v63  }
0x307: {  	s19 =	simm.s32 $0x7A8;
	s26 =	simm.s32 $0xE8C0  }
0x308: {  	[tilespmem:s26], [sflag:$0x4] =	stream.indirect.gather [hbm4b:s4+s16], $0x20, s19, s16, $0xb8;
	[tilespmem:$0x19E00] =	vst v63  }
0x309: {  	s19 =	simm.s32 $0x7E0;
	s26 =	simm.s32 $0xEF00  }
0x30a: {  	[tilespmem:s26], [sflag:$0x4] =	stream.indirect.gather [hbm4b:s4+s16], $0x20, s19, s16, $0xb8;
	[tilespmem:$0x19E00] =	vst v63  }
0x30b: {  	s19 =	simm.s32 $0x818;
	s26 =	simm.s32 $0xF540  }
0x30c: {  	[tilespmem:s26], [sflag:$0x4] =	stream.indirect.gather [hbm4b:s4+s16], $0x20, s19, s16, $0xb8;
	[tilespmem:$0x19E00] =	vst v63  }
0x30d: {  	s19 =	simm.s32 $0x850;
	s26 =	simm.s32 $0xFB80  }
0x30e: {  	[tilespmem:s26], [sflag:$0x4] =	stream.indirect.gather [hbm4b:s4+s16], $0x20, s19, s16, $0xb8;
	[tilespmem:$0x19E00] =	vst v63  }
0x30f: {  	s19 =	simm.s32 $0x888;
	s26 =	simm.s32 $0x101C0  }
0x310: {  	[tilespmem:s26], [sflag:$0x4] =	stream.indirect.gather [hbm4b:s4+s16], $0x20, s19, s16, $0xb8;
	[tilespmem:$0x19E00] =	vst v63  }
0x311: {  	s19 =	simm.s32 $0x8C0;
	s26 =	simm.s32 $0x10800  }
0x312: {  	[tilespmem:s26], [sflag:$0x4] =	stream.indirect.gather [hbm4b:s4+s16], $0x20, s19, s16, $0xb8;
	[tilespmem:$0x19E00] =	vst v63  }
0x313: {  	s19 =	simm.s32 $0x8F8;
	s26 =	simm.s32 $0x10E40  }
0x314: {  	[tilespmem:s26], [sflag:$0x4] =	stream.indirect.gather [hbm4b:s4+s16], $0x20, s19, s16, $0xb8;
	[tilespmem:$0x19E00] =	vst v63  }
0x315: {  	s19 =	simm.s32 $0x930;
	s26 =	simm.s32 $0x11480  }
0x316: {  	[tilespmem:s26], [sflag:$0x4] =	stream.indirect.gather [hbm4b:s4+s16], $0x20, s19, s16, $0xb8;
	[tilespmem:$0x19E00] =	vst v63  }
0x317: {  	s19 =	simm.s32 $0x968;
	s26 =	simm.s32 $0x11AC0  }
0x318: {  	[tilespmem:s26], [sflag:$0x4] =	stream.indirect.gather [hbm4b:s4+s16], $0x20, s19, s16, $0xb8;
	[tilespmem:$0x19E00] =	vst v63  }
0x319: {  	s19 =	simm.s32 $0x9A0;
	s26 =	simm.s32 $0x12100  }
0x31a: {  	[tilespmem:s26], [sflag:$0x4] =	stream.indirect.gather [hbm4b:s4+s16], $0x20, s19, s16, $0xb8;
	[tilespmem:$0x19E00] =	vst v63  }
0x31b: {  	s19 =	simm.s32 $0x9D8;
	s26 =	simm.s32 $0x12740  }
0x31c: {  	[tilespmem:s26], [sflag:$0x4] =	stream.indirect.gather [hbm4b:s4+s16], $0x20, s19, s16, $0xb8;
	[tilespmem:$0x19E00] =	vst v63  }
0x31d: {  	s19 =	simm.s32 $0xA10;
	s26 =	simm.s32 $0x12D80  }
0x31e: {  	[tilespmem:s26], [sflag:$0x4] =	stream.indirect.gather [hbm4b:s4+s16], $0x20, s19, s16, $0xb8;
	[tilespmem:$0x19E00] =	vst v63  }
0x31f: {  	s19 =	simm.s32 $0xA48;
	s26 =	simm.s32 $0x133C0  }
0x320: {  	[tilespmem:s26], [sflag:$0x4] =	stream.indirect.gather [hbm4b:s4+s16], $0x20, s19, s16, $0xb8;
	[tilespmem:$0x19E00] =	vst v63  }
0x321: {  	s19 =	simm.s32 $0xA80;
	s26 =	simm.s32 $0x13A00  }
0x322: {  	[tilespmem:s26], [sflag:$0x4] =	stream.indirect.gather [hbm4b:s4+s16], $0x20, s19, s16, $0xb8;
	[tilespmem:$0x19E00] =	vst v63  }
0x323: {  	s19 =	simm.s32 $0xAB8;
	s26 =	simm.s32 $0x14040  }
0x324: {  	[tilespmem:s26], [sflag:$0x4] =	stream.indirect.gather [hbm4b:s4+s16], $0x20, s19, s16, $0xb8;
	[tilespmem:$0x19E00] =	vst v63  }
0x325: {  	s19 =	simm.s32 $0xAF0;
	s26 =	simm.s32 $0x14680  }
0x326: {  	[tilespmem:s26], [sflag:$0x4] =	stream.indirect.gather [hbm4b:s4+s16], $0x20, s19, s16, $0xb8;
	[tilespmem:$0x19E00] =	vst v63  }
0x327: {  	s19 =	simm.s32 $0xB28;
	s26 =	simm.s32 $0x14CC0  }
0x328: {  	[tilespmem:s26], [sflag:$0x4] =	stream.indirect.gather [hbm4b:s4+s16], $0x20, s19, s16, $0xb8;
	[tilespmem:$0x19E00] =	vst v63  }
0x329: {  	s19 =	simm.s32 $0xB60;
	s26 =	simm.s32 $0x15300  }
0x32a: {  	[tilespmem:s26], [sflag:$0x4] =	stream.indirect.gather [hbm4b:s4+s16], $0x20, s19, s16, $0xb8;
	[tilespmem:$0x19E00] =	vst v63  }
0x32b: {  	s19 =	simm.s32 $0xB98;
	s26 =	simm.s32 $0x15940  }
0x32c: {  	[tilespmem:s26], [sflag:$0x4] =	stream.indirect.gather [hbm4b:s4+s16], $0x20, s19, s16, $0xb8;
	[tilespmem:$0x19E00] =	vst v63  }
0x32d: {  	s19 =	simm.s32 $0xBD0;
	s26 =	simm.s32 $0x15F80  }
0x32e: {  	[tilespmem:s26], [sflag:$0x4] =	stream.indirect.gather [hbm4b:s4+s16], $0x20, s19, s16, $0xb8;
	[tilespmem:$0x19E00] =	vst v63  }
0x32f: {  	s19 =	simm.s32 $0xC08;
	s26 =	simm.s32 $0x165C0  }
0x330: {  	[tilespmem:s26], [sflag:$0x4] =	stream.indirect.gather [hbm4b:s4+s16], $0x20, s19, s16, $0xb8;
	[tilespmem:$0x19E00] =	vst v63  }
0x331: {  	s19 =	simm.s32 $0xC40;
	s26 =	simm.s32 $0x16C00  }
0x332: {  	[tilespmem:s26], [sflag:$0x4] =	stream.indirect.gather [hbm4b:s4+s16], $0x20, s19, s16, $0xb8;
	[tilespmem:$0x19E00] =	vst v63  }
0x333: {  	s19 =	simm.s32 $0xC78;
	s26 =	simm.s32 $0x17240  }
0x334: {  	[tilespmem:s26], [sflag:$0x4] =	stream.indirect.gather [hbm4b:s4+s16], $0x20, s19, s16, $0xb8;
	[tilespmem:$0x19E00] =	vst v63  }
0x335: {  	s19 =	simm.s32 $0xCB0;
	s26 =	simm.s32 $0x17880  }
0x336: {  	[tilespmem:s26], [sflag:$0x4] =	stream.indirect.gather [hbm4b:s4+s16], $0x20, s19, s16, $0xb8;
	[tilespmem:$0x19E00] =	vst v63  }
0x337: {  	s19 =	simm.s32 $0xCE8;
	s26 =	simm.s32 $0x17EC0  }
0x338: {  	[tilespmem:s26], [sflag:$0x4] =	stream.indirect.gather [hbm4b:s4+s16], $0x20, s19, s16, $0xb8;
	[tilespmem:$0x19E00] =	vst v63  }
0x339: {  	s19 =	simm.s32 $0xD20;
	s26 =	simm.s32 $0x18500  }
0x33a: {  	[tilespmem:s26], [sflag:$0x4] =	stream.indirect.gather [hbm4b:s4+s16], $0x20, s19, s16, $0xb8;
	[tilespmem:$0x19E00] =	vst v63  }
0x33b: {  	s19 =	simm.s32 $0xD58;
	s26 =	simm.s32 $0x18B40  }
0x33c: {  	[tilespmem:s26], [sflag:$0x4] =	stream.indirect.gather [hbm4b:s4+s16], $0x20, s19, s16, $0xb8;
	[tilespmem:$0x19E00] =	vst v63  }
0x33d: {  	s19 =	simm.s32 $0xD90;
	s26 =	simm.s32 $0x19180  }
0x33e: {  	[tilespmem:s26], [sflag:$0x4] =	stream.indirect.gather [hbm4b:s4+s16], $0x20, s19, s16, $0xb8;
	[tilespmem:$0x19E00] =	vst v63  }
0x33f: {  	s19 =	simm.s32 $0xDC8;
	s26 =	simm.s32 $0x197C0  }
0x340: {  	[tilespmem:s26], [sflag:$0x4] =	stream.indirect.gather [hbm4b:s4+s16], $0x20, s19, s16, $0xb8;
	[tilespmem:$0x19E00] =	vst v63  }
0x341: {  	_ =	swait.ge [sflag:s7], $0x640  }
0x342: {  	[sflag:s7] =	ssyncset.done $0x0  }
0x343: {  	[sflag:s7] =	ssyncadd.s32 $0xFFFFF9C0  }
0x344: {  	_ =	swait.ge [sflag:s7], $0x640  }
0x345: {  	[sflag:s7] =	ssyncset.done $0x0  }
0x346: {  	[sflag:s7] =	ssyncadd.s32 $0xFFFFF9C0  }
0x347: {  	_ =	swait.ge [sflag:s7], $0x640  }
0x348: {  	[sflag:s7] =	ssyncset.done $0x0  }
0x349: {  	[sflag:s7] =	ssyncadd.s32 $0xFFFFF9C0  }
0x34a: {  	_ =	swait.ge [sflag:s7], $0x640  }
0x34b: {  	[sflag:s7] =	ssyncset.done $0x0  }
0x34c: {  	[sflag:s7] =	ssyncadd.s32 $0xFFFFF9C0  }
0x34d: {  	_ =	swait.ge [sflag:s7], $0x640  }
0x34e: {  	[sflag:s7] =	ssyncset.done $0x0  }
0x34f: {  	[sflag:s7] =	ssyncadd.s32 $0xFFFFF9C0  }
0x350: {  	_ =	swait.ge [sflag:s7], $0x640  }
0x351: {  	[sflag:s7] =	ssyncset.done $0x0  }
0x352: {  	[sflag:s7] =	ssyncadd.s32 $0xFFFFF9C0  }
0x353: {  	_ =	swait.ge [sflag:s7], $0x640  }
0x354: {  	[sflag:s7] =	ssyncset.done $0x0  }
0x355: {  	[sflag:s7] =	ssyncadd.s32 $0xFFFFF9C0  }
0x356: {  	_ =	swait.ge [sflag:s7], $0x640  }
0x357: {  	[sflag:s7] =	ssyncset.done $0x0  }
0x358: {  	[sflag:s7] =	ssyncadd.s32 $0xFFFFF9C0  }
0x359: {  	_ =	swait.ge [sflag:s7], $0x640  }
0x35a: {  	[sflag:s7] =	ssyncset.done $0x0  }
0x35b: {  	[sflag:s7] =	ssyncadd.s32 $0xFFFFF9C0  }
0x35c: {  	_ =	swait.ge [sflag:s7], $0x640  }
0x35d: {  	[sflag:s7] =	ssyncset.done $0x0  }
0x35e: {  	[sflag:s7] =	ssyncadd.s32 $0xFFFFF9C0  }
0x35f: {  	_ =	swait.ge [sflag:s7], $0x640  }
0x360: {  	[sflag:s7] =	ssyncset.done $0x0  }
0x361: {  	[sflag:s7] =	ssyncadd.s32 $0xFFFFF9C0  }
0x362: {  	_ =	swait.ge [sflag:s7], $0x640  }
0x363: {  	[sflag:s7] =	ssyncset.done $0x0  }
0x364: {  	[sflag:s7] =	ssyncadd.s32 $0xFFFFF9C0  }
0x365: {  	_ =	swait.ge [sflag:s7], $0x640  }
0x366: {  	[sflag:s7] =	ssyncset.done $0x0  }
0x367: {  	[sflag:s7] =	ssyncadd.s32 $0xFFFFF9C0  }
0x368: {  	_ =	swait.ge [sflag:s7], $0x640  }
0x369: {  	[sflag:s7] =	ssyncset.done $0x0  }
0x36a: {  	[sflag:s7] =	ssyncadd.s32 $0xFFFFF9C0  }
0x36b: {  	_ =	swait.ge [sflag:s7], $0x640  }
0x36c: {  	[sflag:s7] =	ssyncset.done $0x0  }
0x36d: {  	[sflag:s7] =	ssyncadd.s32 $0xFFFFF9C0  }
0x36e: {  	_ =	swait.ge [sflag:s7], $0x640  }
0x36f: {  	[sflag:s7] =	ssyncset.done $0x0  }
0x370: {  	[sflag:s7] =	ssyncadd.s32 $0xFFFFF9C0  }
0x371: {  	_ =	swait.ge [sflag:s7], $0x640  }
0x372: {  	[sflag:s7] =	ssyncset.done $0x0  }
0x373: {  	[sflag:s7] =	ssyncadd.s32 $0xFFFFF9C0  }
0x374: {  	_ =	swait.ge [sflag:s7], $0x640  }
0x375: {  	[sflag:s7] =	ssyncset.done $0x0  }
0x376: {  	[sflag:s7] =	ssyncadd.s32 $0xFFFFF9C0  }
0x377: {  	_ =	swait.ge [sflag:s7], $0x640  }
0x378: {  	[sflag:s7] =	ssyncset.done $0x0  }
0x379: {  	[sflag:s7] =	ssyncadd.s32 $0xFFFFF9C0  }
0x37a: {  	_ =	swait.ge [sflag:s7], $0x640  }
0x37b: {  	[sflag:s7] =	ssyncset.done $0x0  }
0x37c: {  	[sflag:s7] =	ssyncadd.s32 $0xFFFFF9C0  }
0x37d: {  	_ =	swait.ge [sflag:s7], $0x640  }
0x37e: {  	[sflag:s7] =	ssyncset.done $0x0  }
0x37f: {  	[sflag:s7] =	ssyncadd.s32 $0xFFFFF9C0  }
0x380: {  	_ =	swait.ge [sflag:s7], $0x640  }
0x381: {  	[sflag:s7] =	ssyncset.done $0x0  }
0x382: {  	[sflag:s7] =	ssyncadd.s32 $0xFFFFF9C0  }
0x383: {  	_ =	swait.ge [sflag:s7], $0x640  }
0x384: {  	[sflag:s7] =	ssyncset.done $0x0  }
0x385: {  	[sflag:s7] =	ssyncadd.s32 $0xFFFFF9C0  }
0x386: {  	_ =	swait.ge [sflag:s7], $0x640  }
0x387: {  	[sflag:s7] =	ssyncset.done $0x0  }
0x388: {  	[sflag:s7] =	ssyncadd.s32 $0xFFFFF9C0  }
0x389: {  	_ =	swait.ge [sflag:s7], $0x640  }
0x38a: {  	[sflag:s7] =	ssyncset.done $0x0  }
0x38b: {  	[sflag:s7] =	ssyncadd.s32 $0xFFFFF9C0  }
0x38c: {  	_ =	swait.ge [sflag:s7], $0x640  }
0x38d: {  	[sflag:s7] =	ssyncset.done $0x0  }
0x38e: {  	[sflag:s7] =	ssyncadd.s32 $0xFFFFF9C0  }
0x38f: {  	_ =	swait.ge [sflag:s7], $0x640  }
0x390: {  	[sflag:s7] =	ssyncset.done $0x0  }
0x391: {  	[sflag:s7] =	ssyncadd.s32 $0xFFFFF9C0  }
0x392: {  	_ =	swait.ge [sflag:s7], $0x640  }
0x393: {  	[sflag:s7] =	ssyncset.done $0x0  }
0x394: {  	[sflag:s7] =	ssyncadd.s32 $0xFFFFF9C0  }
0x395: {  	_ =	swait.ge [sflag:s7], $0x640  }
0x396: {  	[sflag:s7] =	ssyncset.done $0x0  }
0x397: {  	[sflag:s7] =	ssyncadd.s32 $0xFFFFF9C0  }
0x398: {  	_ =	swait.ge [sflag:s7], $0x640  }
0x399: {  	[sflag:s7] =	ssyncset.done $0x0  }
0x39a: {  	[sflag:s7] =	ssyncadd.s32 $0xFFFFF9C0  }
0x39b: {  	_ =	swait.ge [sflag:s7], $0x640  }
0x39c: {  	s18 =	sadd.s32 s18, s2;
	[sflag:s7] =	ssyncset.done $0x0  }
0x39d: {  	s19 =	sadd.s32 $0x80, s18;
	s18 =	sadd.s32 $0xA0, s18;
	[sflag:s7] =	ssyncadd.s32 $0xFFFFF9C0  }
0x39e: {  	p1 =	slt.s32 s19, $0x3FE0;
	p2 =	slt.s32 s18, $0x3FE0;
	_ =	swait.ge [sflag:s7], $0x640  }
0x39f: {  	s19 =	simm.s32 @!p1 $0x3FE0;
	s18 =	simm.s32 @!p2 $0x3FE0;
	[sflag:s7] =	ssyncset.done $0x0  }
0x3a0: {  	s19 =	smul.u32 $0x7, s19;
	[sflag:s7] =	ssyncadd.s32 $0xFFFFF9C0  }
0x3a1: {  	[hbm4b:s13+s3] =	stream.linear.scatter [tilespmem:s17], [sflag:$0x5], $0xC800, $0x38;
	[tilespmem:$0x19E00] =	vst v63  }
0x3a2: {  	s18 =	smul.u32 $0x7, s18;
	s19 =	sadd.s32 s5, s19  }
0x3a3: {  	[tilespmem:s3], [sflag:$0x1] =	stream.linear.gather [hbm4b:s19+s3], $0x700, $0x38;
	[tilespmem:$0x19E00] =	vst v63  }
0x3a4: {  	_ =	swait.ge [sflag:s10], $0x640  }
0x3a5: {  	[sflag:s10] =	ssyncset.done $0x0  }
0x3a6: {  	[sflag:s10] =	ssyncadd.s32 $0xFFFFF9C0  }
0x3a7: {  	_ =	swait.ge [sflag:s10], $0x640  }
0x3a8: {  	[sflag:s10] =	ssyncset.done $0x0  }
0x3a9: {  	[sflag:s10] =	ssyncadd.s32 $0xFFFFF9C0  }
0x3aa: {  	_ =	swait.ge [sflag:s10], $0x640  }
0x3ab: {  	[sflag:s10] =	ssyncset.done $0x0  }
0x3ac: {  	[sflag:s10] =	ssyncadd.s32 $0xFFFFF9C0  }
0x3ad: {  	_ =	swait.ge [sflag:s10], $0x640  }
0x3ae: {  	[sflag:s10] =	ssyncset.done $0x0  }
0x3af: {  	[sflag:s10] =	ssyncadd.s32 $0xFFFFF9C0  }
0x3b0: {  	_ =	swait.ge [sflag:s10], $0x640  }
0x3b1: {  	[sflag:s10] =	ssyncset.done $0x0  }
0x3b2: {  	[sflag:s10] =	ssyncadd.s32 $0xFFFFF9C0  }
0x3b3: {  	_ =	swait.ge [sflag:s10], $0x640  }
0x3b4: {  	[sflag:s10] =	ssyncset.done $0x0  }
0x3b5: {  	[sflag:s10] =	ssyncadd.s32 $0xFFFFF9C0  }
0x3b6: {  	_ =	swait.ge [sflag:s10], $0x640  }
0x3b7: {  	[sflag:s10] =	ssyncset.done $0x0  }
0x3b8: {  	[sflag:s10] =	ssyncadd.s32 $0xFFFFF9C0  }
0x3b9: {  	_ =	swait.ge [sflag:s10], $0x640  }
0x3ba: {  	[sflag:s10] =	ssyncset.done $0x0  }
0x3bb: {  	[sflag:s10] =	ssyncadd.s32 $0xFFFFF9C0  }
0x3bc: {  	_ =	swait.ge [sflag:s10], $0x640  }
0x3bd: {  	[sflag:s10] =	ssyncset.done $0x0  }
0x3be: {  	[sflag:s10] =	ssyncadd.s32 $0xFFFFF9C0  }
0x3bf: {  	_ =	swait.ge [sflag:s10], $0x640  }
0x3c0: {  	[sflag:s10] =	ssyncset.done $0x0  }
0x3c1: {  	[sflag:s10] =	ssyncadd.s32 $0xFFFFF9C0  }
0x3c2: {  	_ =	swait.ge [sflag:s10], $0x640  }
0x3c3: {  	[sflag:s10] =	ssyncset.done $0x0  }
0x3c4: {  	[sflag:s10] =	ssyncadd.s32 $0xFFFFF9C0  }
0x3c5: {  	_ =	swait.ge [sflag:s10], $0x640  }
0x3c6: {  	[sflag:s10] =	ssyncset.done $0x0  }
0x3c7: {  	[sflag:s10] =	ssyncadd.s32 $0xFFFFF9C0  }
0x3c8: {  	_ =	swait.ge [sflag:s10], $0x640  }
0x3c9: {  	[sflag:s10] =	ssyncset.done $0x0  }
0x3ca: {  	[sflag:s10] =	ssyncadd.s32 $0xFFFFF9C0  }
0x3cb: {  	_ =	swait.ge [sflag:s10], $0x640  }
0x3cc: {  	[sflag:s10] =	ssyncset.done $0x0  }
0x3cd: {  	[sflag:s10] =	ssyncadd.s32 $0xFFFFF9C0  }
0x3ce: {  	_ =	swait.ge [sflag:s10], $0x640  }
0x3cf: {  	[sflag:s10] =	ssyncset.done $0x0  }
0x3d0: {  	[sflag:s10] =	ssyncadd.s32 $0xFFFFF9C0  }
0x3d1: {  	_ =	swait.ge [sflag:s10], $0x640  }
0x3d2: {  	[sflag:s10] =	ssyncset.done $0x0  }
0x3d3: {  	[sflag:s10] =	ssyncadd.s32 $0xFFFFF9C0  }
0x3d4: {  	_ =	swait.ge [sflag:s10], $0x640  }
0x3d5: {  	[sflag:s10] =	ssyncset.done $0x0  }
0x3d6: {  	[sflag:s10] =	ssyncadd.s32 $0xFFFFF9C0  }
0x3d7: {  	_ =	swait.ge [sflag:s10], $0x640  }
0x3d8: {  	[sflag:s10] =	ssyncset.done $0x0  }
0x3d9: {  	[sflag:s10] =	ssyncadd.s32 $0xFFFFF9C0  }
0x3da: {  	_ =	swait.ge [sflag:s10], $0x640  }
0x3db: {  	[sflag:s10] =	ssyncset.done $0x0  }
0x3dc: {  	[sflag:s10] =	ssyncadd.s32 $0xFFFFF9C0  }
0x3dd: {  	_ =	swait.ge [sflag:s10], $0x640  }
0x3de: {  	[sflag:s10] =	ssyncset.done $0x0  }
0x3df: {  	[sflag:s10] =	ssyncadd.s32 $0xFFFFF9C0  }
0x3e0: {  	_ =	swait.ge [sflag:s10], $0x640  }
0x3e1: {  	[sflag:s10] =	ssyncset.done $0x0  }
0x3e2: {  	[sflag:s10] =	ssyncadd.s32 $0xFFFFF9C0  }
0x3e3: {  	_ =	swait.ge [sflag:s10], $0x640  }
0x3e4: {  	[sflag:s10] =	ssyncset.done $0x0  }
0x3e5: {  	[sflag:s10] =	ssyncadd.s32 $0xFFFFF9C0  }
0x3e6: {  	_ =	swait.ge [sflag:s10], $0x640  }
0x3e7: {  	[sflag:s10] =	ssyncset.done $0x0  }
0x3e8: {  	[sflag:s10] =	ssyncadd.s32 $0xFFFFF9C0  }
0x3e9: {  	_ =	swait.ge [sflag:s10], $0x640  }
0x3ea: {  	[sflag:s10] =	ssyncset.done $0x0  }
0x3eb: {  	[sflag:s10] =	ssyncadd.s32 $0xFFFFF9C0  }
0x3ec: {  	_ =	swait.ge [sflag:s10], $0x640  }
0x3ed: {  	[sflag:s10] =	ssyncset.done $0x0  }
0x3ee: {  	[sflag:s10] =	ssyncadd.s32 $0xFFFFF9C0  }
0x3ef: {  	_ =	swait.ge [sflag:s10], $0x640  }
0x3f0: {  	[sflag:s10] =	ssyncset.done $0x0  }
0x3f1: {  	[sflag:s10] =	ssyncadd.s32 $0xFFFFF9C0  }
0x3f2: {  	_ =	swait.ge [sflag:s10], $0x640  }
0x3f3: {  	[sflag:s10] =	ssyncset.done $0x0  }
0x3f4: {  	[sflag:s10] =	ssyncadd.s32 $0xFFFFF9C0  }
0x3f5: {  	_ =	swait.ge [sflag:s10], $0x640  }
0x3f6: {  	[sflag:s10] =	ssyncset.done $0x0  }
0x3f7: {  	[sflag:s10] =	ssyncadd.s32 $0xFFFFF9C0  }
0x3f8: {  	_ =	swait.ge [sflag:s10], $0x640  }
0x3f9: {  	[sflag:s10] =	ssyncset.done $0x0  }
0x3fa: {  	[sflag:s10] =	ssyncadd.s32 $0xFFFFF9C0  }
0x3fb: {  	_ =	swait.ge [sflag:s10], $0x640  }
0x3fc: {  	[sflag:s10] =	ssyncset.done $0x0  }
0x3fd: {  	[sflag:s10] =	ssyncadd.s32 $0xFFFFF9C0  }
0x3fe: {  	_ =	swait.ge [sflag:s10], $0x640  }
0x3ff: {  	[sflag:s10] =	ssyncset.done $0x0  }
0x400: {  	[sflag:s10] =	ssyncadd.s32 $0xFFFFF9C0  }
.Ltmp0:
0x401: {  	_ =	swait.ge [sflag:s10], $0x640;
	(pc) =	sbr.rel @p0 .LBB2_2-.Ltmp0, $4  }
0x402: {  	[sflag:s10] =	ssyncset.done $0x0  }
0x403: {  	s19 =	sadd.s32 $0x1900, s13;
	[sflag:s10] =	ssyncadd.s32 $0xFFFFF9C0  }
0x404: {  	[hbm4b:s19+s3] =	stream.linear.scatter [tilespmem:s9], [sflag:$0x6], $0xC800, $0x38;
	[tilespmem:$0x19E00] =	vst v63  }
0x405: {  	s18 =	sadd.s32 s5, s18;
	s13 =	sadd.s32 $0x3200, s13  }
0x406: {  	[tilespmem:s14], [sflag:$0x2] =	stream.linear.gather [hbm4b:s18+s3], $0x700, $0x38;
	[tilespmem:$0x19E00] =	vst v63  }
0x407: {  	_ =	swait.ge [sflag:s11], $0xC800  }
0x408: {  	[sflag:s11] =	ssyncset.done $0x0  }
0x409: {  	[sflag:s11] =	ssyncadd.s32 $0xFFFF3800  }
0x40a: {  	_ =	swait.ge [sflag:s15], $0x700  }
0x40b: {  	[sflag:s15] =	ssyncset.done $0x0  }
0x40c: {  	[sflag:s15] =	ssyncadd.s32 $0xFFFFF900  }
0x40d: {  	_ =	swait.ge [sflag:s12], $0xC800  }
0x40e: {  	[sflag:s12] =	ssyncset.done $0x0  }
0x40f: {  	[sflag:s12] =	ssyncadd.s32 $0xFFFF3800  }
0x410: {  	_ =	swait.ge [sflag:s8], $0x700  }
0x411: {  	s13 =	simm.s32 $0x38;
	s18 =	simm.s32 $0x1440;
	s0 =	rddreg [dreg:$0xb]  }
0x412: {  	s19 =	simm.s32 $0x70;
	s6 =	rddreg [dreg:$0x9];
	s0 =	sadd.s32 $0x1, s0  }
0x413: {  	s20 =	simm.s32 $0x1A80;
	s21 =	simm.s32 $0xA8;
	p0 =	sne.s32 s0, s6  }
.Ltmp1:
0x414: {  	s22 =	simm.s32 $0x20C0;
	s23 =	simm.s32 $0xE0;
	(pc) =	sbr.rel @p0 .LBB2_1-.Ltmp1, $4  }
0x415: {  	s24 =	simm.s32 $0x2700;
	s25 =	simm.s32 $0x118;
	s26 =	simm.s32 $0x2D40  }
0x416: {  	s28 =	simm.s32 $0x150;
	s1 =	simm.s32 $0x3380;
	s29 =	simm.s32 $0x39C0  }
0x417: {  	s30 =	simm.s32 $0x1C0;
	s31 =	simm.s32 $0x4000;
	[sflag:s8] =	ssyncset.done $0x0  }
0x418: {  	[sflag:s8] =	ssyncadd.s32 $0xFFFFF900;
	[dreg:$0xb] =	wrdreg s0;
	s0 =	simm.s32 $0x188  }
0x419: {  	_ =	sfence.sel $0x180000  }
0x41a: {  	[bflag:$0x0] =	sbarrier.arrive $0xFFFF  }
0x41b: {  	_ =	strace $0x90000047  }
0x41c: {  	s0 =	stileid.u32;
	[bflag:$0x2] =	sbarrier.arrive $0xFFFF  }
0x41d: {  	p0 =	sne.s32 s0, $0x0;
	s0 =	rddreg [dreg:$0x2]  }
0x41e: {  	s0 =	sadd.s32 @!p0 $0x100000, s0  }
0x41f: {  	[sflag:s0] =	ssyncadd.tile.s32 @!p0 $0x1;
	_ =	shalt  }
.Lfunc_end2:
_tile_overlayer_lowered:
.L_overlay_start_2:
0x420: {  	(tag) =	ssettag $0x2  }
0x421: {  	s0 =	rddreg [dreg:$0x0];
	s2 =	stileid.u32  }
0x422: {  	s1 =	rddreg [dreg:$0x1];
	p0 =	sne.s32 s2, $0x0  }
0x423: {  	s3 =	rddreg [dreg:$0x2];
	[bflag:$0x3] =	sbarrier.arrive $0xFFFF;
	s2 =	simm.s32 @!p0 $0x1C07  }
0x424: {  	[timem:s3], [sflag:s2] =	dma.local @!p0 [hbm:s0], s1  }
0x425: {  	s0 =	simm.s32 @!p0 $0x7  }
0x426: {  	_ =	swait.ge @!p0 [sflag:s0], s1  }
0x427: {  	s1 =	ssub.s32 @!p0 $0x0, s1;
	[sflag:s0] =	ssyncset.done @!p0 $0x0  }
0x428: {  	[sflag:s0] =	ssyncadd.s32 @!p0 s1  }
0x429: {  	[bflag:$0x3] =	sbarrier.arrive $0xFFFF  }
0x42a: {  	_ =	shalt  }

// kernel: sparse-core-data-format-call.cloned.1.call-start
scs
called_computation_lowered:
.L_overlay_start_0:
0x0: {  	s2 =	sld [smem:$0x3FD9]  }
0x1: {  	s3 =	sld [smem:$0x3FFE];
	_ =	sdelay $0x1  }
0x2: {  	s1 =	srdreg.scid  }
0x3: {  	s0 =	sand.u32 $0x1, s1  }
0x4: {  	s18 =	sshll.u32 s0, $0xA;
	s2 =	sadd.s32 s3, s2  }
0x5: {  	s2 =	sadd.s32 s2, s18  }
0x6: {  	[smem:$0x3FC6] =	sst s2  }
0x7: {  	_ = 	snop  }
0x8: {  	s2 =	sld [smem:$0x3FD0];
	(tm) =	ssettm $0x1  }
0x9: {  	s19 =	sld [smem:$0x3FFB];
	_ =	sdelay $0x3  }
0xa: {  	_ =	strace s19  }
0xb: {  	s3 =	sld [smem:$0x3FFC];
	_ =	sdelay $0x3  }
0xc: {  	_ =	strace s3  }
0xd: {  	s3 =	sld [smem:$0x3FFD];
	_ =	sdelay $0x3  }
0xe: {  	_ =	strace s3  }
0xf: {  	_ =	strace $0x8FFFFFFF  }
0x10: {  	s20 =	sld [smem:$0x3FDB];
	_ =	sdelay $0x1  }
0x11: {  	s4 =	simm.s32 $_scs_section_size  }
0x12: {  	s5 =	simm.s32 $_size__tile_overlayer_lowered;
	s6 =	simm.s32 $_tile_overlayer_lowered  }
0x13: {  	s23 =	simm.s32 $0x1BFF;
	s22 =	sshll.u32 s6, $0x1;
	s3 =	sadd.s32 s4, s20  }
0x14: {  	s7 =	simm.s32 $0x0;
	s21 =	sshll.u32 s5, $0x1;
	s5 =	sadd.s32 s22, s3  }
0x15: {  	[timem:s7], [sflag:s23] =	dma.local [hbm:s5], s21  }
0x16: {  	_ =	swait.ge [sflag:s23], s21  }
0x17: {  	s4 =	ssub.s32 $0x0, s21;
	[sflag:s23] =	ssyncset.done $0x0  }
0x18: {  	[sflag:s23] =	ssyncadd.s32 s4;
	_ =	sdelay $0x1  }
0x19: {  	s24 =	simm.s32 $0x1B8B  }
0x1a: {  	_ =	swait.ge [sflag:s24], $0x1  }
0x1b: {  	[sflag:s24] =	ssyncset.done $0x0  }
0x1c: {  	s26 =	simm.s32 $0x1B8E;
	s25 =	sld [smem:$0x3FFE];
	[sflag:s24] =	ssyncadd.s32 $0xFFFFFFFF  }
0x1d: {  	s27 =	simm.s32 $execute0_lowered;
	[smem:$0x3FD2] =	sst s26  }
0x1e: {  	s5 =	sshll.u32 s27, $0x1;
	_ =	strace $0x80000049;
	[dreg:$0x1] =	wrdreg $0xFFFFFFFF  }
0x1f: {  	s28 =	simm.s32 $_size_execute0_lowered;
	s3 =	sadd.s32 s3, s5;
	[dreg:$0x0] =	wrdreg $0x0  }
0x20: {  	s5 =	sshll.u32 s28, $0x1;
	[dreg:$0x2] =	wrdreg s3  }
0x21: {  	[dreg:$0x3] =	wrdreg s5  }
0x22: {  	[dreg:$0x4] =	wrdreg $0xC0  }
0x23: {  	_ =	task [dreg:s7], $0x5FFFF  }
0x24: {  	[dreg:$0x1] =	wrdreg $0xFFFFFFFF  }
0x25: {  	[dreg:$0x0] =	wrdreg $0x60  }
0x26: {  	[dreg:$0x2] =	wrdreg s25  }
0x27: {  	[dreg:$0x3] =	wrdreg s2  }
0x28: {  	[dreg:$0x4] =	wrdreg $0x9  }
0x29: {  	_ =	task.clear_ibuf [dreg:s7], $0x5FFFF;
	_ =	strace $0x90000049  }
0x2a: {  	s29 =	simm.s32 $0x9;
	_ =	strace $0x8000004B  }
0x2b: {  	_ =	swait.ge [sflag:s29], $0x1  }
0x2c: {  	[sflag:s29] =	ssyncadd.s32 $0xFFFFFFFF  }
0x2d: {  	_ =	strace $0x9000004B  }
0x2e: {  	_ =	sfence  }
0x2f: {  	s30 =	sld [smem:$0x0];
	_ =	sdelay $0x2  }
0x30: {  	s31 =	sshll.u32 s1, $0xD;
	s1 =	sshrl.u32 s1, $0x2  }
0x31: {  	s3 =	sand.u32 $0x4000, s31;
	s1 =	sadd.s32 s1, s30  }
0x32: {  	s0 =	sor.u32 s3, s0;
	s1 =	sshll.u32 s1, $0x11  }
0x33: {  	s0 =	sor.u32 s1, s0  }
0x34: {  	s0 =	sadd.s32 $0x8F2B, s0  }
0x35: {  	[sflag:s0] =	ssyncadd.remote.s32 $0x1  }
0x36: {  	_ =	sfence.sel $0xFFFF  }
0x37: {  	[dreg:$0x0] =	wrdreg $0xFFFFFFFF;
	(pc) =	sbr.abs _section_cstart, $3  }
0x38: {  	[dreg:$0x1] =	wrdreg $0xFFFFFFFF  }
0x39: {  	_ =	task.clear_ibuf [dreg:s7], $0x2FFFF;
	_ =	strace $0x9FFFFFFF  }
0x3a: {  	(tm) =	ssettm $0x7FFFFFFF  }
0x3b: {  	_ =	shalt  }
tec
execute0_lowered:
.L_overlay_start_1:
0x0: {  	(tag) =	ssettag $0x1  }
0x1: {  	s0 =	srdreg.scid  }
0x2: {  	s1 =	sshll.u32 s0, $0x4  }
0x3: {  	s0 =	stileid.u32;
	s1 =	sand.u32 $0x10, s1  }
0x4: {  	s1 =	sor.u32 s0, s1  }
0x5: {  	s6 =	rddreg [dreg:$0x0];
	s4 =	simm.s32 $0x1;
	s2 =	sshll.u32 s1, $0x7  }
0x6: {  	s7 =	simm.s32 $0x2;
	s12 =	simm.s32 $0x0;
	s1 =	ssub.s32 $0x4000, s2  }
0x7: {  	s8 =	simm.s32 $0x20000;
	s13 =	simm.s32 $0x0;
	s3 =	sand.u32 $0xF80, s1  }
0x8: {  	s9 =	simm.s32 $0x0;
	s5 =	sshrl.u32 s1, $0xC;
	p0 =	sne.s32 s3, $0x0  }
.Ltmp0:
0x9: {  	s1 =	rddreg [dreg:$0x2];
	s4 =	simm.s32 @!p0 $0x0;
	(pc) =	sbr.rel .LBB1_1-.Ltmp0, $4  }
0xa: {  	s11 =	simm.s32 $0x0;
	s3 =	rddreg [dreg:$0x1];
	s5 =	sadd.s32 s4, s5  }
0xb: {  	_ =	strace $0x8000004A;
	s4 =	simm.s32 $0x1;
	s5 =	smul.u32 $0x32, s5  }
0xc: {  	s6 =	sadd.s32 $0xA00, s6;
	s10 =	smov.u32 s2;
	[sflag:s4] =	ssyncpa.u1 $0x0  }
0xd: {  	p0 =	por $0x0, $0x0;
	[sflag:s7] =	ssyncpa.u1 $0x0;
	s7 =	sor.u32 $0x1, s5  }
.LBB1_4:
0xe: {  	s16 =	sshll.u32 s13, $0x3;
	s17 =	sand.u32 $0x78, s13  }
0xf: {  	s30 =	sand.u32 $0xF800, s13;
	s12 =	sshll.u32 s12, $0x10;
	s16 =	sand.u32 $0x3C00, s16  }
0x10: {  	s31 =	sand.u32 $0x7, s13;
	s16 =	sor.u32 s17, s16;
	s17 =	sadd.s32 s3, s30  }
0x11: {  	s13 =	sshll.u32 s31, $0x12;
	s16 =	sshrl.u32 s16, $0x3;
	s12 =	sadd.s32 s12, s17  }
0x12: {  	[tilespmem:s15+$0x0 ss:$0x81] =	vst.msk $0xffff, v0;
	s13 =	sor.u32 $0x400, s13;
	s12 =	sadd.s32 s16, s12  }
0x13: {  	[hbm4b:s12+s13] =	stream.strided.scatter [tilespmem:s14], [sflag:$0x2], $0x1000, s8, s13, $0x20;
	[tilespmem:$0x4040] =	vst v63  }
.LBB1_5:
0x14: {  	s14 =	sadd.s32 $0x1, s9  }
0x15: {  	s12 =	sadd.s32 $0x1000, s10;
	s16 =	smov.u32 s10;
	p2 =	sgt.s32 s14, $0x31  }
0x16: {  	s16 =	smov.u32 @p2 s12  }
0x17: {  	s14 =	simm.s32 @p2 $0x0;
	p2 =	sgt.s32 s16, $0x3FFF  }
0x18: {  	s16 =	smov.u32 @p2 s2;
	p2 =	sne.s32 s11, s7  }
.Ltmp1:
0x19: {  	p1 =	slt.u32 s11, $0x2;
	(pc) =	sbr.rel @!p2 .LBB1_6-.Ltmp1, $4  }
0x1a: {  	s15 =	simm.s32 @!p1 $0x2  }
0x1b: {  	s13 =	smov.u32 s10;
	p0 =	por !p0, !p0;
	_ =	swait.ge @!p1 [sflag:s15], $0x1000  }
0x1c: {  	s12 =	smov.u32 s9;
	[sflag:s15] =	ssyncset.done @!p1 $0x0;
	s9 =	smov.u32 s14  }
0x1d: {  	s11 =	sadd.s32 $0x1, s11;
	[sflag:s15] =	ssyncadd.s32 @!p1 $0xFFFFF000;
	s10 =	smov.u32 s16  }
.LBB1_1:
0x1e: {  	p1 =	sge.u32 s11, s5  }
0x1f: {  	s14 =	sand.u32 @!p1 $0x1FFFFFF, s9  }
0x20: {  	s15 =	smulhi.u32 @!p1 $0x4924925, s14;
	_ =	sdelay $0x1  }
0x21: {  	s15 =	smul.u32 @!p1 $0x38, s15  }
0x22: {  	s16 =	sxor.u32 @!p1 $0xFFFFFFFF, s11;
	s17 =	smul.u32 @!p1 $0x380, s10  }
0x23: {  	s31 =	sadd.s32 $0xFFFFFFFF, s11;
	s16 =	sshll.u32 @!p1 s16, $0xC;
	s14 =	ssub.s32 @!p1 s14, s15  }
0x24: {  	s15 =	sand.u32 @!p1 $0x1000, s16;
	s16 =	sadd.s32 @!p1 s6, s17;
	s14 =	sshll.u32 @!p1 s14, $0x4  }
0x25: {  	s17 =	simm.s32 @!p1 $0x1C00;
	s14 =	sadd.s32 @!p1 s14, s16;
	s16 =	simm.s32 @!p1 $0x20  }
0x26: {  	[tilespmem:s15], [sflag:$0x1] =	stream.strided.gather @!p1 [hbm4b:s14+s16], $0x1000, s17, s16, $0x38;
	[tilespmem:$0x4040] =	vst v63  }
0x27: {  	p1 =	sge.u32 s31, s5  }
.Ltmp2:
0x28: {  	_ = 	snop;
	(pc) =	sbr.rel @p1 .LBB1_5-.Ltmp2, $1  }
0x29: {  	_ =	sdelay $0x3  }
0x2a: {  	s14 =	simm.s32 $0x1  }
0x2b: {  	_ =	swait.ge [sflag:s4], $0x1000;
	s14 =	simm.s32 @!p0 $0x0  }
0x2c: {  	[sflag:s4] =	ssyncset.done $0x0;
	s15 =	sshll.u32 s14, $0xC  }
0x2d: {  	[sflag:s4] =	ssyncadd.s32 $0xFFFFF000;
	s18 =	sor.u32 $0x10, s15  }
0x2e: {  	s14 =	smul.u32 $0x4080, s14;
	v1 =	vld [tilespmem:s18+$0x0]  }
0x2f: {  	s30 =	sand.u32 $0x1, s11;
	v0 =	vld [tilespmem:s18+$0xFFFFFFF0]  }
0x30: {  	s15 =	smul.u32 $0x4080, s30;
	s14 =	sshrl.u32 s14, $0x2  }
0x31: {  	s16 =	sor.u32 $0x2000, s14  }
0x32: {  	s31 =	sshrl.u32 s15, $0x2;
	s15 =	sadd.s32 $0x0, s16  }
0x33: {  	s17 =	simm.s32 $0x4;
	s18 =	sadd.s32 $0x20, s18;
	s14 =	sor.u32 $0x2000, s31;
	[tilespmem:s15+$0x810 ss:$0x81] =	vst.msk $0xffff, v1  }
.LBB1_3:
0x34: {  	v1 =	vld [tilespmem:s18+$0x0];
	p1 =	sne.s32 s17, $0x1FC;
	[tilespmem:s15+$0x0 ss:$0x81] =	vst.msk $0xffff, v0;
	s15 =	smov.u32 s17;
	s17 =	sadd.s32 $0x4, s17  }
.Ltmp3:
0x35: {  	v0 =	vld [tilespmem:s18+$0xFFFFFFF0];
	(pc) =	sbr.rel @p1 .LBB1_3-.Ltmp3, $4  }
0x36: {  	_ = 	snop  }
0x37: {  	s15 =	sshra.s32 s15, $0x2  }
0x38: {  	s15 =	sadd.s32 s15, s16  }
0x39: {  	s18 =	sadd.s32 $0x20, s18;
	[tilespmem:s15+$0x810 ss:$0x81] =	vst.msk $0xffff, v1  }
.Ltmp4:
0x3a: {  	_ = 	snop;
	(pc) =	sbr.rel .LBB1_4-.Ltmp4, $1  }
0x3b: {  	_ =	sdelay $0x3  }
.LBB1_6:
0x3c: {  	_ =	sfence.sel $0x180000  }
0x3d: {  	s2 =	simm.s32 $0x1;
	[bflag:$0x0] =	sbarrier.arrive $0xFFFF  }
0x3e: {  	s31 =	simm.s32 $0x2;
	[sflag:s2] =	ssyncpa.u1 $0x1  }
0x3f: {  	[sflag:s31] =	ssyncpa.u1 $0x1  }
0x40: {  	p0 =	sne.s32 s0, $0x0;
	_ =	strace $0x9000004A  }
0x41: {  	s0 =	sadd.s32 @!p0 $0x100000, s1;
	[bflag:$0x2] =	sbarrier.arrive $0xFFFF  }
0x42: {  	[sflag:s0] =	ssyncadd.tile.s32 @!p0 $0x1;
	_ =	shalt  }
.Lfunc_end1:
_tile_overlayer_lowered:
.L_overlay_start_2:
0x43: {  	(tag) =	ssettag $0x2  }
0x44: {  	s0 =	rddreg [dreg:$0x0];
	s2 =	stileid.u32  }
0x45: {  	s1 =	rddreg [dreg:$0x1];
	p0 =	sne.s32 s2, $0x0  }
0x46: {  	s3 =	rddreg [dreg:$0x2];
	[bflag:$0x3] =	sbarrier.arrive $0xFFFF;
	s2 =	simm.s32 @!p0 $0x1C01  }
0x47: {  	[timem:s3], [sflag:s2] =	dma.local @!p0 [hbm:s0], s1  }
0x48: {  	s0 =	simm.s32 @!p0 $0x1  }
0x49: {  	_ =	swait.ge @!p0 [sflag:s0], s1  }
0x4a: {  	s1 =	ssub.s32 @!p0 $0x0, s1;
	[sflag:s0] =	ssyncset.done @!p0 $0x0  }
0x4b: {  	[sflag:s0] =	ssyncadd.s32 @!p0 s1  }
0x4c: {  	[bflag:$0x3] =	sbarrier.arrive $0xFFFF  }
0x4d: {  	_ =	shalt  }

</sc_bundles>
